<compile_context>
chip_gen: v7x
topology: tpu7x:2x2x1
jax: 0.10.2.dev20260603
libtpu: 0.0.44.dev20260713+nightly
codegen_flags: <defaults>
</compile_context>

<pallas_src>
import jax
import jax.numpy as jnp
from jax import lax
from jax.experimental import pallas as pl
from jax.experimental.pallas import tpu as pltpu
from jax.experimental.pallas import tpu_sc as plsc

B = 32
NSAMP = 524288
F = 512
STRIDE = 256
NSEG = (NSAMP - F) // STRIDE + 1

NC = 2
NS = 16
NW = NC * NS

SEG_PER_W = 64
SUB = 32
SIG_CHUNK = SUB * STRIDE + (F - STRIDE)
TAIL = NSEG - (NW - 1) * SEG_PER_W - SUB
LANES = 16


def _seg_body(
    sig_hbm, w_hbm, out_hbm, w_v, sig_v, out_v, sig_sem, out_sem, w_sem
):
    wid = lax.axis_index("s") * NC + lax.axis_index("c")
    seg_base = wid * SEG_PER_W
    is_tail = wid == NW - 1

    def sig_start(s0):
        return jnp.minimum(s0 * STRIDE, NSAMP - SIG_CHUNK)

    def sig_desc(b, h):
        s0 = seg_base + h * SUB
        return pltpu.make_async_copy(
            sig_hbm.at[b, pl.ds(sig_start(s0), SIG_CHUNK)],
            sig_v.at[h],
            sig_sem.at[h],
        )

    def out_desc_full(b, h):
        s0 = seg_base + h * SUB
        return pltpu.make_async_copy(
            out_v.at[h], out_hbm.at[b, pl.ds(s0, SUB), :], out_sem.at[h]
        )

    def out_desc_tail(b):
        s0 = seg_base + SUB
        return pltpu.make_async_copy(
            out_v.at[1, pl.ds(0, TAIL), :],
            out_hbm.at[b, pl.ds(s0, TAIL), :],
            out_sem.at[1],
        )

    HALF = STRIDE // LANES

    def compute(h, base, nseg):

        for q in range(HALF):
            v = sig_v[h, pl.ds(base + q * LANES, LANES)]
            out_v[h, 0, pl.ds(q * LANES, LANES)] = (
                w_v[h * SUB, pl.ds(q * LANES, LANES)] * v
            )

        @plsc.parallel_loop(1, nseg, 1, unroll=2)
        def row_body(r):
            for q in range(HALF):
                v = sig_v[h, pl.ds(base + r * STRIDE + q * LANES, LANES)]
                out_v[h, r, pl.ds(q * LANES, LANES)] = (
                    w_v[h * SUB + r, pl.ds(q * LANES, LANES)] * v
                )
                out_v[h, r - 1, pl.ds(STRIDE + q * LANES, LANES)] = (
                    w_v[h * SUB + r - 1, pl.ds(STRIDE + q * LANES, LANES)] * v
                )

        for q in range(HALF):
            v = sig_v[h, pl.ds(base + nseg * STRIDE + q * LANES, LANES)]
            out_v[h, nseg - 1, pl.ds(STRIDE + q * LANES, LANES)] = (
                w_v[h * SUB + nseg - 1, pl.ds(STRIDE + q * LANES, LANES)] * v
            )

    sig_desc(0, 0).start()
    sig_desc(0, 1).start()

    def w_desc_full():
        return pltpu.make_async_copy(
            w_hbm.at[pl.ds(seg_base, SEG_PER_W), :], w_v, w_sem
        )

    def w_desc_tail():
        return pltpu.make_async_copy(
            w_hbm.at[pl.ds(seg_base, SUB + TAIL), :],
            w_v.at[pl.ds(0, SUB + TAIL), :],
            w_sem,
        )

    @pl.when(jnp.logical_not(is_tail))
    def _w_stage_full():
        w_desc_full().start()
        w_desc_full().wait()

    @pl.when(is_tail)
    def _w_stage_tail():
        w_desc_tail().start()
        w_desc_tail().wait()

    def batch_body(b, carry):
        for h in (0, 1):
            s0 = seg_base + h * SUB
            sig_desc(b, h).wait()

            @pl.when(b >= 1)
            def _drain_prev():
                if h == 0:
                    out_desc_full(b - 1, 0).wait()
                else:

                    @pl.when(jnp.logical_not(is_tail))
                    def _w_full():
                        out_desc_full(b - 1, 1).wait()

                    @pl.when(is_tail)
                    def _w_tail():
                        out_desc_tail(b - 1).wait()

            base = s0 * STRIDE - sig_start(s0)
            if h == 0:
                compute(0, base, SUB)
                out_desc_full(b, 0).start()
            else:
                nseg = jnp.where(is_tail, TAIL, SUB)
                compute(1, base, nseg)

                @pl.when(jnp.logical_not(is_tail))
                def _s_full():
                    out_desc_full(b, 1).start()

                @pl.when(is_tail)
                def _s_tail():
                    out_desc_tail(b).start()

            @pl.when(b + 1 < B)
            def _prefetch():
                sig_desc(b + 1, h).start()

        return carry

    lax.fori_loop(0, B, batch_body, 0)

    out_desc_full(B - 1, 0).wait()

    @pl.when(jnp.logical_not(is_tail))
    def _d_full():
        out_desc_full(B - 1, 1).wait()

    @pl.when(is_tail)
    def _d_tail():
        out_desc_tail(B - 1).wait()


@jax.jit
def _segmentor(sig2d, w_pad):
    mesh = plsc.VectorSubcoreMesh(core_axis_name="c", subcore_axis_name="s")
    out = pl.kernel(
        _seg_body,
        out_type=jax.ShapeDtypeStruct((B, NSEG, F), jnp.float32),
        mesh=mesh,
        compiler_params=pltpu.CompilerParams(use_tc_tiling_on_sc=False),
        scratch_types=[
            pltpu.VMEM((SEG_PER_W, F), jnp.float32),
            pltpu.VMEM((2, SIG_CHUNK), jnp.float32),
            pltpu.VMEM((2, SUB, F), jnp.float32),
            pltpu.SemaphoreType.DMA((2,)),
            pltpu.SemaphoreType.DMA((2,)),
            pltpu.SemaphoreType.DMA,
        ],
    )(sig2d, w_pad)
    return out


def kernel(sig, idx_mat, weight_mat):
    sig2d = sig.reshape(B, NSAMP)
    out = _segmentor(sig2d, weight_mat)
    return out.reshape(B, 1, NSEG, F)

# --- scband reference (transcript-rebuilt; emitter-appended) ---
"""Pipeline reference for scband-segmentor-61340722921947 (READ-ONLY COPY).

The authoritative reference and input builder live on the scoring server;
editing this copy changes nothing except your own understanding.
"""

import jax, jax.numpy as jnp
import numpy as np

NUM_SAMPLES = 524288
F = 512
STRIDE = 256


def _make_buffers(num_samples=NUM_SAMPLES, F=F, stride=STRIDE):
    assert (num_samples - F) % stride == 0
    n_segments = (num_samples - F) // stride + 1
    idx_mat = np.empty((n_segments, F), dtype=np.int64)
    weight_mat = np.ones((n_segments, F), dtype=np.float32)
    half_frame = F // 2
    down_ramp = np.linspace(1.0, 0.0, num=half_frame, dtype=np.float32)
    up_ramp = np.linspace(0.0, 1.0, num=half_frame, dtype=np.float32)
    start = 0
    for i in range(n_segments):
        if i == 0:
            weight_mat[i, half_frame:] = down_ramp
        elif i == n_segments:
            weight_mat[i, 0:half_frame] = up_ramp
        else:
            weight_mat[i, 0:half_frame] = up_ramp
            weight_mat[i, half_frame:] = down_ramp
        idx_mat[i, :] = np.arange(start, start + F)
        start += stride
    return jnp.asarray(idx_mat), jnp.asarray(weight_mat)


def setup_inputs(seed: int = 0) -> dict:
    key = jax.random.key(seed)
    sig = jax.random.normal(key, (32, 1, NUM_SAMPLES), dtype=jnp.float32)
    idx_mat, weight_mat = _make_buffers()
    return {"sig": sig, "idx_mat": idx_mat, "weight_mat": weight_mat}


def reference(sig, idx_mat, weight_mat):
    # gather overlapping frames then apply overlap-add window weights
    # sig: [B, 1, num_samples] -> [B, 1, n_segments, F]
    return weight_mat * sig[:, :, idx_mat]

if __name__ == "__main__":
    import jax
    _d = setup_inputs()
    print(jax.jit(kernel)(*tuple(_d.values())))

</pallas_src>

<mosaic_0001>
#map = affine_map<(d0, d1) -> (0, 0)>
#map1 = affine_map<(d0, d1) -> (0, 0, 0)>
module attributes {stable_mosaic.version = 14 : i64} {
  func.func @_seg_body(%arg0: i32, %arg1: i32, %arg2: memref<32x524288xf32, #tpu.memory_space<hbm>>, %arg3: memref<2047x512xf32, #tpu.memory_space<hbm>>, %arg4: memref<32x2047x512xf32, #tpu.memory_space<hbm>>, %arg5: memref<64x512xf32, #tpu.memory_space<vmem>>, %arg6: memref<2x8448xf32, #tpu.memory_space<vmem>>, %arg7: memref<2x32x512xf32, #tpu.memory_space<vmem>>, %arg8: memref<2x!tpu.dma_semaphore, #tpu.memory_space<semaphore_mem>>, %arg9: memref<2x!tpu.dma_semaphore, #tpu.memory_space<semaphore_mem>>, %arg10: memref<!tpu.dma_semaphore, #tpu.memory_space<semaphore_mem>>) attributes {dimension_semantics = [#tpu.dimension_semantics<core_parallel>, #tpu.dimension_semantics<subcore_parallel>], iteration_bounds = array<i64: 2, 16>, scalar_prefetch = 0 : i64, scratch_operands = 6 : i64, tpu.core_type = #tpu.core_type<sc_vector_subcore>, window_params = [{transform_indices = #map}, {transform_indices = #map}, {transform_indices = #map1}]} {
    %mul3A = arith.constant 2 : i32
    %mul3A_0 = arith.muli %arg1, %mul3A : i32
    %add3A = arith.addi %mul3A_0, %arg0 : i32
    %mul3A_1 = arith.constant 64 : i32
    %mul3A_2 = arith.muli %add3A, %mul3A_1 : i32
    %eq3A = arith.constant 31 : i32
    %eq3A_3 = arith.cmpi eq, %add3A, %eq3A : i32
    %add3A_4 = arith.constant 0 : i32
    %add3A_5 = arith.addi %mul3A_2, %add3A_4 : i32
    %mul3A_6 = arith.constant 256 : i32
    %mul3A_7 = arith.muli %add3A_5, %mul3A_6 : i32
    %min3A = arith.constant 515840 : i32
    %min3A_8 = arith.minsi %mul3A_7, %min3A : i32
    %dma_start3A = arith.constant 0 : i32
    %dma_start3A_9 = arith.constant 0 : i32
    %dma_start3A_10 = arith.constant 0 : i32
    %dma_start3A_11 = arith.constant 0 : i32
    %dma_start3A_12 = tpu.memref_slice %arg6[%dma_start3A_9, %dma_start3A_11] : memref<2x8448xf32, #tpu.memory_space<vmem>> -> memref<1x8448xf32, #tpu.memory_space<vmem>>
    %dma_start3A_13 = tpu.memref_squeeze %dma_start3A_12 : memref<1x8448xf32, #tpu.memory_space<vmem>> -> memref<8448xf32, #tpu.memory_space<vmem>>
    %dma_start3A_14 = tpu.memref_slice %arg2[%dma_start3A, %min3A_8] : memref<32x524288xf32, #tpu.memory_space<hbm>> -> memref<1x8448xf32, #tpu.memory_space<hbm>>
    %dma_start3A_15 = tpu.memref_squeeze %dma_start3A_14 : memref<1x8448xf32, #tpu.memory_space<hbm>> -> memref<8448xf32, #tpu.memory_space<hbm>>
    %dma_start3A_16 = tpu.memref_slice %arg8[%dma_start3A_10] : memref<2x!tpu.dma_semaphore, #tpu.memory_space<semaphore_mem>> -> memref<1x!tpu.dma_semaphore, #tpu.memory_space<semaphore_mem>>
    %dma_start3A_17 = tpu.memref_squeeze %dma_start3A_16 : memref<1x!tpu.dma_semaphore, #tpu.memory_space<semaphore_mem>> -> memref<!tpu.dma_semaphore, #tpu.memory_space<semaphore_mem>>
    %dma_start3A_18 = arith.constant 0 : i32
    %dma_start3A_19 = tpu.memref_slice %arg6[%dma_start3A_9, %dma_start3A_18] : memref<2x8448xf32, #tpu.memory_space<vmem>> -> memref<1x8448xf32, #tpu.memory_space<vmem>>
    %dma_start3A_20 = tpu.memref_squeeze %dma_start3A_19 : memref<1x8448xf32, #tpu.memory_space<vmem>> -> memref<8448xf32, #tpu.memory_space<vmem>>
    %dma_start3A_21 = tpu.memref_slice %arg2[%dma_start3A, %min3A_8] : memref<32x524288xf32, #tpu.memory_space<hbm>> -> memref<1x8448xf32, #tpu.memory_space<hbm>>
    %dma_start3A_22 = tpu.memref_squeeze %dma_start3A_21 : memref<1x8448xf32, #tpu.memory_space<hbm>> -> memref<8448xf32, #tpu.memory_space<hbm>>
    tpu.enqueue_dma source(%dma_start3A_22 : memref<8448xf32, #tpu.memory_space<hbm>>) target(%dma_start3A_20 : memref<8448xf32, #tpu.memory_space<vmem>>) target_semaphore(%dma_start3A_17 : memref<!tpu.dma_semaphore, #tpu.memory_space<semaphore_mem>>)
    %add3A_23 = arith.constant 32 : i32
    %add3A_24 = arith.addi %mul3A_2, %add3A_23 : i32
    %mul3A_25 = arith.constant 256 : i32
    %mul3A_26 = arith.muli %add3A_24, %mul3A_25 : i32
    %min3A_27 = arith.constant 515840 : i32
    %min3A_28 = arith.minsi %mul3A_26, %min3A_27 : i32
    %dma_start3A_29 = arith.constant 0 : i32
    %dma_start3A_30 = arith.constant 1 : i32
    %dma_start3A_31 = arith.constant 1 : i32
    %dma_start3A_32 = arith.constant 0 : i32
    %dma_start3A_33 = tpu.memref_slice %arg6[%dma_start3A_30, %dma_start3A_32] : memref<2x8448xf32, #tpu.memory_space<vmem>> -> memref<1x8448xf32, #tpu.memory_space<vmem>>
    %dma_start3A_34 = tpu.memref_squeeze %dma_start3A_33 : memref<1x8448xf32, #tpu.memory_space<vmem>> -> memref<8448xf32, #tpu.memory_space<vmem>>
    %dma_start3A_35 = tpu.memref_slice %arg2[%dma_start3A_29, %min3A_28] : memref<32x524288xf32, #tpu.memory_space<hbm>> -> memref<1x8448xf32, #tpu.memory_space<hbm>>
    %dma_start3A_36 = tpu.memref_squeeze %dma_start3A_35 : memref<1x8448xf32, #tpu.memory_space<hbm>> -> memref<8448xf32, #tpu.memory_space<hbm>>
    %dma_start3A_37 = tpu.memref_slice %arg8[%dma_start3A_31] : memref<2x!tpu.dma_semaphore, #tpu.memory_space<semaphore_mem>> -> memref<1x!tpu.dma_semaphore, #tpu.memory_space<semaphore_mem>>
    %dma_start3A_38 = tpu.memref_squeeze %dma_start3A_37 : memref<1x!tpu.dma_semaphore, #tpu.memory_space<semaphore_mem>> -> memref<!tpu.dma_semaphore, #tpu.memory_space<semaphore_mem>>
    %dma_start3A_39 = arith.constant 0 : i32
    %dma_start3A_40 = tpu.memref_slice %arg6[%dma_start3A_30, %dma_start3A_39] : memref<2x8448xf32, #tpu.memory_space<vmem>> -> memref<1x8448xf32, #tpu.memory_space<vmem>>
    %dma_start3A_41 = tpu.memref_squeeze %dma_start3A_40 : memref<1x8448xf32, #tpu.memory_space<vmem>> -> memref<8448xf32, #tpu.memory_space<vmem>>
    %dma_start3A_42 = tpu.memref_slice %arg2[%dma_start3A_29, %min3A_28] : memref<32x524288xf32, #tpu.memory_space<hbm>> -> memref<1x8448xf32, #tpu.memory_space<hbm>>
    %dma_start3A_43 = tpu.memref_squeeze %dma_start3A_42 : memref<1x8448xf32, #tpu.memory_space<hbm>> -> memref<8448xf32, #tpu.memory_space<hbm>>
    tpu.enqueue_dma source(%dma_start3A_43 : memref<8448xf32, #tpu.memory_space<hbm>>) target(%dma_start3A_41 : memref<8448xf32, #tpu.memory_space<vmem>>) target_semaphore(%dma_start3A_38 : memref<!tpu.dma_semaphore, #tpu.memory_space<semaphore_mem>>)
    %not3A = arith.constant true
    %not3A_44 = arith.xori %eq3A_3, %not3A : i1
    %convert_element_type3A = arith.extui %not3A_44 : i1 to i32
    %cond3A = arith.constant 0 : i32
    %cond3A_45 = arith.cmpi ne, %convert_element_type3A, %cond3A : i32
    scf.if %cond3A_45 {
      %dma_start3A_82 = arith.constant 0 : i32
      %dma_start3A_83 = tpu.memref_slice %arg3[%mul3A_2, %dma_start3A_82] : memref<2047x512xf32, #tpu.memory_space<hbm>> -> memref<64x512xf32, #tpu.memory_space<hbm>>
      %dma_start3A_84 = arith.constant 0 : i32
      %dma_start3A_85 = tpu.memref_slice %arg3[%mul3A_2, %dma_start3A_84] : memref<2047x512xf32, #tpu.memory_space<hbm>> -> memref<64x512xf32, #tpu.memory_space<hbm>>
      tpu.enqueue_dma source(%dma_start3A_85 : memref<64x512xf32, #tpu.memory_space<hbm>>) target(%arg5 : memref<64x512xf32, #tpu.memory_space<vmem>>) target_semaphore(%arg10 : memref<!tpu.dma_semaphore, #tpu.memory_space<semaphore_mem>>)
      %dma_wait3A_86 = arith.constant 0 : i32
      %dma_wait3A_87 = tpu.memref_slice %arg3[%mul3A_2, %dma_wait3A_86] : memref<2047x512xf32, #tpu.memory_space<hbm>> -> memref<64x512xf32, #tpu.memory_space<hbm>>
      %dma_wait3A_88 = arith.constant 0 : i32
      %dma_wait3A_89 = tpu.memref_slice %arg3[%mul3A_2, %dma_wait3A_88] : memref<2047x512xf32, #tpu.memory_space<hbm>> -> memref<64x512xf32, #tpu.memory_space<hbm>>
      tpu.wait_dma2 semaphore(%arg10 : memref<!tpu.dma_semaphore, #tpu.memory_space<semaphore_mem>>) src(%dma_wait3A_89 : memref<64x512xf32, #tpu.memory_space<hbm>>) dst(%arg5 : memref<64x512xf32, #tpu.memory_space<vmem>>)
    } else {
    }
    %convert_element_type3A_46 = arith.extui %eq3A_3 : i1 to i32
    %cond3A_47 = arith.constant 0 : i32
    %cond3A_48 = arith.cmpi ne, %convert_element_type3A_46, %cond3A_47 : i32
    scf.if %cond3A_48 {
      %dma_start3A_82 = arith.constant 0 : i32
      %dma_start3A_83 = arith.constant 0 : i32
      %dma_start3A_84 = tpu.memref_slice %arg5[%dma_start3A_82, %dma_start3A_83] : memref<64x512xf32, #tpu.memory_space<vmem>> -> memref<63x512xf32, #tpu.memory_space<vmem>>
      %dma_start3A_85 = arith.constant 0 : i32
      %dma_start3A_86 = tpu.memref_slice %arg3[%mul3A_2, %dma_start3A_85] : memref<2047x512xf32, #tpu.memory_space<hbm>> -> memref<63x512xf32, #tpu.memory_space<hbm>>
      %dma_start3A_87 = arith.constant 0 : i32
      %dma_start3A_88 = arith.constant 0 : i32
      %dma_start3A_89 = tpu.memref_slice %arg5[%dma_start3A_87, %dma_start3A_88] : memref<64x512xf32, #tpu.memory_space<vmem>> -> memref<63x512xf32, #tpu.memory_space<vmem>>
      %dma_start3A_90 = arith.constant 0 : i32
      %dma_start3A_91 = tpu.memref_slice %arg3[%mul3A_2, %dma_start3A_90] : memref<2047x512xf32, #tpu.memory_space<hbm>> -> memref<63x512xf32, #tpu.memory_space<hbm>>
      tpu.enqueue_dma source(%dma_start3A_91 : memref<63x512xf32, #tpu.memory_space<hbm>>) target(%dma_start3A_89 : memref<63x512xf32, #tpu.memory_space<vmem>>) target_semaphore(%arg10 : memref<!tpu.dma_semaphore, #tpu.memory_space<semaphore_mem>>)
      %dma_wait3A_92 = arith.constant 0 : i32
      %dma_wait3A_93 = arith.constant 0 : i32
      %dma_wait3A_94 = tpu.memref_slice %arg5[%dma_wait3A_92, %dma_wait3A_93] : memref<64x512xf32, #tpu.memory_space<vmem>> -> memref<63x512xf32, #tpu.memory_space<vmem>>
      %dma_wait3A_95 = arith.constant 0 : i32
      %dma_wait3A_96 = tpu.memref_slice %arg3[%mul3A_2, %dma_wait3A_95] : memref<2047x512xf32, #tpu.memory_space<hbm>> -> memref<63x512xf32, #tpu.memory_space<hbm>>
      %dma_wait3A_97 = arith.constant 0 : i32
      %dma_wait3A_98 = arith.constant 0 : i32
      %dma_wait3A_99 = tpu.memref_slice %arg5[%dma_wait3A_97, %dma_wait3A_98] : memref<64x512xf32, #tpu.memory_space<vmem>> -> memref<63x512xf32, #tpu.memory_space<vmem>>
      %dma_wait3A_100 = arith.constant 0 : i32
      %dma_wait3A_101 = tpu.memref_slice %arg3[%mul3A_2, %dma_wait3A_100] : memref<2047x512xf32, #tpu.memory_space<hbm>> -> memref<63x512xf32, #tpu.memory_space<hbm>>
      tpu.wait_dma2 semaphore(%arg10 : memref<!tpu.dma_semaphore, #tpu.memory_space<semaphore_mem>>) src(%dma_wait3A_101 : memref<63x512xf32, #tpu.memory_space<hbm>>) dst(%dma_wait3A_99 : memref<63x512xf32, #tpu.memory_space<vmem>>)
    } else {
    }
    %scan3A = arith.constant 0 : i32
    %scan3A_49 = arith.constant 0 : i32
    %scan3A_50 = arith.constant 32 : i32
    %scan3A_51 = arith.addi %scan3A_49, %scan3A_50 : i32
    %scan3A_52 = arith.constant 1 : i32
    scf.for %scan3A_82 = %scan3A_49 to %scan3A_51 step %scan3A_52  : i32 {
      %add3A_83 = arith.constant 0 : i32
      %add3A_84 = arith.addi %mul3A_2, %add3A_83 : i32
      %add3A_85 = arith.constant 0 : i32
      %add3A_86 = arith.addi %mul3A_2, %add3A_85 : i32
      %mul3A_87 = arith.constant 256 : i32
      %mul3A_88 = arith.muli %add3A_86, %mul3A_87 : i32
      %min3A_89 = arith.constant 515840 : i32
      %min3A_90 = arith.minsi %mul3A_88, %min3A_89 : i32
      %dma_wait3A_91 = arith.constant 0 : i32
      %dma_wait3A_92 = arith.constant 0 : i32
      %dma_wait3A_93 = arith.constant 0 : i32
      %dma_wait3A_94 = tpu.memref_slice %arg6[%dma_wait3A_91, %dma_wait3A_93] : memref<2x8448xf32, #tpu.memory_space<vmem>> -> memref<1x8448xf32, #tpu.memory_space<vmem>>
      %dma_wait3A_95 = tpu.memref_squeeze %dma_wait3A_94 : memref<1x8448xf32, #tpu.memory_space<vmem>> -> memref<8448xf32, #tpu.memory_space<vmem>>
      %dma_wait3A_96 = tpu.memref_slice %arg2[%scan3A_82, %min3A_90] : memref<32x524288xf32, #tpu.memory_space<hbm>> -> memref<1x8448xf32, #tpu.memory_space<hbm>>
      %dma_wait3A_97 = tpu.memref_squeeze %dma_wait3A_96 : memref<1x8448xf32, #tpu.memory_space<hbm>> -> memref<8448xf32, #tpu.memory_space<hbm>>
      %dma_wait3A_98 = tpu.memref_slice %arg8[%dma_wait3A_92] : memref<2x!tpu.dma_semaphore, #tpu.memory_space<semaphore_mem>> -> memref<1x!tpu.dma_semaphore, #tpu.memory_space<semaphore_mem>>
      %dma_wait3A_99 = tpu.memref_squeeze %dma_wait3A_98 : memref<1x!tpu.dma_semaphore, #tpu.memory_space<semaphore_mem>> -> memref<!tpu.dma_semaphore, #tpu.memory_space<semaphore_mem>>
      %dma_wait3A_100 = arith.constant 0 : i32
      %dma_wait3A_101 = tpu.memref_slice %arg6[%dma_wait3A_91, %dma_wait3A_100] : memref<2x8448xf32, #tpu.memory_space<vmem>> -> memref<1x8448xf32, #tpu.memory_space<vmem>>
      %dma_wait3A_102 = tpu.memref_squeeze %dma_wait3A_101 : memref<1x8448xf32, #tpu.memory_space<vmem>> -> memref<8448xf32, #tpu.memory_space<vmem>>
      %dma_wait3A_103 = tpu.memref_slice %arg2[%scan3A_82, %min3A_90] : memref<32x524288xf32, #tpu.memory_space<hbm>> -> memref<1x8448xf32, #tpu.memory_space<hbm>>
      %dma_wait3A_104 = tpu.memref_squeeze %dma_wait3A_103 : memref<1x8448xf32, #tpu.memory_space<hbm>> -> memref<8448xf32, #tpu.memory_space<hbm>>
      tpu.wait_dma2 semaphore(%dma_wait3A_99 : memref<!tpu.dma_semaphore, #tpu.memory_space<semaphore_mem>>) src(%dma_wait3A_104 : memref<8448xf32, #tpu.memory_space<hbm>>) dst(%dma_wait3A_102 : memref<8448xf32, #tpu.memory_space<vmem>>)
      %ge3A = arith.constant 1 : i32
      %ge3A_105 = arith.cmpi sge, %scan3A_82, %ge3A : i32
      %convert_element_type3A_106 = arith.extui %ge3A_105 : i1 to i32
      %cond3A_107 = arith.constant 0 : i32
      %cond3A_108 = arith.cmpi ne, %convert_element_type3A_106, %cond3A_107 : i32
      scf.if %cond3A_108 {
        %sub3A_1681 = arith.constant 1 : i32
        %sub3A_1682 = arith.subi %scan3A_82, %sub3A_1681 : i32
        %add3A_1683 = arith.constant 0 : i32
        %add3A_1684 = arith.addi %mul3A_2, %add3A_1683 : i32
        %dma_wait3A_1685 = arith.constant 0 : i32
        %dma_wait3A_1686 = arith.constant 0 : i32
        %dma_wait3A_1687 = arith.constant 0 : i32
        %dma_wait3A_1688 = arith.constant 0 : i32
        %dma_wait3A_1689 = tpu.memref_slice %arg7[%dma_wait3A_1685, %dma_wait3A_1687, %dma_wait3A_1688] : memref<2x32x512xf32, #tpu.memory_space<vmem>> -> memref<1x32x512xf32, #tpu.memory_space<vmem>>
        %dma_wait3A_1690 = tpu.memref_squeeze %dma_wait3A_1689 : memref<1x32x512xf32, #tpu.memory_space<vmem>> -> memref<32x512xf32, #tpu.memory_space<vmem>>
        %dma_wait3A_1691 = arith.constant 0 : i32
        %dma_wait3A_1692 = tpu.memref_slice %arg4[%sub3A_1682, %add3A_1684, %dma_wait3A_1691] : memref<32x2047x512xf32, #tpu.memory_space<hbm>> -> memref<1x32x512xf32, #tpu.memory_space<hbm>>
        %dma_wait3A_1693 = tpu.memref_squeeze %dma_wait3A_1692 : memref<1x32x512xf32, #tpu.memory_space<hbm>> -> memref<32x512xf32, #tpu.memory_space<hbm>>
        %dma_wait3A_1694 = tpu.memref_slice %arg9[%dma_wait3A_1686] : memref<2x!tpu.dma_semaphore, #tpu.memory_space<semaphore_mem>> -> memref<1x!tpu.dma_semaphore, #tpu.memory_space<semaphore_mem>>
        %dma_wait3A_1695 = tpu.memref_squeeze %dma_wait3A_1694 : memref<1x!tpu.dma_semaphore, #tpu.memory_space<semaphore_mem>> -> memref<!tpu.dma_semaphore, #tpu.memory_space<semaphore_mem>>
        %dma_wait3A_1696 = arith.constant 0 : i32
        %dma_wait3A_1697 = tpu.memref_slice %arg4[%sub3A_1682, %add3A_1684, %dma_wait3A_1696] : memref<32x2047x512xf32, #tpu.memory_space<hbm>> -> memref<1x32x512xf32, #tpu.memory_space<hbm>>
        %dma_wait3A_1698 = tpu.memref_squeeze %dma_wait3A_1697 : memref<1x32x512xf32, #tpu.memory_space<hbm>> -> memref<32x512xf32, #tpu.memory_space<hbm>>
        %dma_wait3A_1699 = arith.constant 0 : i32
        %dma_wait3A_1700 = arith.constant 0 : i32
        %dma_wait3A_1701 = tpu.memref_slice %arg7[%dma_wait3A_1685, %dma_wait3A_1699, %dma_wait3A_1700] : memref<2x32x512xf32, #tpu.memory_space<vmem>> -> memref<1x32x512xf32, #tpu.memory_space<vmem>>
        %dma_wait3A_1702 = tpu.memref_squeeze %dma_wait3A_1701 : memref<1x32x512xf32, #tpu.memory_space<vmem>> -> memref<32x512xf32, #tpu.memory_space<vmem>>
        tpu.wait_dma2 semaphore(%dma_wait3A_1695 : memref<!tpu.dma_semaphore, #tpu.memory_space<semaphore_mem>>) src(%dma_wait3A_1702 : memref<32x512xf32, #tpu.memory_space<vmem>>) dst(%dma_wait3A_1698 : memref<32x512xf32, #tpu.memory_space<hbm>>)
      } else {
      }
      %mul3A_109 = arith.constant 256 : i32
      %mul3A_110 = arith.muli %add3A_84, %mul3A_109 : i32
      %mul3A_111 = arith.constant 256 : i32
      %mul3A_112 = arith.muli %add3A_84, %mul3A_111 : i32
      %min3A_113 = arith.constant 515840 : i32
      %min3A_114 = arith.minsi %mul3A_112, %min3A_113 : i32
      %sub3A = arith.subi %mul3A_110, %min3A_114 : i32
      %add3A_115 = arith.constant 0 : i32
      %add3A_116 = arith.addi %sub3A, %add3A_115 : i32
      %get3A = arith.constant 0 : i32
      %get3A_117 = arith.index_cast %get3A : i32 to index
      %get3A_118 = arith.index_cast %add3A_116 : i32 to index
      %get3A_119 = tpu.vector_load %arg6[%get3A_117, %get3A_118] {strides = array<i32>} : memref<2x8448xf32, #tpu.memory_space<vmem>>, vector<1x16xf32>,
      %get3A_120 = vector.shape_cast %get3A_119 : vector<1x16xf32> to vector<16xf32>
      %get3A_121 = arith.constant 0 : i32
      %get3A_122 = arith.index_cast %get3A_121 : i32 to index
      %get3A_123 = arith.constant 0 : index
      %get3A_124 = tpu.vector_load %arg5[%get3A_122, %get3A_123] {strides = array<i32>} : memref<64x512xf32, #tpu.memory_space<vmem>>, vector<1x16xf32>,
      %get3A_125 = vector.shape_cast %get3A_124 : vector<1x16xf32> to vector<16xf32>
      %mul3A_126 = arith.mulf %get3A_125, %get3A_120 : vector<16xf32>
      %swap3A = arith.constant 0 : i32
      %swap3A_127 = arith.constant 0 : i32
      %swap3A_128 = arith.index_cast %swap3A : i32 to index
      %swap3A_129 = arith.index_cast %swap3A_127 : i32 to index
      %swap3A_130 = arith.constant 0 : index
      %swap3A_131 = tpu.vector_load %arg7[%swap3A_128, %swap3A_129, %swap3A_130] {strides = array<i32>} : memref<2x32x512xf32, #tpu.memory_space<vmem>>, vector<1x1x16xf32>,
      %swap3A_132 = vector.shape_cast %swap3A_131 : vector<1x1x16xf32> to vector<16xf32>
      %swap3A_133 = vector.shape_cast %mul3A_126 : vector<16xf32> to vector<1x1x16xf32>
      tpu.vector_store %arg7[%swap3A_128, %swap3A_129, %swap3A_130], %swap3A_133 {strides = array<i32>} : memref<2x32x512xf32, #tpu.memory_space<vmem>>, vector<1x1x16xf32>,
      %add3A_134 = arith.constant 16 : i32
      %add3A_135 = arith.addi %sub3A, %add3A_134 : i32
      %get3A_136 = arith.constant 0 : i32
      %get3A_137 = arith.index_cast %get3A_136 : i32 to index
      %get3A_138 = arith.index_cast %add3A_135 : i32 to index
      %get3A_139 = tpu.vector_load %arg6[%get3A_137, %get3A_138] {strides = array<i32>} : memref<2x8448xf32, #tpu.memory_space<vmem>>, vector<1x16xf32>,
      %get3A_140 = vector.shape_cast %get3A_139 : vector<1x16xf32> to vector<16xf32>
      %get3A_141 = arith.constant 0 : i32
      %get3A_142 = arith.index_cast %get3A_141 : i32 to index
      %get3A_143 = arith.constant 16 : index
      %get3A_144 = tpu.vector_load %arg5[%get3A_142, %get3A_143] {strides = array<i32>} : memref<64x512xf32, #tpu.memory_space<vmem>>, vector<1x16xf32>,
      %get3A_145 = vector.shape_cast %get3A_144 : vector<1x16xf32> to vector<16xf32>
      %mul3A_146 = arith.mulf %get3A_145, %get3A_140 : vector<16xf32>
      %swap3A_147 = arith.constant 0 : i32
      %swap3A_148 = arith.constant 0 : i32
      %swap3A_149 = arith.index_cast %swap3A_147 : i32 to index
      %swap3A_150 = arith.index_cast %swap3A_148 : i32 to index
      %swap3A_151 = arith.constant 16 : index
      %swap3A_152 = tpu.vector_load %arg7[%swap3A_149, %swap3A_150, %swap3A_151] {strides = array<i32>} : memref<2x32x512xf32, #tpu.memory_space<vmem>>, vector<1x1x16xf32>,
      %swap3A_153 = vector.shape_cast %swap3A_152 : vector<1x1x16xf32> to vector<16xf32>
      %swap3A_154 = vector.shape_cast %mul3A_146 : vector<16xf32> to vector<1x1x16xf32>
      tpu.vector_store %arg7[%swap3A_149, %swap3A_150, %swap3A_151], %swap3A_154 {strides = array<i32>} : memref<2x32x512xf32, #tpu.memory_space<vmem>>, vector<1x1x16xf32>,
      %add3A_155 = arith.constant 32 : i32
      %add3A_156 = arith.addi %sub3A, %add3A_155 : i32
      %get3A_157 = arith.constant 0 : i32
      %get3A_158 = arith.index_cast %get3A_157 : i32 to index
      %get3A_159 = arith.index_cast %add3A_156 : i32 to index
      %get3A_160 = tpu.vector_load %arg6[%get3A_158, %get3A_159] {strides = array<i32>} : memref<2x8448xf32, #tpu.memory_space<vmem>>, vector<1x16xf32>,
      %get3A_161 = vector.shape_cast %get3A_160 : vector<1x16xf32> to vector<16xf32>
      %get3A_162 = arith.constant 0 : i32
      %get3A_163 = arith.index_cast %get3A_162 : i32 to index
      %get3A_164 = arith.constant 32 : index
      %get3A_165 = tpu.vector_load %arg5[%get3A_163, %get3A_164] {strides = array<i32>} : memref<64x512xf32, #tpu.memory_space<vmem>>, vector<1x16xf32>,
      %get3A_166 = vector.shape_cast %get3A_165 : vector<1x16xf32> to vector<16xf32>
      %mul3A_167 = arith.mulf %get3A_166, %get3A_161 : vector<16xf32>
      %swap3A_168 = arith.constant 0 : i32
      %swap3A_169 = arith.constant 0 : i32
      %swap3A_170 = arith.index_cast %swap3A_168 : i32 to index
      %swap3A_171 = arith.index_cast %swap3A_169 : i32 to index
      %swap3A_172 = arith.constant 32 : index
      %swap3A_173 = tpu.vector_load %arg7[%swap3A_170, %swap3A_171, %swap3A_172] {strides = array<i32>} : memref<2x32x512xf32, #tpu.memory_space<vmem>>, vector<1x1x16xf32>,
      %swap3A_174 = vector.shape_cast %swap3A_173 : vector<1x1x16xf32> to vector<16xf32>
      %swap3A_175 = vector.shape_cast %mul3A_167 : vector<16xf32> to vector<1x1x16xf32>
      tpu.vector_store %arg7[%swap3A_170, %swap3A_171, %swap3A_172], %swap3A_175 {strides = array<i32>} : memref<2x32x512xf32, #tpu.memory_space<vmem>>, vector<1x1x16xf32>,
      %add3A_176 = arith.constant 48 : i32
      %add3A_177 = arith.addi %sub3A, %add3A_176 : i32
      %get3A_178 = arith.constant 0 : i32
      %get3A_179 = arith.index_cast %get3A_178 : i32 to index
      %get3A_180 = arith.index_cast %add3A_177 : i32 to index
      %get3A_181 = tpu.vector_load %arg6[%get3A_179, %get3A_180] {strides = array<i32>} : memref<2x8448xf32, #tpu.memory_space<vmem>>, vector<1x16xf32>,
      %get3A_182 = vector.shape_cast %get3A_181 : vector<1x16xf32> to vector<16xf32>
      %get3A_183 = arith.constant 0 : i32
      %get3A_184 = arith.index_cast %get3A_183 : i32 to index
      %get3A_185 = arith.constant 48 : index
      %get3A_186 = tpu.vector_load %arg5[%get3A_184, %get3A_185] {strides = array<i32>} : memref<64x512xf32, #tpu.memory_space<vmem>>, vector<1x16xf32>,
      %get3A_187 = vector.shape_cast %get3A_186 : vector<1x16xf32> to vector<16xf32>
      %mul3A_188 = arith.mulf %get3A_187, %get3A_182 : vector<16xf32>
      %swap3A_189 = arith.constant 0 : i32
      %swap3A_190 = arith.constant 0 : i32
      %swap3A_191 = arith.index_cast %swap3A_189 : i32 to index
      %swap3A_192 = arith.index_cast %swap3A_190 : i32 to index
      %swap3A_193 = arith.constant 48 : index
      %swap3A_194 = tpu.vector_load %arg7[%swap3A_191, %swap3A_192, %swap3A_193] {strides = array<i32>} : memref<2x32x512xf32, #tpu.memory_space<vmem>>, vector<1x1x16xf32>,
      %swap3A_195 = vector.shape_cast %swap3A_194 : vector<1x1x16xf32> to vector<16xf32>
      %swap3A_196 = vector.shape_cast %mul3A_188 : vector<16xf32> to vector<1x1x16xf32>
      tpu.vector_store %arg7[%swap3A_191, %swap3A_192, %swap3A_193], %swap3A_196 {strides = array<i32>} : memref<2x32x512xf32, #tpu.memory_space<vmem>>, vector<1x1x16xf32>,
      %add3A_197 = arith.constant 64 : i32
      %add3A_198 = arith.addi %sub3A, %add3A_197 : i32
      %get3A_199 = arith.constant 0 : i32
      %get3A_200 = arith.index_cast %get3A_199 : i32 to index
      %get3A_201 = arith.index_cast %add3A_198 : i32 to index
      %get3A_202 = tpu.vector_load %arg6[%get3A_200, %get3A_201] {strides = array<i32>} : memref<2x8448xf32, #tpu.memory_space<vmem>>, vector<1x16xf32>,
      %get3A_203 = vector.shape_cast %get3A_202 : vector<1x16xf32> to vector<16xf32>
      %get3A_204 = arith.constant 0 : i32
      %get3A_205 = arith.index_cast %get3A_204 : i32 to index
      %get3A_206 = arith.constant 64 : index
      %get3A_207 = tpu.vector_load %arg5[%get3A_205, %get3A_206] {strides = array<i32>} : memref<64x512xf32, #tpu.memory_space<vmem>>, vector<1x16xf32>,
      %get3A_208 = vector.shape_cast %get3A_207 : vector<1x16xf32> to vector<16xf32>
      %mul3A_209 = arith.mulf %get3A_208, %get3A_203 : vector<16xf32>
      %swap3A_210 = arith.constant 0 : i32
      %swap3A_211 = arith.constant 0 : i32
      %swap3A_212 = arith.index_cast %swap3A_210 : i32 to index
      %swap3A_213 = arith.index_cast %swap3A_211 : i32 to index
      %swap3A_214 = arith.constant 64 : index
      %swap3A_215 = tpu.vector_load %arg7[%swap3A_212, %swap3A_213, %swap3A_214] {strides = array<i32>} : memref<2x32x512xf32, #tpu.memory_space<vmem>>, vector<1x1x16xf32>,
      %swap3A_216 = vector.shape_cast %swap3A_215 : vector<1x1x16xf32> to vector<16xf32>
      %swap3A_217 = vector.shape_cast %mul3A_209 : vector<16xf32> to vector<1x1x16xf32>
      tpu.vector_store %arg7[%swap3A_212, %swap3A_213, %swap3A_214], %swap3A_217 {strides = array<i32>} : memref<2x32x512xf32, #tpu.memory_space<vmem>>, vector<1x1x16xf32>,
      %add3A_218 = arith.constant 80 : i32
      %add3A_219 = arith.addi %sub3A, %add3A_218 : i32
      %get3A_220 = arith.constant 0 : i32
      %get3A_221 = arith.index_cast %get3A_220 : i32 to index
      %get3A_222 = arith.index_cast %add3A_219 : i32 to index
      %get3A_223 = tpu.vector_load %arg6[%get3A_221, %get3A_222] {strides = array<i32>} : memref<2x8448xf32, #tpu.memory_space<vmem>>, vector<1x16xf32>,
      %get3A_224 = vector.shape_cast %get3A_223 : vector<1x16xf32> to vector<16xf32>
      %get3A_225 = arith.constant 0 : i32
      %get3A_226 = arith.index_cast %get3A_225 : i32 to index
      %get3A_227 = arith.constant 80 : index
      %get3A_228 = tpu.vector_load %arg5[%get3A_226, %get3A_227] {strides = array<i32>} : memref<64x512xf32, #tpu.memory_space<vmem>>, vector<1x16xf32>,
      %get3A_229 = vector.shape_cast %get3A_228 : vector<1x16xf32> to vector<16xf32>
      %mul3A_230 = arith.mulf %get3A_229, %get3A_224 : vector<16xf32>
      %swap3A_231 = arith.constant 0 : i32
      %swap3A_232 = arith.constant 0 : i32
      %swap3A_233 = arith.index_cast %swap3A_231 : i32 to index
      %swap3A_234 = arith.index_cast %swap3A_232 : i32 to index
      %swap3A_235 = arith.constant 80 : index
      %swap3A_236 = tpu.vector_load %arg7[%swap3A_233, %swap3A_234, %swap3A_235] {strides = array<i32>} : memref<2x32x512xf32, #tpu.memory_space<vmem>>, vector<1x1x16xf32>,
      %swap3A_237 = vector.shape_cast %swap3A_236 : vector<1x1x16xf32> to vector<16xf32>
      %swap3A_238 = vector.shape_cast %mul3A_230 : vector<16xf32> to vector<1x1x16xf32>
      tpu.vector_store %arg7[%swap3A_233, %swap3A_234, %swap3A_235], %swap3A_238 {strides = array<i32>} : memref<2x32x512xf32, #tpu.memory_space<vmem>>, vector<1x1x16xf32>,
      %add3A_239 = arith.constant 96 : i32
      %add3A_240 = arith.addi %sub3A, %add3A_239 : i32
      %get3A_241 = arith.constant 0 : i32
      %get3A_242 = arith.index_cast %get3A_241 : i32 to index
      %get3A_243 = arith.index_cast %add3A_240 : i32 to index
      %get3A_244 = tpu.vector_load %arg6[%get3A_242, %get3A_243] {strides = array<i32>} : memref<2x8448xf32, #tpu.memory_space<vmem>>, vector<1x16xf32>,
      %get3A_245 = vector.shape_cast %get3A_244 : vector<1x16xf32> to vector<16xf32>
      %get3A_246 = arith.constant 0 : i32
      %get3A_247 = arith.index_cast %get3A_246 : i32 to index
      %get3A_248 = arith.constant 96 : index
      %get3A_249 = tpu.vector_load %arg5[%get3A_247, %get3A_248] {strides = array<i32>} : memref<64x512xf32, #tpu.memory_space<vmem>>, vector<1x16xf32>,
      %get3A_250 = vector.shape_cast %get3A_249 : vector<1x16xf32> to vector<16xf32>
      %mul3A_251 = arith.mulf %get3A_250, %get3A_245 : vector<16xf32>
      %swap3A_252 = arith.constant 0 : i32
      %swap3A_253 = arith.constant 0 : i32
      %swap3A_254 = arith.index_cast %swap3A_252 : i32 to index
      %swap3A_255 = arith.index_cast %swap3A_253 : i32 to index
      %swap3A_256 = arith.constant 96 : index
      %swap3A_257 = tpu.vector_load %arg7[%swap3A_254, %swap3A_255, %swap3A_256] {strides = array<i32>} : memref<2x32x512xf32, #tpu.memory_space<vmem>>, vector<1x1x16xf32>,
      %swap3A_258 = vector.shape_cast %swap3A_257 : vector<1x1x16xf32> to vector<16xf32>
      %swap3A_259 = vector.shape_cast %mul3A_251 : vector<16xf32> to vector<1x1x16xf32>
      tpu.vector_store %arg7[%swap3A_254, %swap3A_255, %swap3A_256], %swap3A_259 {strides = array<i32>} : memref<2x32x512xf32, #tpu.memory_space<vmem>>, vector<1x1x16xf32>,
      %add3A_260 = arith.constant 112 : i32
      %add3A_261 = arith.addi %sub3A, %add3A_260 : i32
      %get3A_262 = arith.constant 0 : i32
      %get3A_263 = arith.index_cast %get3A_262 : i32 to index
      %get3A_264 = arith.index_cast %add3A_261 : i32 to index
      %get3A_265 = tpu.vector_load %arg6[%get3A_263, %get3A_264] {strides = array<i32>} : memref<2x8448xf32, #tpu.memory_space<vmem>>, vector<1x16xf32>,
      %get3A_266 = vector.shape_cast %get3A_265 : vector<1x16xf32> to vector<16xf32>
      %get3A_267 = arith.constant 0 : i32
      %get3A_268 = arith.index_cast %get3A_267 : i32 to index
      %get3A_269 = arith.constant 112 : index
      %get3A_270 = tpu.vector_load %arg5[%get3A_268, %get3A_269] {strides = array<i32>} : memref<64x512xf32, #tpu.memory_space<vmem>>, vector<1x16xf32>,
      %get3A_271 = vector.shape_cast %get3A_270 : vector<1x16xf32> to vector<16xf32>
      %mul3A_272 = arith.mulf %get3A_271, %get3A_266 : vector<16xf32>
      %swap3A_273 = arith.constant 0 : i32
      %swap3A_274 = arith.constant 0 : i32
      %swap3A_275 = arith.index_cast %swap3A_273 : i32 to index
      %swap3A_276 = arith.index_cast %swap3A_274 : i32 to index
      %swap3A_277 = arith.constant 112 : index
      %swap3A_278 = tpu.vector_load %arg7[%swap3A_275, %swap3A_276, %swap3A_277] {strides = array<i32>} : memref<2x32x512xf32, #tpu.memory_space<vmem>>, vector<1x1x16xf32>,
      %swap3A_279 = vector.shape_cast %swap3A_278 : vector<1x1x16xf32> to vector<16xf32>
      %swap3A_280 = vector.shape_cast %mul3A_272 : vector<16xf32> to vector<1x1x16xf32>
      tpu.vector_store %arg7[%swap3A_275, %swap3A_276, %swap3A_277], %swap3A_280 {strides = array<i32>} : memref<2x32x512xf32, #tpu.memory_space<vmem>>, vector<1x1x16xf32>,
      %add3A_281 = arith.constant 128 : i32
      %add3A_282 = arith.addi %sub3A, %add3A_281 : i32
      %get3A_283 = arith.constant 0 : i32
      %get3A_284 = arith.index_cast %get3A_283 : i32 to index
      %get3A_285 = arith.index_cast %add3A_282 : i32 to index
      %get3A_286 = tpu.vector_load %arg6[%get3A_284, %get3A_285] {strides = array<i32>} : memref<2x8448xf32, #tpu.memory_space<vmem>>, vector<1x16xf32>,
      %get3A_287 = vector.shape_cast %get3A_286 : vector<1x16xf32> to vector<16xf32>
      %get3A_288 = arith.constant 0 : i32
      %get3A_289 = arith.index_cast %get3A_288 : i32 to index
      %get3A_290 = arith.constant 128 : index
      %get3A_291 = tpu.vector_load %arg5[%get3A_289, %get3A_290] {strides = array<i32>} : memref<64x512xf32, #tpu.memory_space<vmem>>, vector<1x16xf32>,
      %get3A_292 = vector.shape_cast %get3A_291 : vector<1x16xf32> to vector<16xf32>
      %mul3A_293 = arith.mulf %get3A_292, %get3A_287 : vector<16xf32>
      %swap3A_294 = arith.constant 0 : i32
      %swap3A_295 = arith.constant 0 : i32
      %swap3A_296 = arith.index_cast %swap3A_294 : i32 to index
      %swap3A_297 = arith.index_cast %swap3A_295 : i32 to index
      %swap3A_298 = arith.constant 128 : index
      %swap3A_299 = tpu.vector_load %arg7[%swap3A_296, %swap3A_297, %swap3A_298] {strides = array<i32>} : memref<2x32x512xf32, #tpu.memory_space<vmem>>, vector<1x1x16xf32>,
      %swap3A_300 = vector.shape_cast %swap3A_299 : vector<1x1x16xf32> to vector<16xf32>
      %swap3A_301 = vector.shape_cast %mul3A_293 : vector<16xf32> to vector<1x1x16xf32>
      tpu.vector_store %arg7[%swap3A_296, %swap3A_297, %swap3A_298], %swap3A_301 {strides = array<i32>} : memref<2x32x512xf32, #tpu.memory_space<vmem>>, vector<1x1x16xf32>,
      %add3A_302 = arith.constant 144 : i32
      %add3A_303 = arith.addi %sub3A, %add3A_302 : i32
      %get3A_304 = arith.constant 0 : i32
      %get3A_305 = arith.index_cast %get3A_304 : i32 to index
      %get3A_306 = arith.index_cast %add3A_303 : i32 to index
      %get3A_307 = tpu.vector_load %arg6[%get3A_305, %get3A_306] {strides = array<i32>} : memref<2x8448xf32, #tpu.memory_space<vmem>>, vector<1x16xf32>,
      %get3A_308 = vector.shape_cast %get3A_307 : vector<1x16xf32> to vector<16xf32>
      %get3A_309 = arith.constant 0 : i32
      %get3A_310 = arith.index_cast %get3A_309 : i32 to index
      %get3A_311 = arith.constant 144 : index
      %get3A_312 = tpu.vector_load %arg5[%get3A_310, %get3A_311] {strides = array<i32>} : memref<64x512xf32, #tpu.memory_space<vmem>>, vector<1x16xf32>,
      %get3A_313 = vector.shape_cast %get3A_312 : vector<1x16xf32> to vector<16xf32>
      %mul3A_314 = arith.mulf %get3A_313, %get3A_308 : vector<16xf32>
      %swap3A_315 = arith.constant 0 : i32
      %swap3A_316 = arith.constant 0 : i32
      %swap3A_317 = arith.index_cast %swap3A_315 : i32 to index
      %swap3A_318 = arith.index_cast %swap3A_316 : i32 to index
      %swap3A_319 = arith.constant 144 : index
      %swap3A_320 = tpu.vector_load %arg7[%swap3A_317, %swap3A_318, %swap3A_319] {strides = array<i32>} : memref<2x32x512xf32, #tpu.memory_space<vmem>>, vector<1x1x16xf32>,
      %swap3A_321 = vector.shape_cast %swap3A_320 : vector<1x1x16xf32> to vector<16xf32>
      %swap3A_322 = vector.shape_cast %mul3A_314 : vector<16xf32> to vector<1x1x16xf32>
      tpu.vector_store %arg7[%swap3A_317, %swap3A_318, %swap3A_319], %swap3A_322 {strides = array<i32>} : memref<2x32x512xf32, #tpu.memory_space<vmem>>, vector<1x1x16xf32>,
      %add3A_323 = arith.constant 160 : i32
      %add3A_324 = arith.addi %sub3A, %add3A_323 : i32
      %get3A_325 = arith.constant 0 : i32
      %get3A_326 = arith.index_cast %get3A_325 : i32 to index
      %get3A_327 = arith.index_cast %add3A_324 : i32 to index
      %get3A_328 = tpu.vector_load %arg6[%get3A_326, %get3A_327] {strides = array<i32>} : memref<2x8448xf32, #tpu.memory_space<vmem>>, vector<1x16xf32>,
      %get3A_329 = vector.shape_cast %get3A_328 : vector<1x16xf32> to vector<16xf32>
      %get3A_330 = arith.constant 0 : i32
      %get3A_331 = arith.index_cast %get3A_330 : i32 to index
      %get3A_332 = arith.constant 160 : index
      %get3A_333 = tpu.vector_load %arg5[%get3A_331, %get3A_332] {strides = array<i32>} : memref<64x512xf32, #tpu.memory_space<vmem>>, vector<1x16xf32>,
      %get3A_334 = vector.shape_cast %get3A_333 : vector<1x16xf32> to vector<16xf32>
      %mul3A_335 = arith.mulf %get3A_334, %get3A_329 : vector<16xf32>
      %swap3A_336 = arith.constant 0 : i32
      %swap3A_337 = arith.constant 0 : i32
      %swap3A_338 = arith.index_cast %swap3A_336 : i32 to index
      %swap3A_339 = arith.index_cast %swap3A_337 : i32 to index
      %swap3A_340 = arith.constant 160 : index
      %swap3A_341 = tpu.vector_load %arg7[%swap3A_338, %swap3A_339, %swap3A_340] {strides = array<i32>} : memref<2x32x512xf32, #tpu.memory_space<vmem>>, vector<1x1x16xf32>,
      %swap3A_342 = vector.shape_cast %swap3A_341 : vector<1x1x16xf32> to vector<16xf32>
      %swap3A_343 = vector.shape_cast %mul3A_335 : vector<16xf32> to vector<1x1x16xf32>
      tpu.vector_store %arg7[%swap3A_338, %swap3A_339, %swap3A_340], %swap3A_343 {strides = array<i32>} : memref<2x32x512xf32, #tpu.memory_space<vmem>>, vector<1x1x16xf32>,
      %add3A_344 = arith.constant 176 : i32
      %add3A_345 = arith.addi %sub3A, %add3A_344 : i32
      %get3A_346 = arith.constant 0 : i32
      %get3A_347 = arith.index_cast %get3A_346 : i32 to index
      %get3A_348 = arith.index_cast %add3A_345 : i32 to index
      %get3A_349 = tpu.vector_load %arg6[%get3A_347, %get3A_348] {strides = array<i32>} : memref<2x8448xf32, #tpu.memory_space<vmem>>, vector<1x16xf32>,
      %get3A_350 = vector.shape_cast %get3A_349 : vector<1x16xf32> to vector<16xf32>
      %get3A_351 = arith.constant 0 : i32
      %get3A_352 = arith.index_cast %get3A_351 : i32 to index
      %get3A_353 = arith.constant 176 : index
      %get3A_354 = tpu.vector_load %arg5[%get3A_352, %get3A_353] {strides = array<i32>} : memref<64x512xf32, #tpu.memory_space<vmem>>, vector<1x16xf32>,
      %get3A_355 = vector.shape_cast %get3A_354 : vector<1x16xf32> to vector<16xf32>
      %mul3A_356 = arith.mulf %get3A_355, %get3A_350 : vector<16xf32>
      %swap3A_357 = arith.constant 0 : i32
      %swap3A_358 = arith.constant 0 : i32
      %swap3A_359 = arith.index_cast %swap3A_357 : i32 to index
      %swap3A_360 = arith.index_cast %swap3A_358 : i32 to index
      %swap3A_361 = arith.constant 176 : index
      %swap3A_362 = tpu.vector_load %arg7[%swap3A_359, %swap3A_360, %swap3A_361] {strides = array<i32>} : memref<2x32x512xf32, #tpu.memory_space<vmem>>, vector<1x1x16xf32>,
      %swap3A_363 = vector.shape_cast %swap3A_362 : vector<1x1x16xf32> to vector<16xf32>
      %swap3A_364 = vector.shape_cast %mul3A_356 : vector<16xf32> to vector<1x1x16xf32>
      tpu.vector_store %arg7[%swap3A_359, %swap3A_360, %swap3A_361], %swap3A_364 {strides = array<i32>} : memref<2x32x512xf32, #tpu.memory_space<vmem>>, vector<1x1x16xf32>,
      %add3A_365 = arith.constant 192 : i32
      %add3A_366 = arith.addi %sub3A, %add3A_365 : i32
      %get3A_367 = arith.constant 0 : i32
      %get3A_368 = arith.index_cast %get3A_367 : i32 to index
      %get3A_369 = arith.index_cast %add3A_366 : i32 to index
      %get3A_370 = tpu.vector_load %arg6[%get3A_368, %get3A_369] {strides = array<i32>} : memref<2x8448xf32, #tpu.memory_space<vmem>>, vector<1x16xf32>,
      %get3A_371 = vector.shape_cast %get3A_370 : vector<1x16xf32> to vector<16xf32>
      %get3A_372 = arith.constant 0 : i32
      %get3A_373 = arith.index_cast %get3A_372 : i32 to index
      %get3A_374 = arith.constant 192 : index
      %get3A_375 = tpu.vector_load %arg5[%get3A_373, %get3A_374] {strides = array<i32>} : memref<64x512xf32, #tpu.memory_space<vmem>>, vector<1x16xf32>,
      %get3A_376 = vector.shape_cast %get3A_375 : vector<1x16xf32> to vector<16xf32>
      %mul3A_377 = arith.mulf %get3A_376, %get3A_371 : vector<16xf32>
      %swap3A_378 = arith.constant 0 : i32
      %swap3A_379 = arith.constant 0 : i32
      %swap3A_380 = arith.index_cast %swap3A_378 : i32 to index
      %swap3A_381 = arith.index_cast %swap3A_379 : i32 to index
      %swap3A_382 = arith.constant 192 : index
      %swap3A_383 = tpu.vector_load %arg7[%swap3A_380, %swap3A_381, %swap3A_382] {strides = array<i32>} : memref<2x32x512xf32, #tpu.memory_space<vmem>>, vector<1x1x16xf32>,
      %swap3A_384 = vector.shape_cast %swap3A_383 : vector<1x1x16xf32> to vector<16xf32>
      %swap3A_385 = vector.shape_cast %mul3A_377 : vector<16xf32> to vector<1x1x16xf32>
      tpu.vector_store %arg7[%swap3A_380, %swap3A_381, %swap3A_382], %swap3A_385 {strides = array<i32>} : memref<2x32x512xf32, #tpu.memory_space<vmem>>, vector<1x1x16xf32>,
      %add3A_386 = arith.constant 208 : i32
      %add3A_387 = arith.addi %sub3A, %add3A_386 : i32
      %get3A_388 = arith.constant 0 : i32
      %get3A_389 = arith.index_cast %get3A_388 : i32 to index
      %get3A_390 = arith.index_cast %add3A_387 : i32 to index
      %get3A_391 = tpu.vector_load %arg6[%get3A_389, %get3A_390] {strides = array<i32>} : memref<2x8448xf32, #tpu.memory_space<vmem>>, vector<1x16xf32>,
      %get3A_392 = vector.shape_cast %get3A_391 : vector<1x16xf32> to vector<16xf32>
      %get3A_393 = arith.constant 0 : i32
      %get3A_394 = arith.index_cast %get3A_393 : i32 to index
      %get3A_395 = arith.constant 208 : index
      %get3A_396 = tpu.vector_load %arg5[%get3A_394, %get3A_395] {strides = array<i32>} : memref<64x512xf32, #tpu.memory_space<vmem>>, vector<1x16xf32>,
      %get3A_397 = vector.shape_cast %get3A_396 : vector<1x16xf32> to vector<16xf32>
      %mul3A_398 = arith.mulf %get3A_397, %get3A_392 : vector<16xf32>
      %swap3A_399 = arith.constant 0 : i32
      %swap3A_400 = arith.constant 0 : i32
      %swap3A_401 = arith.index_cast %swap3A_399 : i32 to index
      %swap3A_402 = arith.index_cast %swap3A_400 : i32 to index
      %swap3A_403 = arith.constant 208 : index
      %swap3A_404 = tpu.vector_load %arg7[%swap3A_401, %swap3A_402, %swap3A_403] {strides = array<i32>} : memref<2x32x512xf32, #tpu.memory_space<vmem>>, vector<1x1x16xf32>,
      %swap3A_405 = vector.shape_cast %swap3A_404 : vector<1x1x16xf32> to vector<16xf32>
      %swap3A_406 = vector.shape_cast %mul3A_398 : vector<16xf32> to vector<1x1x16xf32>
      tpu.vector_store %arg7[%swap3A_401, %swap3A_402, %swap3A_403], %swap3A_406 {strides = array<i32>} : memref<2x32x512xf32, #tpu.memory_space<vmem>>, vector<1x1x16xf32>,
      %add3A_407 = arith.constant 224 : i32
      %add3A_408 = arith.addi %sub3A, %add3A_407 : i32
      %get3A_409 = arith.constant 0 : i32
      %get3A_410 = arith.index_cast %get3A_409 : i32 to index
      %get3A_411 = arith.index_cast %add3A_408 : i32 to index
      %get3A_412 = tpu.vector_load %arg6[%get3A_410, %get3A_411] {strides = array<i32>} : memref<2x8448xf32, #tpu.memory_space<vmem>>, vector<1x16xf32>,
      %get3A_413 = vector.shape_cast %get3A_412 : vector<1x16xf32> to vector<16xf32>
      %get3A_414 = arith.constant 0 : i32
      %get3A_415 = arith.index_cast %get3A_414 : i32 to index
      %get3A_416 = arith.constant 224 : index
      %get3A_417 = tpu.vector_load %arg5[%get3A_415, %get3A_416] {strides = array<i32>} : memref<64x512xf32, #tpu.memory_space<vmem>>, vector<1x16xf32>,
      %get3A_418 = vector.shape_cast %get3A_417 : vector<1x16xf32> to vector<16xf32>
      %mul3A_419 = arith.mulf %get3A_418, %get3A_413 : vector<16xf32>
      %swap3A_420 = arith.constant 0 : i32
      %swap3A_421 = arith.constant 0 : i32
      %swap3A_422 = arith.index_cast %swap3A_420 : i32 to index
      %swap3A_423 = arith.index_cast %swap3A_421 : i32 to index
      %swap3A_424 = arith.constant 224 : index
      %swap3A_425 = tpu.vector_load %arg7[%swap3A_422, %swap3A_423, %swap3A_424] {strides = array<i32>} : memref<2x32x512xf32, #tpu.memory_space<vmem>>, vector<1x1x16xf32>,
      %swap3A_426 = vector.shape_cast %swap3A_425 : vector<1x1x16xf32> to vector<16xf32>
      %swap3A_427 = vector.shape_cast %mul3A_419 : vector<16xf32> to vector<1x1x16xf32>
      tpu.vector_store %arg7[%swap3A_422, %swap3A_423, %swap3A_424], %swap3A_427 {strides = array<i32>} : memref<2x32x512xf32, #tpu.memory_space<vmem>>, vector<1x1x16xf32>,
      %add3A_428 = arith.constant 240 : i32
      %add3A_429 = arith.addi %sub3A, %add3A_428 : i32
      %get3A_430 = arith.constant 0 : i32
      %get3A_431 = arith.index_cast %get3A_430 : i32 to index
      %get3A_432 = arith.index_cast %add3A_429 : i32 to index
      %get3A_433 = tpu.vector_load %arg6[%get3A_431, %get3A_432] {strides = array<i32>} : memref<2x8448xf32, #tpu.memory_space<vmem>>, vector<1x16xf32>,
      %get3A_434 = vector.shape_cast %get3A_433 : vector<1x16xf32> to vector<16xf32>
      %get3A_435 = arith.constant 0 : i32
      %get3A_436 = arith.index_cast %get3A_435 : i32 to index
      %get3A_437 = arith.constant 240 : index
      %get3A_438 = tpu.vector_load %arg5[%get3A_436, %get3A_437] {strides = array<i32>} : memref<64x512xf32, #tpu.memory_space<vmem>>, vector<1x16xf32>,
      %get3A_439 = vector.shape_cast %get3A_438 : vector<1x16xf32> to vector<16xf32>
      %mul3A_440 = arith.mulf %get3A_439, %get3A_434 : vector<16xf32>
      %swap3A_441 = arith.constant 0 : i32
      %swap3A_442 = arith.constant 0 : i32
      %swap3A_443 = arith.index_cast %swap3A_441 : i32 to index
      %swap3A_444 = arith.index_cast %swap3A_442 : i32 to index
      %swap3A_445 = arith.constant 240 : index
      %swap3A_446 = tpu.vector_load %arg7[%swap3A_443, %swap3A_444, %swap3A_445] {strides = array<i32>} : memref<2x32x512xf32, #tpu.memory_space<vmem>>, vector<1x1x16xf32>,
      %swap3A_447 = vector.shape_cast %swap3A_446 : vector<1x1x16xf32> to vector<16xf32>
      %swap3A_448 = vector.shape_cast %mul3A_440 : vector<16xf32> to vector<1x1x16xf32>
      tpu.vector_store %arg7[%swap3A_443, %swap3A_444, %swap3A_445], %swap3A_448 {strides = array<i32>} : memref<2x32x512xf32, #tpu.memory_space<vmem>>, vector<1x1x16xf32>,
      %parallel_loop3A = arith.constant 1 : i32
      %parallel_loop3A_449 = arith.constant 32 : i32
      %parallel_loop3A_450 = arith.constant 1 : i32
      scf.for %parallel_loop3A_1681 = %parallel_loop3A to %parallel_loop3A_449 step %parallel_loop3A_450  : i32 {
        %parallel_loop3A_1682 = arith.constant 256 : i32
        %parallel_loop3A_1683 = arith.muli %parallel_loop3A_1681, %parallel_loop3A_1682 : i32
        %parallel_loop3A_1684 = arith.addi %sub3A, %parallel_loop3A_1683 : i32
        %parallel_loop3A_1685 = arith.constant 0 : i32
        %parallel_loop3A_1686 = arith.addi %parallel_loop3A_1684, %parallel_loop3A_1685 : i32
        %parallel_loop3A_1687 = arith.constant 0 : i32
        %parallel_loop3A_1688 = arith.index_cast %parallel_loop3A_1687 : i32 to index
        %parallel_loop3A_1689 = arith.index_cast %parallel_loop3A_1686 : i32 to index
        %parallel_loop3A_1690 = tpu.vector_load %arg6[%parallel_loop3A_1688, %parallel_loop3A_1689] {strides = array<i32>} : memref<2x8448xf32, #tpu.memory_space<vmem>>, vector<1x16xf32>,
        %parallel_loop3A_1691 = vector.shape_cast %parallel_loop3A_1690 : vector<1x16xf32> to vector<16xf32>
        %parallel_loop3A_1692 = arith.constant 0 : i32
        %parallel_loop3A_1693 = arith.addi %parallel_loop3A_1692, %parallel_loop3A_1681 : i32
        %parallel_loop3A_1694 = arith.index_cast %parallel_loop3A_1693 : i32 to index
        %parallel_loop3A_1695 = arith.constant 0 : index
        %parallel_loop3A_1696 = tpu.vector_load %arg5[%parallel_loop3A_1694, %parallel_loop3A_1695] {strides = array<i32>} : memref<64x512xf32, #tpu.memory_space<vmem>>, vector<1x16xf32>,
        %parallel_loop3A_1697 = vector.shape_cast %parallel_loop3A_1696 : vector<1x16xf32> to vector<16xf32>
        %parallel_loop3A_1698 = arith.mulf %parallel_loop3A_1697, %parallel_loop3A_1691 : vector<16xf32>
        %parallel_loop3A_1699 = arith.constant 0 : i32
        %parallel_loop3A_1700 = arith.index_cast %parallel_loop3A_1699 : i32 to index
        %parallel_loop3A_1701 = arith.index_cast %parallel_loop3A_1681 : i32 to index
        %parallel_loop3A_1702 = arith.constant 0 : index
        %parallel_loop3A_1703 = tpu.vector_load %arg7[%parallel_loop3A_1700, %parallel_loop3A_1701, %parallel_loop3A_1702] {strides = array<i32>} : memref<2x32x512xf32, #tpu.memory_space<vmem>>, vector<1x1x16xf32>,
        %parallel_loop3A_1704 = vector.shape_cast %parallel_loop3A_1703 : vector<1x1x16xf32> to vector<16xf32>
        %parallel_loop3A_1705 = vector.shape_cast %parallel_loop3A_1698 : vector<16xf32> to vector<1x1x16xf32>
        tpu.vector_store %arg7[%parallel_loop3A_1700, %parallel_loop3A_1701, %parallel_loop3A_1702], %parallel_loop3A_1705 {strides = array<i32>} : memref<2x32x512xf32, #tpu.memory_space<vmem>>, vector<1x1x16xf32>,
        %parallel_loop3A_1706 = arith.constant 0 : i32
        %parallel_loop3A_1707 = arith.addi %parallel_loop3A_1706, %parallel_loop3A_1681 : i32
        %parallel_loop3A_1708 = arith.constant 1 : i32
        %parallel_loop3A_1709 = arith.subi %parallel_loop3A_1707, %parallel_loop3A_1708 : i32
        %parallel_loop3A_1710 = arith.index_cast %parallel_loop3A_1709 : i32 to index
        %parallel_loop3A_1711 = arith.constant 256 : index
        %parallel_loop3A_1712 = tpu.vector_load %arg5[%parallel_loop3A_1710, %parallel_loop3A_1711] {strides = array<i32>} : memref<64x512xf32, #tpu.memory_space<vmem>>, vector<1x16xf32>,
        %parallel_loop3A_1713 = vector.shape_cast %parallel_loop3A_1712 : vector<1x16xf32> to vector<16xf32>
        %parallel_loop3A_1714 = arith.mulf %parallel_loop3A_1713, %parallel_loop3A_1691 : vector<16xf32>
        %parallel_loop3A_1715 = arith.constant 1 : i32
        %parallel_loop3A_1716 = arith.subi %parallel_loop3A_1681, %parallel_loop3A_1715 : i32
        %parallel_loop3A_1717 = arith.constant 0 : i32
        %parallel_loop3A_1718 = arith.index_cast %parallel_loop3A_1717 : i32 to index
        %parallel_loop3A_1719 = arith.index_cast %parallel_loop3A_1716 : i32 to index
        %parallel_loop3A_1720 = arith.constant 256 : index
        %parallel_loop3A_1721 = tpu.vector_load %arg7[%parallel_loop3A_1718, %parallel_loop3A_1719, %parallel_loop3A_1720] {strides = array<i32>} : memref<2x32x512xf32, #tpu.memory_space<vmem>>, vector<1x1x16xf32>,
        %parallel_loop3A_1722 = vector.shape_cast %parallel_loop3A_1721 : vector<1x1x16xf32> to vector<16xf32>
        %parallel_loop3A_1723 = vector.shape_cast %parallel_loop3A_1714 : vector<16xf32> to vector<1x1x16xf32>
        tpu.vector_store %arg7[%parallel_loop3A_1718, %parallel_loop3A_1719, %parallel_loop3A_1720], %parallel_loop3A_1723 {strides = array<i32>} : memref<2x32x512xf32, #tpu.memory_space<vmem>>, vector<1x1x16xf32>,
        %parallel_loop3A_1724 = arith.constant 256 : i32
        %parallel_loop3A_1725 = arith.muli %parallel_loop3A_1681, %parallel_loop3A_1724 : i32
        %parallel_loop3A_1726 = arith.addi %sub3A, %parallel_loop3A_1725 : i32
        %parallel_loop3A_1727 = arith.constant 16 : i32
        %parallel_loop3A_1728 = arith.addi %parallel_loop3A_1726, %parallel_loop3A_1727 : i32
        %parallel_loop3A_1729 = arith.constant 0 : i32
        %parallel_loop3A_1730 = arith.index_cast %parallel_loop3A_1729 : i32 to index
        %parallel_loop3A_1731 = arith.index_cast %parallel_loop3A_1728 : i32 to index
        %parallel_loop3A_1732 = tpu.vector_load %arg6[%parallel_loop3A_1730, %parallel_loop3A_1731] {strides = array<i32>} : memref<2x8448xf32, #tpu.memory_space<vmem>>, vector<1x16xf32>,
        %parallel_loop3A_1733 = vector.shape_cast %parallel_loop3A_1732 : vector<1x16xf32> to vector<16xf32>
        %parallel_loop3A_1734 = arith.constant 0 : i32
        %parallel_loop3A_1735 = arith.addi %parallel_loop3A_1734, %parallel_loop3A_1681 : i32
        %parallel_loop3A_1736 = arith.index_cast %parallel_loop3A_1735 : i32 to index
        %parallel_loop3A_1737 = arith.constant 16 : index
        %parallel_loop3A_1738 = tpu.vector_load %arg5[%parallel_loop3A_1736, %parallel_loop3A_1737] {strides = array<i32>} : memref<64x512xf32, #tpu.memory_space<vmem>>, vector<1x16xf32>,
        %parallel_loop3A_1739 = vector.shape_cast %parallel_loop3A_1738 : vector<1x16xf32> to vector<16xf32>
        %parallel_loop3A_1740 = arith.mulf %parallel_loop3A_1739, %parallel_loop3A_1733 : vector<16xf32>
        %parallel_loop3A_1741 = arith.constant 0 : i32
        %parallel_loop3A_1742 = arith.index_cast %parallel_loop3A_1741 : i32 to index
        %parallel_loop3A_1743 = arith.index_cast %parallel_loop3A_1681 : i32 to index
        %parallel_loop3A_1744 = arith.constant 16 : index
        %parallel_loop3A_1745 = tpu.vector_load %arg7[%parallel_loop3A_1742, %parallel_loop3A_1743, %parallel_loop3A_1744] {strides = array<i32>} : memref<2x32x512xf32, #tpu.memory_space<vmem>>, vector<1x1x16xf32>,
        %parallel_loop3A_1746 = vector.shape_cast %parallel_loop3A_1745 : vector<1x1x16xf32> to vector<16xf32>
        %parallel_loop3A_1747 = vector.shape_cast %parallel_loop3A_1740 : vector<16xf32> to vector<1x1x16xf32>
        tpu.vector_store %arg7[%parallel_loop3A_1742, %parallel_loop3A_1743, %parallel_loop3A_1744], %parallel_loop3A_1747 {strides = array<i32>} : memref<2x32x512xf32, #tpu.memory_space<vmem>>, vector<1x1x16xf32>,
        %parallel_loop3A_1748 = arith.constant 0 : i32
        %parallel_loop3A_1749 = arith.addi %parallel_loop3A_1748, %parallel_loop3A_1681 : i32
        %parallel_loop3A_1750 = arith.constant 1 : i32
        %parallel_loop3A_1751 = arith.subi %parallel_loop3A_1749, %parallel_loop3A_1750 : i32
        %parallel_loop3A_1752 = arith.index_cast %parallel_loop3A_1751 : i32 to index
        %parallel_loop3A_1753 = arith.constant 272 : index
        %parallel_loop3A_1754 = tpu.vector_load %arg5[%parallel_loop3A_1752, %parallel_loop3A_1753] {strides = array<i32>} : memref<64x512xf32, #tpu.memory_space<vmem>>, vector<1x16xf32>,
        %parallel_loop3A_1755 = vector.shape_cast %parallel_loop3A_1754 : vector<1x16xf32> to vector<16xf32>
        %parallel_loop3A_1756 = arith.mulf %parallel_loop3A_1755, %parallel_loop3A_1733 : vector<16xf32>
        %parallel_loop3A_1757 = arith.constant 1 : i32
        %parallel_loop3A_1758 = arith.subi %parallel_loop3A_1681, %parallel_loop3A_1757 : i32
        %parallel_loop3A_1759 = arith.constant 0 : i32
        %parallel_loop3A_1760 = arith.index_cast %parallel_loop3A_1759 : i32 to index
        %parallel_loop3A_1761 = arith.index_cast %parallel_loop3A_1758 : i32 to index
        %parallel_loop3A_1762 = arith.constant 272 : index
        %parallel_loop3A_1763 = tpu.vector_load %arg7[%parallel_loop3A_1760, %parallel_loop3A_1761, %parallel_loop3A_1762] {strides = array<i32>} : memref<2x32x512xf32, #tpu.memory_space<vmem>>, vector<1x1x16xf32>,
        %parallel_loop3A_1764 = vector.shape_cast %parallel_loop3A_1763 : vector<1x1x16xf32> to vector<16xf32>
        %parallel_loop3A_1765 = vector.shape_cast %parallel_loop3A_1756 : vector<16xf32> to vector<1x1x16xf32>
        tpu.vector_store %arg7[%parallel_loop3A_1760, %parallel_loop3A_1761, %parallel_loop3A_1762], %parallel_loop3A_1765 {strides = array<i32>} : memref<2x32x512xf32, #tpu.memory_space<vmem>>, vector<1x1x16xf32>,
        %parallel_loop3A_1766 = arith.constant 256 : i32
        %parallel_loop3A_1767 = arith.muli %parallel_loop3A_1681, %parallel_loop3A_1766 : i32
        %parallel_loop3A_1768 = arith.addi %sub3A, %parallel_loop3A_1767 : i32
        %parallel_loop3A_1769 = arith.constant 32 : i32
        %parallel_loop3A_1770 = arith.addi %parallel_loop3A_1768, %parallel_loop3A_1769 : i32
        %parallel_loop3A_1771 = arith.constant 0 : i32
        %parallel_loop3A_1772 = arith.index_cast %parallel_loop3A_1771 : i32 to index
        %parallel_loop3A_1773 = arith.index_cast %parallel_loop3A_1770 : i32 to index
        %parallel_loop3A_1774 = tpu.vector_load %arg6[%parallel_loop3A_1772, %parallel_loop3A_1773] {strides = array<i32>} : memref<2x8448xf32, #tpu.memory_space<vmem>>, vector<1x16xf32>,
        %parallel_loop3A_1775 = vector.shape_cast %parallel_loop3A_1774 : vector<1x16xf32> to vector<16xf32>
        %parallel_loop3A_1776 = arith.constant 0 : i32
        %parallel_loop3A_1777 = arith.addi %parallel_loop3A_1776, %parallel_loop3A_1681 : i32
        %parallel_loop3A_1778 = arith.index_cast %parallel_loop3A_1777 : i32 to index
        %parallel_loop3A_1779 = arith.constant 32 : index
        %parallel_loop3A_1780 = tpu.vector_load %arg5[%parallel_loop3A_1778, %parallel_loop3A_1779] {strides = array<i32>} : memref<64x512xf32, #tpu.memory_space<vmem>>, vector<1x16xf32>,
        %parallel_loop3A_1781 = vector.shape_cast %parallel_loop3A_1780 : vector<1x16xf32> to vector<16xf32>
        %parallel_loop3A_1782 = arith.mulf %parallel_loop3A_1781, %parallel_loop3A_1775 : vector<16xf32>
        %parallel_loop3A_1783 = arith.constant 0 : i32
        %parallel_loop3A_1784 = arith.index_cast %parallel_loop3A_1783 : i32 to index
        %parallel_loop3A_1785 = arith.index_cast %parallel_loop3A_1681 : i32 to index
        %parallel_loop3A_1786 = arith.constant 32 : index
        %parallel_loop3A_1787 = tpu.vector_load %arg7[%parallel_loop3A_1784, %parallel_loop3A_1785, %parallel_loop3A_1786] {strides = array<i32>} : memref<2x32x512xf32, #tpu.memory_space<vmem>>, vector<1x1x16xf32>,
        %parallel_loop3A_1788 = vector.shape_cast %parallel_loop3A_1787 : vector<1x1x16xf32> to vector<16xf32>
        %parallel_loop3A_1789 = vector.shape_cast %parallel_loop3A_1782 : vector<16xf32> to vector<1x1x16xf32>
        tpu.vector_store %arg7[%parallel_loop3A_1784, %parallel_loop3A_1785, %parallel_loop3A_1786], %parallel_loop3A_1789 {strides = array<i32>} : memref<2x32x512xf32, #tpu.memory_space<vmem>>, vector<1x1x16xf32>,
        %parallel_loop3A_1790 = arith.constant 0 : i32
        %parallel_loop3A_1791 = arith.addi %parallel_loop3A_1790, %parallel_loop3A_1681 : i32
        %parallel_loop3A_1792 = arith.constant 1 : i32
        %parallel_loop3A_1793 = arith.subi %parallel_loop3A_1791, %parallel_loop3A_1792 : i32
        %parallel_loop3A_1794 = arith.index_cast %parallel_loop3A_1793 : i32 to index
        %parallel_loop3A_1795 = arith.constant 288 : index
        %parallel_loop3A_1796 = tpu.vector_load %arg5[%parallel_loop3A_1794, %parallel_loop3A_1795] {strides = array<i32>} : memref<64x512xf32, #tpu.memory_space<vmem>>, vector<1x16xf32>,
        %parallel_loop3A_1797 = vector.shape_cast %parallel_loop3A_1796 : vector<1x16xf32> to vector<16xf32>
        %parallel_loop3A_1798 = arith.mulf %parallel_loop3A_1797, %parallel_loop3A_1775 : vector<16xf32>
        %parallel_loop3A_1799 = arith.constant 1 : i32
        %parallel_loop3A_1800 = arith.subi %parallel_loop3A_1681, %parallel_loop3A_1799 : i32
        %parallel_loop3A_1801 = arith.constant 0 : i32
        %parallel_loop3A_1802 = arith.index_cast %parallel_loop3A_1801 : i32 to index
        %parallel_loop3A_1803 = arith.index_cast %parallel_loop3A_1800 : i32 to index
        %parallel_loop3A_1804 = arith.constant 288 : index
        %parallel_loop3A_1805 = tpu.vector_load %arg7[%parallel_loop3A_1802, %parallel_loop3A_1803, %parallel_loop3A_1804] {strides = array<i32>} : memref<2x32x512xf32, #tpu.memory_space<vmem>>, vector<1x1x16xf32>,
        %parallel_loop3A_1806 = vector.shape_cast %parallel_loop3A_1805 : vector<1x1x16xf32> to vector<16xf32>
        %parallel_loop3A_1807 = vector.shape_cast %parallel_loop3A_1798 : vector<16xf32> to vector<1x1x16xf32>
        tpu.vector_store %arg7[%parallel_loop3A_1802, %parallel_loop3A_1803, %parallel_loop3A_1804], %parallel_loop3A_1807 {strides = array<i32>} : memref<2x32x512xf32, #tpu.memory_space<vmem>>, vector<1x1x16xf32>,
        %parallel_loop3A_1808 = arith.constant 256 : i32
        %parallel_loop3A_1809 = arith.muli %parallel_loop3A_1681, %parallel_loop3A_1808 : i32
        %parallel_loop3A_1810 = arith.addi %sub3A, %parallel_loop3A_1809 : i32
        %parallel_loop3A_1811 = arith.constant 48 : i32
        %parallel_loop3A_1812 = arith.addi %parallel_loop3A_1810, %parallel_loop3A_1811 : i32
        %parallel_loop3A_1813 = arith.constant 0 : i32
        %parallel_loop3A_1814 = arith.index_cast %parallel_loop3A_1813 : i32 to index
        %parallel_loop3A_1815 = arith.index_cast %parallel_loop3A_1812 : i32 to index
        %parallel_loop3A_1816 = tpu.vector_load %arg6[%parallel_loop3A_1814, %parallel_loop3A_1815] {strides = array<i32>} : memref<2x8448xf32, #tpu.memory_space<vmem>>, vector<1x16xf32>,
        %parallel_loop3A_1817 = vector.shape_cast %parallel_loop3A_1816 : vector<1x16xf32> to vector<16xf32>
        %parallel_loop3A_1818 = arith.constant 0 : i32
        %parallel_loop3A_1819 = arith.addi %parallel_loop3A_1818, %parallel_loop3A_1681 : i32
        %parallel_loop3A_1820 = arith.index_cast %parallel_loop3A_1819 : i32 to index
        %parallel_loop3A_1821 = arith.constant 48 : index
        %parallel_loop3A_1822 = tpu.vector_load %arg5[%parallel_loop3A_1820, %parallel_loop3A_1821] {strides = array<i32>} : memref<64x512xf32, #tpu.memory_space<vmem>>, vector<1x16xf32>,
        %parallel_loop3A_1823 = vector.shape_cast %parallel_loop3A_1822 : vector<1x16xf32> to vector<16xf32>
        %parallel_loop3A_1824 = arith.mulf %parallel_loop3A_1823, %parallel_loop3A_1817 : vector<16xf32>
        %parallel_loop3A_1825 = arith.constant 0 : i32
        %parallel_loop3A_1826 = arith.index_cast %parallel_loop3A_1825 : i32 to index
        %parallel_loop3A_1827 = arith.index_cast %parallel_loop3A_1681 : i32 to index
        %parallel_loop3A_1828 = arith.constant 48 : index
        %parallel_loop3A_1829 = tpu.vector_load %arg7[%parallel_loop3A_1826, %parallel_loop3A_1827, %parallel_loop3A_1828] {strides = array<i32>} : memref<2x32x512xf32, #tpu.memory_space<vmem>>, vector<1x1x16xf32>,
        %parallel_loop3A_1830 = vector.shape_cast %parallel_loop3A_1829 : vector<1x1x16xf32> to vector<16xf32>
        %parallel_loop3A_1831 = vector.shape_cast %parallel_loop3A_1824 : vector<16xf32> to vector<1x1x16xf32>
        tpu.vector_store %arg7[%parallel_loop3A_1826, %parallel_loop3A_1827, %parallel_loop3A_1828], %parallel_loop3A_1831 {strides = array<i32>} : memref<2x32x512xf32, #tpu.memory_space<vmem>>, vector<1x1x16xf32>,
        %parallel_loop3A_1832 = arith.constant 0 : i32
        %parallel_loop3A_1833 = arith.addi %parallel_loop3A_1832, %parallel_loop3A_1681 : i32
        %parallel_loop3A_1834 = arith.constant 1 : i32
        %parallel_loop3A_1835 = arith.subi %parallel_loop3A_1833, %parallel_loop3A_1834 : i32
        %parallel_loop3A_1836 = arith.index_cast %parallel_loop3A_1835 : i32 to index
        %parallel_loop3A_1837 = arith.constant 304 : index
        %parallel_loop3A_1838 = tpu.vector_load %arg5[%parallel_loop3A_1836, %parallel_loop3A_1837] {strides = array<i32>} : memref<64x512xf32, #tpu.memory_space<vmem>>, vector<1x16xf32>,
        %parallel_loop3A_1839 = vector.shape_cast %parallel_loop3A_1838 : vector<1x16xf32> to vector<16xf32>
        %parallel_loop3A_1840 = arith.mulf %parallel_loop3A_1839, %parallel_loop3A_1817 : vector<16xf32>
        %parallel_loop3A_1841 = arith.constant 1 : i32
        %parallel_loop3A_1842 = arith.subi %parallel_loop3A_1681, %parallel_loop3A_1841 : i32
        %parallel_loop3A_1843 = arith.constant 0 : i32
        %parallel_loop3A_1844 = arith.index_cast %parallel_loop3A_1843 : i32 to index
        %parallel_loop3A_1845 = arith.index_cast %parallel_loop3A_1842 : i32 to index
        %parallel_loop3A_1846 = arith.constant 304 : index
        %parallel_loop3A_1847 = tpu.vector_load %arg7[%parallel_loop3A_1844, %parallel_loop3A_1845, %parallel_loop3A_1846] {strides = array<i32>} : memref<2x32x512xf32, #tpu.memory_space<vmem>>, vector<1x1x16xf32>,
        %parallel_loop3A_1848 = vector.shape_cast %parallel_loop3A_1847 : vector<1x1x16xf32> to vector<16xf32>
        %parallel_loop3A_1849 = vector.shape_cast %parallel_loop3A_1840 : vector<16xf32> to vector<1x1x16xf32>
        tpu.vector_store %arg7[%parallel_loop3A_1844, %parallel_loop3A_1845, %parallel_loop3A_1846], %parallel_loop3A_1849 {strides = array<i32>} : memref<2x32x512xf32, #tpu.memory_space<vmem>>, vector<1x1x16xf32>,
        %parallel_loop3A_1850 = arith.constant 256 : i32
        %parallel_loop3A_1851 = arith.muli %parallel_loop3A_1681, %parallel_loop3A_1850 : i32
        %parallel_loop3A_1852 = arith.addi %sub3A, %parallel_loop3A_1851 : i32
        %parallel_loop3A_1853 = arith.constant 64 : i32
        %parallel_loop3A_1854 = arith.addi %parallel_loop3A_1852, %parallel_loop3A_1853 : i32
        %parallel_loop3A_1855 = arith.constant 0 : i32
        %parallel_loop3A_1856 = arith.index_cast %parallel_loop3A_1855 : i32 to index
        %parallel_loop3A_1857 = arith.index_cast %parallel_loop3A_1854 : i32 to index
        %parallel_loop3A_1858 = tpu.vector_load %arg6[%parallel_loop3A_1856, %parallel_loop3A_1857] {strides = array<i32>} : memref<2x8448xf32, #tpu.memory_space<vmem>>, vector<1x16xf32>,
        %parallel_loop3A_1859 = vector.shape_cast %parallel_loop3A_1858 : vector<1x16xf32> to vector<16xf32>
        %parallel_loop3A_1860 = arith.constant 0 : i32
        %parallel_loop3A_1861 = arith.addi %parallel_loop3A_1860, %parallel_loop3A_1681 : i32
        %parallel_loop3A_1862 = arith.index_cast %parallel_loop3A_1861 : i32 to index
        %parallel_loop3A_1863 = arith.constant 64 : index
        %parallel_loop3A_1864 = tpu.vector_load %arg5[%parallel_loop3A_1862, %parallel_loop3A_1863] {strides = array<i32>} : memref<64x512xf32, #tpu.memory_space<vmem>>, vector<1x16xf32>,
        %parallel_loop3A_1865 = vector.shape_cast %parallel_loop3A_1864 : vector<1x16xf32> to vector<16xf32>
        %parallel_loop3A_1866 = arith.mulf %parallel_loop3A_1865, %parallel_loop3A_1859 : vector<16xf32>
        %parallel_loop3A_1867 = arith.constant 0 : i32
        %parallel_loop3A_1868 = arith.index_cast %parallel_loop3A_1867 : i32 to index
        %parallel_loop3A_1869 = arith.index_cast %parallel_loop3A_1681 : i32 to index
        %parallel_loop3A_1870 = arith.constant 64 : index
        %parallel_loop3A_1871 = tpu.vector_load %arg7[%parallel_loop3A_1868, %parallel_loop3A_1869, %parallel_loop3A_1870] {strides = array<i32>} : memref<2x32x512xf32, #tpu.memory_space<vmem>>, vector<1x1x16xf32>,
        %parallel_loop3A_1872 = vector.shape_cast %parallel_loop3A_1871 : vector<1x1x16xf32> to vector<16xf32>
        %parallel_loop3A_1873 = vector.shape_cast %parallel_loop3A_1866 : vector<16xf32> to vector<1x1x16xf32>
        tpu.vector_store %arg7[%parallel_loop3A_1868, %parallel_loop3A_1869, %parallel_loop3A_1870], %parallel_loop3A_1873 {strides = array<i32>} : memref<2x32x512xf32, #tpu.memory_space<vmem>>, vector<1x1x16xf32>,
        %parallel_loop3A_1874 = arith.constant 0 : i32
        %parallel_loop3A_1875 = arith.addi %parallel_loop3A_1874, %parallel_loop3A_1681 : i32
        %parallel_loop3A_1876 = arith.constant 1 : i32
        %parallel_loop3A_1877 = arith.subi %parallel_loop3A_1875, %parallel_loop3A_1876 : i32
        %parallel_loop3A_1878 = arith.index_cast %parallel_loop3A_1877 : i32 to index
        %parallel_loop3A_1879 = arith.constant 320 : index
        %parallel_loop3A_1880 = tpu.vector_load %arg5[%parallel_loop3A_1878, %parallel_loop3A_1879] {strides = array<i32>} : memref<64x512xf32, #tpu.memory_space<vmem>>, vector<1x16xf32>,
        %parallel_loop3A_1881 = vector.shape_cast %parallel_loop3A_1880 : vector<1x16xf32> to vector<16xf32>
        %parallel_loop3A_1882 = arith.mulf %parallel_loop3A_1881, %parallel_loop3A_1859 : vector<16xf32>
        %parallel_loop3A_1883 = arith.constant 1 : i32
        %parallel_loop3A_1884 = arith.subi %parallel_loop3A_1681, %parallel_loop3A_1883 : i32
        %parallel_loop3A_1885 = arith.constant 0 : i32
        %parallel_loop3A_1886 = arith.index_cast %parallel_loop3A_1885 : i32 to index
        %parallel_loop3A_1887 = arith.index_cast %parallel_loop3A_1884 : i32 to index
        %parallel_loop3A_1888 = arith.constant 320 : index
        %parallel_loop3A_1889 = tpu.vector_load %arg7[%parallel_loop3A_1886, %parallel_loop3A_1887, %parallel_loop3A_1888] {strides = array<i32>} : memref<2x32x512xf32, #tpu.memory_space<vmem>>, vector<1x1x16xf32>,
        %parallel_loop3A_1890 = vector.shape_cast %parallel_loop3A_1889 : vector<1x1x16xf32> to vector<16xf32>
        %parallel_loop3A_1891 = vector.shape_cast %parallel_loop3A_1882 : vector<16xf32> to vector<1x1x16xf32>
        tpu.vector_store %arg7[%parallel_loop3A_1886, %parallel_loop3A_1887, %parallel_loop3A_1888], %parallel_loop3A_1891 {strides = array<i32>} : memref<2x32x512xf32, #tpu.memory_space<vmem>>, vector<1x1x16xf32>,
        %parallel_loop3A_1892 = arith.constant 256 : i32
        %parallel_loop3A_1893 = arith.muli %parallel_loop3A_1681, %parallel_loop3A_1892 : i32
        %parallel_loop3A_1894 = arith.addi %sub3A, %parallel_loop3A_1893 : i32
        %parallel_loop3A_1895 = arith.constant 80 : i32
        %parallel_loop3A_1896 = arith.addi %parallel_loop3A_1894, %parallel_loop3A_1895 : i32
        %parallel_loop3A_1897 = arith.constant 0 : i32
        %parallel_loop3A_1898 = arith.index_cast %parallel_loop3A_1897 : i32 to index
        %parallel_loop3A_1899 = arith.index_cast %parallel_loop3A_1896 : i32 to index
        %parallel_loop3A_1900 = tpu.vector_load %arg6[%parallel_loop3A_1898, %parallel_loop3A_1899] {strides = array<i32>} : memref<2x8448xf32, #tpu.memory_space<vmem>>, vector<1x16xf32>,
        %parallel_loop3A_1901 = vector.shape_cast %parallel_loop3A_1900 : vector<1x16xf32> to vector<16xf32>
        %parallel_loop3A_1902 = arith.constant 0 : i32
        %parallel_loop3A_1903 = arith.addi %parallel_loop3A_1902, %parallel_loop3A_1681 : i32
        %parallel_loop3A_1904 = arith.index_cast %parallel_loop3A_1903 : i32 to index
        %parallel_loop3A_1905 = arith.constant 80 : index
        %parallel_loop3A_1906 = tpu.vector_load %arg5[%parallel_loop3A_1904, %parallel_loop3A_1905] {strides = array<i32>} : memref<64x512xf32, #tpu.memory_space<vmem>>, vector<1x16xf32>,
        %parallel_loop3A_1907 = vector.shape_cast %parallel_loop3A_1906 : vector<1x16xf32> to vector<16xf32>
        %parallel_loop3A_1908 = arith.mulf %parallel_loop3A_1907, %parallel_loop3A_1901 : vector<16xf32>
        %parallel_loop3A_1909 = arith.constant 0 : i32
        %parallel_loop3A_1910 = arith.index_cast %parallel_loop3A_1909 : i32 to index
        %parallel_loop3A_1911 = arith.index_cast %parallel_loop3A_1681 : i32 to index
        %parallel_loop3A_1912 = arith.constant 80 : index
        %parallel_loop3A_1913 = tpu.vector_load %arg7[%parallel_loop3A_1910, %parallel_loop3A_1911, %parallel_loop3A_1912] {strides = array<i32>} : memref<2x32x512xf32, #tpu.memory_space<vmem>>, vector<1x1x16xf32>,
        %parallel_loop3A_1914 = vector.shape_cast %parallel_loop3A_1913 : vector<1x1x16xf32> to vector<16xf32>
        %parallel_loop3A_1915 = vector.shape_cast %parallel_loop3A_1908 : vector<16xf32> to vector<1x1x16xf32>
        tpu.vector_store %arg7[%parallel_loop3A_1910, %parallel_loop3A_1911, %parallel_loop3A_1912], %parallel_loop3A_1915 {strides = array<i32>} : memref<2x32x512xf32, #tpu.memory_space<vmem>>, vector<1x1x16xf32>,
        %parallel_loop3A_1916 = arith.constant 0 : i32
        %parallel_loop3A_1917 = arith.addi %parallel_loop3A_1916, %parallel_loop3A_1681 : i32
        %parallel_loop3A_1918 = arith.constant 1 : i32
        %parallel_loop3A_1919 = arith.subi %parallel_loop3A_1917, %parallel_loop3A_1918 : i32
        %parallel_loop3A_1920 = arith.index_cast %parallel_loop3A_1919 : i32 to index
        %parallel_loop3A_1921 = arith.constant 336 : index
        %parallel_loop3A_1922 = tpu.vector_load %arg5[%parallel_loop3A_1920, %parallel_loop3A_1921] {strides = array<i32>} : memref<64x512xf32, #tpu.memory_space<vmem>>, vector<1x16xf32>,
        %parallel_loop3A_1923 = vector.shape_cast %parallel_loop3A_1922 : vector<1x16xf32> to vector<16xf32>
        %parallel_loop3A_1924 = arith.mulf %parallel_loop3A_1923, %parallel_loop3A_1901 : vector<16xf32>
        %parallel_loop3A_1925 = arith.constant 1 : i32
        %parallel_loop3A_1926 = arith.subi %parallel_loop3A_1681, %parallel_loop3A_1925 : i32
        %parallel_loop3A_1927 = arith.constant 0 : i32
        %parallel_loop3A_1928 = arith.index_cast %parallel_loop3A_1927 : i32 to index
        %parallel_loop3A_1929 = arith.index_cast %parallel_loop3A_1926 : i32 to index
        %parallel_loop3A_1930 = arith.constant 336 : index
        %parallel_loop3A_1931 = tpu.vector_load %arg7[%parallel_loop3A_1928, %parallel_loop3A_1929, %parallel_loop3A_1930] {strides = array<i32>} : memref<2x32x512xf32, #tpu.memory_space<vmem>>, vector<1x1x16xf32>,
        %parallel_loop3A_1932 = vector.shape_cast %parallel_loop3A_1931 : vector<1x1x16xf32> to vector<16xf32>
        %parallel_loop3A_1933 = vector.shape_cast %parallel_loop3A_1924 : vector<16xf32> to vector<1x1x16xf32>
        tpu.vector_store %arg7[%parallel_loop3A_1928, %parallel_loop3A_1929, %parallel_loop3A_1930], %parallel_loop3A_1933 {strides = array<i32>} : memref<2x32x512xf32, #tpu.memory_space<vmem>>, vector<1x1x16xf32>,
        %parallel_loop3A_1934 = arith.constant 256 : i32
        %parallel_loop3A_1935 = arith.muli %parallel_loop3A_1681, %parallel_loop3A_1934 : i32
        %parallel_loop3A_1936 = arith.addi %sub3A, %parallel_loop3A_1935 : i32
        %parallel_loop3A_1937 = arith.constant 96 : i32
        %parallel_loop3A_1938 = arith.addi %parallel_loop3A_1936, %parallel_loop3A_1937 : i32
        %parallel_loop3A_1939 = arith.constant 0 : i32
        %parallel_loop3A_1940 = arith.index_cast %parallel_loop3A_1939 : i32 to index
        %parallel_loop3A_1941 = arith.index_cast %parallel_loop3A_1938 : i32 to index
        %parallel_loop3A_1942 = tpu.vector_load %arg6[%parallel_loop3A_1940, %parallel_loop3A_1941] {strides = array<i32>} : memref<2x8448xf32, #tpu.memory_space<vmem>>, vector<1x16xf32>,
        %parallel_loop3A_1943 = vector.shape_cast %parallel_loop3A_1942 : vector<1x16xf32> to vector<16xf32>
        %parallel_loop3A_1944 = arith.constant 0 : i32
        %parallel_loop3A_1945 = arith.addi %parallel_loop3A_1944, %parallel_loop3A_1681 : i32
        %parallel_loop3A_1946 = arith.index_cast %parallel_loop3A_1945 : i32 to index
        %parallel_loop3A_1947 = arith.constant 96 : index
        %parallel_loop3A_1948 = tpu.vector_load %arg5[%parallel_loop3A_1946, %parallel_loop3A_1947] {strides = array<i32>} : memref<64x512xf32, #tpu.memory_space<vmem>>, vector<1x16xf32>,
        %parallel_loop3A_1949 = vector.shape_cast %parallel_loop3A_1948 : vector<1x16xf32> to vector<16xf32>
        %parallel_loop3A_1950 = arith.mulf %parallel_loop3A_1949, %parallel_loop3A_1943 : vector<16xf32>
        %parallel_loop3A_1951 = arith.constant 0 : i32
        %parallel_loop3A_1952 = arith.index_cast %parallel_loop3A_1951 : i32 to index
        %parallel_loop3A_1953 = arith.index_cast %parallel_loop3A_1681 : i32 to index
        %parallel_loop3A_1954 = arith.constant 96 : index
        %parallel_loop3A_1955 = tpu.vector_load %arg7[%parallel_loop3A_1952, %parallel_loop3A_1953, %parallel_loop3A_1954] {strides = array<i32>} : memref<2x32x512xf32, #tpu.memory_space<vmem>>, vector<1x1x16xf32>,
        %parallel_loop3A_1956 = vector.shape_cast %parallel_loop3A_1955 : vector<1x1x16xf32> to vector<16xf32>
        %parallel_loop3A_1957 = vector.shape_cast %parallel_loop3A_1950 : vector<16xf32> to vector<1x1x16xf32>
        tpu.vector_store %arg7[%parallel_loop3A_1952, %parallel_loop3A_1953, %parallel_loop3A_1954], %parallel_loop3A_1957 {strides = array<i32>} : memref<2x32x512xf32, #tpu.memory_space<vmem>>, vector<1x1x16xf32>,
        %parallel_loop3A_1958 = arith.constant 0 : i32
        %parallel_loop3A_1959 = arith.addi %parallel_loop3A_1958, %parallel_loop3A_1681 : i32
        %parallel_loop3A_1960 = arith.constant 1 : i32
        %parallel_loop3A_1961 = arith.subi %parallel_loop3A_1959, %parallel_loop3A_1960 : i32
        %parallel_loop3A_1962 = arith.index_cast %parallel_loop3A_1961 : i32 to index
        %parallel_loop3A_1963 = arith.constant 352 : index
        %parallel_loop3A_1964 = tpu.vector_load %arg5[%parallel_loop3A_1962, %parallel_loop3A_1963] {strides = array<i32>} : memref<64x512xf32, #tpu.memory_space<vmem>>, vector<1x16xf32>,
        %parallel_loop3A_1965 = vector.shape_cast %parallel_loop3A_1964 : vector<1x16xf32> to vector<16xf32>
        %parallel_loop3A_1966 = arith.mulf %parallel_loop3A_1965, %parallel_loop3A_1943 : vector<16xf32>
        %parallel_loop3A_1967 = arith.constant 1 : i32
        %parallel_loop3A_1968 = arith.subi %parallel_loop3A_1681, %parallel_loop3A_1967 : i32
        %parallel_loop3A_1969 = arith.constant 0 : i32
        %parallel_loop3A_1970 = arith.index_cast %parallel_loop3A_1969 : i32 to index
        %parallel_loop3A_1971 = arith.index_cast %parallel_loop3A_1968 : i32 to index
        %parallel_loop3A_1972 = arith.constant 352 : index
        %parallel_loop3A_1973 = tpu.vector_load %arg7[%parallel_loop3A_1970, %parallel_loop3A_1971, %parallel_loop3A_1972] {strides = array<i32>} : memref<2x32x512xf32, #tpu.memory_space<vmem>>, vector<1x1x16xf32>,
        %parallel_loop3A_1974 = vector.shape_cast %parallel_loop3A_1973 : vector<1x1x16xf32> to vector<16xf32>
        %parallel_loop3A_1975 = vector.shape_cast %parallel_loop3A_1966 : vector<16xf32> to vector<1x1x16xf32>
        tpu.vector_store %arg7[%parallel_loop3A_1970, %parallel_loop3A_1971, %parallel_loop3A_1972], %parallel_loop3A_1975 {strides = array<i32>} : memref<2x32x512xf32, #tpu.memory_space<vmem>>, vector<1x1x16xf32>,
        %parallel_loop3A_1976 = arith.constant 256 : i32
        %parallel_loop3A_1977 = arith.muli %parallel_loop3A_1681, %parallel_loop3A_1976 : i32
        %parallel_loop3A_1978 = arith.addi %sub3A, %parallel_loop3A_1977 : i32
        %parallel_loop3A_1979 = arith.constant 112 : i32
        %parallel_loop3A_1980 = arith.addi %parallel_loop3A_1978, %parallel_loop3A_1979 : i32
        %parallel_loop3A_1981 = arith.constant 0 : i32
        %parallel_loop3A_1982 = arith.index_cast %parallel_loop3A_1981 : i32 to index
        %parallel_loop3A_1983 = arith.index_cast %parallel_loop3A_1980 : i32 to index
        %parallel_loop3A_1984 = tpu.vector_load %arg6[%parallel_loop3A_1982, %parallel_loop3A_1983] {strides = array<i32>} : memref<2x8448xf32, #tpu.memory_space<vmem>>, vector<1x16xf32>,
        %parallel_loop3A_1985 = vector.shape_cast %parallel_loop3A_1984 : vector<1x16xf32> to vector<16xf32>
        %parallel_loop3A_1986 = arith.constant 0 : i32
        %parallel_loop3A_1987 = arith.addi %parallel_loop3A_1986, %parallel_loop3A_1681 : i32
        %parallel_loop3A_1988 = arith.index_cast %parallel_loop3A_1987 : i32 to index
        %parallel_loop3A_1989 = arith.constant 112 : index
        %parallel_loop3A_1990 = tpu.vector_load %arg5[%parallel_loop3A_1988, %parallel_loop3A_1989] {strides = array<i32>} : memref<64x512xf32, #tpu.memory_space<vmem>>, vector<1x16xf32>,
        %parallel_loop3A_1991 = vector.shape_cast %parallel_loop3A_1990 : vector<1x16xf32> to vector<16xf32>
        %parallel_loop3A_1992 = arith.mulf %parallel_loop3A_1991, %parallel_loop3A_1985 : vector<16xf32>
        %parallel_loop3A_1993 = arith.constant 0 : i32
        %parallel_loop3A_1994 = arith.index_cast %parallel_loop3A_1993 : i32 to index
        %parallel_loop3A_1995 = arith.index_cast %parallel_loop3A_1681 : i32 to index
        %parallel_loop3A_1996 = arith.constant 112 : index
        %parallel_loop3A_1997 = tpu.vector_load %arg7[%parallel_loop3A_1994, %parallel_loop3A_1995, %parallel_loop3A_1996] {strides = array<i32>} : memref<2x32x512xf32, #tpu.memory_space<vmem>>, vector<1x1x16xf32>,
        %parallel_loop3A_1998 = vector.shape_cast %parallel_loop3A_1997 : vector<1x1x16xf32> to vector<16xf32>
        %parallel_loop3A_1999 = vector.shape_cast %parallel_loop3A_1992 : vector<16xf32> to vector<1x1x16xf32>
        tpu.vector_store %arg7[%parallel_loop3A_1994, %parallel_loop3A_1995, %parallel_loop3A_1996], %parallel_loop3A_1999 {strides = array<i32>} : memref<2x32x512xf32, #tpu.memory_space<vmem>>, vector<1x1x16xf32>,
        %parallel_loop3A_2000 = arith.constant 0 : i32
        %parallel_loop3A_2001 = arith.addi %parallel_loop3A_2000, %parallel_loop3A_1681 : i32
        %parallel_loop3A_2002 = arith.constant 1 : i32
        %parallel_loop3A_2003 = arith.subi %parallel_loop3A_2001, %parallel_loop3A_2002 : i32
        %parallel_loop3A_2004 = arith.index_cast %parallel_loop3A_2003 : i32 to index
        %parallel_loop3A_2005 = arith.constant 368 : index
        %parallel_loop3A_2006 = tpu.vector_load %arg5[%parallel_loop3A_2004, %parallel_loop3A_2005] {strides = array<i32>} : memref<64x512xf32, #tpu.memory_space<vmem>>, vector<1x16xf32>,
        %parallel_loop3A_2007 = vector.shape_cast %parallel_loop3A_2006 : vector<1x16xf32> to vector<16xf32>
        %parallel_loop3A_2008 = arith.mulf %parallel_loop3A_2007, %parallel_loop3A_1985 : vector<16xf32>
        %parallel_loop3A_2009 = arith.constant 1 : i32
        %parallel_loop3A_2010 = arith.subi %parallel_loop3A_1681, %parallel_loop3A_2009 : i32
        %parallel_loop3A_2011 = arith.constant 0 : i32
        %parallel_loop3A_2012 = arith.index_cast %parallel_loop3A_2011 : i32 to index
        %parallel_loop3A_2013 = arith.index_cast %parallel_loop3A_2010 : i32 to index
        %parallel_loop3A_2014 = arith.constant 368 : index
        %parallel_loop3A_2015 = tpu.vector_load %arg7[%parallel_loop3A_2012, %parallel_loop3A_2013, %parallel_loop3A_2014] {strides = array<i32>} : memref<2x32x512xf32, #tpu.memory_space<vmem>>, vector<1x1x16xf32>,
        %parallel_loop3A_2016 = vector.shape_cast %parallel_loop3A_2015 : vector<1x1x16xf32> to vector<16xf32>
        %parallel_loop3A_2017 = vector.shape_cast %parallel_loop3A_2008 : vector<16xf32> to vector<1x1x16xf32>
        tpu.vector_store %arg7[%parallel_loop3A_2012, %parallel_loop3A_2013, %parallel_loop3A_2014], %parallel_loop3A_2017 {strides = array<i32>} : memref<2x32x512xf32, #tpu.memory_space<vmem>>, vector<1x1x16xf32>,
        %parallel_loop3A_2018 = arith.constant 256 : i32
        %parallel_loop3A_2019 = arith.muli %parallel_loop3A_1681, %parallel_loop3A_2018 : i32
        %parallel_loop3A_2020 = arith.addi %sub3A, %parallel_loop3A_2019 : i32
        %parallel_loop3A_2021 = arith.constant 128 : i32
        %parallel_loop3A_2022 = arith.addi %parallel_loop3A_2020, %parallel_loop3A_2021 : i32
        %parallel_loop3A_2023 = arith.constant 0 : i32
        %parallel_loop3A_2024 = arith.index_cast %parallel_loop3A_2023 : i32 to index
        %parallel_loop3A_2025 = arith.index_cast %parallel_loop3A_2022 : i32 to index
        %parallel_loop3A_2026 = tpu.vector_load %arg6[%parallel_loop3A_2024, %parallel_loop3A_2025] {strides = array<i32>} : memref<2x8448xf32, #tpu.memory_space<vmem>>, vector<1x16xf32>,
        %parallel_loop3A_2027 = vector.shape_cast %parallel_loop3A_2026 : vector<1x16xf32> to vector<16xf32>
        %parallel_loop3A_2028 = arith.constant 0 : i32
        %parallel_loop3A_2029 = arith.addi %parallel_loop3A_2028, %parallel_loop3A_1681 : i32
        %parallel_loop3A_2030 = arith.index_cast %parallel_loop3A_2029 : i32 to index
        %parallel_loop3A_2031 = arith.constant 128 : index
        %parallel_loop3A_2032 = tpu.vector_load %arg5[%parallel_loop3A_2030, %parallel_loop3A_2031] {strides = array<i32>} : memref<64x512xf32, #tpu.memory_space<vmem>>, vector<1x16xf32>,
        %parallel_loop3A_2033 = vector.shape_cast %parallel_loop3A_2032 : vector<1x16xf32> to vector<16xf32>
        %parallel_loop3A_2034 = arith.mulf %parallel_loop3A_2033, %parallel_loop3A_2027 : vector<16xf32>
        %parallel_loop3A_2035 = arith.constant 0 : i32
        %parallel_loop3A_2036 = arith.index_cast %parallel_loop3A_2035 : i32 to index
        %parallel_loop3A_2037 = arith.index_cast %parallel_loop3A_1681 : i32 to index
        %parallel_loop3A_2038 = arith.constant 128 : index
        %parallel_loop3A_2039 = tpu.vector_load %arg7[%parallel_loop3A_2036, %parallel_loop3A_2037, %parallel_loop3A_2038] {strides = array<i32>} : memref<2x32x512xf32, #tpu.memory_space<vmem>>, vector<1x1x16xf32>,
        %parallel_loop3A_2040 = vector.shape_cast %parallel_loop3A_2039 : vector<1x1x16xf32> to vector<16xf32>
        %parallel_loop3A_2041 = vector.shape_cast %parallel_loop3A_2034 : vector<16xf32> to vector<1x1x16xf32>
        tpu.vector_store %arg7[%parallel_loop3A_2036, %parallel_loop3A_2037, %parallel_loop3A_2038], %parallel_loop3A_2041 {strides = array<i32>} : memref<2x32x512xf32, #tpu.memory_space<vmem>>, vector<1x1x16xf32>,
        %parallel_loop3A_2042 = arith.constant 0 : i32
        %parallel_loop3A_2043 = arith.addi %parallel_loop3A_2042, %parallel_loop3A_1681 : i32
        %parallel_loop3A_2044 = arith.constant 1 : i32
        %parallel_loop3A_2045 = arith.subi %parallel_loop3A_2043, %parallel_loop3A_2044 : i32
        %parallel_loop3A_2046 = arith.index_cast %parallel_loop3A_2045 : i32 to index
        %parallel_loop3A_2047 = arith.constant 384 : index
        %parallel_loop3A_2048 = tpu.vector_load %arg5[%parallel_loop3A_2046, %parallel_loop3A_2047] {strides = array<i32>} : memref<64x512xf32, #tpu.memory_space<vmem>>, vector<1x16xf32>,
        %parallel_loop3A_2049 = vector.shape_cast %parallel_loop3A_2048 : vector<1x16xf32> to vector<16xf32>
        %parallel_loop3A_2050 = arith.mulf %parallel_loop3A_2049, %parallel_loop3A_2027 : vector<16xf32>
        %parallel_loop3A_2051 = arith.constant 1 : i32
        %parallel_loop3A_2052 = arith.subi %parallel_loop3A_1681, %parallel_loop3A_2051 : i32
        %parallel_loop3A_2053 = arith.constant 0 : i32
        %parallel_loop3A_2054 = arith.index_cast %parallel_loop3A_2053 : i32 to index
        %parallel_loop3A_2055 = arith.index_cast %parallel_loop3A_2052 : i32 to index
        %parallel_loop3A_2056 = arith.constant 384 : index
        %parallel_loop3A_2057 = tpu.vector_load %arg7[%parallel_loop3A_2054, %parallel_loop3A_2055, %parallel_loop3A_2056] {strides = array<i32>} : memref<2x32x512xf32, #tpu.memory_space<vmem>>, vector<1x1x16xf32>,
        %parallel_loop3A_2058 = vector.shape_cast %parallel_loop3A_2057 : vector<1x1x16xf32> to vector<16xf32>
        %parallel_loop3A_2059 = vector.shape_cast %parallel_loop3A_2050 : vector<16xf32> to vector<1x1x16xf32>
        tpu.vector_store %arg7[%parallel_loop3A_2054, %parallel_loop3A_2055, %parallel_loop3A_2056], %parallel_loop3A_2059 {strides = array<i32>} : memref<2x32x512xf32, #tpu.memory_space<vmem>>, vector<1x1x16xf32>,
        %parallel_loop3A_2060 = arith.constant 256 : i32
        %parallel_loop3A_2061 = arith.muli %parallel_loop3A_1681, %parallel_loop3A_2060 : i32
        %parallel_loop3A_2062 = arith.addi %sub3A, %parallel_loop3A_2061 : i32
        %parallel_loop3A_2063 = arith.constant 144 : i32
        %parallel_loop3A_2064 = arith.addi %parallel_loop3A_2062, %parallel_loop3A_2063 : i32
        %parallel_loop3A_2065 = arith.constant 0 : i32
        %parallel_loop3A_2066 = arith.index_cast %parallel_loop3A_2065 : i32 to index
        %parallel_loop3A_2067 = arith.index_cast %parallel_loop3A_2064 : i32 to index
        %parallel_loop3A_2068 = tpu.vector_load %arg6[%parallel_loop3A_2066, %parallel_loop3A_2067] {strides = array<i32>} : memref<2x8448xf32, #tpu.memory_space<vmem>>, vector<1x16xf32>,
        %parallel_loop3A_2069 = vector.shape_cast %parallel_loop3A_2068 : vector<1x16xf32> to vector<16xf32>
        %parallel_loop3A_2070 = arith.constant 0 : i32
        %parallel_loop3A_2071 = arith.addi %parallel_loop3A_2070, %parallel_loop3A_1681 : i32
        %parallel_loop3A_2072 = arith.index_cast %parallel_loop3A_2071 : i32 to index
        %parallel_loop3A_2073 = arith.constant 144 : index
        %parallel_loop3A_2074 = tpu.vector_load %arg5[%parallel_loop3A_2072, %parallel_loop3A_2073] {strides = array<i32>} : memref<64x512xf32, #tpu.memory_space<vmem>>, vector<1x16xf32>,
        %parallel_loop3A_2075 = vector.shape_cast %parallel_loop3A_2074 : vector<1x16xf32> to vector<16xf32>
        %parallel_loop3A_2076 = arith.mulf %parallel_loop3A_2075, %parallel_loop3A_2069 : vector<16xf32>
        %parallel_loop3A_2077 = arith.constant 0 : i32
        %parallel_loop3A_2078 = arith.index_cast %parallel_loop3A_2077 : i32 to index
        %parallel_loop3A_2079 = arith.index_cast %parallel_loop3A_1681 : i32 to index
        %parallel_loop3A_2080 = arith.constant 144 : index
        %parallel_loop3A_2081 = tpu.vector_load %arg7[%parallel_loop3A_2078, %parallel_loop3A_2079, %parallel_loop3A_2080] {strides = array<i32>} : memref<2x32x512xf32, #tpu.memory_space<vmem>>, vector<1x1x16xf32>,
        %parallel_loop3A_2082 = vector.shape_cast %parallel_loop3A_2081 : vector<1x1x16xf32> to vector<16xf32>
        %parallel_loop3A_2083 = vector.shape_cast %parallel_loop3A_2076 : vector<16xf32> to vector<1x1x16xf32>
        tpu.vector_store %arg7[%parallel_loop3A_2078, %parallel_loop3A_2079, %parallel_loop3A_2080], %parallel_loop3A_2083 {strides = array<i32>} : memref<2x32x512xf32, #tpu.memory_space<vmem>>, vector<1x1x16xf32>,
        %parallel_loop3A_2084 = arith.constant 0 : i32
        %parallel_loop3A_2085 = arith.addi %parallel_loop3A_2084, %parallel_loop3A_1681 : i32
        %parallel_loop3A_2086 = arith.constant 1 : i32
        %parallel_loop3A_2087 = arith.subi %parallel_loop3A_2085, %parallel_loop3A_2086 : i32
        %parallel_loop3A_2088 = arith.index_cast %parallel_loop3A_2087 : i32 to index
        %parallel_loop3A_2089 = arith.constant 400 : index
        %parallel_loop3A_2090 = tpu.vector_load %arg5[%parallel_loop3A_2088, %parallel_loop3A_2089] {strides = array<i32>} : memref<64x512xf32, #tpu.memory_space<vmem>>, vector<1x16xf32>,
        %parallel_loop3A_2091 = vector.shape_cast %parallel_loop3A_2090 : vector<1x16xf32> to vector<16xf32>
        %parallel_loop3A_2092 = arith.mulf %parallel_loop3A_2091, %parallel_loop3A_2069 : vector<16xf32>
        %parallel_loop3A_2093 = arith.constant 1 : i32
        %parallel_loop3A_2094 = arith.subi %parallel_loop3A_1681, %parallel_loop3A_2093 : i32
        %parallel_loop3A_2095 = arith.constant 0 : i32
        %parallel_loop3A_2096 = arith.index_cast %parallel_loop3A_2095 : i32 to index
        %parallel_loop3A_2097 = arith.index_cast %parallel_loop3A_2094 : i32 to index
        %parallel_loop3A_2098 = arith.constant 400 : index
        %parallel_loop3A_2099 = tpu.vector_load %arg7[%parallel_loop3A_2096, %parallel_loop3A_2097, %parallel_loop3A_2098] {strides = array<i32>} : memref<2x32x512xf32, #tpu.memory_space<vmem>>, vector<1x1x16xf32>,
        %parallel_loop3A_2100 = vector.shape_cast %parallel_loop3A_2099 : vector<1x1x16xf32> to vector<16xf32>
        %parallel_loop3A_2101 = vector.shape_cast %parallel_loop3A_2092 : vector<16xf32> to vector<1x1x16xf32>
        tpu.vector_store %arg7[%parallel_loop3A_2096, %parallel_loop3A_2097, %parallel_loop3A_2098], %parallel_loop3A_2101 {strides = array<i32>} : memref<2x32x512xf32, #tpu.memory_space<vmem>>, vector<1x1x16xf32>,
        %parallel_loop3A_2102 = arith.constant 256 : i32
        %parallel_loop3A_2103 = arith.muli %parallel_loop3A_1681, %parallel_loop3A_2102 : i32
        %parallel_loop3A_2104 = arith.addi %sub3A, %parallel_loop3A_2103 : i32
        %parallel_loop3A_2105 = arith.constant 160 : i32
        %parallel_loop3A_2106 = arith.addi %parallel_loop3A_2104, %parallel_loop3A_2105 : i32
        %parallel_loop3A_2107 = arith.constant 0 : i32
        %parallel_loop3A_2108 = arith.index_cast %parallel_loop3A_2107 : i32 to index
        %parallel_loop3A_2109 = arith.index_cast %parallel_loop3A_2106 : i32 to index
        %parallel_loop3A_2110 = tpu.vector_load %arg6[%parallel_loop3A_2108, %parallel_loop3A_2109] {strides = array<i32>} : memref<2x8448xf32, #tpu.memory_space<vmem>>, vector<1x16xf32>,
        %parallel_loop3A_2111 = vector.shape_cast %parallel_loop3A_2110 : vector<1x16xf32> to vector<16xf32>
        %parallel_loop3A_2112 = arith.constant 0 : i32
        %parallel_loop3A_2113 = arith.addi %parallel_loop3A_2112, %parallel_loop3A_1681 : i32
        %parallel_loop3A_2114 = arith.index_cast %parallel_loop3A_2113 : i32 to index
        %parallel_loop3A_2115 = arith.constant 160 : index
        %parallel_loop3A_2116 = tpu.vector_load %arg5[%parallel_loop3A_2114, %parallel_loop3A_2115] {strides = array<i32>} : memref<64x512xf32, #tpu.memory_space<vmem>>, vector<1x16xf32>,
        %parallel_loop3A_2117 = vector.shape_cast %parallel_loop3A_2116 : vector<1x16xf32> to vector<16xf32>
        %parallel_loop3A_2118 = arith.mulf %parallel_loop3A_2117, %parallel_loop3A_2111 : vector<16xf32>
        %parallel_loop3A_2119 = arith.constant 0 : i32
        %parallel_loop3A_2120 = arith.index_cast %parallel_loop3A_2119 : i32 to index
        %parallel_loop3A_2121 = arith.index_cast %parallel_loop3A_1681 : i32 to index
        %parallel_loop3A_2122 = arith.constant 160 : index
        %parallel_loop3A_2123 = tpu.vector_load %arg7[%parallel_loop3A_2120, %parallel_loop3A_2121, %parallel_loop3A_2122] {strides = array<i32>} : memref<2x32x512xf32, #tpu.memory_space<vmem>>, vector<1x1x16xf32>,
        %parallel_loop3A_2124 = vector.shape_cast %parallel_loop3A_2123 : vector<1x1x16xf32> to vector<16xf32>
        %parallel_loop3A_2125 = vector.shape_cast %parallel_loop3A_2118 : vector<16xf32> to vector<1x1x16xf32>
        tpu.vector_store %arg7[%parallel_loop3A_2120, %parallel_loop3A_2121, %parallel_loop3A_2122], %parallel_loop3A_2125 {strides = array<i32>} : memref<2x32x512xf32, #tpu.memory_space<vmem>>, vector<1x1x16xf32>,
        %parallel_loop3A_2126 = arith.constant 0 : i32
        %parallel_loop3A_2127 = arith.addi %parallel_loop3A_2126, %parallel_loop3A_1681 : i32
        %parallel_loop3A_2128 = arith.constant 1 : i32
        %parallel_loop3A_2129 = arith.subi %parallel_loop3A_2127, %parallel_loop3A_2128 : i32
        %parallel_loop3A_2130 = arith.index_cast %parallel_loop3A_2129 : i32 to index
        %parallel_loop3A_2131 = arith.constant 416 : index
        %parallel_loop3A_2132 = tpu.vector_load %arg5[%parallel_loop3A_2130, %parallel_loop3A_2131] {strides = array<i32>} : memref<64x512xf32, #tpu.memory_space<vmem>>, vector<1x16xf32>,
        %parallel_loop3A_2133 = vector.shape_cast %parallel_loop3A_2132 : vector<1x16xf32> to vector<16xf32>
        %parallel_loop3A_2134 = arith.mulf %parallel_loop3A_2133, %parallel_loop3A_2111 : vector<16xf32>
        %parallel_loop3A_2135 = arith.constant 1 : i32
        %parallel_loop3A_2136 = arith.subi %parallel_loop3A_1681, %parallel_loop3A_2135 : i32
        %parallel_loop3A_2137 = arith.constant 0 : i32
        %parallel_loop3A_2138 = arith.index_cast %parallel_loop3A_2137 : i32 to index
        %parallel_loop3A_2139 = arith.index_cast %parallel_loop3A_2136 : i32 to index
        %parallel_loop3A_2140 = arith.constant 416 : index
        %parallel_loop3A_2141 = tpu.vector_load %arg7[%parallel_loop3A_2138, %parallel_loop3A_2139, %parallel_loop3A_2140] {strides = array<i32>} : memref<2x32x512xf32, #tpu.memory_space<vmem>>, vector<1x1x16xf32>,
        %parallel_loop3A_2142 = vector.shape_cast %parallel_loop3A_2141 : vector<1x1x16xf32> to vector<16xf32>
        %parallel_loop3A_2143 = vector.shape_cast %parallel_loop3A_2134 : vector<16xf32> to vector<1x1x16xf32>
        tpu.vector_store %arg7[%parallel_loop3A_2138, %parallel_loop3A_2139, %parallel_loop3A_2140], %parallel_loop3A_2143 {strides = array<i32>} : memref<2x32x512xf32, #tpu.memory_space<vmem>>, vector<1x1x16xf32>,
        %parallel_loop3A_2144 = arith.constant 256 : i32
        %parallel_loop3A_2145 = arith.muli %parallel_loop3A_1681, %parallel_loop3A_2144 : i32
        %parallel_loop3A_2146 = arith.addi %sub3A, %parallel_loop3A_2145 : i32
        %parallel_loop3A_2147 = arith.constant 176 : i32
        %parallel_loop3A_2148 = arith.addi %parallel_loop3A_2146, %parallel_loop3A_2147 : i32
        %parallel_loop3A_2149 = arith.constant 0 : i32
        %parallel_loop3A_2150 = arith.index_cast %parallel_loop3A_2149 : i32 to index
        %parallel_loop3A_2151 = arith.index_cast %parallel_loop3A_2148 : i32 to index
        %parallel_loop3A_2152 = tpu.vector_load %arg6[%parallel_loop3A_2150, %parallel_loop3A_2151] {strides = array<i32>} : memref<2x8448xf32, #tpu.memory_space<vmem>>, vector<1x16xf32>,
        %parallel_loop3A_2153 = vector.shape_cast %parallel_loop3A_2152 : vector<1x16xf32> to vector<16xf32>
        %parallel_loop3A_2154 = arith.constant 0 : i32
        %parallel_loop3A_2155 = arith.addi %parallel_loop3A_2154, %parallel_loop3A_1681 : i32
        %parallel_loop3A_2156 = arith.index_cast %parallel_loop3A_2155 : i32 to index
        %parallel_loop3A_2157 = arith.constant 176 : index
        %parallel_loop3A_2158 = tpu.vector_load %arg5[%parallel_loop3A_2156, %parallel_loop3A_2157] {strides = array<i32>} : memref<64x512xf32, #tpu.memory_space<vmem>>, vector<1x16xf32>,
        %parallel_loop3A_2159 = vector.shape_cast %parallel_loop3A_2158 : vector<1x16xf32> to vector<16xf32>
        %parallel_loop3A_2160 = arith.mulf %parallel_loop3A_2159, %parallel_loop3A_2153 : vector<16xf32>
        %parallel_loop3A_2161 = arith.constant 0 : i32
        %parallel_loop3A_2162 = arith.index_cast %parallel_loop3A_2161 : i32 to index
        %parallel_loop3A_2163 = arith.index_cast %parallel_loop3A_1681 : i32 to index
        %parallel_loop3A_2164 = arith.constant 176 : index
        %parallel_loop3A_2165 = tpu.vector_load %arg7[%parallel_loop3A_2162, %parallel_loop3A_2163, %parallel_loop3A_2164] {strides = array<i32>} : memref<2x32x512xf32, #tpu.memory_space<vmem>>, vector<1x1x16xf32>,
        %parallel_loop3A_2166 = vector.shape_cast %parallel_loop3A_2165 : vector<1x1x16xf32> to vector<16xf32>
        %parallel_loop3A_2167 = vector.shape_cast %parallel_loop3A_2160 : vector<16xf32> to vector<1x1x16xf32>
        tpu.vector_store %arg7[%parallel_loop3A_2162, %parallel_loop3A_2163, %parallel_loop3A_2164], %parallel_loop3A_2167 {strides = array<i32>} : memref<2x32x512xf32, #tpu.memory_space<vmem>>, vector<1x1x16xf32>,
        %parallel_loop3A_2168 = arith.constant 0 : i32
        %parallel_loop3A_2169 = arith.addi %parallel_loop3A_2168, %parallel_loop3A_1681 : i32
        %parallel_loop3A_2170 = arith.constant 1 : i32
        %parallel_loop3A_2171 = arith.subi %parallel_loop3A_2169, %parallel_loop3A_2170 : i32
        %parallel_loop3A_2172 = arith.index_cast %parallel_loop3A_2171 : i32 to index
        %parallel_loop3A_2173 = arith.constant 432 : index
        %parallel_loop3A_2174 = tpu.vector_load %arg5[%parallel_loop3A_2172, %parallel_loop3A_2173] {strides = array<i32>} : memref<64x512xf32, #tpu.memory_space<vmem>>, vector<1x16xf32>,
        %parallel_loop3A_2175 = vector.shape_cast %parallel_loop3A_2174 : vector<1x16xf32> to vector<16xf32>
        %parallel_loop3A_2176 = arith.mulf %parallel_loop3A_2175, %parallel_loop3A_2153 : vector<16xf32>
        %parallel_loop3A_2177 = arith.constant 1 : i32
        %parallel_loop3A_2178 = arith.subi %parallel_loop3A_1681, %parallel_loop3A_2177 : i32
        %parallel_loop3A_2179 = arith.constant 0 : i32
        %parallel_loop3A_2180 = arith.index_cast %parallel_loop3A_2179 : i32 to index
        %parallel_loop3A_2181 = arith.index_cast %parallel_loop3A_2178 : i32 to index
        %parallel_loop3A_2182 = arith.constant 432 : index
        %parallel_loop3A_2183 = tpu.vector_load %arg7[%parallel_loop3A_2180, %parallel_loop3A_2181, %parallel_loop3A_2182] {strides = array<i32>} : memref<2x32x512xf32, #tpu.memory_space<vmem>>, vector<1x1x16xf32>,
        %parallel_loop3A_2184 = vector.shape_cast %parallel_loop3A_2183 : vector<1x1x16xf32> to vector<16xf32>
        %parallel_loop3A_2185 = vector.shape_cast %parallel_loop3A_2176 : vector<16xf32> to vector<1x1x16xf32>
        tpu.vector_store %arg7[%parallel_loop3A_2180, %parallel_loop3A_2181, %parallel_loop3A_2182], %parallel_loop3A_2185 {strides = array<i32>} : memref<2x32x512xf32, #tpu.memory_space<vmem>>, vector<1x1x16xf32>,
        %parallel_loop3A_2186 = arith.constant 256 : i32
        %parallel_loop3A_2187 = arith.muli %parallel_loop3A_1681, %parallel_loop3A_2186 : i32
        %parallel_loop3A_2188 = arith.addi %sub3A, %parallel_loop3A_2187 : i32
        %parallel_loop3A_2189 = arith.constant 192 : i32
        %parallel_loop3A_2190 = arith.addi %parallel_loop3A_2188, %parallel_loop3A_2189 : i32
        %parallel_loop3A_2191 = arith.constant 0 : i32
        %parallel_loop3A_2192 = arith.index_cast %parallel_loop3A_2191 : i32 to index
        %parallel_loop3A_2193 = arith.index_cast %parallel_loop3A_2190 : i32 to index
        %parallel_loop3A_2194 = tpu.vector_load %arg6[%parallel_loop3A_2192, %parallel_loop3A_2193] {strides = array<i32>} : memref<2x8448xf32, #tpu.memory_space<vmem>>, vector<1x16xf32>,
        %parallel_loop3A_2195 = vector.shape_cast %parallel_loop3A_2194 : vector<1x16xf32> to vector<16xf32>
        %parallel_loop3A_2196 = arith.constant 0 : i32
        %parallel_loop3A_2197 = arith.addi %parallel_loop3A_2196, %parallel_loop3A_1681 : i32
        %parallel_loop3A_2198 = arith.index_cast %parallel_loop3A_2197 : i32 to index
        %parallel_loop3A_2199 = arith.constant 192 : index
        %parallel_loop3A_2200 = tpu.vector_load %arg5[%parallel_loop3A_2198, %parallel_loop3A_2199] {strides = array<i32>} : memref<64x512xf32, #tpu.memory_space<vmem>>, vector<1x16xf32>,
        %parallel_loop3A_2201 = vector.shape_cast %parallel_loop3A_2200 : vector<1x16xf32> to vector<16xf32>
        %parallel_loop3A_2202 = arith.mulf %parallel_loop3A_2201, %parallel_loop3A_2195 : vector<16xf32>
        %parallel_loop3A_2203 = arith.constant 0 : i32
        %parallel_loop3A_2204 = arith.index_cast %parallel_loop3A_2203 : i32 to index
        %parallel_loop3A_2205 = arith.index_cast %parallel_loop3A_1681 : i32 to index
        %parallel_loop3A_2206 = arith.constant 192 : index
        %parallel_loop3A_2207 = tpu.vector_load %arg7[%parallel_loop3A_2204, %parallel_loop3A_2205, %parallel_loop3A_2206] {strides = array<i32>} : memref<2x32x512xf32, #tpu.memory_space<vmem>>, vector<1x1x16xf32>,
        %parallel_loop3A_2208 = vector.shape_cast %parallel_loop3A_2207 : vector<1x1x16xf32> to vector<16xf32>
        %parallel_loop3A_2209 = vector.shape_cast %parallel_loop3A_2202 : vector<16xf32> to vector<1x1x16xf32>
        tpu.vector_store %arg7[%parallel_loop3A_2204, %parallel_loop3A_2205, %parallel_loop3A_2206], %parallel_loop3A_2209 {strides = array<i32>} : memref<2x32x512xf32, #tpu.memory_space<vmem>>, vector<1x1x16xf32>,
        %parallel_loop3A_2210 = arith.constant 0 : i32
        %parallel_loop3A_2211 = arith.addi %parallel_loop3A_2210, %parallel_loop3A_1681 : i32
        %parallel_loop3A_2212 = arith.constant 1 : i32
        %parallel_loop3A_2213 = arith.subi %parallel_loop3A_2211, %parallel_loop3A_2212 : i32
        %parallel_loop3A_2214 = arith.index_cast %parallel_loop3A_2213 : i32 to index
        %parallel_loop3A_2215 = arith.constant 448 : index
        %parallel_loop3A_2216 = tpu.vector_load %arg5[%parallel_loop3A_2214, %parallel_loop3A_2215] {strides = array<i32>} : memref<64x512xf32, #tpu.memory_space<vmem>>, vector<1x16xf32>,
        %parallel_loop3A_2217 = vector.shape_cast %parallel_loop3A_2216 : vector<1x16xf32> to vector<16xf32>
        %parallel_loop3A_2218 = arith.mulf %parallel_loop3A_2217, %parallel_loop3A_2195 : vector<16xf32>
        %parallel_loop3A_2219 = arith.constant 1 : i32
        %parallel_loop3A_2220 = arith.subi %parallel_loop3A_1681, %parallel_loop3A_2219 : i32
        %parallel_loop3A_2221 = arith.constant 0 : i32
        %parallel_loop3A_2222 = arith.index_cast %parallel_loop3A_2221 : i32 to index
        %parallel_loop3A_2223 = arith.index_cast %parallel_loop3A_2220 : i32 to index
        %parallel_loop3A_2224 = arith.constant 448 : index
        %parallel_loop3A_2225 = tpu.vector_load %arg7[%parallel_loop3A_2222, %parallel_loop3A_2223, %parallel_loop3A_2224] {strides = array<i32>} : memref<2x32x512xf32, #tpu.memory_space<vmem>>, vector<1x1x16xf32>,
        %parallel_loop3A_2226 = vector.shape_cast %parallel_loop3A_2225 : vector<1x1x16xf32> to vector<16xf32>
        %parallel_loop3A_2227 = vector.shape_cast %parallel_loop3A_2218 : vector<16xf32> to vector<1x1x16xf32>
        tpu.vector_store %arg7[%parallel_loop3A_2222, %parallel_loop3A_2223, %parallel_loop3A_2224], %parallel_loop3A_2227 {strides = array<i32>} : memref<2x32x512xf32, #tpu.memory_space<vmem>>, vector<1x1x16xf32>,
        %parallel_loop3A_2228 = arith.constant 256 : i32
        %parallel_loop3A_2229 = arith.muli %parallel_loop3A_1681, %parallel_loop3A_2228 : i32
        %parallel_loop3A_2230 = arith.addi %sub3A, %parallel_loop3A_2229 : i32
        %parallel_loop3A_2231 = arith.constant 208 : i32
        %parallel_loop3A_2232 = arith.addi %parallel_loop3A_2230, %parallel_loop3A_2231 : i32
        %parallel_loop3A_2233 = arith.constant 0 : i32
        %parallel_loop3A_2234 = arith.index_cast %parallel_loop3A_2233 : i32 to index
        %parallel_loop3A_2235 = arith.index_cast %parallel_loop3A_2232 : i32 to index
        %parallel_loop3A_2236 = tpu.vector_load %arg6[%parallel_loop3A_2234, %parallel_loop3A_2235] {strides = array<i32>} : memref<2x8448xf32, #tpu.memory_space<vmem>>, vector<1x16xf32>,
        %parallel_loop3A_2237 = vector.shape_cast %parallel_loop3A_2236 : vector<1x16xf32> to vector<16xf32>
        %parallel_loop3A_2238 = arith.constant 0 : i32
        %parallel_loop3A_2239 = arith.addi %parallel_loop3A_2238, %parallel_loop3A_1681 : i32
        %parallel_loop3A_2240 = arith.index_cast %parallel_loop3A_2239 : i32 to index
        %parallel_loop3A_2241 = arith.constant 208 : index
        %parallel_loop3A_2242 = tpu.vector_load %arg5[%parallel_loop3A_2240, %parallel_loop3A_2241] {strides = array<i32>} : memref<64x512xf32, #tpu.memory_space<vmem>>, vector<1x16xf32>,
        %parallel_loop3A_2243 = vector.shape_cast %parallel_loop3A_2242 : vector<1x16xf32> to vector<16xf32>
        %parallel_loop3A_2244 = arith.mulf %parallel_loop3A_2243, %parallel_loop3A_2237 : vector<16xf32>
        %parallel_loop3A_2245 = arith.constant 0 : i32
        %parallel_loop3A_2246 = arith.index_cast %parallel_loop3A_2245 : i32 to index
        %parallel_loop3A_2247 = arith.index_cast %parallel_loop3A_1681 : i32 to index
        %parallel_loop3A_2248 = arith.constant 208 : index
        %parallel_loop3A_2249 = tpu.vector_load %arg7[%parallel_loop3A_2246, %parallel_loop3A_2247, %parallel_loop3A_2248] {strides = array<i32>} : memref<2x32x512xf32, #tpu.memory_space<vmem>>, vector<1x1x16xf32>,
        %parallel_loop3A_2250 = vector.shape_cast %parallel_loop3A_2249 : vector<1x1x16xf32> to vector<16xf32>
        %parallel_loop3A_2251 = vector.shape_cast %parallel_loop3A_2244 : vector<16xf32> to vector<1x1x16xf32>
        tpu.vector_store %arg7[%parallel_loop3A_2246, %parallel_loop3A_2247, %parallel_loop3A_2248], %parallel_loop3A_2251 {strides = array<i32>} : memref<2x32x512xf32, #tpu.memory_space<vmem>>, vector<1x1x16xf32>,
        %parallel_loop3A_2252 = arith.constant 0 : i32
        %parallel_loop3A_2253 = arith.addi %parallel_loop3A_2252, %parallel_loop3A_1681 : i32
        %parallel_loop3A_2254 = arith.constant 1 : i32
        %parallel_loop3A_2255 = arith.subi %parallel_loop3A_2253, %parallel_loop3A_2254 : i32
        %parallel_loop3A_2256 = arith.index_cast %parallel_loop3A_2255 : i32 to index
        %parallel_loop3A_2257 = arith.constant 464 : index
        %parallel_loop3A_2258 = tpu.vector_load %arg5[%parallel_loop3A_2256, %parallel_loop3A_2257] {strides = array<i32>} : memref<64x512xf32, #tpu.memory_space<vmem>>, vector<1x16xf32>,
        %parallel_loop3A_2259 = vector.shape_cast %parallel_loop3A_2258 : vector<1x16xf32> to vector<16xf32>
        %parallel_loop3A_2260 = arith.mulf %parallel_loop3A_2259, %parallel_loop3A_2237 : vector<16xf32>
        %parallel_loop3A_2261 = arith.constant 1 : i32
        %parallel_loop3A_2262 = arith.subi %parallel_loop3A_1681, %parallel_loop3A_2261 : i32
        %parallel_loop3A_2263 = arith.constant 0 : i32
        %parallel_loop3A_2264 = arith.index_cast %parallel_loop3A_2263 : i32 to index
        %parallel_loop3A_2265 = arith.index_cast %parallel_loop3A_2262 : i32 to index
        %parallel_loop3A_2266 = arith.constant 464 : index
        %parallel_loop3A_2267 = tpu.vector_load %arg7[%parallel_loop3A_2264, %parallel_loop3A_2265, %parallel_loop3A_2266] {strides = array<i32>} : memref<2x32x512xf32, #tpu.memory_space<vmem>>, vector<1x1x16xf32>,
        %parallel_loop3A_2268 = vector.shape_cast %parallel_loop3A_2267 : vector<1x1x16xf32> to vector<16xf32>
        %parallel_loop3A_2269 = vector.shape_cast %parallel_loop3A_2260 : vector<16xf32> to vector<1x1x16xf32>
        tpu.vector_store %arg7[%parallel_loop3A_2264, %parallel_loop3A_2265, %parallel_loop3A_2266], %parallel_loop3A_2269 {strides = array<i32>} : memref<2x32x512xf32, #tpu.memory_space<vmem>>, vector<1x1x16xf32>,
        %parallel_loop3A_2270 = arith.constant 256 : i32
        %parallel_loop3A_2271 = arith.muli %parallel_loop3A_1681, %parallel_loop3A_2270 : i32
        %parallel_loop3A_2272 = arith.addi %sub3A, %parallel_loop3A_2271 : i32
        %parallel_loop3A_2273 = arith.constant 224 : i32
        %parallel_loop3A_2274 = arith.addi %parallel_loop3A_2272, %parallel_loop3A_2273 : i32
        %parallel_loop3A_2275 = arith.constant 0 : i32
        %parallel_loop3A_2276 = arith.index_cast %parallel_loop3A_2275 : i32 to index
        %parallel_loop3A_2277 = arith.index_cast %parallel_loop3A_2274 : i32 to index
        %parallel_loop3A_2278 = tpu.vector_load %arg6[%parallel_loop3A_2276, %parallel_loop3A_2277] {strides = array<i32>} : memref<2x8448xf32, #tpu.memory_space<vmem>>, vector<1x16xf32>,
        %parallel_loop3A_2279 = vector.shape_cast %parallel_loop3A_2278 : vector<1x16xf32> to vector<16xf32>
        %parallel_loop3A_2280 = arith.constant 0 : i32
        %parallel_loop3A_2281 = arith.addi %parallel_loop3A_2280, %parallel_loop3A_1681 : i32
        %parallel_loop3A_2282 = arith.index_cast %parallel_loop3A_2281 : i32 to index
        %parallel_loop3A_2283 = arith.constant 224 : index
        %parallel_loop3A_2284 = tpu.vector_load %arg5[%parallel_loop3A_2282, %parallel_loop3A_2283] {strides = array<i32>} : memref<64x512xf32, #tpu.memory_space<vmem>>, vector<1x16xf32>,
        %parallel_loop3A_2285 = vector.shape_cast %parallel_loop3A_2284 : vector<1x16xf32> to vector<16xf32>
        %parallel_loop3A_2286 = arith.mulf %parallel_loop3A_2285, %parallel_loop3A_2279 : vector<16xf32>
        %parallel_loop3A_2287 = arith.constant 0 : i32
        %parallel_loop3A_2288 = arith.index_cast %parallel_loop3A_2287 : i32 to index
        %parallel_loop3A_2289 = arith.index_cast %parallel_loop3A_1681 : i32 to index
        %parallel_loop3A_2290 = arith.constant 224 : index
        %parallel_loop3A_2291 = tpu.vector_load %arg7[%parallel_loop3A_2288, %parallel_loop3A_2289, %parallel_loop3A_2290] {strides = array<i32>} : memref<2x32x512xf32, #tpu.memory_space<vmem>>, vector<1x1x16xf32>,
        %parallel_loop3A_2292 = vector.shape_cast %parallel_loop3A_2291 : vector<1x1x16xf32> to vector<16xf32>
        %parallel_loop3A_2293 = vector.shape_cast %parallel_loop3A_2286 : vector<16xf32> to vector<1x1x16xf32>
        tpu.vector_store %arg7[%parallel_loop3A_2288, %parallel_loop3A_2289, %parallel_loop3A_2290], %parallel_loop3A_2293 {strides = array<i32>} : memref<2x32x512xf32, #tpu.memory_space<vmem>>, vector<1x1x16xf32>,
        %parallel_loop3A_2294 = arith.constant 0 : i32
        %parallel_loop3A_2295 = arith.addi %parallel_loop3A_2294, %parallel_loop3A_1681 : i32
        %parallel_loop3A_2296 = arith.constant 1 : i32
        %parallel_loop3A_2297 = arith.subi %parallel_loop3A_2295, %parallel_loop3A_2296 : i32
        %parallel_loop3A_2298 = arith.index_cast %parallel_loop3A_2297 : i32 to index
        %parallel_loop3A_2299 = arith.constant 480 : index
        %parallel_loop3A_2300 = tpu.vector_load %arg5[%parallel_loop3A_2298, %parallel_loop3A_2299] {strides = array<i32>} : memref<64x512xf32, #tpu.memory_space<vmem>>, vector<1x16xf32>,
        %parallel_loop3A_2301 = vector.shape_cast %parallel_loop3A_2300 : vector<1x16xf32> to vector<16xf32>
        %parallel_loop3A_2302 = arith.mulf %parallel_loop3A_2301, %parallel_loop3A_2279 : vector<16xf32>
        %parallel_loop3A_2303 = arith.constant 1 : i32
        %parallel_loop3A_2304 = arith.subi %parallel_loop3A_1681, %parallel_loop3A_2303 : i32
        %parallel_loop3A_2305 = arith.constant 0 : i32
        %parallel_loop3A_2306 = arith.index_cast %parallel_loop3A_2305 : i32 to index
        %parallel_loop3A_2307 = arith.index_cast %parallel_loop3A_2304 : i32 to index
        %parallel_loop3A_2308 = arith.constant 480 : index
        %parallel_loop3A_2309 = tpu.vector_load %arg7[%parallel_loop3A_2306, %parallel_loop3A_2307, %parallel_loop3A_2308] {strides = array<i32>} : memref<2x32x512xf32, #tpu.memory_space<vmem>>, vector<1x1x16xf32>,
        %parallel_loop3A_2310 = vector.shape_cast %parallel_loop3A_2309 : vector<1x1x16xf32> to vector<16xf32>
        %parallel_loop3A_2311 = vector.shape_cast %parallel_loop3A_2302 : vector<16xf32> to vector<1x1x16xf32>
        tpu.vector_store %arg7[%parallel_loop3A_2306, %parallel_loop3A_2307, %parallel_loop3A_2308], %parallel_loop3A_2311 {strides = array<i32>} : memref<2x32x512xf32, #tpu.memory_space<vmem>>, vector<1x1x16xf32>,
        %parallel_loop3A_2312 = arith.constant 256 : i32
        %parallel_loop3A_2313 = arith.muli %parallel_loop3A_1681, %parallel_loop3A_2312 : i32
        %parallel_loop3A_2314 = arith.addi %sub3A, %parallel_loop3A_2313 : i32
        %parallel_loop3A_2315 = arith.constant 240 : i32
        %parallel_loop3A_2316 = arith.addi %parallel_loop3A_2314, %parallel_loop3A_2315 : i32
        %parallel_loop3A_2317 = arith.constant 0 : i32
        %parallel_loop3A_2318 = arith.index_cast %parallel_loop3A_2317 : i32 to index
        %parallel_loop3A_2319 = arith.index_cast %parallel_loop3A_2316 : i32 to index
        %parallel_loop3A_2320 = tpu.vector_load %arg6[%parallel_loop3A_2318, %parallel_loop3A_2319] {strides = array<i32>} : memref<2x8448xf32, #tpu.memory_space<vmem>>, vector<1x16xf32>,
        %parallel_loop3A_2321 = vector.shape_cast %parallel_loop3A_2320 : vector<1x16xf32> to vector<16xf32>
        %parallel_loop3A_2322 = arith.constant 0 : i32
        %parallel_loop3A_2323 = arith.addi %parallel_loop3A_2322, %parallel_loop3A_1681 : i32
        %parallel_loop3A_2324 = arith.index_cast %parallel_loop3A_2323 : i32 to index
        %parallel_loop3A_2325 = arith.constant 240 : index
        %parallel_loop3A_2326 = tpu.vector_load %arg5[%parallel_loop3A_2324, %parallel_loop3A_2325] {strides = array<i32>} : memref<64x512xf32, #tpu.memory_space<vmem>>, vector<1x16xf32>,
        %parallel_loop3A_2327 = vector.shape_cast %parallel_loop3A_2326 : vector<1x16xf32> to vector<16xf32>
        %parallel_loop3A_2328 = arith.mulf %parallel_loop3A_2327, %parallel_loop3A_2321 : vector<16xf32>
        %parallel_loop3A_2329 = arith.constant 0 : i32
        %parallel_loop3A_2330 = arith.index_cast %parallel_loop3A_2329 : i32 to index
        %parallel_loop3A_2331 = arith.index_cast %parallel_loop3A_1681 : i32 to index
        %parallel_loop3A_2332 = arith.constant 240 : index
        %parallel_loop3A_2333 = tpu.vector_load %arg7[%parallel_loop3A_2330, %parallel_loop3A_2331, %parallel_loop3A_2332] {strides = array<i32>} : memref<2x32x512xf32, #tpu.memory_space<vmem>>, vector<1x1x16xf32>,
        %parallel_loop3A_2334 = vector.shape_cast %parallel_loop3A_2333 : vector<1x1x16xf32> to vector<16xf32>
        %parallel_loop3A_2335 = vector.shape_cast %parallel_loop3A_2328 : vector<16xf32> to vector<1x1x16xf32>
        tpu.vector_store %arg7[%parallel_loop3A_2330, %parallel_loop3A_2331, %parallel_loop3A_2332], %parallel_loop3A_2335 {strides = array<i32>} : memref<2x32x512xf32, #tpu.memory_space<vmem>>, vector<1x1x16xf32>,
        %parallel_loop3A_2336 = arith.constant 0 : i32
        %parallel_loop3A_2337 = arith.addi %parallel_loop3A_2336, %parallel_loop3A_1681 : i32
        %parallel_loop3A_2338 = arith.constant 1 : i32
        %parallel_loop3A_2339 = arith.subi %parallel_loop3A_2337, %parallel_loop3A_2338 : i32
        %parallel_loop3A_2340 = arith.index_cast %parallel_loop3A_2339 : i32 to index
        %parallel_loop3A_2341 = arith.constant 496 : index
        %parallel_loop3A_2342 = tpu.vector_load %arg5[%parallel_loop3A_2340, %parallel_loop3A_2341] {strides = array<i32>} : memref<64x512xf32, #tpu.memory_space<vmem>>, vector<1x16xf32>,
        %parallel_loop3A_2343 = vector.shape_cast %parallel_loop3A_2342 : vector<1x16xf32> to vector<16xf32>
        %parallel_loop3A_2344 = arith.mulf %parallel_loop3A_2343, %parallel_loop3A_2321 : vector<16xf32>
        %parallel_loop3A_2345 = arith.constant 1 : i32
        %parallel_loop3A_2346 = arith.subi %parallel_loop3A_1681, %parallel_loop3A_2345 : i32
        %parallel_loop3A_2347 = arith.constant 0 : i32
        %parallel_loop3A_2348 = arith.index_cast %parallel_loop3A_2347 : i32 to index
        %parallel_loop3A_2349 = arith.index_cast %parallel_loop3A_2346 : i32 to index
        %parallel_loop3A_2350 = arith.constant 496 : index
        %parallel_loop3A_2351 = tpu.vector_load %arg7[%parallel_loop3A_2348, %parallel_loop3A_2349, %parallel_loop3A_2350] {strides = array<i32>} : memref<2x32x512xf32, #tpu.memory_space<vmem>>, vector<1x1x16xf32>,
        %parallel_loop3A_2352 = vector.shape_cast %parallel_loop3A_2351 : vector<1x1x16xf32> to vector<16xf32>
        %parallel_loop3A_2353 = vector.shape_cast %parallel_loop3A_2344 : vector<16xf32> to vector<1x1x16xf32>
        tpu.vector_store %arg7[%parallel_loop3A_2348, %parallel_loop3A_2349, %parallel_loop3A_2350], %parallel_loop3A_2353 {strides = array<i32>} : memref<2x32x512xf32, #tpu.memory_space<vmem>>, vector<1x1x16xf32>,
      } {sc.loop_unroll_factor = 2 : i64, sc.parallel_access}
      %add3A_451 = arith.constant 8192 : i32
      %add3A_452 = arith.addi %sub3A, %add3A_451 : i32
      %add3A_453 = arith.constant 0 : i32
      %add3A_454 = arith.addi %add3A_452, %add3A_453 : i32
      %get3A_455 = arith.constant 0 : i32
      %get3A_456 = arith.index_cast %get3A_455 : i32 to index
      %get3A_457 = arith.index_cast %add3A_454 : i32 to index
      %get3A_458 = tpu.vector_load %arg6[%get3A_456, %get3A_457] {strides = array<i32>} : memref<2x8448xf32, #tpu.memory_space<vmem>>, vector<1x16xf32>,
      %get3A_459 = vector.shape_cast %get3A_458 : vector<1x16xf32> to vector<16xf32>
      %get3A_460 = arith.constant 31 : i32
      %get3A_461 = arith.index_cast %get3A_460 : i32 to index
      %get3A_462 = arith.constant 256 : index
      %get3A_463 = tpu.vector_load %arg5[%get3A_461, %get3A_462] {strides = array<i32>} : memref<64x512xf32, #tpu.memory_space<vmem>>, vector<1x16xf32>,
      %get3A_464 = vector.shape_cast %get3A_463 : vector<1x16xf32> to vector<16xf32>
      %mul3A_465 = arith.mulf %get3A_464, %get3A_459 : vector<16xf32>
      %swap3A_466 = arith.constant 0 : i32
      %swap3A_467 = arith.constant 31 : i32
      %swap3A_468 = arith.index_cast %swap3A_466 : i32 to index
      %swap3A_469 = arith.index_cast %swap3A_467 : i32 to index
      %swap3A_470 = arith.constant 256 : index
      %swap3A_471 = tpu.vector_load %arg7[%swap3A_468, %swap3A_469, %swap3A_470] {strides = array<i32>} : memref<2x32x512xf32, #tpu.memory_space<vmem>>, vector<1x1x16xf32>,
      %swap3A_472 = vector.shape_cast %swap3A_471 : vector<1x1x16xf32> to vector<16xf32>
      %swap3A_473 = vector.shape_cast %mul3A_465 : vector<16xf32> to vector<1x1x16xf32>
      tpu.vector_store %arg7[%swap3A_468, %swap3A_469, %swap3A_470], %swap3A_473 {strides = array<i32>} : memref<2x32x512xf32, #tpu.memory_space<vmem>>, vector<1x1x16xf32>,
      %add3A_474 = arith.constant 8192 : i32
      %add3A_475 = arith.addi %sub3A, %add3A_474 : i32
      %add3A_476 = arith.constant 16 : i32
      %add3A_477 = arith.addi %add3A_475, %add3A_476 : i32
      %get3A_478 = arith.constant 0 : i32
      %get3A_479 = arith.index_cast %get3A_478 : i32 to index
      %get3A_480 = arith.index_cast %add3A_477 : i32 to index
      %get3A_481 = tpu.vector_load %arg6[%get3A_479, %get3A_480] {strides = array<i32>} : memref<2x8448xf32, #tpu.memory_space<vmem>>, vector<1x16xf32>,
      %get3A_482 = vector.shape_cast %get3A_481 : vector<1x16xf32> to vector<16xf32>
      %get3A_483 = arith.constant 31 : i32
      %get3A_484 = arith.index_cast %get3A_483 : i32 to index
      %get3A_485 = arith.constant 272 : index
      %get3A_486 = tpu.vector_load %arg5[%get3A_484, %get3A_485] {strides = array<i32>} : memref<64x512xf32, #tpu.memory_space<vmem>>, vector<1x16xf32>,
      %get3A_487 = vector.shape_cast %get3A_486 : vector<1x16xf32> to vector<16xf32>
      %mul3A_488 = arith.mulf %get3A_487, %get3A_482 : vector<16xf32>
      %swap3A_489 = arith.constant 0 : i32
      %swap3A_490 = arith.constant 31 : i32
      %swap3A_491 = arith.index_cast %swap3A_489 : i32 to index
      %swap3A_492 = arith.index_cast %swap3A_490 : i32 to index
      %swap3A_493 = arith.constant 272 : index
      %swap3A_494 = tpu.vector_load %arg7[%swap3A_491, %swap3A_492, %swap3A_493] {strides = array<i32>} : memref<2x32x512xf32, #tpu.memory_space<vmem>>, vector<1x1x16xf32>,
      %swap3A_495 = vector.shape_cast %swap3A_494 : vector<1x1x16xf32> to vector<16xf32>
      %swap3A_496 = vector.shape_cast %mul3A_488 : vector<16xf32> to vector<1x1x16xf32>
      tpu.vector_store %arg7[%swap3A_491, %swap3A_492, %swap3A_493], %swap3A_496 {strides = array<i32>} : memref<2x32x512xf32, #tpu.memory_space<vmem>>, vector<1x1x16xf32>,
      %add3A_497 = arith.constant 8192 : i32
      %add3A_498 = arith.addi %sub3A, %add3A_497 : i32
      %add3A_499 = arith.constant 32 : i32
      %add3A_500 = arith.addi %add3A_498, %add3A_499 : i32
      %get3A_501 = arith.constant 0 : i32
      %get3A_502 = arith.index_cast %get3A_501 : i32 to index
      %get3A_503 = arith.index_cast %add3A_500 : i32 to index
      %get3A_504 = tpu.vector_load %arg6[%get3A_502, %get3A_503] {strides = array<i32>} : memref<2x8448xf32, #tpu.memory_space<vmem>>, vector<1x16xf32>,
      %get3A_505 = vector.shape_cast %get3A_504 : vector<1x16xf32> to vector<16xf32>
      %get3A_506 = arith.constant 31 : i32
      %get3A_507 = arith.index_cast %get3A_506 : i32 to index
      %get3A_508 = arith.constant 288 : index
      %get3A_509 = tpu.vector_load %arg5[%get3A_507, %get3A_508] {strides = array<i32>} : memref<64x512xf32, #tpu.memory_space<vmem>>, vector<1x16xf32>,
      %get3A_510 = vector.shape_cast %get3A_509 : vector<1x16xf32> to vector<16xf32>
      %mul3A_511 = arith.mulf %get3A_510, %get3A_505 : vector<16xf32>
      %swap3A_512 = arith.constant 0 : i32
      %swap3A_513 = arith.constant 31 : i32
      %swap3A_514 = arith.index_cast %swap3A_512 : i32 to index
      %swap3A_515 = arith.index_cast %swap3A_513 : i32 to index
      %swap3A_516 = arith.constant 288 : index
      %swap3A_517 = tpu.vector_load %arg7[%swap3A_514, %swap3A_515, %swap3A_516] {strides = array<i32>} : memref<2x32x512xf32, #tpu.memory_space<vmem>>, vector<1x1x16xf32>,
      %swap3A_518 = vector.shape_cast %swap3A_517 : vector<1x1x16xf32> to vector<16xf32>
      %swap3A_519 = vector.shape_cast %mul3A_511 : vector<16xf32> to vector<1x1x16xf32>
      tpu.vector_store %arg7[%swap3A_514, %swap3A_515, %swap3A_516], %swap3A_519 {strides = array<i32>} : memref<2x32x512xf32, #tpu.memory_space<vmem>>, vector<1x1x16xf32>,
      %add3A_520 = arith.constant 8192 : i32
      %add3A_521 = arith.addi %sub3A, %add3A_520 : i32
      %add3A_522 = arith.constant 48 : i32
      %add3A_523 = arith.addi %add3A_521, %add3A_522 : i32
      %get3A_524 = arith.constant 0 : i32
      %get3A_525 = arith.index_cast %get3A_524 : i32 to index
      %get3A_526 = arith.index_cast %add3A_523 : i32 to index
      %get3A_527 = tpu.vector_load %arg6[%get3A_525, %get3A_526] {strides = array<i32>} : memref<2x8448xf32, #tpu.memory_space<vmem>>, vector<1x16xf32>,
      %get3A_528 = vector.shape_cast %get3A_527 : vector<1x16xf32> to vector<16xf32>
      %get3A_529 = arith.constant 31 : i32
      %get3A_530 = arith.index_cast %get3A_529 : i32 to index
      %get3A_531 = arith.constant 304 : index
      %get3A_532 = tpu.vector_load %arg5[%get3A_530, %get3A_531] {strides = array<i32>} : memref<64x512xf32, #tpu.memory_space<vmem>>, vector<1x16xf32>,
      %get3A_533 = vector.shape_cast %get3A_532 : vector<1x16xf32> to vector<16xf32>
      %mul3A_534 = arith.mulf %get3A_533, %get3A_528 : vector<16xf32>
      %swap3A_535 = arith.constant 0 : i32
      %swap3A_536 = arith.constant 31 : i32
      %swap3A_537 = arith.index_cast %swap3A_535 : i32 to index
      %swap3A_538 = arith.index_cast %swap3A_536 : i32 to index
      %swap3A_539 = arith.constant 304 : index
      %swap3A_540 = tpu.vector_load %arg7[%swap3A_537, %swap3A_538, %swap3A_539] {strides = array<i32>} : memref<2x32x512xf32, #tpu.memory_space<vmem>>, vector<1x1x16xf32>,
      %swap3A_541 = vector.shape_cast %swap3A_540 : vector<1x1x16xf32> to vector<16xf32>
      %swap3A_542 = vector.shape_cast %mul3A_534 : vector<16xf32> to vector<1x1x16xf32>
      tpu.vector_store %arg7[%swap3A_537, %swap3A_538, %swap3A_539], %swap3A_542 {strides = array<i32>} : memref<2x32x512xf32, #tpu.memory_space<vmem>>, vector<1x1x16xf32>,
      %add3A_543 = arith.constant 8192 : i32
      %add3A_544 = arith.addi %sub3A, %add3A_543 : i32
      %add3A_545 = arith.constant 64 : i32
      %add3A_546 = arith.addi %add3A_544, %add3A_545 : i32
      %get3A_547 = arith.constant 0 : i32
      %get3A_548 = arith.index_cast %get3A_547 : i32 to index
      %get3A_549 = arith.index_cast %add3A_546 : i32 to index
      %get3A_550 = tpu.vector_load %arg6[%get3A_548, %get3A_549] {strides = array<i32>} : memref<2x8448xf32, #tpu.memory_space<vmem>>, vector<1x16xf32>,
      %get3A_551 = vector.shape_cast %get3A_550 : vector<1x16xf32> to vector<16xf32>
      %get3A_552 = arith.constant 31 : i32
      %get3A_553 = arith.index_cast %get3A_552 : i32 to index
      %get3A_554 = arith.constant 320 : index
      %get3A_555 = tpu.vector_load %arg5[%get3A_553, %get3A_554] {strides = array<i32>} : memref<64x512xf32, #tpu.memory_space<vmem>>, vector<1x16xf32>,
      %get3A_556 = vector.shape_cast %get3A_555 : vector<1x16xf32> to vector<16xf32>
      %mul3A_557 = arith.mulf %get3A_556, %get3A_551 : vector<16xf32>
      %swap3A_558 = arith.constant 0 : i32
      %swap3A_559 = arith.constant 31 : i32
      %swap3A_560 = arith.index_cast %swap3A_558 : i32 to index
      %swap3A_561 = arith.index_cast %swap3A_559 : i32 to index
      %swap3A_562 = arith.constant 320 : index
      %swap3A_563 = tpu.vector_load %arg7[%swap3A_560, %swap3A_561, %swap3A_562] {strides = array<i32>} : memref<2x32x512xf32, #tpu.memory_space<vmem>>, vector<1x1x16xf32>,
      %swap3A_564 = vector.shape_cast %swap3A_563 : vector<1x1x16xf32> to vector<16xf32>
      %swap3A_565 = vector.shape_cast %mul3A_557 : vector<16xf32> to vector<1x1x16xf32>
      tpu.vector_store %arg7[%swap3A_560, %swap3A_561, %swap3A_562], %swap3A_565 {strides = array<i32>} : memref<2x32x512xf32, #tpu.memory_space<vmem>>, vector<1x1x16xf32>,
      %add3A_566 = arith.constant 8192 : i32
      %add3A_567 = arith.addi %sub3A, %add3A_566 : i32
      %add3A_568 = arith.constant 80 : i32
      %add3A_569 = arith.addi %add3A_567, %add3A_568 : i32
      %get3A_570 = arith.constant 0 : i32
      %get3A_571 = arith.index_cast %get3A_570 : i32 to index
      %get3A_572 = arith.index_cast %add3A_569 : i32 to index
      %get3A_573 = tpu.vector_load %arg6[%get3A_571, %get3A_572] {strides = array<i32>} : memref<2x8448xf32, #tpu.memory_space<vmem>>, vector<1x16xf32>,
      %get3A_574 = vector.shape_cast %get3A_573 : vector<1x16xf32> to vector<16xf32>
      %get3A_575 = arith.constant 31 : i32
      %get3A_576 = arith.index_cast %get3A_575 : i32 to index
      %get3A_577 = arith.constant 336 : index
      %get3A_578 = tpu.vector_load %arg5[%get3A_576, %get3A_577] {strides = array<i32>} : memref<64x512xf32, #tpu.memory_space<vmem>>, vector<1x16xf32>,
      %get3A_579 = vector.shape_cast %get3A_578 : vector<1x16xf32> to vector<16xf32>
      %mul3A_580 = arith.mulf %get3A_579, %get3A_574 : vector<16xf32>
      %swap3A_581 = arith.constant 0 : i32
      %swap3A_582 = arith.constant 31 : i32
      %swap3A_583 = arith.index_cast %swap3A_581 : i32 to index
      %swap3A_584 = arith.index_cast %swap3A_582 : i32 to index
      %swap3A_585 = arith.constant 336 : index
      %swap3A_586 = tpu.vector_load %arg7[%swap3A_583, %swap3A_584, %swap3A_585] {strides = array<i32>} : memref<2x32x512xf32, #tpu.memory_space<vmem>>, vector<1x1x16xf32>,
      %swap3A_587 = vector.shape_cast %swap3A_586 : vector<1x1x16xf32> to vector<16xf32>
      %swap3A_588 = vector.shape_cast %mul3A_580 : vector<16xf32> to vector<1x1x16xf32>
      tpu.vector_store %arg7[%swap3A_583, %swap3A_584, %swap3A_585], %swap3A_588 {strides = array<i32>} : memref<2x32x512xf32, #tpu.memory_space<vmem>>, vector<1x1x16xf32>,
      %add3A_589 = arith.constant 8192 : i32
      %add3A_590 = arith.addi %sub3A, %add3A_589 : i32
      %add3A_591 = arith.constant 96 : i32
      %add3A_592 = arith.addi %add3A_590, %add3A_591 : i32
      %get3A_593 = arith.constant 0 : i32
      %get3A_594 = arith.index_cast %get3A_593 : i32 to index
      %get3A_595 = arith.index_cast %add3A_592 : i32 to index
      %get3A_596 = tpu.vector_load %arg6[%get3A_594, %get3A_595] {strides = array<i32>} : memref<2x8448xf32, #tpu.memory_space<vmem>>, vector<1x16xf32>,
      %get3A_597 = vector.shape_cast %get3A_596 : vector<1x16xf32> to vector<16xf32>
      %get3A_598 = arith.constant 31 : i32
      %get3A_599 = arith.index_cast %get3A_598 : i32 to index
      %get3A_600 = arith.constant 352 : index
      %get3A_601 = tpu.vector_load %arg5[%get3A_599, %get3A_600] {strides = array<i32>} : memref<64x512xf32, #tpu.memory_space<vmem>>, vector<1x16xf32>,
      %get3A_602 = vector.shape_cast %get3A_601 : vector<1x16xf32> to vector<16xf32>
      %mul3A_603 = arith.mulf %get3A_602, %get3A_597 : vector<16xf32>
      %swap3A_604 = arith.constant 0 : i32
      %swap3A_605 = arith.constant 31 : i32
      %swap3A_606 = arith.index_cast %swap3A_604 : i32 to index
      %swap3A_607 = arith.index_cast %swap3A_605 : i32 to index
      %swap3A_608 = arith.constant 352 : index
      %swap3A_609 = tpu.vector_load %arg7[%swap3A_606, %swap3A_607, %swap3A_608] {strides = array<i32>} : memref<2x32x512xf32, #tpu.memory_space<vmem>>, vector<1x1x16xf32>,
      %swap3A_610 = vector.shape_cast %swap3A_609 : vector<1x1x16xf32> to vector<16xf32>
      %swap3A_611 = vector.shape_cast %mul3A_603 : vector<16xf32> to vector<1x1x16xf32>
      tpu.vector_store %arg7[%swap3A_606, %swap3A_607, %swap3A_608], %swap3A_611 {strides = array<i32>} : memref<2x32x512xf32, #tpu.memory_space<vmem>>, vector<1x1x16xf32>,
      %add3A_612 = arith.constant 8192 : i32
      %add3A_613 = arith.addi %sub3A, %add3A_612 : i32
      %add3A_614 = arith.constant 112 : i32
      %add3A_615 = arith.addi %add3A_613, %add3A_614 : i32
      %get3A_616 = arith.constant 0 : i32
      %get3A_617 = arith.index_cast %get3A_616 : i32 to index
      %get3A_618 = arith.index_cast %add3A_615 : i32 to index
      %get3A_619 = tpu.vector_load %arg6[%get3A_617, %get3A_618] {strides = array<i32>} : memref<2x8448xf32, #tpu.memory_space<vmem>>, vector<1x16xf32>,
      %get3A_620 = vector.shape_cast %get3A_619 : vector<1x16xf32> to vector<16xf32>
      %get3A_621 = arith.constant 31 : i32
      %get3A_622 = arith.index_cast %get3A_621 : i32 to index
      %get3A_623 = arith.constant 368 : index
      %get3A_624 = tpu.vector_load %arg5[%get3A_622, %get3A_623] {strides = array<i32>} : memref<64x512xf32, #tpu.memory_space<vmem>>, vector<1x16xf32>,
      %get3A_625 = vector.shape_cast %get3A_624 : vector<1x16xf32> to vector<16xf32>
      %mul3A_626 = arith.mulf %get3A_625, %get3A_620 : vector<16xf32>
      %swap3A_627 = arith.constant 0 : i32
      %swap3A_628 = arith.constant 31 : i32
      %swap3A_629 = arith.index_cast %swap3A_627 : i32 to index
      %swap3A_630 = arith.index_cast %swap3A_628 : i32 to index
      %swap3A_631 = arith.constant 368 : index
      %swap3A_632 = tpu.vector_load %arg7[%swap3A_629, %swap3A_630, %swap3A_631] {strides = array<i32>} : memref<2x32x512xf32, #tpu.memory_space<vmem>>, vector<1x1x16xf32>,
      %swap3A_633 = vector.shape_cast %swap3A_632 : vector<1x1x16xf32> to vector<16xf32>
      %swap3A_634 = vector.shape_cast %mul3A_626 : vector<16xf32> to vector<1x1x16xf32>
      tpu.vector_store %arg7[%swap3A_629, %swap3A_630, %swap3A_631], %swap3A_634 {strides = array<i32>} : memref<2x32x512xf32, #tpu.memory_space<vmem>>, vector<1x1x16xf32>,
      %add3A_635 = arith.constant 8192 : i32
      %add3A_636 = arith.addi %sub3A, %add3A_635 : i32
      %add3A_637 = arith.constant 128 : i32
      %add3A_638 = arith.addi %add3A_636, %add3A_637 : i32
      %get3A_639 = arith.constant 0 : i32
      %get3A_640 = arith.index_cast %get3A_639 : i32 to index
      %get3A_641 = arith.index_cast %add3A_638 : i32 to index
      %get3A_642 = tpu.vector_load %arg6[%get3A_640, %get3A_641] {strides = array<i32>} : memref<2x8448xf32, #tpu.memory_space<vmem>>, vector<1x16xf32>,
      %get3A_643 = vector.shape_cast %get3A_642 : vector<1x16xf32> to vector<16xf32>
      %get3A_644 = arith.constant 31 : i32
      %get3A_645 = arith.index_cast %get3A_644 : i32 to index
      %get3A_646 = arith.constant 384 : index
      %get3A_647 = tpu.vector_load %arg5[%get3A_645, %get3A_646] {strides = array<i32>} : memref<64x512xf32, #tpu.memory_space<vmem>>, vector<1x16xf32>,
      %get3A_648 = vector.shape_cast %get3A_647 : vector<1x16xf32> to vector<16xf32>
      %mul3A_649 = arith.mulf %get3A_648, %get3A_643 : vector<16xf32>
      %swap3A_650 = arith.constant 0 : i32
      %swap3A_651 = arith.constant 31 : i32
      %swap3A_652 = arith.index_cast %swap3A_650 : i32 to index
      %swap3A_653 = arith.index_cast %swap3A_651 : i32 to index
      %swap3A_654 = arith.constant 384 : index
      %swap3A_655 = tpu.vector_load %arg7[%swap3A_652, %swap3A_653, %swap3A_654] {strides = array<i32>} : memref<2x32x512xf32, #tpu.memory_space<vmem>>, vector<1x1x16xf32>,
      %swap3A_656 = vector.shape_cast %swap3A_655 : vector<1x1x16xf32> to vector<16xf32>
      %swap3A_657 = vector.shape_cast %mul3A_649 : vector<16xf32> to vector<1x1x16xf32>
      tpu.vector_store %arg7[%swap3A_652, %swap3A_653, %swap3A_654], %swap3A_657 {strides = array<i32>} : memref<2x32x512xf32, #tpu.memory_space<vmem>>, vector<1x1x16xf32>,
      %add3A_658 = arith.constant 8192 : i32
      %add3A_659 = arith.addi %sub3A, %add3A_658 : i32
      %add3A_660 = arith.constant 144 : i32
      %add3A_661 = arith.addi %add3A_659, %add3A_660 : i32
      %get3A_662 = arith.constant 0 : i32
      %get3A_663 = arith.index_cast %get3A_662 : i32 to index
      %get3A_664 = arith.index_cast %add3A_661 : i32 to index
      %get3A_665 = tpu.vector_load %arg6[%get3A_663, %get3A_664] {strides = array<i32>} : memref<2x8448xf32, #tpu.memory_space<vmem>>, vector<1x16xf32>,
      %get3A_666 = vector.shape_cast %get3A_665 : vector<1x16xf32> to vector<16xf32>
      %get3A_667 = arith.constant 31 : i32
      %get3A_668 = arith.index_cast %get3A_667 : i32 to index
      %get3A_669 = arith.constant 400 : index
      %get3A_670 = tpu.vector_load %arg5[%get3A_668, %get3A_669] {strides = array<i32>} : memref<64x512xf32, #tpu.memory_space<vmem>>, vector<1x16xf32>,
      %get3A_671 = vector.shape_cast %get3A_670 : vector<1x16xf32> to vector<16xf32>
      %mul3A_672 = arith.mulf %get3A_671, %get3A_666 : vector<16xf32>
      %swap3A_673 = arith.constant 0 : i32
      %swap3A_674 = arith.constant 31 : i32
      %swap3A_675 = arith.index_cast %swap3A_673 : i32 to index
      %swap3A_676 = arith.index_cast %swap3A_674 : i32 to index
      %swap3A_677 = arith.constant 400 : index
      %swap3A_678 = tpu.vector_load %arg7[%swap3A_675, %swap3A_676, %swap3A_677] {strides = array<i32>} : memref<2x32x512xf32, #tpu.memory_space<vmem>>, vector<1x1x16xf32>,
      %swap3A_679 = vector.shape_cast %swap3A_678 : vector<1x1x16xf32> to vector<16xf32>
      %swap3A_680 = vector.shape_cast %mul3A_672 : vector<16xf32> to vector<1x1x16xf32>
      tpu.vector_store %arg7[%swap3A_675, %swap3A_676, %swap3A_677], %swap3A_680 {strides = array<i32>} : memref<2x32x512xf32, #tpu.memory_space<vmem>>, vector<1x1x16xf32>,
      %add3A_681 = arith.constant 8192 : i32
      %add3A_682 = arith.addi %sub3A, %add3A_681 : i32
      %add3A_683 = arith.constant 160 : i32
      %add3A_684 = arith.addi %add3A_682, %add3A_683 : i32
      %get3A_685 = arith.constant 0 : i32
      %get3A_686 = arith.index_cast %get3A_685 : i32 to index
      %get3A_687 = arith.index_cast %add3A_684 : i32 to index
      %get3A_688 = tpu.vector_load %arg6[%get3A_686, %get3A_687] {strides = array<i32>} : memref<2x8448xf32, #tpu.memory_space<vmem>>, vector<1x16xf32>,
      %get3A_689 = vector.shape_cast %get3A_688 : vector<1x16xf32> to vector<16xf32>
      %get3A_690 = arith.constant 31 : i32
      %get3A_691 = arith.index_cast %get3A_690 : i32 to index
      %get3A_692 = arith.constant 416 : index
      %get3A_693 = tpu.vector_load %arg5[%get3A_691, %get3A_692] {strides = array<i32>} : memref<64x512xf32, #tpu.memory_space<vmem>>, vector<1x16xf32>,
      %get3A_694 = vector.shape_cast %get3A_693 : vector<1x16xf32> to vector<16xf32>
      %mul3A_695 = arith.mulf %get3A_694, %get3A_689 : vector<16xf32>
      %swap3A_696 = arith.constant 0 : i32
      %swap3A_697 = arith.constant 31 : i32
      %swap3A_698 = arith.index_cast %swap3A_696 : i32 to index
      %swap3A_699 = arith.index_cast %swap3A_697 : i32 to index
      %swap3A_700 = arith.constant 416 : index
      %swap3A_701 = tpu.vector_load %arg7[%swap3A_698, %swap3A_699, %swap3A_700] {strides = array<i32>} : memref<2x32x512xf32, #tpu.memory_space<vmem>>, vector<1x1x16xf32>,
      %swap3A_702 = vector.shape_cast %swap3A_701 : vector<1x1x16xf32> to vector<16xf32>
      %swap3A_703 = vector.shape_cast %mul3A_695 : vector<16xf32> to vector<1x1x16xf32>
      tpu.vector_store %arg7[%swap3A_698, %swap3A_699, %swap3A_700], %swap3A_703 {strides = array<i32>} : memref<2x32x512xf32, #tpu.memory_space<vmem>>, vector<1x1x16xf32>,
      %add3A_704 = arith.constant 8192 : i32
      %add3A_705 = arith.addi %sub3A, %add3A_704 : i32
      %add3A_706 = arith.constant 176 : i32
      %add3A_707 = arith.addi %add3A_705, %add3A_706 : i32
      %get3A_708 = arith.constant 0 : i32
      %get3A_709 = arith.index_cast %get3A_708 : i32 to index
      %get3A_710 = arith.index_cast %add3A_707 : i32 to index
      %get3A_711 = tpu.vector_load %arg6[%get3A_709, %get3A_710] {strides = array<i32>} : memref<2x8448xf32, #tpu.memory_space<vmem>>, vector<1x16xf32>,
      %get3A_712 = vector.shape_cast %get3A_711 : vector<1x16xf32> to vector<16xf32>
      %get3A_713 = arith.constant 31 : i32
      %get3A_714 = arith.index_cast %get3A_713 : i32 to index
      %get3A_715 = arith.constant 432 : index
      %get3A_716 = tpu.vector_load %arg5[%get3A_714, %get3A_715] {strides = array<i32>} : memref<64x512xf32, #tpu.memory_space<vmem>>, vector<1x16xf32>,
      %get3A_717 = vector.shape_cast %get3A_716 : vector<1x16xf32> to vector<16xf32>
      %mul3A_718 = arith.mulf %get3A_717, %get3A_712 : vector<16xf32>
      %swap3A_719 = arith.constant 0 : i32
      %swap3A_720 = arith.constant 31 : i32
      %swap3A_721 = arith.index_cast %swap3A_719 : i32 to index
      %swap3A_722 = arith.index_cast %swap3A_720 : i32 to index
      %swap3A_723 = arith.constant 432 : index
      %swap3A_724 = tpu.vector_load %arg7[%swap3A_721, %swap3A_722, %swap3A_723] {strides = array<i32>} : memref<2x32x512xf32, #tpu.memory_space<vmem>>, vector<1x1x16xf32>,
      %swap3A_725 = vector.shape_cast %swap3A_724 : vector<1x1x16xf32> to vector<16xf32>
      %swap3A_726 = vector.shape_cast %mul3A_718 : vector<16xf32> to vector<1x1x16xf32>
      tpu.vector_store %arg7[%swap3A_721, %swap3A_722, %swap3A_723], %swap3A_726 {strides = array<i32>} : memref<2x32x512xf32, #tpu.memory_space<vmem>>, vector<1x1x16xf32>,
      %add3A_727 = arith.constant 8192 : i32
      %add3A_728 = arith.addi %sub3A, %add3A_727 : i32
      %add3A_729 = arith.constant 192 : i32
      %add3A_730 = arith.addi %add3A_728, %add3A_729 : i32
      %get3A_731 = arith.constant 0 : i32
      %get3A_732 = arith.index_cast %get3A_731 : i32 to index
      %get3A_733 = arith.index_cast %add3A_730 : i32 to index
      %get3A_734 = tpu.vector_load %arg6[%get3A_732, %get3A_733] {strides = array<i32>} : memref<2x8448xf32, #tpu.memory_space<vmem>>, vector<1x16xf32>,
      %get3A_735 = vector.shape_cast %get3A_734 : vector<1x16xf32> to vector<16xf32>
      %get3A_736 = arith.constant 31 : i32
      %get3A_737 = arith.index_cast %get3A_736 : i32 to index
      %get3A_738 = arith.constant 448 : index
      %get3A_739 = tpu.vector_load %arg5[%get3A_737, %get3A_738] {strides = array<i32>} : memref<64x512xf32, #tpu.memory_space<vmem>>, vector<1x16xf32>,
      %get3A_740 = vector.shape_cast %get3A_739 : vector<1x16xf32> to vector<16xf32>
      %mul3A_741 = arith.mulf %get3A_740, %get3A_735 : vector<16xf32>
      %swap3A_742 = arith.constant 0 : i32
      %swap3A_743 = arith.constant 31 : i32
      %swap3A_744 = arith.index_cast %swap3A_742 : i32 to index
      %swap3A_745 = arith.index_cast %swap3A_743 : i32 to index
      %swap3A_746 = arith.constant 448 : index
      %swap3A_747 = tpu.vector_load %arg7[%swap3A_744, %swap3A_745, %swap3A_746] {strides = array<i32>} : memref<2x32x512xf32, #tpu.memory_space<vmem>>, vector<1x1x16xf32>,
      %swap3A_748 = vector.shape_cast %swap3A_747 : vector<1x1x16xf32> to vector<16xf32>
      %swap3A_749 = vector.shape_cast %mul3A_741 : vector<16xf32> to vector<1x1x16xf32>
      tpu.vector_store %arg7[%swap3A_744, %swap3A_745, %swap3A_746], %swap3A_749 {strides = array<i32>} : memref<2x32x512xf32, #tpu.memory_space<vmem>>, vector<1x1x16xf32>,
      %add3A_750 = arith.constant 8192 : i32
      %add3A_751 = arith.addi %sub3A, %add3A_750 : i32
      %add3A_752 = arith.constant 208 : i32
      %add3A_753 = arith.addi %add3A_751, %add3A_752 : i32
      %get3A_754 = arith.constant 0 : i32
      %get3A_755 = arith.index_cast %get3A_754 : i32 to index
      %get3A_756 = arith.index_cast %add3A_753 : i32 to index
      %get3A_757 = tpu.vector_load %arg6[%get3A_755, %get3A_756] {strides = array<i32>} : memref<2x8448xf32, #tpu.memory_space<vmem>>, vector<1x16xf32>,
      %get3A_758 = vector.shape_cast %get3A_757 : vector<1x16xf32> to vector<16xf32>
      %get3A_759 = arith.constant 31 : i32
      %get3A_760 = arith.index_cast %get3A_759 : i32 to index
      %get3A_761 = arith.constant 464 : index
      %get3A_762 = tpu.vector_load %arg5[%get3A_760, %get3A_761] {strides = array<i32>} : memref<64x512xf32, #tpu.memory_space<vmem>>, vector<1x16xf32>,
      %get3A_763 = vector.shape_cast %get3A_762 : vector<1x16xf32> to vector<16xf32>
      %mul3A_764 = arith.mulf %get3A_763, %get3A_758 : vector<16xf32>
      %swap3A_765 = arith.constant 0 : i32
      %swap3A_766 = arith.constant 31 : i32
      %swap3A_767 = arith.index_cast %swap3A_765 : i32 to index
      %swap3A_768 = arith.index_cast %swap3A_766 : i32 to index
      %swap3A_769 = arith.constant 464 : index
      %swap3A_770 = tpu.vector_load %arg7[%swap3A_767, %swap3A_768, %swap3A_769] {strides = array<i32>} : memref<2x32x512xf32, #tpu.memory_space<vmem>>, vector<1x1x16xf32>,
      %swap3A_771 = vector.shape_cast %swap3A_770 : vector<1x1x16xf32> to vector<16xf32>
      %swap3A_772 = vector.shape_cast %mul3A_764 : vector<16xf32> to vector<1x1x16xf32>
      tpu.vector_store %arg7[%swap3A_767, %swap3A_768, %swap3A_769], %swap3A_772 {strides = array<i32>} : memref<2x32x512xf32, #tpu.memory_space<vmem>>, vector<1x1x16xf32>,
      %add3A_773 = arith.constant 8192 : i32
      %add3A_774 = arith.addi %sub3A, %add3A_773 : i32
      %add3A_775 = arith.constant 224 : i32
      %add3A_776 = arith.addi %add3A_774, %add3A_775 : i32
      %get3A_777 = arith.constant 0 : i32
      %get3A_778 = arith.index_cast %get3A_777 : i32 to index
      %get3A_779 = arith.index_cast %add3A_776 : i32 to index
      %get3A_780 = tpu.vector_load %arg6[%get3A_778, %get3A_779] {strides = array<i32>} : memref<2x8448xf32, #tpu.memory_space<vmem>>, vector<1x16xf32>,
      %get3A_781 = vector.shape_cast %get3A_780 : vector<1x16xf32> to vector<16xf32>
      %get3A_782 = arith.constant 31 : i32
      %get3A_783 = arith.index_cast %get3A_782 : i32 to index
      %get3A_784 = arith.constant 480 : index
      %get3A_785 = tpu.vector_load %arg5[%get3A_783, %get3A_784] {strides = array<i32>} : memref<64x512xf32, #tpu.memory_space<vmem>>, vector<1x16xf32>,
      %get3A_786 = vector.shape_cast %get3A_785 : vector<1x16xf32> to vector<16xf32>
      %mul3A_787 = arith.mulf %get3A_786, %get3A_781 : vector<16xf32>
      %swap3A_788 = arith.constant 0 : i32
      %swap3A_789 = arith.constant 31 : i32
      %swap3A_790 = arith.index_cast %swap3A_788 : i32 to index
      %swap3A_791 = arith.index_cast %swap3A_789 : i32 to index
      %swap3A_792 = arith.constant 480 : index
      %swap3A_793 = tpu.vector_load %arg7[%swap3A_790, %swap3A_791, %swap3A_792] {strides = array<i32>} : memref<2x32x512xf32, #tpu.memory_space<vmem>>, vector<1x1x16xf32>,
      %swap3A_794 = vector.shape_cast %swap3A_793 : vector<1x1x16xf32> to vector<16xf32>
      %swap3A_795 = vector.shape_cast %mul3A_787 : vector<16xf32> to vector<1x1x16xf32>
      tpu.vector_store %arg7[%swap3A_790, %swap3A_791, %swap3A_792], %swap3A_795 {strides = array<i32>} : memref<2x32x512xf32, #tpu.memory_space<vmem>>, vector<1x1x16xf32>,
      %add3A_796 = arith.constant 8192 : i32
      %add3A_797 = arith.addi %sub3A, %add3A_796 : i32
      %add3A_798 = arith.constant 240 : i32
      %add3A_799 = arith.addi %add3A_797, %add3A_798 : i32
      %get3A_800 = arith.constant 0 : i32
      %get3A_801 = arith.index_cast %get3A_800 : i32 to index
      %get3A_802 = arith.index_cast %add3A_799 : i32 to index
      %get3A_803 = tpu.vector_load %arg6[%get3A_801, %get3A_802] {strides = array<i32>} : memref<2x8448xf32, #tpu.memory_space<vmem>>, vector<1x16xf32>,
      %get3A_804 = vector.shape_cast %get3A_803 : vector<1x16xf32> to vector<16xf32>
      %get3A_805 = arith.constant 31 : i32
      %get3A_806 = arith.index_cast %get3A_805 : i32 to index
      %get3A_807 = arith.constant 496 : index
      %get3A_808 = tpu.vector_load %arg5[%get3A_806, %get3A_807] {strides = array<i32>} : memref<64x512xf32, #tpu.memory_space<vmem>>, vector<1x16xf32>,
      %get3A_809 = vector.shape_cast %get3A_808 : vector<1x16xf32> to vector<16xf32>
      %mul3A_810 = arith.mulf %get3A_809, %get3A_804 : vector<16xf32>
      %swap3A_811 = arith.constant 0 : i32
      %swap3A_812 = arith.constant 31 : i32
      %swap3A_813 = arith.index_cast %swap3A_811 : i32 to index
      %swap3A_814 = arith.index_cast %swap3A_812 : i32 to index
      %swap3A_815 = arith.constant 496 : index
      %swap3A_816 = tpu.vector_load %arg7[%swap3A_813, %swap3A_814, %swap3A_815] {strides = array<i32>} : memref<2x32x512xf32, #tpu.memory_space<vmem>>, vector<1x1x16xf32>,
      %swap3A_817 = vector.shape_cast %swap3A_816 : vector<1x1x16xf32> to vector<16xf32>
      %swap3A_818 = vector.shape_cast %mul3A_810 : vector<16xf32> to vector<1x1x16xf32>
      tpu.vector_store %arg7[%swap3A_813, %swap3A_814, %swap3A_815], %swap3A_818 {strides = array<i32>} : memref<2x32x512xf32, #tpu.memory_space<vmem>>, vector<1x1x16xf32>,
      %add3A_819 = arith.constant 0 : i32
      %add3A_820 = arith.addi %mul3A_2, %add3A_819 : i32
      %dma_start3A_821 = arith.constant 0 : i32
      %dma_start3A_822 = arith.constant 0 : i32
      %dma_start3A_823 = arith.constant 0 : i32
      %dma_start3A_824 = arith.constant 0 : i32
      %dma_start3A_825 = tpu.memref_slice %arg7[%dma_start3A_821, %dma_start3A_823, %dma_start3A_824] : memref<2x32x512xf32, #tpu.memory_space<vmem>> -> memref<1x32x512xf32, #tpu.memory_space<vmem>>
      %dma_start3A_826 = tpu.memref_squeeze %dma_start3A_825 : memref<1x32x512xf32, #tpu.memory_space<vmem>> -> memref<32x512xf32, #tpu.memory_space<vmem>>
      %dma_start3A_827 = arith.constant 0 : i32
      %dma_start3A_828 = tpu.memref_slice %arg4[%scan3A_82, %add3A_820, %dma_start3A_827] : memref<32x2047x512xf32, #tpu.memory_space<hbm>> -> memref<1x32x512xf32, #tpu.memory_space<hbm>>
      %dma_start3A_829 = tpu.memref_squeeze %dma_start3A_828 : memref<1x32x512xf32, #tpu.memory_space<hbm>> -> memref<32x512xf32, #tpu.memory_space<hbm>>
      %dma_start3A_830 = tpu.memref_slice %arg9[%dma_start3A_822] : memref<2x!tpu.dma_semaphore, #tpu.memory_space<semaphore_mem>> -> memref<1x!tpu.dma_semaphore, #tpu.memory_space<semaphore_mem>>
      %dma_start3A_831 = tpu.memref_squeeze %dma_start3A_830 : memref<1x!tpu.dma_semaphore, #tpu.memory_space<semaphore_mem>> -> memref<!tpu.dma_semaphore, #tpu.memory_space<semaphore_mem>>
      %dma_start3A_832 = arith.constant 0 : i32
      %dma_start3A_833 = tpu.memref_slice %arg4[%scan3A_82, %add3A_820, %dma_start3A_832] : memref<32x2047x512xf32, #tpu.memory_space<hbm>> -> memref<1x32x512xf32, #tpu.memory_space<hbm>>
      %dma_start3A_834 = tpu.memref_squeeze %dma_start3A_833 : memref<1x32x512xf32, #tpu.memory_space<hbm>> -> memref<32x512xf32, #tpu.memory_space<hbm>>
      %dma_start3A_835 = arith.constant 0 : i32
      %dma_start3A_836 = arith.constant 0 : i32
      %dma_start3A_837 = tpu.memref_slice %arg7[%dma_start3A_821, %dma_start3A_835, %dma_start3A_836] : memref<2x32x512xf32, #tpu.memory_space<vmem>> -> memref<1x32x512xf32, #tpu.memory_space<vmem>>
      %dma_start3A_838 = tpu.memref_squeeze %dma_start3A_837 : memref<1x32x512xf32, #tpu.memory_space<vmem>> -> memref<32x512xf32, #tpu.memory_space<vmem>>
      tpu.enqueue_dma source(%dma_start3A_838 : memref<32x512xf32, #tpu.memory_space<vmem>>) target(%dma_start3A_834 : memref<32x512xf32, #tpu.memory_space<hbm>>) target_semaphore(%dma_start3A_831 : memref<!tpu.dma_semaphore, #tpu.memory_space<semaphore_mem>>)
      %add3A_839 = arith.constant 1 : i32
      %add3A_840 = arith.addi %scan3A_82, %add3A_839 : i32
      %lt3A = arith.constant 32 : i32
      %lt3A_841 = arith.cmpi slt, %add3A_840, %lt3A : i32
      %convert_element_type3A_842 = arith.extui %lt3A_841 : i1 to i32
      %cond3A_843 = arith.constant 0 : i32
      %cond3A_844 = arith.cmpi ne, %convert_element_type3A_842, %cond3A_843 : i32
      scf.if %cond3A_844 {
        %add3A_1681 = arith.constant 1 : i32
        %add3A_1682 = arith.addi %scan3A_82, %add3A_1681 : i32
        %add3A_1683 = arith.constant 0 : i32
        %add3A_1684 = arith.addi %mul3A_2, %add3A_1683 : i32
        %mul3A_1685 = arith.constant 256 : i32
        %mul3A_1686 = arith.muli %add3A_1684, %mul3A_1685 : i32
        %min3A_1687 = arith.constant 515840 : i32
        %min3A_1688 = arith.minsi %mul3A_1686, %min3A_1687 : i32
        %dma_start3A_1689 = arith.constant 0 : i32
        %dma_start3A_1690 = arith.constant 0 : i32
        %dma_start3A_1691 = arith.constant 0 : i32
        %dma_start3A_1692 = tpu.memref_slice %arg6[%dma_start3A_1689, %dma_start3A_1691] : memref<2x8448xf32, #tpu.memory_space<vmem>> -> memref<1x8448xf32, #tpu.memory_space<vmem>>
        %dma_start3A_1693 = tpu.memref_squeeze %dma_start3A_1692 : memref<1x8448xf32, #tpu.memory_space<vmem>> -> memref<8448xf32, #tpu.memory_space<vmem>>
        %dma_start3A_1694 = tpu.memref_slice %arg2[%add3A_1682, %min3A_1688] : memref<32x524288xf32, #tpu.memory_space<hbm>> -> memref<1x8448xf32, #tpu.memory_space<hbm>>
        %dma_start3A_1695 = tpu.memref_squeeze %dma_start3A_1694 : memref<1x8448xf32, #tpu.memory_space<hbm>> -> memref<8448xf32, #tpu.memory_space<hbm>>
        %dma_start3A_1696 = tpu.memref_slice %arg8[%dma_start3A_1690] : memref<2x!tpu.dma_semaphore, #tpu.memory_space<semaphore_mem>> -> memref<1x!tpu.dma_semaphore, #tpu.memory_space<semaphore_mem>>
        %dma_start3A_1697 = tpu.memref_squeeze %dma_start3A_1696 : memref<1x!tpu.dma_semaphore, #tpu.memory_space<semaphore_mem>> -> memref<!tpu.dma_semaphore, #tpu.memory_space<semaphore_mem>>
        %dma_start3A_1698 = arith.constant 0 : i32
        %dma_start3A_1699 = tpu.memref_slice %arg6[%dma_start3A_1689, %dma_start3A_1698] : memref<2x8448xf32, #tpu.memory_space<vmem>> -> memref<1x8448xf32, #tpu.memory_space<vmem>>
        %dma_start3A_1700 = tpu.memref_squeeze %dma_start3A_1699 : memref<1x8448xf32, #tpu.memory_space<vmem>> -> memref<8448xf32, #tpu.memory_space<vmem>>
        %dma_start3A_1701 = tpu.memref_slice %arg2[%add3A_1682, %min3A_1688] : memref<32x524288xf32, #tpu.memory_space<hbm>> -> memref<1x8448xf32, #tpu.memory_space<hbm>>
        %dma_start3A_1702 = tpu.memref_squeeze %dma_start3A_1701 : memref<1x8448xf32, #tpu.memory_space<hbm>> -> memref<8448xf32, #tpu.memory_space<hbm>>
        tpu.enqueue_dma source(%dma_start3A_1702 : memref<8448xf32, #tpu.memory_space<hbm>>) target(%dma_start3A_1700 : memref<8448xf32, #tpu.memory_space<vmem>>) target_semaphore(%dma_start3A_1697 : memref<!tpu.dma_semaphore, #tpu.memory_space<semaphore_mem>>)
      } else {
      }
      %add3A_845 = arith.constant 32 : i32
      %add3A_846 = arith.addi %mul3A_2, %add3A_845 : i32
      %add3A_847 = arith.constant 32 : i32
      %add3A_848 = arith.addi %mul3A_2, %add3A_847 : i32
      %mul3A_849 = arith.constant 256 : i32
      %mul3A_850 = arith.muli %add3A_848, %mul3A_849 : i32
      %min3A_851 = arith.constant 515840 : i32
      %min3A_852 = arith.minsi %mul3A_850, %min3A_851 : i32
      %dma_wait3A_853 = arith.constant 1 : i32
      %dma_wait3A_854 = arith.constant 1 : i32
      %dma_wait3A_855 = arith.constant 0 : i32
      %dma_wait3A_856 = tpu.memref_slice %arg6[%dma_wait3A_853, %dma_wait3A_855] : memref<2x8448xf32, #tpu.memory_space<vmem>> -> memref<1x8448xf32, #tpu.memory_space<vmem>>
      %dma_wait3A_857 = tpu.memref_squeeze %dma_wait3A_856 : memref<1x8448xf32, #tpu.memory_space<vmem>> -> memref<8448xf32, #tpu.memory_space<vmem>>
      %dma_wait3A_858 = tpu.memref_slice %arg2[%scan3A_82, %min3A_852] : memref<32x524288xf32, #tpu.memory_space<hbm>> -> memref<1x8448xf32, #tpu.memory_space<hbm>>
      %dma_wait3A_859 = tpu.memref_squeeze %dma_wait3A_858 : memref<1x8448xf32, #tpu.memory_space<hbm>> -> memref<8448xf32, #tpu.memory_space<hbm>>
      %dma_wait3A_860 = tpu.memref_slice %arg8[%dma_wait3A_854] : memref<2x!tpu.dma_semaphore, #tpu.memory_space<semaphore_mem>> -> memref<1x!tpu.dma_semaphore, #tpu.memory_space<semaphore_mem>>
      %dma_wait3A_861 = tpu.memref_squeeze %dma_wait3A_860 : memref<1x!tpu.dma_semaphore, #tpu.memory_space<semaphore_mem>> -> memref<!tpu.dma_semaphore, #tpu.memory_space<semaphore_mem>>
      %dma_wait3A_862 = arith.constant 0 : i32
      %dma_wait3A_863 = tpu.memref_slice %arg6[%dma_wait3A_853, %dma_wait3A_862] : memref<2x8448xf32, #tpu.memory_space<vmem>> -> memref<1x8448xf32, #tpu.memory_space<vmem>>
      %dma_wait3A_864 = tpu.memref_squeeze %dma_wait3A_863 : memref<1x8448xf32, #tpu.memory_space<vmem>> -> memref<8448xf32, #tpu.memory_space<vmem>>
      %dma_wait3A_865 = tpu.memref_slice %arg2[%scan3A_82, %min3A_852] : memref<32x524288xf32, #tpu.memory_space<hbm>> -> memref<1x8448xf32, #tpu.memory_space<hbm>>
      %dma_wait3A_866 = tpu.memref_squeeze %dma_wait3A_865 : memref<1x8448xf32, #tpu.memory_space<hbm>> -> memref<8448xf32, #tpu.memory_space<hbm>>
      tpu.wait_dma2 semaphore(%dma_wait3A_861 : memref<!tpu.dma_semaphore, #tpu.memory_space<semaphore_mem>>) src(%dma_wait3A_866 : memref<8448xf32, #tpu.memory_space<hbm>>) dst(%dma_wait3A_864 : memref<8448xf32, #tpu.memory_space<vmem>>)
      %ge3A_867 = arith.constant 1 : i32
      %ge3A_868 = arith.cmpi sge, %scan3A_82, %ge3A_867 : i32
      %convert_element_type3A_869 = arith.extui %ge3A_868 : i1 to i32
      %cond3A_870 = arith.constant 0 : i32
      %cond3A_871 = arith.cmpi ne, %convert_element_type3A_869, %cond3A_870 : i32
      scf.if %cond3A_871 {
        %not3A_1681 = arith.constant true
        %not3A_1682 = arith.xori %eq3A_3, %not3A_1681 : i1
        %convert_element_type3A_1683 = arith.extui %not3A_1682 : i1 to i32
        %cond3A_1684 = arith.constant 0 : i32
        %cond3A_1685 = arith.cmpi ne, %convert_element_type3A_1683, %cond3A_1684 : i32
        scf.if %cond3A_1685 {
          %sub3A_1689 = arith.constant 1 : i32
          %sub3A_1690 = arith.subi %scan3A_82, %sub3A_1689 : i32
          %add3A_1691 = arith.constant 32 : i32
          %add3A_1692 = arith.addi %mul3A_2, %add3A_1691 : i32
          %dma_wait3A_1693 = arith.constant 1 : i32
          %dma_wait3A_1694 = arith.constant 1 : i32
          %dma_wait3A_1695 = arith.constant 0 : i32
          %dma_wait3A_1696 = arith.constant 0 : i32
          %dma_wait3A_1697 = tpu.memref_slice %arg7[%dma_wait3A_1693, %dma_wait3A_1695, %dma_wait3A_1696] : memref<2x32x512xf32, #tpu.memory_space<vmem>> -> memref<1x32x512xf32, #tpu.memory_space<vmem>>
          %dma_wait3A_1698 = tpu.memref_squeeze %dma_wait3A_1697 : memref<1x32x512xf32, #tpu.memory_space<vmem>> -> memref<32x512xf32, #tpu.memory_space<vmem>>
          %dma_wait3A_1699 = arith.constant 0 : i32
          %dma_wait3A_1700 = tpu.memref_slice %arg4[%sub3A_1690, %add3A_1692, %dma_wait3A_1699] : memref<32x2047x512xf32, #tpu.memory_space<hbm>> -> memref<1x32x512xf32, #tpu.memory_space<hbm>>
          %dma_wait3A_1701 = tpu.memref_squeeze %dma_wait3A_1700 : memref<1x32x512xf32, #tpu.memory_space<hbm>> -> memref<32x512xf32, #tpu.memory_space<hbm>>
          %dma_wait3A_1702 = tpu.memref_slice %arg9[%dma_wait3A_1694] : memref<2x!tpu.dma_semaphore, #tpu.memory_space<semaphore_mem>> -> memref<1x!tpu.dma_semaphore, #tpu.memory_space<semaphore_mem>>
          %dma_wait3A_1703 = tpu.memref_squeeze %dma_wait3A_1702 : memref<1x!tpu.dma_semaphore, #tpu.memory_space<semaphore_mem>> -> memref<!tpu.dma_semaphore, #tpu.memory_space<semaphore_mem>>
          %dma_wait3A_1704 = arith.constant 0 : i32
          %dma_wait3A_1705 = tpu.memref_slice %arg4[%sub3A_1690, %add3A_1692, %dma_wait3A_1704] : memref<32x2047x512xf32, #tpu.memory_space<hbm>> -> memref<1x32x512xf32, #tpu.memory_space<hbm>>
          %dma_wait3A_1706 = tpu.memref_squeeze %dma_wait3A_1705 : memref<1x32x512xf32, #tpu.memory_space<hbm>> -> memref<32x512xf32, #tpu.memory_space<hbm>>
          %dma_wait3A_1707 = arith.constant 0 : i32
          %dma_wait3A_1708 = arith.constant 0 : i32
          %dma_wait3A_1709 = tpu.memref_slice %arg7[%dma_wait3A_1693, %dma_wait3A_1707, %dma_wait3A_1708] : memref<2x32x512xf32, #tpu.memory_space<vmem>> -> memref<1x32x512xf32, #tpu.memory_space<vmem>>
          %dma_wait3A_1710 = tpu.memref_squeeze %dma_wait3A_1709 : memref<1x32x512xf32, #tpu.memory_space<vmem>> -> memref<32x512xf32, #tpu.memory_space<vmem>>
          tpu.wait_dma2 semaphore(%dma_wait3A_1703 : memref<!tpu.dma_semaphore, #tpu.memory_space<semaphore_mem>>) src(%dma_wait3A_1710 : memref<32x512xf32, #tpu.memory_space<vmem>>) dst(%dma_wait3A_1706 : memref<32x512xf32, #tpu.memory_space<hbm>>)
        } else {
        }
        %convert_element_type3A_1686 = arith.extui %eq3A_3 : i1 to i32
        %cond3A_1687 = arith.constant 0 : i32
        %cond3A_1688 = arith.cmpi ne, %convert_element_type3A_1686, %cond3A_1687 : i32
        scf.if %cond3A_1688 {
          %sub3A_1689 = arith.constant 1 : i32
          %sub3A_1690 = arith.subi %scan3A_82, %sub3A_1689 : i32
          %add3A_1691 = arith.constant 32 : i32
          %add3A_1692 = arith.addi %mul3A_2, %add3A_1691 : i32
          %dma_wait3A_1693 = arith.constant 1 : i32
          %dma_wait3A_1694 = arith.constant 1 : i32
          %dma_wait3A_1695 = arith.constant 0 : i32
          %dma_wait3A_1696 = arith.constant 0 : i32
          %dma_wait3A_1697 = tpu.memref_slice %arg7[%dma_wait3A_1693, %dma_wait3A_1695, %dma_wait3A_1696] : memref<2x32x512xf32, #tpu.memory_space<vmem>> -> memref<1x31x512xf32, #tpu.memory_space<vmem>>
          %dma_wait3A_1698 = tpu.memref_squeeze %dma_wait3A_1697 : memref<1x31x512xf32, #tpu.memory_space<vmem>> -> memref<31x512xf32, #tpu.memory_space<vmem>>
          %dma_wait3A_1699 = arith.constant 0 : i32
          %dma_wait3A_1700 = tpu.memref_slice %arg4[%sub3A_1690, %add3A_1692, %dma_wait3A_1699] : memref<32x2047x512xf32, #tpu.memory_space<hbm>> -> memref<1x31x512xf32, #tpu.memory_space<hbm>>
          %dma_wait3A_1701 = tpu.memref_squeeze %dma_wait3A_1700 : memref<1x31x512xf32, #tpu.memory_space<hbm>> -> memref<31x512xf32, #tpu.memory_space<hbm>>
          %dma_wait3A_1702 = tpu.memref_slice %arg9[%dma_wait3A_1694] : memref<2x!tpu.dma_semaphore, #tpu.memory_space<semaphore_mem>> -> memref<1x!tpu.dma_semaphore, #tpu.memory_space<semaphore_mem>>
          %dma_wait3A_1703 = tpu.memref_squeeze %dma_wait3A_1702 : memref<1x!tpu.dma_semaphore, #tpu.memory_space<semaphore_mem>> -> memref<!tpu.dma_semaphore, #tpu.memory_space<semaphore_mem>>
          %dma_wait3A_1704 = arith.constant 0 : i32
          %dma_wait3A_1705 = tpu.memref_slice %arg4[%sub3A_1690, %add3A_1692, %dma_wait3A_1704] : memref<32x2047x512xf32, #tpu.memory_space<hbm>> -> memref<1x31x512xf32, #tpu.memory_space<hbm>>
          %dma_wait3A_1706 = tpu.memref_squeeze %dma_wait3A_1705 : memref<1x31x512xf32, #tpu.memory_space<hbm>> -> memref<31x512xf32, #tpu.memory_space<hbm>>
          %dma_wait3A_1707 = arith.constant 0 : i32
          %dma_wait3A_1708 = arith.constant 0 : i32
          %dma_wait3A_1709 = tpu.memref_slice %arg7[%dma_wait3A_1693, %dma_wait3A_1707, %dma_wait3A_1708] : memref<2x32x512xf32, #tpu.memory_space<vmem>> -> memref<1x31x512xf32, #tpu.memory_space<vmem>>
          %dma_wait3A_1710 = tpu.memref_squeeze %dma_wait3A_1709 : memref<1x31x512xf32, #tpu.memory_space<vmem>> -> memref<31x512xf32, #tpu.memory_space<vmem>>
          tpu.wait_dma2 semaphore(%dma_wait3A_1703 : memref<!tpu.dma_semaphore, #tpu.memory_space<semaphore_mem>>) src(%dma_wait3A_1710 : memref<31x512xf32, #tpu.memory_space<vmem>>) dst(%dma_wait3A_1706 : memref<31x512xf32, #tpu.memory_space<hbm>>)
        } else {
        }
      } else {
      }
      %mul3A_872 = arith.constant 256 : i32
      %mul3A_873 = arith.muli %add3A_846, %mul3A_872 : i32
      %mul3A_874 = arith.constant 256 : i32
      %mul3A_875 = arith.muli %add3A_846, %mul3A_874 : i32
      %min3A_876 = arith.constant 515840 : i32
      %min3A_877 = arith.minsi %mul3A_875, %min3A_876 : i32
      %sub3A_878 = arith.subi %mul3A_873, %min3A_877 : i32
      %jit3A = arith.constant 31 : i32
      %jit3A_879 = arith.constant 32 : i32
      %select_n3A = arith.select %eq3A_3, %jit3A, %jit3A_879 : i32
      %add3A_880 = arith.constant 0 : i32
      %add3A_881 = arith.addi %sub3A_878, %add3A_880 : i32
      %get3A_882 = arith.constant 1 : i32
      %get3A_883 = arith.index_cast %get3A_882 : i32 to index
      %get3A_884 = arith.index_cast %add3A_881 : i32 to index
      %get3A_885 = tpu.vector_load %arg6[%get3A_883, %get3A_884] {strides = array<i32>} : memref<2x8448xf32, #tpu.memory_space<vmem>>, vector<1x16xf32>,
      %get3A_886 = vector.shape_cast %get3A_885 : vector<1x16xf32> to vector<16xf32>
      %get3A_887 = arith.constant 32 : i32
      %get3A_888 = arith.index_cast %get3A_887 : i32 to index
      %get3A_889 = arith.constant 0 : index
      %get3A_890 = tpu.vector_load %arg5[%get3A_888, %get3A_889] {strides = array<i32>} : memref<64x512xf32, #tpu.memory_space<vmem>>, vector<1x16xf32>,
      %get3A_891 = vector.shape_cast %get3A_890 : vector<1x16xf32> to vector<16xf32>
      %mul3A_892 = arith.mulf %get3A_891, %get3A_886 : vector<16xf32>
      %swap3A_893 = arith.constant 1 : i32
      %swap3A_894 = arith.constant 0 : i32
      %swap3A_895 = arith.index_cast %swap3A_893 : i32 to index
      %swap3A_896 = arith.index_cast %swap3A_894 : i32 to index
      %swap3A_897 = arith.constant 0 : index
      %swap3A_898 = tpu.vector_load %arg7[%swap3A_895, %swap3A_896, %swap3A_897] {strides = array<i32>} : memref<2x32x512xf32, #tpu.memory_space<vmem>>, vector<1x1x16xf32>,
      %swap3A_899 = vector.shape_cast %swap3A_898 : vector<1x1x16xf32> to vector<16xf32>
      %swap3A_900 = vector.shape_cast %mul3A_892 : vector<16xf32> to vector<1x1x16xf32>
      tpu.vector_store %arg7[%swap3A_895, %swap3A_896, %swap3A_897], %swap3A_900 {strides = array<i32>} : memref<2x32x512xf32, #tpu.memory_space<vmem>>, vector<1x1x16xf32>,
      %add3A_901 = arith.constant 16 : i32
      %add3A_902 = arith.addi %sub3A_878, %add3A_901 : i32
      %get3A_903 = arith.constant 1 : i32
      %get3A_904 = arith.index_cast %get3A_903 : i32 to index
      %get3A_905 = arith.index_cast %add3A_902 : i32 to index
      %get3A_906 = tpu.vector_load %arg6[%get3A_904, %get3A_905] {strides = array<i32>} : memref<2x8448xf32, #tpu.memory_space<vmem>>, vector<1x16xf32>,
      %get3A_907 = vector.shape_cast %get3A_906 : vector<1x16xf32> to vector<16xf32>
      %get3A_908 = arith.constant 32 : i32
      %get3A_909 = arith.index_cast %get3A_908 : i32 to index
      %get3A_910 = arith.constant 16 : index
      %get3A_911 = tpu.vector_load %arg5[%get3A_909, %get3A_910] {strides = array<i32>} : memref<64x512xf32, #tpu.memory_space<vmem>>, vector<1x16xf32>,
      %get3A_912 = vector.shape_cast %get3A_911 : vector<1x16xf32> to vector<16xf32>
      %mul3A_913 = arith.mulf %get3A_912, %get3A_907 : vector<16xf32>
      %swap3A_914 = arith.constant 1 : i32
      %swap3A_915 = arith.constant 0 : i32
      %swap3A_916 = arith.index_cast %swap3A_914 : i32 to index
      %swap3A_917 = arith.index_cast %swap3A_915 : i32 to index
      %swap3A_918 = arith.constant 16 : index
      %swap3A_919 = tpu.vector_load %arg7[%swap3A_916, %swap3A_917, %swap3A_918] {strides = array<i32>} : memref<2x32x512xf32, #tpu.memory_space<vmem>>, vector<1x1x16xf32>,
      %swap3A_920 = vector.shape_cast %swap3A_919 : vector<1x1x16xf32> to vector<16xf32>
      %swap3A_921 = vector.shape_cast %mul3A_913 : vector<16xf32> to vector<1x1x16xf32>
      tpu.vector_store %arg7[%swap3A_916, %swap3A_917, %swap3A_918], %swap3A_921 {strides = array<i32>} : memref<2x32x512xf32, #tpu.memory_space<vmem>>, vector<1x1x16xf32>,
      %add3A_922 = arith.constant 32 : i32
      %add3A_923 = arith.addi %sub3A_878, %add3A_922 : i32
      %get3A_924 = arith.constant 1 : i32
      %get3A_925 = arith.index_cast %get3A_924 : i32 to index
      %get3A_926 = arith.index_cast %add3A_923 : i32 to index
      %get3A_927 = tpu.vector_load %arg6[%get3A_925, %get3A_926] {strides = array<i32>} : memref<2x8448xf32, #tpu.memory_space<vmem>>, vector<1x16xf32>,
      %get3A_928 = vector.shape_cast %get3A_927 : vector<1x16xf32> to vector<16xf32>
      %get3A_929 = arith.constant 32 : i32
      %get3A_930 = arith.index_cast %get3A_929 : i32 to index
      %get3A_931 = arith.constant 32 : index
      %get3A_932 = tpu.vector_load %arg5[%get3A_930, %get3A_931] {strides = array<i32>} : memref<64x512xf32, #tpu.memory_space<vmem>>, vector<1x16xf32>,
      %get3A_933 = vector.shape_cast %get3A_932 : vector<1x16xf32> to vector<16xf32>
      %mul3A_934 = arith.mulf %get3A_933, %get3A_928 : vector<16xf32>
      %swap3A_935 = arith.constant 1 : i32
      %swap3A_936 = arith.constant 0 : i32
      %swap3A_937 = arith.index_cast %swap3A_935 : i32 to index
      %swap3A_938 = arith.index_cast %swap3A_936 : i32 to index
      %swap3A_939 = arith.constant 32 : index
      %swap3A_940 = tpu.vector_load %arg7[%swap3A_937, %swap3A_938, %swap3A_939] {strides = array<i32>} : memref<2x32x512xf32, #tpu.memory_space<vmem>>, vector<1x1x16xf32>,
      %swap3A_941 = vector.shape_cast %swap3A_940 : vector<1x1x16xf32> to vector<16xf32>
      %swap3A_942 = vector.shape_cast %mul3A_934 : vector<16xf32> to vector<1x1x16xf32>
      tpu.vector_store %arg7[%swap3A_937, %swap3A_938, %swap3A_939], %swap3A_942 {strides = array<i32>} : memref<2x32x512xf32, #tpu.memory_space<vmem>>, vector<1x1x16xf32>,
      %add3A_943 = arith.constant 48 : i32
      %add3A_944 = arith.addi %sub3A_878, %add3A_943 : i32
      %get3A_945 = arith.constant 1 : i32
      %get3A_946 = arith.index_cast %get3A_945 : i32 to index
      %get3A_947 = arith.index_cast %add3A_944 : i32 to index
      %get3A_948 = tpu.vector_load %arg6[%get3A_946, %get3A_947] {strides = array<i32>} : memref<2x8448xf32, #tpu.memory_space<vmem>>, vector<1x16xf32>,
      %get3A_949 = vector.shape_cast %get3A_948 : vector<1x16xf32> to vector<16xf32>
      %get3A_950 = arith.constant 32 : i32
      %get3A_951 = arith.index_cast %get3A_950 : i32 to index
      %get3A_952 = arith.constant 48 : index
      %get3A_953 = tpu.vector_load %arg5[%get3A_951, %get3A_952] {strides = array<i32>} : memref<64x512xf32, #tpu.memory_space<vmem>>, vector<1x16xf32>,
      %get3A_954 = vector.shape_cast %get3A_953 : vector<1x16xf32> to vector<16xf32>
      %mul3A_955 = arith.mulf %get3A_954, %get3A_949 : vector<16xf32>
      %swap3A_956 = arith.constant 1 : i32
      %swap3A_957 = arith.constant 0 : i32
      %swap3A_958 = arith.index_cast %swap3A_956 : i32 to index
      %swap3A_959 = arith.index_cast %swap3A_957 : i32 to index
      %swap3A_960 = arith.constant 48 : index
      %swap3A_961 = tpu.vector_load %arg7[%swap3A_958, %swap3A_959, %swap3A_960] {strides = array<i32>} : memref<2x32x512xf32, #tpu.memory_space<vmem>>, vector<1x1x16xf32>,
      %swap3A_962 = vector.shape_cast %swap3A_961 : vector<1x1x16xf32> to vector<16xf32>
      %swap3A_963 = vector.shape_cast %mul3A_955 : vector<16xf32> to vector<1x1x16xf32>
      tpu.vector_store %arg7[%swap3A_958, %swap3A_959, %swap3A_960], %swap3A_963 {strides = array<i32>} : memref<2x32x512xf32, #tpu.memory_space<vmem>>, vector<1x1x16xf32>,
      %add3A_964 = arith.constant 64 : i32
      %add3A_965 = arith.addi %sub3A_878, %add3A_964 : i32
      %get3A_966 = arith.constant 1 : i32
      %get3A_967 = arith.index_cast %get3A_966 : i32 to index
      %get3A_968 = arith.index_cast %add3A_965 : i32 to index
      %get3A_969 = tpu.vector_load %arg6[%get3A_967, %get3A_968] {strides = array<i32>} : memref<2x8448xf32, #tpu.memory_space<vmem>>, vector<1x16xf32>,
      %get3A_970 = vector.shape_cast %get3A_969 : vector<1x16xf32> to vector<16xf32>
      %get3A_971 = arith.constant 32 : i32
      %get3A_972 = arith.index_cast %get3A_971 : i32 to index
      %get3A_973 = arith.constant 64 : index
      %get3A_974 = tpu.vector_load %arg5[%get3A_972, %get3A_973] {strides = array<i32>} : memref<64x512xf32, #tpu.memory_space<vmem>>, vector<1x16xf32>,
      %get3A_975 = vector.shape_cast %get3A_974 : vector<1x16xf32> to vector<16xf32>
      %mul3A_976 = arith.mulf %get3A_975, %get3A_970 : vector<16xf32>
      %swap3A_977 = arith.constant 1 : i32
      %swap3A_978 = arith.constant 0 : i32
      %swap3A_979 = arith.index_cast %swap3A_977 : i32 to index
      %swap3A_980 = arith.index_cast %swap3A_978 : i32 to index
      %swap3A_981 = arith.constant 64 : index
      %swap3A_982 = tpu.vector_load %arg7[%swap3A_979, %swap3A_980, %swap3A_981] {strides = array<i32>} : memref<2x32x512xf32, #tpu.memory_space<vmem>>, vector<1x1x16xf32>,
      %swap3A_983 = vector.shape_cast %swap3A_982 : vector<1x1x16xf32> to vector<16xf32>
      %swap3A_984 = vector.shape_cast %mul3A_976 : vector<16xf32> to vector<1x1x16xf32>
      tpu.vector_store %arg7[%swap3A_979, %swap3A_980, %swap3A_981], %swap3A_984 {strides = array<i32>} : memref<2x32x512xf32, #tpu.memory_space<vmem>>, vector<1x1x16xf32>,
      %add3A_985 = arith.constant 80 : i32
      %add3A_986 = arith.addi %sub3A_878, %add3A_985 : i32
      %get3A_987 = arith.constant 1 : i32
      %get3A_988 = arith.index_cast %get3A_987 : i32 to index
      %get3A_989 = arith.index_cast %add3A_986 : i32 to index
      %get3A_990 = tpu.vector_load %arg6[%get3A_988, %get3A_989] {strides = array<i32>} : memref<2x8448xf32, #tpu.memory_space<vmem>>, vector<1x16xf32>,
      %get3A_991 = vector.shape_cast %get3A_990 : vector<1x16xf32> to vector<16xf32>
      %get3A_992 = arith.constant 32 : i32
      %get3A_993 = arith.index_cast %get3A_992 : i32 to index
      %get3A_994 = arith.constant 80 : index
      %get3A_995 = tpu.vector_load %arg5[%get3A_993, %get3A_994] {strides = array<i32>} : memref<64x512xf32, #tpu.memory_space<vmem>>, vector<1x16xf32>,
      %get3A_996 = vector.shape_cast %get3A_995 : vector<1x16xf32> to vector<16xf32>
      %mul3A_997 = arith.mulf %get3A_996, %get3A_991 : vector<16xf32>
      %swap3A_998 = arith.constant 1 : i32
      %swap3A_999 = arith.constant 0 : i32
      %swap3A_1000 = arith.index_cast %swap3A_998 : i32 to index
      %swap3A_1001 = arith.index_cast %swap3A_999 : i32 to index
      %swap3A_1002 = arith.constant 80 : index
      %swap3A_1003 = tpu.vector_load %arg7[%swap3A_1000, %swap3A_1001, %swap3A_1002] {strides = array<i32>} : memref<2x32x512xf32, #tpu.memory_space<vmem>>, vector<1x1x16xf32>,
      %swap3A_1004 = vector.shape_cast %swap3A_1003 : vector<1x1x16xf32> to vector<16xf32>
      %swap3A_1005 = vector.shape_cast %mul3A_997 : vector<16xf32> to vector<1x1x16xf32>
      tpu.vector_store %arg7[%swap3A_1000, %swap3A_1001, %swap3A_1002], %swap3A_1005 {strides = array<i32>} : memref<2x32x512xf32, #tpu.memory_space<vmem>>, vector<1x1x16xf32>,
      %add3A_1006 = arith.constant 96 : i32
      %add3A_1007 = arith.addi %sub3A_878, %add3A_1006 : i32
      %get3A_1008 = arith.constant 1 : i32
      %get3A_1009 = arith.index_cast %get3A_1008 : i32 to index
      %get3A_1010 = arith.index_cast %add3A_1007 : i32 to index
      %get3A_1011 = tpu.vector_load %arg6[%get3A_1009, %get3A_1010] {strides = array<i32>} : memref<2x8448xf32, #tpu.memory_space<vmem>>, vector<1x16xf32>,
      %get3A_1012 = vector.shape_cast %get3A_1011 : vector<1x16xf32> to vector<16xf32>
      %get3A_1013 = arith.constant 32 : i32
      %get3A_1014 = arith.index_cast %get3A_1013 : i32 to index
      %get3A_1015 = arith.constant 96 : index
      %get3A_1016 = tpu.vector_load %arg5[%get3A_1014, %get3A_1015] {strides = array<i32>} : memref<64x512xf32, #tpu.memory_space<vmem>>, vector<1x16xf32>,
      %get3A_1017 = vector.shape_cast %get3A_1016 : vector<1x16xf32> to vector<16xf32>
      %mul3A_1018 = arith.mulf %get3A_1017, %get3A_1012 : vector<16xf32>
      %swap3A_1019 = arith.constant 1 : i32
      %swap3A_1020 = arith.constant 0 : i32
      %swap3A_1021 = arith.index_cast %swap3A_1019 : i32 to index
      %swap3A_1022 = arith.index_cast %swap3A_1020 : i32 to index
      %swap3A_1023 = arith.constant 96 : index
      %swap3A_1024 = tpu.vector_load %arg7[%swap3A_1021, %swap3A_1022, %swap3A_1023] {strides = array<i32>} : memref<2x32x512xf32, #tpu.memory_space<vmem>>, vector<1x1x16xf32>,
      %swap3A_1025 = vector.shape_cast %swap3A_1024 : vector<1x1x16xf32> to vector<16xf32>
      %swap3A_1026 = vector.shape_cast %mul3A_1018 : vector<16xf32> to vector<1x1x16xf32>
      tpu.vector_store %arg7[%swap3A_1021, %swap3A_1022, %swap3A_1023], %swap3A_1026 {strides = array<i32>} : memref<2x32x512xf32, #tpu.memory_space<vmem>>, vector<1x1x16xf32>,
      %add3A_1027 = arith.constant 112 : i32
      %add3A_1028 = arith.addi %sub3A_878, %add3A_1027 : i32
      %get3A_1029 = arith.constant 1 : i32
      %get3A_1030 = arith.index_cast %get3A_1029 : i32 to index
      %get3A_1031 = arith.index_cast %add3A_1028 : i32 to index
      %get3A_1032 = tpu.vector_load %arg6[%get3A_1030, %get3A_1031] {strides = array<i32>} : memref<2x8448xf32, #tpu.memory_space<vmem>>, vector<1x16xf32>,
      %get3A_1033 = vector.shape_cast %get3A_1032 : vector<1x16xf32> to vector<16xf32>
      %get3A_1034 = arith.constant 32 : i32
      %get3A_1035 = arith.index_cast %get3A_1034 : i32 to index
      %get3A_1036 = arith.constant 112 : index
      %get3A_1037 = tpu.vector_load %arg5[%get3A_1035, %get3A_1036] {strides = array<i32>} : memref<64x512xf32, #tpu.memory_space<vmem>>, vector<1x16xf32>,
      %get3A_1038 = vector.shape_cast %get3A_1037 : vector<1x16xf32> to vector<16xf32>
      %mul3A_1039 = arith.mulf %get3A_1038, %get3A_1033 : vector<16xf32>
      %swap3A_1040 = arith.constant 1 : i32
      %swap3A_1041 = arith.constant 0 : i32
      %swap3A_1042 = arith.index_cast %swap3A_1040 : i32 to index
      %swap3A_1043 = arith.index_cast %swap3A_1041 : i32 to index
      %swap3A_1044 = arith.constant 112 : index
      %swap3A_1045 = tpu.vector_load %arg7[%swap3A_1042, %swap3A_1043, %swap3A_1044] {strides = array<i32>} : memref<2x32x512xf32, #tpu.memory_space<vmem>>, vector<1x1x16xf32>,
      %swap3A_1046 = vector.shape_cast %swap3A_1045 : vector<1x1x16xf32> to vector<16xf32>
      %swap3A_1047 = vector.shape_cast %mul3A_1039 : vector<16xf32> to vector<1x1x16xf32>
      tpu.vector_store %arg7[%swap3A_1042, %swap3A_1043, %swap3A_1044], %swap3A_1047 {strides = array<i32>} : memref<2x32x512xf32, #tpu.memory_space<vmem>>, vector<1x1x16xf32>,
      %add3A_1048 = arith.constant 128 : i32
      %add3A_1049 = arith.addi %sub3A_878, %add3A_1048 : i32
      %get3A_1050 = arith.constant 1 : i32
      %get3A_1051 = arith.index_cast %get3A_1050 : i32 to index
      %get3A_1052 = arith.index_cast %add3A_1049 : i32 to index
      %get3A_1053 = tpu.vector_load %arg6[%get3A_1051, %get3A_1052] {strides = array<i32>} : memref<2x8448xf32, #tpu.memory_space<vmem>>, vector<1x16xf32>,
      %get3A_1054 = vector.shape_cast %get3A_1053 : vector<1x16xf32> to vector<16xf32>
      %get3A_1055 = arith.constant 32 : i32
      %get3A_1056 = arith.index_cast %get3A_1055 : i32 to index
      %get3A_1057 = arith.constant 128 : index
      %get3A_1058 = tpu.vector_load %arg5[%get3A_1056, %get3A_1057] {strides = array<i32>} : memref<64x512xf32, #tpu.memory_space<vmem>>, vector<1x16xf32>,
      %get3A_1059 = vector.shape_cast %get3A_1058 : vector<1x16xf32> to vector<16xf32>
      %mul3A_1060 = arith.mulf %get3A_1059, %get3A_1054 : vector<16xf32>
      %swap3A_1061 = arith.constant 1 : i32
      %swap3A_1062 = arith.constant 0 : i32
      %swap3A_1063 = arith.index_cast %swap3A_1061 : i32 to index
      %swap3A_1064 = arith.index_cast %swap3A_1062 : i32 to index
      %swap3A_1065 = arith.constant 128 : index
      %swap3A_1066 = tpu.vector_load %arg7[%swap3A_1063, %swap3A_1064, %swap3A_1065] {strides = array<i32>} : memref<2x32x512xf32, #tpu.memory_space<vmem>>, vector<1x1x16xf32>,
      %swap3A_1067 = vector.shape_cast %swap3A_1066 : vector<1x1x16xf32> to vector<16xf32>
      %swap3A_1068 = vector.shape_cast %mul3A_1060 : vector<16xf32> to vector<1x1x16xf32>
      tpu.vector_store %arg7[%swap3A_1063, %swap3A_1064, %swap3A_1065], %swap3A_1068 {strides = array<i32>} : memref<2x32x512xf32, #tpu.memory_space<vmem>>, vector<1x1x16xf32>,
      %add3A_1069 = arith.constant 144 : i32
      %add3A_1070 = arith.addi %sub3A_878, %add3A_1069 : i32
      %get3A_1071 = arith.constant 1 : i32
      %get3A_1072 = arith.index_cast %get3A_1071 : i32 to index
      %get3A_1073 = arith.index_cast %add3A_1070 : i32 to index
      %get3A_1074 = tpu.vector_load %arg6[%get3A_1072, %get3A_1073] {strides = array<i32>} : memref<2x8448xf32, #tpu.memory_space<vmem>>, vector<1x16xf32>,
      %get3A_1075 = vector.shape_cast %get3A_1074 : vector<1x16xf32> to vector<16xf32>
      %get3A_1076 = arith.constant 32 : i32
      %get3A_1077 = arith.index_cast %get3A_1076 : i32 to index
      %get3A_1078 = arith.constant 144 : index
      %get3A_1079 = tpu.vector_load %arg5[%get3A_1077, %get3A_1078] {strides = array<i32>} : memref<64x512xf32, #tpu.memory_space<vmem>>, vector<1x16xf32>,
      %get3A_1080 = vector.shape_cast %get3A_1079 : vector<1x16xf32> to vector<16xf32>
      %mul3A_1081 = arith.mulf %get3A_1080, %get3A_1075 : vector<16xf32>
      %swap3A_1082 = arith.constant 1 : i32
      %swap3A_1083 = arith.constant 0 : i32
      %swap3A_1084 = arith.index_cast %swap3A_1082 : i32 to index
      %swap3A_1085 = arith.index_cast %swap3A_1083 : i32 to index
      %swap3A_1086 = arith.constant 144 : index
      %swap3A_1087 = tpu.vector_load %arg7[%swap3A_1084, %swap3A_1085, %swap3A_1086] {strides = array<i32>} : memref<2x32x512xf32, #tpu.memory_space<vmem>>, vector<1x1x16xf32>,
      %swap3A_1088 = vector.shape_cast %swap3A_1087 : vector<1x1x16xf32> to vector<16xf32>
      %swap3A_1089 = vector.shape_cast %mul3A_1081 : vector<16xf32> to vector<1x1x16xf32>
      tpu.vector_store %arg7[%swap3A_1084, %swap3A_1085, %swap3A_1086], %swap3A_1089 {strides = array<i32>} : memref<2x32x512xf32, #tpu.memory_space<vmem>>, vector<1x1x16xf32>,
      %add3A_1090 = arith.constant 160 : i32
      %add3A_1091 = arith.addi %sub3A_878, %add3A_1090 : i32
      %get3A_1092 = arith.constant 1 : i32
      %get3A_1093 = arith.index_cast %get3A_1092 : i32 to index
      %get3A_1094 = arith.index_cast %add3A_1091 : i32 to index
      %get3A_1095 = tpu.vector_load %arg6[%get3A_1093, %get3A_1094] {strides = array<i32>} : memref<2x8448xf32, #tpu.memory_space<vmem>>, vector<1x16xf32>,
      %get3A_1096 = vector.shape_cast %get3A_1095 : vector<1x16xf32> to vector<16xf32>
      %get3A_1097 = arith.constant 32 : i32
      %get3A_1098 = arith.index_cast %get3A_1097 : i32 to index
      %get3A_1099 = arith.constant 160 : index
      %get3A_1100 = tpu.vector_load %arg5[%get3A_1098, %get3A_1099] {strides = array<i32>} : memref<64x512xf32, #tpu.memory_space<vmem>>, vector<1x16xf32>,
      %get3A_1101 = vector.shape_cast %get3A_1100 : vector<1x16xf32> to vector<16xf32>
      %mul3A_1102 = arith.mulf %get3A_1101, %get3A_1096 : vector<16xf32>
      %swap3A_1103 = arith.constant 1 : i32
      %swap3A_1104 = arith.constant 0 : i32
      %swap3A_1105 = arith.index_cast %swap3A_1103 : i32 to index
      %swap3A_1106 = arith.index_cast %swap3A_1104 : i32 to index
      %swap3A_1107 = arith.constant 160 : index
      %swap3A_1108 = tpu.vector_load %arg7[%swap3A_1105, %swap3A_1106, %swap3A_1107] {strides = array<i32>} : memref<2x32x512xf32, #tpu.memory_space<vmem>>, vector<1x1x16xf32>,
      %swap3A_1109 = vector.shape_cast %swap3A_1108 : vector<1x1x16xf32> to vector<16xf32>
      %swap3A_1110 = vector.shape_cast %mul3A_1102 : vector<16xf32> to vector<1x1x16xf32>
      tpu.vector_store %arg7[%swap3A_1105, %swap3A_1106, %swap3A_1107], %swap3A_1110 {strides = array<i32>} : memref<2x32x512xf32, #tpu.memory_space<vmem>>, vector<1x1x16xf32>,
      %add3A_1111 = arith.constant 176 : i32
      %add3A_1112 = arith.addi %sub3A_878, %add3A_1111 : i32
      %get3A_1113 = arith.constant 1 : i32
      %get3A_1114 = arith.index_cast %get3A_1113 : i32 to index
      %get3A_1115 = arith.index_cast %add3A_1112 : i32 to index
      %get3A_1116 = tpu.vector_load %arg6[%get3A_1114, %get3A_1115] {strides = array<i32>} : memref<2x8448xf32, #tpu.memory_space<vmem>>, vector<1x16xf32>,
      %get3A_1117 = vector.shape_cast %get3A_1116 : vector<1x16xf32> to vector<16xf32>
      %get3A_1118 = arith.constant 32 : i32
      %get3A_1119 = arith.index_cast %get3A_1118 : i32 to index
      %get3A_1120 = arith.constant 176 : index
      %get3A_1121 = tpu.vector_load %arg5[%get3A_1119, %get3A_1120] {strides = array<i32>} : memref<64x512xf32, #tpu.memory_space<vmem>>, vector<1x16xf32>,
      %get3A_1122 = vector.shape_cast %get3A_1121 : vector<1x16xf32> to vector<16xf32>
      %mul3A_1123 = arith.mulf %get3A_1122, %get3A_1117 : vector<16xf32>
      %swap3A_1124 = arith.constant 1 : i32
      %swap3A_1125 = arith.constant 0 : i32
      %swap3A_1126 = arith.index_cast %swap3A_1124 : i32 to index
      %swap3A_1127 = arith.index_cast %swap3A_1125 : i32 to index
      %swap3A_1128 = arith.constant 176 : index
      %swap3A_1129 = tpu.vector_load %arg7[%swap3A_1126, %swap3A_1127, %swap3A_1128] {strides = array<i32>} : memref<2x32x512xf32, #tpu.memory_space<vmem>>, vector<1x1x16xf32>,
      %swap3A_1130 = vector.shape_cast %swap3A_1129 : vector<1x1x16xf32> to vector<16xf32>
      %swap3A_1131 = vector.shape_cast %mul3A_1123 : vector<16xf32> to vector<1x1x16xf32>
      tpu.vector_store %arg7[%swap3A_1126, %swap3A_1127, %swap3A_1128], %swap3A_1131 {strides = array<i32>} : memref<2x32x512xf32, #tpu.memory_space<vmem>>, vector<1x1x16xf32>,
      %add3A_1132 = arith.constant 192 : i32
      %add3A_1133 = arith.addi %sub3A_878, %add3A_1132 : i32
      %get3A_1134 = arith.constant 1 : i32
      %get3A_1135 = arith.index_cast %get3A_1134 : i32 to index
      %get3A_1136 = arith.index_cast %add3A_1133 : i32 to index
      %get3A_1137 = tpu.vector_load %arg6[%get3A_1135, %get3A_1136] {strides = array<i32>} : memref<2x8448xf32, #tpu.memory_space<vmem>>, vector<1x16xf32>,
      %get3A_1138 = vector.shape_cast %get3A_1137 : vector<1x16xf32> to vector<16xf32>
      %get3A_1139 = arith.constant 32 : i32
      %get3A_1140 = arith.index_cast %get3A_1139 : i32 to index
      %get3A_1141 = arith.constant 192 : index
      %get3A_1142 = tpu.vector_load %arg5[%get3A_1140, %get3A_1141] {strides = array<i32>} : memref<64x512xf32, #tpu.memory_space<vmem>>, vector<1x16xf32>,
      %get3A_1143 = vector.shape_cast %get3A_1142 : vector<1x16xf32> to vector<16xf32>
      %mul3A_1144 = arith.mulf %get3A_1143, %get3A_1138 : vector<16xf32>
      %swap3A_1145 = arith.constant 1 : i32
      %swap3A_1146 = arith.constant 0 : i32
      %swap3A_1147 = arith.index_cast %swap3A_1145 : i32 to index
      %swap3A_1148 = arith.index_cast %swap3A_1146 : i32 to index
      %swap3A_1149 = arith.constant 192 : index
      %swap3A_1150 = tpu.vector_load %arg7[%swap3A_1147, %swap3A_1148, %swap3A_1149] {strides = array<i32>} : memref<2x32x512xf32, #tpu.memory_space<vmem>>, vector<1x1x16xf32>,
      %swap3A_1151 = vector.shape_cast %swap3A_1150 : vector<1x1x16xf32> to vector<16xf32>
      %swap3A_1152 = vector.shape_cast %mul3A_1144 : vector<16xf32> to vector<1x1x16xf32>
      tpu.vector_store %arg7[%swap3A_1147, %swap3A_1148, %swap3A_1149], %swap3A_1152 {strides = array<i32>} : memref<2x32x512xf32, #tpu.memory_space<vmem>>, vector<1x1x16xf32>,
      %add3A_1153 = arith.constant 208 : i32
      %add3A_1154 = arith.addi %sub3A_878, %add3A_1153 : i32
      %get3A_1155 = arith.constant 1 : i32
      %get3A_1156 = arith.index_cast %get3A_1155 : i32 to index
      %get3A_1157 = arith.index_cast %add3A_1154 : i32 to index
      %get3A_1158 = tpu.vector_load %arg6[%get3A_1156, %get3A_1157] {strides = array<i32>} : memref<2x8448xf32, #tpu.memory_space<vmem>>, vector<1x16xf32>,
      %get3A_1159 = vector.shape_cast %get3A_1158 : vector<1x16xf32> to vector<16xf32>
      %get3A_1160 = arith.constant 32 : i32
      %get3A_1161 = arith.index_cast %get3A_1160 : i32 to index
      %get3A_1162 = arith.constant 208 : index
      %get3A_1163 = tpu.vector_load %arg5[%get3A_1161, %get3A_1162] {strides = array<i32>} : memref<64x512xf32, #tpu.memory_space<vmem>>, vector<1x16xf32>,
      %get3A_1164 = vector.shape_cast %get3A_1163 : vector<1x16xf32> to vector<16xf32>
      %mul3A_1165 = arith.mulf %get3A_1164, %get3A_1159 : vector<16xf32>
      %swap3A_1166 = arith.constant 1 : i32
      %swap3A_1167 = arith.constant 0 : i32
      %swap3A_1168 = arith.index_cast %swap3A_1166 : i32 to index
      %swap3A_1169 = arith.index_cast %swap3A_1167 : i32 to index
      %swap3A_1170 = arith.constant 208 : index
      %swap3A_1171 = tpu.vector_load %arg7[%swap3A_1168, %swap3A_1169, %swap3A_1170] {strides = array<i32>} : memref<2x32x512xf32, #tpu.memory_space<vmem>>, vector<1x1x16xf32>,
      %swap3A_1172 = vector.shape_cast %swap3A_1171 : vector<1x1x16xf32> to vector<16xf32>
      %swap3A_1173 = vector.shape_cast %mul3A_1165 : vector<16xf32> to vector<1x1x16xf32>
      tpu.vector_store %arg7[%swap3A_1168, %swap3A_1169, %swap3A_1170], %swap3A_1173 {strides = array<i32>} : memref<2x32x512xf32, #tpu.memory_space<vmem>>, vector<1x1x16xf32>,
      %add3A_1174 = arith.constant 224 : i32
      %add3A_1175 = arith.addi %sub3A_878, %add3A_1174 : i32
      %get3A_1176 = arith.constant 1 : i32
      %get3A_1177 = arith.index_cast %get3A_1176 : i32 to index
      %get3A_1178 = arith.index_cast %add3A_1175 : i32 to index
      %get3A_1179 = tpu.vector_load %arg6[%get3A_1177, %get3A_1178] {strides = array<i32>} : memref<2x8448xf32, #tpu.memory_space<vmem>>, vector<1x16xf32>,
      %get3A_1180 = vector.shape_cast %get3A_1179 : vector<1x16xf32> to vector<16xf32>
      %get3A_1181 = arith.constant 32 : i32
      %get3A_1182 = arith.index_cast %get3A_1181 : i32 to index
      %get3A_1183 = arith.constant 224 : index
      %get3A_1184 = tpu.vector_load %arg5[%get3A_1182, %get3A_1183] {strides = array<i32>} : memref<64x512xf32, #tpu.memory_space<vmem>>, vector<1x16xf32>,
      %get3A_1185 = vector.shape_cast %get3A_1184 : vector<1x16xf32> to vector<16xf32>
      %mul3A_1186 = arith.mulf %get3A_1185, %get3A_1180 : vector<16xf32>
      %swap3A_1187 = arith.constant 1 : i32
      %swap3A_1188 = arith.constant 0 : i32
      %swap3A_1189 = arith.index_cast %swap3A_1187 : i32 to index
      %swap3A_1190 = arith.index_cast %swap3A_1188 : i32 to index
      %swap3A_1191 = arith.constant 224 : index
      %swap3A_1192 = tpu.vector_load %arg7[%swap3A_1189, %swap3A_1190, %swap3A_1191] {strides = array<i32>} : memref<2x32x512xf32, #tpu.memory_space<vmem>>, vector<1x1x16xf32>,
      %swap3A_1193 = vector.shape_cast %swap3A_1192 : vector<1x1x16xf32> to vector<16xf32>
      %swap3A_1194 = vector.shape_cast %mul3A_1186 : vector<16xf32> to vector<1x1x16xf32>
      tpu.vector_store %arg7[%swap3A_1189, %swap3A_1190, %swap3A_1191], %swap3A_1194 {strides = array<i32>} : memref<2x32x512xf32, #tpu.memory_space<vmem>>, vector<1x1x16xf32>,
      %add3A_1195 = arith.constant 240 : i32
      %add3A_1196 = arith.addi %sub3A_878, %add3A_1195 : i32
      %get3A_1197 = arith.constant 1 : i32
      %get3A_1198 = arith.index_cast %get3A_1197 : i32 to index
      %get3A_1199 = arith.index_cast %add3A_1196 : i32 to index
      %get3A_1200 = tpu.vector_load %arg6[%get3A_1198, %get3A_1199] {strides = array<i32>} : memref<2x8448xf32, #tpu.memory_space<vmem>>, vector<1x16xf32>,
      %get3A_1201 = vector.shape_cast %get3A_1200 : vector<1x16xf32> to vector<16xf32>
      %get3A_1202 = arith.constant 32 : i32
      %get3A_1203 = arith.index_cast %get3A_1202 : i32 to index
      %get3A_1204 = arith.constant 240 : index
      %get3A_1205 = tpu.vector_load %arg5[%get3A_1203, %get3A_1204] {strides = array<i32>} : memref<64x512xf32, #tpu.memory_space<vmem>>, vector<1x16xf32>,
      %get3A_1206 = vector.shape_cast %get3A_1205 : vector<1x16xf32> to vector<16xf32>
      %mul3A_1207 = arith.mulf %get3A_1206, %get3A_1201 : vector<16xf32>
      %swap3A_1208 = arith.constant 1 : i32
      %swap3A_1209 = arith.constant 0 : i32
      %swap3A_1210 = arith.index_cast %swap3A_1208 : i32 to index
      %swap3A_1211 = arith.index_cast %swap3A_1209 : i32 to index
      %swap3A_1212 = arith.constant 240 : index
      %swap3A_1213 = tpu.vector_load %arg7[%swap3A_1210, %swap3A_1211, %swap3A_1212] {strides = array<i32>} : memref<2x32x512xf32, #tpu.memory_space<vmem>>, vector<1x1x16xf32>,
      %swap3A_1214 = vector.shape_cast %swap3A_1213 : vector<1x1x16xf32> to vector<16xf32>
      %swap3A_1215 = vector.shape_cast %mul3A_1207 : vector<16xf32> to vector<1x1x16xf32>
      tpu.vector_store %arg7[%swap3A_1210, %swap3A_1211, %swap3A_1212], %swap3A_1215 {strides = array<i32>} : memref<2x32x512xf32, #tpu.memory_space<vmem>>, vector<1x1x16xf32>,
      %parallel_loop3A_1216 = arith.constant 1 : i32
      %parallel_loop3A_1217 = arith.constant 1 : i32
      scf.for %parallel_loop3A_1681 = %parallel_loop3A_1216 to %select_n3A step %parallel_loop3A_1217  : i32 {
        %parallel_loop3A_1682 = arith.constant 256 : i32
        %parallel_loop3A_1683 = arith.muli %parallel_loop3A_1681, %parallel_loop3A_1682 : i32
        %parallel_loop3A_1684 = arith.addi %sub3A_878, %parallel_loop3A_1683 : i32
        %parallel_loop3A_1685 = arith.constant 0 : i32
        %parallel_loop3A_1686 = arith.addi %parallel_loop3A_1684, %parallel_loop3A_1685 : i32
        %parallel_loop3A_1687 = arith.constant 1 : i32
        %parallel_loop3A_1688 = arith.index_cast %parallel_loop3A_1687 : i32 to index
        %parallel_loop3A_1689 = arith.index_cast %parallel_loop3A_1686 : i32 to index
        %parallel_loop3A_1690 = tpu.vector_load %arg6[%parallel_loop3A_1688, %parallel_loop3A_1689] {strides = array<i32>} : memref<2x8448xf32, #tpu.memory_space<vmem>>, vector<1x16xf32>,
        %parallel_loop3A_1691 = vector.shape_cast %parallel_loop3A_1690 : vector<1x16xf32> to vector<16xf32>
        %parallel_loop3A_1692 = arith.constant 32 : i32
        %parallel_loop3A_1693 = arith.addi %parallel_loop3A_1692, %parallel_loop3A_1681 : i32
        %parallel_loop3A_1694 = arith.index_cast %parallel_loop3A_1693 : i32 to index
        %parallel_loop3A_1695 = arith.constant 0 : index
        %parallel_loop3A_1696 = tpu.vector_load %arg5[%parallel_loop3A_1694, %parallel_loop3A_1695] {strides = array<i32>} : memref<64x512xf32, #tpu.memory_space<vmem>>, vector<1x16xf32>,
        %parallel_loop3A_1697 = vector.shape_cast %parallel_loop3A_1696 : vector<1x16xf32> to vector<16xf32>
        %parallel_loop3A_1698 = arith.mulf %parallel_loop3A_1697, %parallel_loop3A_1691 : vector<16xf32>
        %parallel_loop3A_1699 = arith.constant 1 : i32
        %parallel_loop3A_1700 = arith.index_cast %parallel_loop3A_1699 : i32 to index
        %parallel_loop3A_1701 = arith.index_cast %parallel_loop3A_1681 : i32 to index
        %parallel_loop3A_1702 = arith.constant 0 : index
        %parallel_loop3A_1703 = tpu.vector_load %arg7[%parallel_loop3A_1700, %parallel_loop3A_1701, %parallel_loop3A_1702] {strides = array<i32>} : memref<2x32x512xf32, #tpu.memory_space<vmem>>, vector<1x1x16xf32>,
        %parallel_loop3A_1704 = vector.shape_cast %parallel_loop3A_1703 : vector<1x1x16xf32> to vector<16xf32>
        %parallel_loop3A_1705 = vector.shape_cast %parallel_loop3A_1698 : vector<16xf32> to vector<1x1x16xf32>
        tpu.vector_store %arg7[%parallel_loop3A_1700, %parallel_loop3A_1701, %parallel_loop3A_1702], %parallel_loop3A_1705 {strides = array<i32>} : memref<2x32x512xf32, #tpu.memory_space<vmem>>, vector<1x1x16xf32>,
        %parallel_loop3A_1706 = arith.constant 32 : i32
        %parallel_loop3A_1707 = arith.addi %parallel_loop3A_1706, %parallel_loop3A_1681 : i32
        %parallel_loop3A_1708 = arith.constant 1 : i32
        %parallel_loop3A_1709 = arith.subi %parallel_loop3A_1707, %parallel_loop3A_1708 : i32
        %parallel_loop3A_1710 = arith.index_cast %parallel_loop3A_1709 : i32 to index
        %parallel_loop3A_1711 = arith.constant 256 : index
        %parallel_loop3A_1712 = tpu.vector_load %arg5[%parallel_loop3A_1710, %parallel_loop3A_1711] {strides = array<i32>} : memref<64x512xf32, #tpu.memory_space<vmem>>, vector<1x16xf32>,
        %parallel_loop3A_1713 = vector.shape_cast %parallel_loop3A_1712 : vector<1x16xf32> to vector<16xf32>
        %parallel_loop3A_1714 = arith.mulf %parallel_loop3A_1713, %parallel_loop3A_1691 : vector<16xf32>
        %parallel_loop3A_1715 = arith.constant 1 : i32
        %parallel_loop3A_1716 = arith.subi %parallel_loop3A_1681, %parallel_loop3A_1715 : i32
        %parallel_loop3A_1717 = arith.constant 1 : i32
        %parallel_loop3A_1718 = arith.index_cast %parallel_loop3A_1717 : i32 to index
        %parallel_loop3A_1719 = arith.index_cast %parallel_loop3A_1716 : i32 to index
        %parallel_loop3A_1720 = arith.constant 256 : index
        %parallel_loop3A_1721 = tpu.vector_load %arg7[%parallel_loop3A_1718, %parallel_loop3A_1719, %parallel_loop3A_1720] {strides = array<i32>} : memref<2x32x512xf32, #tpu.memory_space<vmem>>, vector<1x1x16xf32>,
        %parallel_loop3A_1722 = vector.shape_cast %parallel_loop3A_1721 : vector<1x1x16xf32> to vector<16xf32>
        %parallel_loop3A_1723 = vector.shape_cast %parallel_loop3A_1714 : vector<16xf32> to vector<1x1x16xf32>
        tpu.vector_store %arg7[%parallel_loop3A_1718, %parallel_loop3A_1719, %parallel_loop3A_1720], %parallel_loop3A_1723 {strides = array<i32>} : memref<2x32x512xf32, #tpu.memory_space<vmem>>, vector<1x1x16xf32>,
        %parallel_loop3A_1724 = arith.constant 256 : i32
        %parallel_loop3A_1725 = arith.muli %parallel_loop3A_1681, %parallel_loop3A_1724 : i32
        %parallel_loop3A_1726 = arith.addi %sub3A_878, %parallel_loop3A_1725 : i32
        %parallel_loop3A_1727 = arith.constant 16 : i32
        %parallel_loop3A_1728 = arith.addi %parallel_loop3A_1726, %parallel_loop3A_1727 : i32
        %parallel_loop3A_1729 = arith.constant 1 : i32
        %parallel_loop3A_1730 = arith.index_cast %parallel_loop3A_1729 : i32 to index
        %parallel_loop3A_1731 = arith.index_cast %parallel_loop3A_1728 : i32 to index
        %parallel_loop3A_1732 = tpu.vector_load %arg6[%parallel_loop3A_1730, %parallel_loop3A_1731] {strides = array<i32>} : memref<2x8448xf32, #tpu.memory_space<vmem>>, vector<1x16xf32>,
        %parallel_loop3A_1733 = vector.shape_cast %parallel_loop3A_1732 : vector<1x16xf32> to vector<16xf32>
        %parallel_loop3A_1734 = arith.constant 32 : i32
        %parallel_loop3A_1735 = arith.addi %parallel_loop3A_1734, %parallel_loop3A_1681 : i32
        %parallel_loop3A_1736 = arith.index_cast %parallel_loop3A_1735 : i32 to index
        %parallel_loop3A_1737 = arith.constant 16 : index
        %parallel_loop3A_1738 = tpu.vector_load %arg5[%parallel_loop3A_1736, %parallel_loop3A_1737] {strides = array<i32>} : memref<64x512xf32, #tpu.memory_space<vmem>>, vector<1x16xf32>,
        %parallel_loop3A_1739 = vector.shape_cast %parallel_loop3A_1738 : vector<1x16xf32> to vector<16xf32>
        %parallel_loop3A_1740 = arith.mulf %parallel_loop3A_1739, %parallel_loop3A_1733 : vector<16xf32>
        %parallel_loop3A_1741 = arith.constant 1 : i32
        %parallel_loop3A_1742 = arith.index_cast %parallel_loop3A_1741 : i32 to index
        %parallel_loop3A_1743 = arith.index_cast %parallel_loop3A_1681 : i32 to index
        %parallel_loop3A_1744 = arith.constant 16 : index
        %parallel_loop3A_1745 = tpu.vector_load %arg7[%parallel_loop3A_1742, %parallel_loop3A_1743, %parallel_loop3A_1744] {strides = array<i32>} : memref<2x32x512xf32, #tpu.memory_space<vmem>>, vector<1x1x16xf32>,
        %parallel_loop3A_1746 = vector.shape_cast %parallel_loop3A_1745 : vector<1x1x16xf32> to vector<16xf32>
        %parallel_loop3A_1747 = vector.shape_cast %parallel_loop3A_1740 : vector<16xf32> to vector<1x1x16xf32>
        tpu.vector_store %arg7[%parallel_loop3A_1742, %parallel_loop3A_1743, %parallel_loop3A_1744], %parallel_loop3A_1747 {strides = array<i32>} : memref<2x32x512xf32, #tpu.memory_space<vmem>>, vector<1x1x16xf32>,
        %parallel_loop3A_1748 = arith.constant 32 : i32
        %parallel_loop3A_1749 = arith.addi %parallel_loop3A_1748, %parallel_loop3A_1681 : i32
        %parallel_loop3A_1750 = arith.constant 1 : i32
        %parallel_loop3A_1751 = arith.subi %parallel_loop3A_1749, %parallel_loop3A_1750 : i32
        %parallel_loop3A_1752 = arith.index_cast %parallel_loop3A_1751 : i32 to index
        %parallel_loop3A_1753 = arith.constant 272 : index
        %parallel_loop3A_1754 = tpu.vector_load %arg5[%parallel_loop3A_1752, %parallel_loop3A_1753] {strides = array<i32>} : memref<64x512xf32, #tpu.memory_space<vmem>>, vector<1x16xf32>,
        %parallel_loop3A_1755 = vector.shape_cast %parallel_loop3A_1754 : vector<1x16xf32> to vector<16xf32>
        %parallel_loop3A_1756 = arith.mulf %parallel_loop3A_1755, %parallel_loop3A_1733 : vector<16xf32>
        %parallel_loop3A_1757 = arith.constant 1 : i32
        %parallel_loop3A_1758 = arith.subi %parallel_loop3A_1681, %parallel_loop3A_1757 : i32
        %parallel_loop3A_1759 = arith.constant 1 : i32
        %parallel_loop3A_1760 = arith.index_cast %parallel_loop3A_1759 : i32 to index
        %parallel_loop3A_1761 = arith.index_cast %parallel_loop3A_1758 : i32 to index
        %parallel_loop3A_1762 = arith.constant 272 : index
        %parallel_loop3A_1763 = tpu.vector_load %arg7[%parallel_loop3A_1760, %parallel_loop3A_1761, %parallel_loop3A_1762] {strides = array<i32>} : memref<2x32x512xf32, #tpu.memory_space<vmem>>, vector<1x1x16xf32>,
        %parallel_loop3A_1764 = vector.shape_cast %parallel_loop3A_1763 : vector<1x1x16xf32> to vector<16xf32>
        %parallel_loop3A_1765 = vector.shape_cast %parallel_loop3A_1756 : vector<16xf32> to vector<1x1x16xf32>
        tpu.vector_store %arg7[%parallel_loop3A_1760, %parallel_loop3A_1761, %parallel_loop3A_1762], %parallel_loop3A_1765 {strides = array<i32>} : memref<2x32x512xf32, #tpu.memory_space<vmem>>, vector<1x1x16xf32>,
        %parallel_loop3A_1766 = arith.constant 256 : i32
        %parallel_loop3A_1767 = arith.muli %parallel_loop3A_1681, %parallel_loop3A_1766 : i32
        %parallel_loop3A_1768 = arith.addi %sub3A_878, %parallel_loop3A_1767 : i32
        %parallel_loop3A_1769 = arith.constant 32 : i32
        %parallel_loop3A_1770 = arith.addi %parallel_loop3A_1768, %parallel_loop3A_1769 : i32
        %parallel_loop3A_1771 = arith.constant 1 : i32
        %parallel_loop3A_1772 = arith.index_cast %parallel_loop3A_1771 : i32 to index
        %parallel_loop3A_1773 = arith.index_cast %parallel_loop3A_1770 : i32 to index
        %parallel_loop3A_1774 = tpu.vector_load %arg6[%parallel_loop3A_1772, %parallel_loop3A_1773] {strides = array<i32>} : memref<2x8448xf32, #tpu.memory_space<vmem>>, vector<1x16xf32>,
        %parallel_loop3A_1775 = vector.shape_cast %parallel_loop3A_1774 : vector<1x16xf32> to vector<16xf32>
        %parallel_loop3A_1776 = arith.constant 32 : i32
        %parallel_loop3A_1777 = arith.addi %parallel_loop3A_1776, %parallel_loop3A_1681 : i32
        %parallel_loop3A_1778 = arith.index_cast %parallel_loop3A_1777 : i32 to index
        %parallel_loop3A_1779 = arith.constant 32 : index
        %parallel_loop3A_1780 = tpu.vector_load %arg5[%parallel_loop3A_1778, %parallel_loop3A_1779] {strides = array<i32>} : memref<64x512xf32, #tpu.memory_space<vmem>>, vector<1x16xf32>,
        %parallel_loop3A_1781 = vector.shape_cast %parallel_loop3A_1780 : vector<1x16xf32> to vector<16xf32>
        %parallel_loop3A_1782 = arith.mulf %parallel_loop3A_1781, %parallel_loop3A_1775 : vector<16xf32>
        %parallel_loop3A_1783 = arith.constant 1 : i32
        %parallel_loop3A_1784 = arith.index_cast %parallel_loop3A_1783 : i32 to index
        %parallel_loop3A_1785 = arith.index_cast %parallel_loop3A_1681 : i32 to index
        %parallel_loop3A_1786 = arith.constant 32 : index
        %parallel_loop3A_1787 = tpu.vector_load %arg7[%parallel_loop3A_1784, %parallel_loop3A_1785, %parallel_loop3A_1786] {strides = array<i32>} : memref<2x32x512xf32, #tpu.memory_space<vmem>>, vector<1x1x16xf32>,
        %parallel_loop3A_1788 = vector.shape_cast %parallel_loop3A_1787 : vector<1x1x16xf32> to vector<16xf32>
        %parallel_loop3A_1789 = vector.shape_cast %parallel_loop3A_1782 : vector<16xf32> to vector<1x1x16xf32>
        tpu.vector_store %arg7[%parallel_loop3A_1784, %parallel_loop3A_1785, %parallel_loop3A_1786], %parallel_loop3A_1789 {strides = array<i32>} : memref<2x32x512xf32, #tpu.memory_space<vmem>>, vector<1x1x16xf32>,
        %parallel_loop3A_1790 = arith.constant 32 : i32
        %parallel_loop3A_1791 = arith.addi %parallel_loop3A_1790, %parallel_loop3A_1681 : i32
        %parallel_loop3A_1792 = arith.constant 1 : i32
        %parallel_loop3A_1793 = arith.subi %parallel_loop3A_1791, %parallel_loop3A_1792 : i32
        %parallel_loop3A_1794 = arith.index_cast %parallel_loop3A_1793 : i32 to index
        %parallel_loop3A_1795 = arith.constant 288 : index
        %parallel_loop3A_1796 = tpu.vector_load %arg5[%parallel_loop3A_1794, %parallel_loop3A_1795] {strides = array<i32>} : memref<64x512xf32, #tpu.memory_space<vmem>>, vector<1x16xf32>,
        %parallel_loop3A_1797 = vector.shape_cast %parallel_loop3A_1796 : vector<1x16xf32> to vector<16xf32>
        %parallel_loop3A_1798 = arith.mulf %parallel_loop3A_1797, %parallel_loop3A_1775 : vector<16xf32>
        %parallel_loop3A_1799 = arith.constant 1 : i32
        %parallel_loop3A_1800 = arith.subi %parallel_loop3A_1681, %parallel_loop3A_1799 : i32
        %parallel_loop3A_1801 = arith.constant 1 : i32
        %parallel_loop3A_1802 = arith.index_cast %parallel_loop3A_1801 : i32 to index
        %parallel_loop3A_1803 = arith.index_cast %parallel_loop3A_1800 : i32 to index
        %parallel_loop3A_1804 = arith.constant 288 : index
        %parallel_loop3A_1805 = tpu.vector_load %arg7[%parallel_loop3A_1802, %parallel_loop3A_1803, %parallel_loop3A_1804] {strides = array<i32>} : memref<2x32x512xf32, #tpu.memory_space<vmem>>, vector<1x1x16xf32>,
        %parallel_loop3A_1806 = vector.shape_cast %parallel_loop3A_1805 : vector<1x1x16xf32> to vector<16xf32>
        %parallel_loop3A_1807 = vector.shape_cast %parallel_loop3A_1798 : vector<16xf32> to vector<1x1x16xf32>
        tpu.vector_store %arg7[%parallel_loop3A_1802, %parallel_loop3A_1803, %parallel_loop3A_1804], %parallel_loop3A_1807 {strides = array<i32>} : memref<2x32x512xf32, #tpu.memory_space<vmem>>, vector<1x1x16xf32>,
        %parallel_loop3A_1808 = arith.constant 256 : i32
        %parallel_loop3A_1809 = arith.muli %parallel_loop3A_1681, %parallel_loop3A_1808 : i32
        %parallel_loop3A_1810 = arith.addi %sub3A_878, %parallel_loop3A_1809 : i32
        %parallel_loop3A_1811 = arith.constant 48 : i32
        %parallel_loop3A_1812 = arith.addi %parallel_loop3A_1810, %parallel_loop3A_1811 : i32
        %parallel_loop3A_1813 = arith.constant 1 : i32
        %parallel_loop3A_1814 = arith.index_cast %parallel_loop3A_1813 : i32 to index
        %parallel_loop3A_1815 = arith.index_cast %parallel_loop3A_1812 : i32 to index
        %parallel_loop3A_1816 = tpu.vector_load %arg6[%parallel_loop3A_1814, %parallel_loop3A_1815] {strides = array<i32>} : memref<2x8448xf32, #tpu.memory_space<vmem>>, vector<1x16xf32>,
        %parallel_loop3A_1817 = vector.shape_cast %parallel_loop3A_1816 : vector<1x16xf32> to vector<16xf32>
        %parallel_loop3A_1818 = arith.constant 32 : i32
        %parallel_loop3A_1819 = arith.addi %parallel_loop3A_1818, %parallel_loop3A_1681 : i32
        %parallel_loop3A_1820 = arith.index_cast %parallel_loop3A_1819 : i32 to index
        %parallel_loop3A_1821 = arith.constant 48 : index
        %parallel_loop3A_1822 = tpu.vector_load %arg5[%parallel_loop3A_1820, %parallel_loop3A_1821] {strides = array<i32>} : memref<64x512xf32, #tpu.memory_space<vmem>>, vector<1x16xf32>,
        %parallel_loop3A_1823 = vector.shape_cast %parallel_loop3A_1822 : vector<1x16xf32> to vector<16xf32>
        %parallel_loop3A_1824 = arith.mulf %parallel_loop3A_1823, %parallel_loop3A_1817 : vector<16xf32>
        %parallel_loop3A_1825 = arith.constant 1 : i32
        %parallel_loop3A_1826 = arith.index_cast %parallel_loop3A_1825 : i32 to index
        %parallel_loop3A_1827 = arith.index_cast %parallel_loop3A_1681 : i32 to index
        %parallel_loop3A_1828 = arith.constant 48 : index
        %parallel_loop3A_1829 = tpu.vector_load %arg7[%parallel_loop3A_1826, %parallel_loop3A_1827, %parallel_loop3A_1828] {strides = array<i32>} : memref<2x32x512xf32, #tpu.memory_space<vmem>>, vector<1x1x16xf32>,
        %parallel_loop3A_1830 = vector.shape_cast %parallel_loop3A_1829 : vector<1x1x16xf32> to vector<16xf32>
        %parallel_loop3A_1831 = vector.shape_cast %parallel_loop3A_1824 : vector<16xf32> to vector<1x1x16xf32>
        tpu.vector_store %arg7[%parallel_loop3A_1826, %parallel_loop3A_1827, %parallel_loop3A_1828], %parallel_loop3A_1831 {strides = array<i32>} : memref<2x32x512xf32, #tpu.memory_space<vmem>>, vector<1x1x16xf32>,
        %parallel_loop3A_1832 = arith.constant 32 : i32
        %parallel_loop3A_1833 = arith.addi %parallel_loop3A_1832, %parallel_loop3A_1681 : i32
        %parallel_loop3A_1834 = arith.constant 1 : i32
        %parallel_loop3A_1835 = arith.subi %parallel_loop3A_1833, %parallel_loop3A_1834 : i32
        %parallel_loop3A_1836 = arith.index_cast %parallel_loop3A_1835 : i32 to index
        %parallel_loop3A_1837 = arith.constant 304 : index
        %parallel_loop3A_1838 = tpu.vector_load %arg5[%parallel_loop3A_1836, %parallel_loop3A_1837] {strides = array<i32>} : memref<64x512xf32, #tpu.memory_space<vmem>>, vector<1x16xf32>,
        %parallel_loop3A_1839 = vector.shape_cast %parallel_loop3A_1838 : vector<1x16xf32> to vector<16xf32>
        %parallel_loop3A_1840 = arith.mulf %parallel_loop3A_1839, %parallel_loop3A_1817 : vector<16xf32>
        %parallel_loop3A_1841 = arith.constant 1 : i32
        %parallel_loop3A_1842 = arith.subi %parallel_loop3A_1681, %parallel_loop3A_1841 : i32
        %parallel_loop3A_1843 = arith.constant 1 : i32
        %parallel_loop3A_1844 = arith.index_cast %parallel_loop3A_1843 : i32 to index
        %parallel_loop3A_1845 = arith.index_cast %parallel_loop3A_1842 : i32 to index
        %parallel_loop3A_1846 = arith.constant 304 : index
        %parallel_loop3A_1847 = tpu.vector_load %arg7[%parallel_loop3A_1844, %parallel_loop3A_1845, %parallel_loop3A_1846] {strides = array<i32>} : memref<2x32x512xf32, #tpu.memory_space<vmem>>, vector<1x1x16xf32>,
        %parallel_loop3A_1848 = vector.shape_cast %parallel_loop3A_1847 : vector<1x1x16xf32> to vector<16xf32>
        %parallel_loop3A_1849 = vector.shape_cast %parallel_loop3A_1840 : vector<16xf32> to vector<1x1x16xf32>
        tpu.vector_store %arg7[%parallel_loop3A_1844, %parallel_loop3A_1845, %parallel_loop3A_1846], %parallel_loop3A_1849 {strides = array<i32>} : memref<2x32x512xf32, #tpu.memory_space<vmem>>, vector<1x1x16xf32>,
        %parallel_loop3A_1850 = arith.constant 256 : i32
        %parallel_loop3A_1851 = arith.muli %parallel_loop3A_1681, %parallel_loop3A_1850 : i32
        %parallel_loop3A_1852 = arith.addi %sub3A_878, %parallel_loop3A_1851 : i32
        %parallel_loop3A_1853 = arith.constant 64 : i32
        %parallel_loop3A_1854 = arith.addi %parallel_loop3A_1852, %parallel_loop3A_1853 : i32
        %parallel_loop3A_1855 = arith.constant 1 : i32
        %parallel_loop3A_1856 = arith.index_cast %parallel_loop3A_1855 : i32 to index
        %parallel_loop3A_1857 = arith.index_cast %parallel_loop3A_1854 : i32 to index
        %parallel_loop3A_1858 = tpu.vector_load %arg6[%parallel_loop3A_1856, %parallel_loop3A_1857] {strides = array<i32>} : memref<2x8448xf32, #tpu.memory_space<vmem>>, vector<1x16xf32>,
        %parallel_loop3A_1859 = vector.shape_cast %parallel_loop3A_1858 : vector<1x16xf32> to vector<16xf32>
        %parallel_loop3A_1860 = arith.constant 32 : i32
        %parallel_loop3A_1861 = arith.addi %parallel_loop3A_1860, %parallel_loop3A_1681 : i32
        %parallel_loop3A_1862 = arith.index_cast %parallel_loop3A_1861 : i32 to index
        %parallel_loop3A_1863 = arith.constant 64 : index
        %parallel_loop3A_1864 = tpu.vector_load %arg5[%parallel_loop3A_1862, %parallel_loop3A_1863] {strides = array<i32>} : memref<64x512xf32, #tpu.memory_space<vmem>>, vector<1x16xf32>,
        %parallel_loop3A_1865 = vector.shape_cast %parallel_loop3A_1864 : vector<1x16xf32> to vector<16xf32>
        %parallel_loop3A_1866 = arith.mulf %parallel_loop3A_1865, %parallel_loop3A_1859 : vector<16xf32>
        %parallel_loop3A_1867 = arith.constant 1 : i32
        %parallel_loop3A_1868 = arith.index_cast %parallel_loop3A_1867 : i32 to index
        %parallel_loop3A_1869 = arith.index_cast %parallel_loop3A_1681 : i32 to index
        %parallel_loop3A_1870 = arith.constant 64 : index
        %parallel_loop3A_1871 = tpu.vector_load %arg7[%parallel_loop3A_1868, %parallel_loop3A_1869, %parallel_loop3A_1870] {strides = array<i32>} : memref<2x32x512xf32, #tpu.memory_space<vmem>>, vector<1x1x16xf32>,
        %parallel_loop3A_1872 = vector.shape_cast %parallel_loop3A_1871 : vector<1x1x16xf32> to vector<16xf32>
        %parallel_loop3A_1873 = vector.shape_cast %parallel_loop3A_1866 : vector<16xf32> to vector<1x1x16xf32>
        tpu.vector_store %arg7[%parallel_loop3A_1868, %parallel_loop3A_1869, %parallel_loop3A_1870], %parallel_loop3A_1873 {strides = array<i32>} : memref<2x32x512xf32, #tpu.memory_space<vmem>>, vector<1x1x16xf32>,
        %parallel_loop3A_1874 = arith.constant 32 : i32
        %parallel_loop3A_1875 = arith.addi %parallel_loop3A_1874, %parallel_loop3A_1681 : i32
        %parallel_loop3A_1876 = arith.constant 1 : i32
        %parallel_loop3A_1877 = arith.subi %parallel_loop3A_1875, %parallel_loop3A_1876 : i32
        %parallel_loop3A_1878 = arith.index_cast %parallel_loop3A_1877 : i32 to index
        %parallel_loop3A_1879 = arith.constant 320 : index
        %parallel_loop3A_1880 = tpu.vector_load %arg5[%parallel_loop3A_1878, %parallel_loop3A_1879] {strides = array<i32>} : memref<64x512xf32, #tpu.memory_space<vmem>>, vector<1x16xf32>,
        %parallel_loop3A_1881 = vector.shape_cast %parallel_loop3A_1880 : vector<1x16xf32> to vector<16xf32>
        %parallel_loop3A_1882 = arith.mulf %parallel_loop3A_1881, %parallel_loop3A_1859 : vector<16xf32>
        %parallel_loop3A_1883 = arith.constant 1 : i32
        %parallel_loop3A_1884 = arith.subi %parallel_loop3A_1681, %parallel_loop3A_1883 : i32
        %parallel_loop3A_1885 = arith.constant 1 : i32
        %parallel_loop3A_1886 = arith.index_cast %parallel_loop3A_1885 : i32 to index
        %parallel_loop3A_1887 = arith.index_cast %parallel_loop3A_1884 : i32 to index
        %parallel_loop3A_1888 = arith.constant 320 : index
        %parallel_loop3A_1889 = tpu.vector_load %arg7[%parallel_loop3A_1886, %parallel_loop3A_1887, %parallel_loop3A_1888] {strides = array<i32>} : memref<2x32x512xf32, #tpu.memory_space<vmem>>, vector<1x1x16xf32>,
        %parallel_loop3A_1890 = vector.shape_cast %parallel_loop3A_1889 : vector<1x1x16xf32> to vector<16xf32>
        %parallel_loop3A_1891 = vector.shape_cast %parallel_loop3A_1882 : vector<16xf32> to vector<1x1x16xf32>
        tpu.vector_store %arg7[%parallel_loop3A_1886, %parallel_loop3A_1887, %parallel_loop3A_1888], %parallel_loop3A_1891 {strides = array<i32>} : memref<2x32x512xf32, #tpu.memory_space<vmem>>, vector<1x1x16xf32>,
        %parallel_loop3A_1892 = arith.constant 256 : i32
        %parallel_loop3A_1893 = arith.muli %parallel_loop3A_1681, %parallel_loop3A_1892 : i32
        %parallel_loop3A_1894 = arith.addi %sub3A_878, %parallel_loop3A_1893 : i32
        %parallel_loop3A_1895 = arith.constant 80 : i32
        %parallel_loop3A_1896 = arith.addi %parallel_loop3A_1894, %parallel_loop3A_1895 : i32
        %parallel_loop3A_1897 = arith.constant 1 : i32
        %parallel_loop3A_1898 = arith.index_cast %parallel_loop3A_1897 : i32 to index
        %parallel_loop3A_1899 = arith.index_cast %parallel_loop3A_1896 : i32 to index
        %parallel_loop3A_1900 = tpu.vector_load %arg6[%parallel_loop3A_1898, %parallel_loop3A_1899] {strides = array<i32>} : memref<2x8448xf32, #tpu.memory_space<vmem>>, vector<1x16xf32>,
        %parallel_loop3A_1901 = vector.shape_cast %parallel_loop3A_1900 : vector<1x16xf32> to vector<16xf32>
        %parallel_loop3A_1902 = arith.constant 32 : i32
        %parallel_loop3A_1903 = arith.addi %parallel_loop3A_1902, %parallel_loop3A_1681 : i32
        %parallel_loop3A_1904 = arith.index_cast %parallel_loop3A_1903 : i32 to index
        %parallel_loop3A_1905 = arith.constant 80 : index
        %parallel_loop3A_1906 = tpu.vector_load %arg5[%parallel_loop3A_1904, %parallel_loop3A_1905] {strides = array<i32>} : memref<64x512xf32, #tpu.memory_space<vmem>>, vector<1x16xf32>,
        %parallel_loop3A_1907 = vector.shape_cast %parallel_loop3A_1906 : vector<1x16xf32> to vector<16xf32>
        %parallel_loop3A_1908 = arith.mulf %parallel_loop3A_1907, %parallel_loop3A_1901 : vector<16xf32>
        %parallel_loop3A_1909 = arith.constant 1 : i32
        %parallel_loop3A_1910 = arith.index_cast %parallel_loop3A_1909 : i32 to index
        %parallel_loop3A_1911 = arith.index_cast %parallel_loop3A_1681 : i32 to index
        %parallel_loop3A_1912 = arith.constant 80 : index
        %parallel_loop3A_1913 = tpu.vector_load %arg7[%parallel_loop3A_1910, %parallel_loop3A_1911, %parallel_loop3A_1912] {strides = array<i32>} : memref<2x32x512xf32, #tpu.memory_space<vmem>>, vector<1x1x16xf32>,
        %parallel_loop3A_1914 = vector.shape_cast %parallel_loop3A_1913 : vector<1x1x16xf32> to vector<16xf32>
        %parallel_loop3A_1915 = vector.shape_cast %parallel_loop3A_1908 : vector<16xf32> to vector<1x1x16xf32>
        tpu.vector_store %arg7[%parallel_loop3A_1910, %parallel_loop3A_1911, %parallel_loop3A_1912], %parallel_loop3A_1915 {strides = array<i32>} : memref<2x32x512xf32, #tpu.memory_space<vmem>>, vector<1x1x16xf32>,
        %parallel_loop3A_1916 = arith.constant 32 : i32
        %parallel_loop3A_1917 = arith.addi %parallel_loop3A_1916, %parallel_loop3A_1681 : i32
        %parallel_loop3A_1918 = arith.constant 1 : i32
        %parallel_loop3A_1919 = arith.subi %parallel_loop3A_1917, %parallel_loop3A_1918 : i32
        %parallel_loop3A_1920 = arith.index_cast %parallel_loop3A_1919 : i32 to index
        %parallel_loop3A_1921 = arith.constant 336 : index
        %parallel_loop3A_1922 = tpu.vector_load %arg5[%parallel_loop3A_1920, %parallel_loop3A_1921] {strides = array<i32>} : memref<64x512xf32, #tpu.memory_space<vmem>>, vector<1x16xf32>,
        %parallel_loop3A_1923 = vector.shape_cast %parallel_loop3A_1922 : vector<1x16xf32> to vector<16xf32>
        %parallel_loop3A_1924 = arith.mulf %parallel_loop3A_1923, %parallel_loop3A_1901 : vector<16xf32>
        %parallel_loop3A_1925 = arith.constant 1 : i32
        %parallel_loop3A_1926 = arith.subi %parallel_loop3A_1681, %parallel_loop3A_1925 : i32
        %parallel_loop3A_1927 = arith.constant 1 : i32
        %parallel_loop3A_1928 = arith.index_cast %parallel_loop3A_1927 : i32 to index
        %parallel_loop3A_1929 = arith.index_cast %parallel_loop3A_1926 : i32 to index
        %parallel_loop3A_1930 = arith.constant 336 : index
        %parallel_loop3A_1931 = tpu.vector_load %arg7[%parallel_loop3A_1928, %parallel_loop3A_1929, %parallel_loop3A_1930] {strides = array<i32>} : memref<2x32x512xf32, #tpu.memory_space<vmem>>, vector<1x1x16xf32>,
        %parallel_loop3A_1932 = vector.shape_cast %parallel_loop3A_1931 : vector<1x1x16xf32> to vector<16xf32>
        %parallel_loop3A_1933 = vector.shape_cast %parallel_loop3A_1924 : vector<16xf32> to vector<1x1x16xf32>
        tpu.vector_store %arg7[%parallel_loop3A_1928, %parallel_loop3A_1929, %parallel_loop3A_1930], %parallel_loop3A_1933 {strides = array<i32>} : memref<2x32x512xf32, #tpu.memory_space<vmem>>, vector<1x1x16xf32>,
        %parallel_loop3A_1934 = arith.constant 256 : i32
        %parallel_loop3A_1935 = arith.muli %parallel_loop3A_1681, %parallel_loop3A_1934 : i32
        %parallel_loop3A_1936 = arith.addi %sub3A_878, %parallel_loop3A_1935 : i32
        %parallel_loop3A_1937 = arith.constant 96 : i32
        %parallel_loop3A_1938 = arith.addi %parallel_loop3A_1936, %parallel_loop3A_1937 : i32
        %parallel_loop3A_1939 = arith.constant 1 : i32
        %parallel_loop3A_1940 = arith.index_cast %parallel_loop3A_1939 : i32 to index
        %parallel_loop3A_1941 = arith.index_cast %parallel_loop3A_1938 : i32 to index
        %parallel_loop3A_1942 = tpu.vector_load %arg6[%parallel_loop3A_1940, %parallel_loop3A_1941] {strides = array<i32>} : memref<2x8448xf32, #tpu.memory_space<vmem>>, vector<1x16xf32>,
        %parallel_loop3A_1943 = vector.shape_cast %parallel_loop3A_1942 : vector<1x16xf32> to vector<16xf32>
        %parallel_loop3A_1944 = arith.constant 32 : i32
        %parallel_loop3A_1945 = arith.addi %parallel_loop3A_1944, %parallel_loop3A_1681 : i32
        %parallel_loop3A_1946 = arith.index_cast %parallel_loop3A_1945 : i32 to index
        %parallel_loop3A_1947 = arith.constant 96 : index
        %parallel_loop3A_1948 = tpu.vector_load %arg5[%parallel_loop3A_1946, %parallel_loop3A_1947] {strides = array<i32>} : memref<64x512xf32, #tpu.memory_space<vmem>>, vector<1x16xf32>,
        %parallel_loop3A_1949 = vector.shape_cast %parallel_loop3A_1948 : vector<1x16xf32> to vector<16xf32>
        %parallel_loop3A_1950 = arith.mulf %parallel_loop3A_1949, %parallel_loop3A_1943 : vector<16xf32>
        %parallel_loop3A_1951 = arith.constant 1 : i32
        %parallel_loop3A_1952 = arith.index_cast %parallel_loop3A_1951 : i32 to index
        %parallel_loop3A_1953 = arith.index_cast %parallel_loop3A_1681 : i32 to index
        %parallel_loop3A_1954 = arith.constant 96 : index
        %parallel_loop3A_1955 = tpu.vector_load %arg7[%parallel_loop3A_1952, %parallel_loop3A_1953, %parallel_loop3A_1954] {strides = array<i32>} : memref<2x32x512xf32, #tpu.memory_space<vmem>>, vector<1x1x16xf32>,
        %parallel_loop3A_1956 = vector.shape_cast %parallel_loop3A_1955 : vector<1x1x16xf32> to vector<16xf32>
        %parallel_loop3A_1957 = vector.shape_cast %parallel_loop3A_1950 : vector<16xf32> to vector<1x1x16xf32>
        tpu.vector_store %arg7[%parallel_loop3A_1952, %parallel_loop3A_1953, %parallel_loop3A_1954], %parallel_loop3A_1957 {strides = array<i32>} : memref<2x32x512xf32, #tpu.memory_space<vmem>>, vector<1x1x16xf32>,
        %parallel_loop3A_1958 = arith.constant 32 : i32
        %parallel_loop3A_1959 = arith.addi %parallel_loop3A_1958, %parallel_loop3A_1681 : i32
        %parallel_loop3A_1960 = arith.constant 1 : i32
        %parallel_loop3A_1961 = arith.subi %parallel_loop3A_1959, %parallel_loop3A_1960 : i32
        %parallel_loop3A_1962 = arith.index_cast %parallel_loop3A_1961 : i32 to index
        %parallel_loop3A_1963 = arith.constant 352 : index
        %parallel_loop3A_1964 = tpu.vector_load %arg5[%parallel_loop3A_1962, %parallel_loop3A_1963] {strides = array<i32>} : memref<64x512xf32, #tpu.memory_space<vmem>>, vector<1x16xf32>,
        %parallel_loop3A_1965 = vector.shape_cast %parallel_loop3A_1964 : vector<1x16xf32> to vector<16xf32>
        %parallel_loop3A_1966 = arith.mulf %parallel_loop3A_1965, %parallel_loop3A_1943 : vector<16xf32>
        %parallel_loop3A_1967 = arith.constant 1 : i32
        %parallel_loop3A_1968 = arith.subi %parallel_loop3A_1681, %parallel_loop3A_1967 : i32
        %parallel_loop3A_1969 = arith.constant 1 : i32
        %parallel_loop3A_1970 = arith.index_cast %parallel_loop3A_1969 : i32 to index
        %parallel_loop3A_1971 = arith.index_cast %parallel_loop3A_1968 : i32 to index
        %parallel_loop3A_1972 = arith.constant 352 : index
        %parallel_loop3A_1973 = tpu.vector_load %arg7[%parallel_loop3A_1970, %parallel_loop3A_1971, %parallel_loop3A_1972] {strides = array<i32>} : memref<2x32x512xf32, #tpu.memory_space<vmem>>, vector<1x1x16xf32>,
        %parallel_loop3A_1974 = vector.shape_cast %parallel_loop3A_1973 : vector<1x1x16xf32> to vector<16xf32>
        %parallel_loop3A_1975 = vector.shape_cast %parallel_loop3A_1966 : vector<16xf32> to vector<1x1x16xf32>
        tpu.vector_store %arg7[%parallel_loop3A_1970, %parallel_loop3A_1971, %parallel_loop3A_1972], %parallel_loop3A_1975 {strides = array<i32>} : memref<2x32x512xf32, #tpu.memory_space<vmem>>, vector<1x1x16xf32>,
        %parallel_loop3A_1976 = arith.constant 256 : i32
        %parallel_loop3A_1977 = arith.muli %parallel_loop3A_1681, %parallel_loop3A_1976 : i32
        %parallel_loop3A_1978 = arith.addi %sub3A_878, %parallel_loop3A_1977 : i32
        %parallel_loop3A_1979 = arith.constant 112 : i32
        %parallel_loop3A_1980 = arith.addi %parallel_loop3A_1978, %parallel_loop3A_1979 : i32
        %parallel_loop3A_1981 = arith.constant 1 : i32
        %parallel_loop3A_1982 = arith.index_cast %parallel_loop3A_1981 : i32 to index
        %parallel_loop3A_1983 = arith.index_cast %parallel_loop3A_1980 : i32 to index
        %parallel_loop3A_1984 = tpu.vector_load %arg6[%parallel_loop3A_1982, %parallel_loop3A_1983] {strides = array<i32>} : memref<2x8448xf32, #tpu.memory_space<vmem>>, vector<1x16xf32>,
        %parallel_loop3A_1985 = vector.shape_cast %parallel_loop3A_1984 : vector<1x16xf32> to vector<16xf32>
        %parallel_loop3A_1986 = arith.constant 32 : i32
        %parallel_loop3A_1987 = arith.addi %parallel_loop3A_1986, %parallel_loop3A_1681 : i32
        %parallel_loop3A_1988 = arith.index_cast %parallel_loop3A_1987 : i32 to index
        %parallel_loop3A_1989 = arith.constant 112 : index
        %parallel_loop3A_1990 = tpu.vector_load %arg5[%parallel_loop3A_1988, %parallel_loop3A_1989] {strides = array<i32>} : memref<64x512xf32, #tpu.memory_space<vmem>>, vector<1x16xf32>,
        %parallel_loop3A_1991 = vector.shape_cast %parallel_loop3A_1990 : vector<1x16xf32> to vector<16xf32>
        %parallel_loop3A_1992 = arith.mulf %parallel_loop3A_1991, %parallel_loop3A_1985 : vector<16xf32>
        %parallel_loop3A_1993 = arith.constant 1 : i32
        %parallel_loop3A_1994 = arith.index_cast %parallel_loop3A_1993 : i32 to index
        %parallel_loop3A_1995 = arith.index_cast %parallel_loop3A_1681 : i32 to index
        %parallel_loop3A_1996 = arith.constant 112 : index
        %parallel_loop3A_1997 = tpu.vector_load %arg7[%parallel_loop3A_1994, %parallel_loop3A_1995, %parallel_loop3A_1996] {strides = array<i32>} : memref<2x32x512xf32, #tpu.memory_space<vmem>>, vector<1x1x16xf32>,
        %parallel_loop3A_1998 = vector.shape_cast %parallel_loop3A_1997 : vector<1x1x16xf32> to vector<16xf32>
        %parallel_loop3A_1999 = vector.shape_cast %parallel_loop3A_1992 : vector<16xf32> to vector<1x1x16xf32>
        tpu.vector_store %arg7[%parallel_loop3A_1994, %parallel_loop3A_1995, %parallel_loop3A_1996], %parallel_loop3A_1999 {strides = array<i32>} : memref<2x32x512xf32, #tpu.memory_space<vmem>>, vector<1x1x16xf32>,
        %parallel_loop3A_2000 = arith.constant 32 : i32
        %parallel_loop3A_2001 = arith.addi %parallel_loop3A_2000, %parallel_loop3A_1681 : i32
        %parallel_loop3A_2002 = arith.constant 1 : i32
        %parallel_loop3A_2003 = arith.subi %parallel_loop3A_2001, %parallel_loop3A_2002 : i32
        %parallel_loop3A_2004 = arith.index_cast %parallel_loop3A_2003 : i32 to index
        %parallel_loop3A_2005 = arith.constant 368 : index
        %parallel_loop3A_2006 = tpu.vector_load %arg5[%parallel_loop3A_2004, %parallel_loop3A_2005] {strides = array<i32>} : memref<64x512xf32, #tpu.memory_space<vmem>>, vector<1x16xf32>,
        %parallel_loop3A_2007 = vector.shape_cast %parallel_loop3A_2006 : vector<1x16xf32> to vector<16xf32>
        %parallel_loop3A_2008 = arith.mulf %parallel_loop3A_2007, %parallel_loop3A_1985 : vector<16xf32>
        %parallel_loop3A_2009 = arith.constant 1 : i32
        %parallel_loop3A_2010 = arith.subi %parallel_loop3A_1681, %parallel_loop3A_2009 : i32
        %parallel_loop3A_2011 = arith.constant 1 : i32
        %parallel_loop3A_2012 = arith.index_cast %parallel_loop3A_2011 : i32 to index
        %parallel_loop3A_2013 = arith.index_cast %parallel_loop3A_2010 : i32 to index
        %parallel_loop3A_2014 = arith.constant 368 : index
        %parallel_loop3A_2015 = tpu.vector_load %arg7[%parallel_loop3A_2012, %parallel_loop3A_2013, %parallel_loop3A_2014] {strides = array<i32>} : memref<2x32x512xf32, #tpu.memory_space<vmem>>, vector<1x1x16xf32>,
        %parallel_loop3A_2016 = vector.shape_cast %parallel_loop3A_2015 : vector<1x1x16xf32> to vector<16xf32>
        %parallel_loop3A_2017 = vector.shape_cast %parallel_loop3A_2008 : vector<16xf32> to vector<1x1x16xf32>
        tpu.vector_store %arg7[%parallel_loop3A_2012, %parallel_loop3A_2013, %parallel_loop3A_2014], %parallel_loop3A_2017 {strides = array<i32>} : memref<2x32x512xf32, #tpu.memory_space<vmem>>, vector<1x1x16xf32>,
        %parallel_loop3A_2018 = arith.constant 256 : i32
        %parallel_loop3A_2019 = arith.muli %parallel_loop3A_1681, %parallel_loop3A_2018 : i32
        %parallel_loop3A_2020 = arith.addi %sub3A_878, %parallel_loop3A_2019 : i32
        %parallel_loop3A_2021 = arith.constant 128 : i32
        %parallel_loop3A_2022 = arith.addi %parallel_loop3A_2020, %parallel_loop3A_2021 : i32
        %parallel_loop3A_2023 = arith.constant 1 : i32
        %parallel_loop3A_2024 = arith.index_cast %parallel_loop3A_2023 : i32 to index
        %parallel_loop3A_2025 = arith.index_cast %parallel_loop3A_2022 : i32 to index
        %parallel_loop3A_2026 = tpu.vector_load %arg6[%parallel_loop3A_2024, %parallel_loop3A_2025] {strides = array<i32>} : memref<2x8448xf32, #tpu.memory_space<vmem>>, vector<1x16xf32>,
        %parallel_loop3A_2027 = vector.shape_cast %parallel_loop3A_2026 : vector<1x16xf32> to vector<16xf32>
        %parallel_loop3A_2028 = arith.constant 32 : i32
        %parallel_loop3A_2029 = arith.addi %parallel_loop3A_2028, %parallel_loop3A_1681 : i32
        %parallel_loop3A_2030 = arith.index_cast %parallel_loop3A_2029 : i32 to index
        %parallel_loop3A_2031 = arith.constant 128 : index
        %parallel_loop3A_2032 = tpu.vector_load %arg5[%parallel_loop3A_2030, %parallel_loop3A_2031] {strides = array<i32>} : memref<64x512xf32, #tpu.memory_space<vmem>>, vector<1x16xf32>,
        %parallel_loop3A_2033 = vector.shape_cast %parallel_loop3A_2032 : vector<1x16xf32> to vector<16xf32>
        %parallel_loop3A_2034 = arith.mulf %parallel_loop3A_2033, %parallel_loop3A_2027 : vector<16xf32>
        %parallel_loop3A_2035 = arith.constant 1 : i32
        %parallel_loop3A_2036 = arith.index_cast %parallel_loop3A_2035 : i32 to index
        %parallel_loop3A_2037 = arith.index_cast %parallel_loop3A_1681 : i32 to index
        %parallel_loop3A_2038 = arith.constant 128 : index
        %parallel_loop3A_2039 = tpu.vector_load %arg7[%parallel_loop3A_2036, %parallel_loop3A_2037, %parallel_loop3A_2038] {strides = array<i32>} : memref<2x32x512xf32, #tpu.memory_space<vmem>>, vector<1x1x16xf32>,
        %parallel_loop3A_2040 = vector.shape_cast %parallel_loop3A_2039 : vector<1x1x16xf32> to vector<16xf32>
        %parallel_loop3A_2041 = vector.shape_cast %parallel_loop3A_2034 : vector<16xf32> to vector<1x1x16xf32>
        tpu.vector_store %arg7[%parallel_loop3A_2036, %parallel_loop3A_2037, %parallel_loop3A_2038], %parallel_loop3A_2041 {strides = array<i32>} : memref<2x32x512xf32, #tpu.memory_space<vmem>>, vector<1x1x16xf32>,
        %parallel_loop3A_2042 = arith.constant 32 : i32
        %parallel_loop3A_2043 = arith.addi %parallel_loop3A_2042, %parallel_loop3A_1681 : i32
        %parallel_loop3A_2044 = arith.constant 1 : i32
        %parallel_loop3A_2045 = arith.subi %parallel_loop3A_2043, %parallel_loop3A_2044 : i32
        %parallel_loop3A_2046 = arith.index_cast %parallel_loop3A_2045 : i32 to index
        %parallel_loop3A_2047 = arith.constant 384 : index
        %parallel_loop3A_2048 = tpu.vector_load %arg5[%parallel_loop3A_2046, %parallel_loop3A_2047] {strides = array<i32>} : memref<64x512xf32, #tpu.memory_space<vmem>>, vector<1x16xf32>,
        %parallel_loop3A_2049 = vector.shape_cast %parallel_loop3A_2048 : vector<1x16xf32> to vector<16xf32>
        %parallel_loop3A_2050 = arith.mulf %parallel_loop3A_2049, %parallel_loop3A_2027 : vector<16xf32>
        %parallel_loop3A_2051 = arith.constant 1 : i32
        %parallel_loop3A_2052 = arith.subi %parallel_loop3A_1681, %parallel_loop3A_2051 : i32
        %parallel_loop3A_2053 = arith.constant 1 : i32
        %parallel_loop3A_2054 = arith.index_cast %parallel_loop3A_2053 : i32 to index
        %parallel_loop3A_2055 = arith.index_cast %parallel_loop3A_2052 : i32 to index
        %parallel_loop3A_2056 = arith.constant 384 : index
        %parallel_loop3A_2057 = tpu.vector_load %arg7[%parallel_loop3A_2054, %parallel_loop3A_2055, %parallel_loop3A_2056] {strides = array<i32>} : memref<2x32x512xf32, #tpu.memory_space<vmem>>, vector<1x1x16xf32>,
        %parallel_loop3A_2058 = vector.shape_cast %parallel_loop3A_2057 : vector<1x1x16xf32> to vector<16xf32>
        %parallel_loop3A_2059 = vector.shape_cast %parallel_loop3A_2050 : vector<16xf32> to vector<1x1x16xf32>
        tpu.vector_store %arg7[%parallel_loop3A_2054, %parallel_loop3A_2055, %parallel_loop3A_2056], %parallel_loop3A_2059 {strides = array<i32>} : memref<2x32x512xf32, #tpu.memory_space<vmem>>, vector<1x1x16xf32>,
        %parallel_loop3A_2060 = arith.constant 256 : i32
        %parallel_loop3A_2061 = arith.muli %parallel_loop3A_1681, %parallel_loop3A_2060 : i32
        %parallel_loop3A_2062 = arith.addi %sub3A_878, %parallel_loop3A_2061 : i32
        %parallel_loop3A_2063 = arith.constant 144 : i32
        %parallel_loop3A_2064 = arith.addi %parallel_loop3A_2062, %parallel_loop3A_2063 : i32
        %parallel_loop3A_2065 = arith.constant 1 : i32
        %parallel_loop3A_2066 = arith.index_cast %parallel_loop3A_2065 : i32 to index
        %parallel_loop3A_2067 = arith.index_cast %parallel_loop3A_2064 : i32 to index
        %parallel_loop3A_2068 = tpu.vector_load %arg6[%parallel_loop3A_2066, %parallel_loop3A_2067] {strides = array<i32>} : memref<2x8448xf32, #tpu.memory_space<vmem>>, vector<1x16xf32>,
        %parallel_loop3A_2069 = vector.shape_cast %parallel_loop3A_2068 : vector<1x16xf32> to vector<16xf32>
        %parallel_loop3A_2070 = arith.constant 32 : i32
        %parallel_loop3A_2071 = arith.addi %parallel_loop3A_2070, %parallel_loop3A_1681 : i32
        %parallel_loop3A_2072 = arith.index_cast %parallel_loop3A_2071 : i32 to index
        %parallel_loop3A_2073 = arith.constant 144 : index
        %parallel_loop3A_2074 = tpu.vector_load %arg5[%parallel_loop3A_2072, %parallel_loop3A_2073] {strides = array<i32>} : memref<64x512xf32, #tpu.memory_space<vmem>>, vector<1x16xf32>,
        %parallel_loop3A_2075 = vector.shape_cast %parallel_loop3A_2074 : vector<1x16xf32> to vector<16xf32>
        %parallel_loop3A_2076 = arith.mulf %parallel_loop3A_2075, %parallel_loop3A_2069 : vector<16xf32>
        %parallel_loop3A_2077 = arith.constant 1 : i32
        %parallel_loop3A_2078 = arith.index_cast %parallel_loop3A_2077 : i32 to index
        %parallel_loop3A_2079 = arith.index_cast %parallel_loop3A_1681 : i32 to index
        %parallel_loop3A_2080 = arith.constant 144 : index
        %parallel_loop3A_2081 = tpu.vector_load %arg7[%parallel_loop3A_2078, %parallel_loop3A_2079, %parallel_loop3A_2080] {strides = array<i32>} : memref<2x32x512xf32, #tpu.memory_space<vmem>>, vector<1x1x16xf32>,
        %parallel_loop3A_2082 = vector.shape_cast %parallel_loop3A_2081 : vector<1x1x16xf32> to vector<16xf32>
        %parallel_loop3A_2083 = vector.shape_cast %parallel_loop3A_2076 : vector<16xf32> to vector<1x1x16xf32>
        tpu.vector_store %arg7[%parallel_loop3A_2078, %parallel_loop3A_2079, %parallel_loop3A_2080], %parallel_loop3A_2083 {strides = array<i32>} : memref<2x32x512xf32, #tpu.memory_space<vmem>>, vector<1x1x16xf32>,
        %parallel_loop3A_2084 = arith.constant 32 : i32
        %parallel_loop3A_2085 = arith.addi %parallel_loop3A_2084, %parallel_loop3A_1681 : i32
        %parallel_loop3A_2086 = arith.constant 1 : i32
        %parallel_loop3A_2087 = arith.subi %parallel_loop3A_2085, %parallel_loop3A_2086 : i32
        %parallel_loop3A_2088 = arith.index_cast %parallel_loop3A_2087 : i32 to index
        %parallel_loop3A_2089 = arith.constant 400 : index
        %parallel_loop3A_2090 = tpu.vector_load %arg5[%parallel_loop3A_2088, %parallel_loop3A_2089] {strides = array<i32>} : memref<64x512xf32, #tpu.memory_space<vmem>>, vector<1x16xf32>,
        %parallel_loop3A_2091 = vector.shape_cast %parallel_loop3A_2090 : vector<1x16xf32> to vector<16xf32>
        %parallel_loop3A_2092 = arith.mulf %parallel_loop3A_2091, %parallel_loop3A_2069 : vector<16xf32>
        %parallel_loop3A_2093 = arith.constant 1 : i32
        %parallel_loop3A_2094 = arith.subi %parallel_loop3A_1681, %parallel_loop3A_2093 : i32
        %parallel_loop3A_2095 = arith.constant 1 : i32
        %parallel_loop3A_2096 = arith.index_cast %parallel_loop3A_2095 : i32 to index
        %parallel_loop3A_2097 = arith.index_cast %parallel_loop3A_2094 : i32 to index
        %parallel_loop3A_2098 = arith.constant 400 : index
        %parallel_loop3A_2099 = tpu.vector_load %arg7[%parallel_loop3A_2096, %parallel_loop3A_2097, %parallel_loop3A_2098] {strides = array<i32>} : memref<2x32x512xf32, #tpu.memory_space<vmem>>, vector<1x1x16xf32>,
        %parallel_loop3A_2100 = vector.shape_cast %parallel_loop3A_2099 : vector<1x1x16xf32> to vector<16xf32>
        %parallel_loop3A_2101 = vector.shape_cast %parallel_loop3A_2092 : vector<16xf32> to vector<1x1x16xf32>
        tpu.vector_store %arg7[%parallel_loop3A_2096, %parallel_loop3A_2097, %parallel_loop3A_2098], %parallel_loop3A_2101 {strides = array<i32>} : memref<2x32x512xf32, #tpu.memory_space<vmem>>, vector<1x1x16xf32>,
        %parallel_loop3A_2102 = arith.constant 256 : i32
        %parallel_loop3A_2103 = arith.muli %parallel_loop3A_1681, %parallel_loop3A_2102 : i32
        %parallel_loop3A_2104 = arith.addi %sub3A_878, %parallel_loop3A_2103 : i32
        %parallel_loop3A_2105 = arith.constant 160 : i32
        %parallel_loop3A_2106 = arith.addi %parallel_loop3A_2104, %parallel_loop3A_2105 : i32
        %parallel_loop3A_2107 = arith.constant 1 : i32
        %parallel_loop3A_2108 = arith.index_cast %parallel_loop3A_2107 : i32 to index
        %parallel_loop3A_2109 = arith.index_cast %parallel_loop3A_2106 : i32 to index
        %parallel_loop3A_2110 = tpu.vector_load %arg6[%parallel_loop3A_2108, %parallel_loop3A_2109] {strides = array<i32>} : memref<2x8448xf32, #tpu.memory_space<vmem>>, vector<1x16xf32>,
        %parallel_loop3A_2111 = vector.shape_cast %parallel_loop3A_2110 : vector<1x16xf32> to vector<16xf32>
        %parallel_loop3A_2112 = arith.constant 32 : i32
        %parallel_loop3A_2113 = arith.addi %parallel_loop3A_2112, %parallel_loop3A_1681 : i32
        %parallel_loop3A_2114 = arith.index_cast %parallel_loop3A_2113 : i32 to index
        %parallel_loop3A_2115 = arith.constant 160 : index
        %parallel_loop3A_2116 = tpu.vector_load %arg5[%parallel_loop3A_2114, %parallel_loop3A_2115] {strides = array<i32>} : memref<64x512xf32, #tpu.memory_space<vmem>>, vector<1x16xf32>,
        %parallel_loop3A_2117 = vector.shape_cast %parallel_loop3A_2116 : vector<1x16xf32> to vector<16xf32>
        %parallel_loop3A_2118 = arith.mulf %parallel_loop3A_2117, %parallel_loop3A_2111 : vector<16xf32>
        %parallel_loop3A_2119 = arith.constant 1 : i32
        %parallel_loop3A_2120 = arith.index_cast %parallel_loop3A_2119 : i32 to index
        %parallel_loop3A_2121 = arith.index_cast %parallel_loop3A_1681 : i32 to index
        %parallel_loop3A_2122 = arith.constant 160 : index
        %parallel_loop3A_2123 = tpu.vector_load %arg7[%parallel_loop3A_2120, %parallel_loop3A_2121, %parallel_loop3A_2122] {strides = array<i32>} : memref<2x32x512xf32, #tpu.memory_space<vmem>>, vector<1x1x16xf32>,
        %parallel_loop3A_2124 = vector.shape_cast %parallel_loop3A_2123 : vector<1x1x16xf32> to vector<16xf32>
        %parallel_loop3A_2125 = vector.shape_cast %parallel_loop3A_2118 : vector<16xf32> to vector<1x1x16xf32>
        tpu.vector_store %arg7[%parallel_loop3A_2120, %parallel_loop3A_2121, %parallel_loop3A_2122], %parallel_loop3A_2125 {strides = array<i32>} : memref<2x32x512xf32, #tpu.memory_space<vmem>>, vector<1x1x16xf32>,
        %parallel_loop3A_2126 = arith.constant 32 : i32
        %parallel_loop3A_2127 = arith.addi %parallel_loop3A_2126, %parallel_loop3A_1681 : i32
        %parallel_loop3A_2128 = arith.constant 1 : i32
        %parallel_loop3A_2129 = arith.subi %parallel_loop3A_2127, %parallel_loop3A_2128 : i32
        %parallel_loop3A_2130 = arith.index_cast %parallel_loop3A_2129 : i32 to index
        %parallel_loop3A_2131 = arith.constant 416 : index
        %parallel_loop3A_2132 = tpu.vector_load %arg5[%parallel_loop3A_2130, %parallel_loop3A_2131] {strides = array<i32>} : memref<64x512xf32, #tpu.memory_space<vmem>>, vector<1x16xf32>,
        %parallel_loop3A_2133 = vector.shape_cast %parallel_loop3A_2132 : vector<1x16xf32> to vector<16xf32>
        %parallel_loop3A_2134 = arith.mulf %parallel_loop3A_2133, %parallel_loop3A_2111 : vector<16xf32>
        %parallel_loop3A_2135 = arith.constant 1 : i32
        %parallel_loop3A_2136 = arith.subi %parallel_loop3A_1681, %parallel_loop3A_2135 : i32
        %parallel_loop3A_2137 = arith.constant 1 : i32
        %parallel_loop3A_2138 = arith.index_cast %parallel_loop3A_2137 : i32 to index
        %parallel_loop3A_2139 = arith.index_cast %parallel_loop3A_2136 : i32 to index
        %parallel_loop3A_2140 = arith.constant 416 : index
        %parallel_loop3A_2141 = tpu.vector_load %arg7[%parallel_loop3A_2138, %parallel_loop3A_2139, %parallel_loop3A_2140] {strides = array<i32>} : memref<2x32x512xf32, #tpu.memory_space<vmem>>, vector<1x1x16xf32>,
        %parallel_loop3A_2142 = vector.shape_cast %parallel_loop3A_2141 : vector<1x1x16xf32> to vector<16xf32>
        %parallel_loop3A_2143 = vector.shape_cast %parallel_loop3A_2134 : vector<16xf32> to vector<1x1x16xf32>
        tpu.vector_store %arg7[%parallel_loop3A_2138, %parallel_loop3A_2139, %parallel_loop3A_2140], %parallel_loop3A_2143 {strides = array<i32>} : memref<2x32x512xf32, #tpu.memory_space<vmem>>, vector<1x1x16xf32>,
        %parallel_loop3A_2144 = arith.constant 256 : i32
        %parallel_loop3A_2145 = arith.muli %parallel_loop3A_1681, %parallel_loop3A_2144 : i32
        %parallel_loop3A_2146 = arith.addi %sub3A_878, %parallel_loop3A_2145 : i32
        %parallel_loop3A_2147 = arith.constant 176 : i32
        %parallel_loop3A_2148 = arith.addi %parallel_loop3A_2146, %parallel_loop3A_2147 : i32
        %parallel_loop3A_2149 = arith.constant 1 : i32
        %parallel_loop3A_2150 = arith.index_cast %parallel_loop3A_2149 : i32 to index
        %parallel_loop3A_2151 = arith.index_cast %parallel_loop3A_2148 : i32 to index
        %parallel_loop3A_2152 = tpu.vector_load %arg6[%parallel_loop3A_2150, %parallel_loop3A_2151] {strides = array<i32>} : memref<2x8448xf32, #tpu.memory_space<vmem>>, vector<1x16xf32>,
        %parallel_loop3A_2153 = vector.shape_cast %parallel_loop3A_2152 : vector<1x16xf32> to vector<16xf32>
        %parallel_loop3A_2154 = arith.constant 32 : i32
        %parallel_loop3A_2155 = arith.addi %parallel_loop3A_2154, %parallel_loop3A_1681 : i32
        %parallel_loop3A_2156 = arith.index_cast %parallel_loop3A_2155 : i32 to index
        %parallel_loop3A_2157 = arith.constant 176 : index
        %parallel_loop3A_2158 = tpu.vector_load %arg5[%parallel_loop3A_2156, %parallel_loop3A_2157] {strides = array<i32>} : memref<64x512xf32, #tpu.memory_space<vmem>>, vector<1x16xf32>,
        %parallel_loop3A_2159 = vector.shape_cast %parallel_loop3A_2158 : vector<1x16xf32> to vector<16xf32>
        %parallel_loop3A_2160 = arith.mulf %parallel_loop3A_2159, %parallel_loop3A_2153 : vector<16xf32>
        %parallel_loop3A_2161 = arith.constant 1 : i32
        %parallel_loop3A_2162 = arith.index_cast %parallel_loop3A_2161 : i32 to index
        %parallel_loop3A_2163 = arith.index_cast %parallel_loop3A_1681 : i32 to index
        %parallel_loop3A_2164 = arith.constant 176 : index
        %parallel_loop3A_2165 = tpu.vector_load %arg7[%parallel_loop3A_2162, %parallel_loop3A_2163, %parallel_loop3A_2164] {strides = array<i32>} : memref<2x32x512xf32, #tpu.memory_space<vmem>>, vector<1x1x16xf32>,
        %parallel_loop3A_2166 = vector.shape_cast %parallel_loop3A_2165 : vector<1x1x16xf32> to vector<16xf32>
        %parallel_loop3A_2167 = vector.shape_cast %parallel_loop3A_2160 : vector<16xf32> to vector<1x1x16xf32>
        tpu.vector_store %arg7[%parallel_loop3A_2162, %parallel_loop3A_2163, %parallel_loop3A_2164], %parallel_loop3A_2167 {strides = array<i32>} : memref<2x32x512xf32, #tpu.memory_space<vmem>>, vector<1x1x16xf32>,
        %parallel_loop3A_2168 = arith.constant 32 : i32
        %parallel_loop3A_2169 = arith.addi %parallel_loop3A_2168, %parallel_loop3A_1681 : i32
        %parallel_loop3A_2170 = arith.constant 1 : i32
        %parallel_loop3A_2171 = arith.subi %parallel_loop3A_2169, %parallel_loop3A_2170 : i32
        %parallel_loop3A_2172 = arith.index_cast %parallel_loop3A_2171 : i32 to index
        %parallel_loop3A_2173 = arith.constant 432 : index
        %parallel_loop3A_2174 = tpu.vector_load %arg5[%parallel_loop3A_2172, %parallel_loop3A_2173] {strides = array<i32>} : memref<64x512xf32, #tpu.memory_space<vmem>>, vector<1x16xf32>,
        %parallel_loop3A_2175 = vector.shape_cast %parallel_loop3A_2174 : vector<1x16xf32> to vector<16xf32>
        %parallel_loop3A_2176 = arith.mulf %parallel_loop3A_2175, %parallel_loop3A_2153 : vector<16xf32>
        %parallel_loop3A_2177 = arith.constant 1 : i32
        %parallel_loop3A_2178 = arith.subi %parallel_loop3A_1681, %parallel_loop3A_2177 : i32
        %parallel_loop3A_2179 = arith.constant 1 : i32
        %parallel_loop3A_2180 = arith.index_cast %parallel_loop3A_2179 : i32 to index
        %parallel_loop3A_2181 = arith.index_cast %parallel_loop3A_2178 : i32 to index
        %parallel_loop3A_2182 = arith.constant 432 : index
        %parallel_loop3A_2183 = tpu.vector_load %arg7[%parallel_loop3A_2180, %parallel_loop3A_2181, %parallel_loop3A_2182] {strides = array<i32>} : memref<2x32x512xf32, #tpu.memory_space<vmem>>, vector<1x1x16xf32>,
        %parallel_loop3A_2184 = vector.shape_cast %parallel_loop3A_2183 : vector<1x1x16xf32> to vector<16xf32>
        %parallel_loop3A_2185 = vector.shape_cast %parallel_loop3A_2176 : vector<16xf32> to vector<1x1x16xf32>
        tpu.vector_store %arg7[%parallel_loop3A_2180, %parallel_loop3A_2181, %parallel_loop3A_2182], %parallel_loop3A_2185 {strides = array<i32>} : memref<2x32x512xf32, #tpu.memory_space<vmem>>, vector<1x1x16xf32>,
        %parallel_loop3A_2186 = arith.constant 256 : i32
        %parallel_loop3A_2187 = arith.muli %parallel_loop3A_1681, %parallel_loop3A_2186 : i32
        %parallel_loop3A_2188 = arith.addi %sub3A_878, %parallel_loop3A_2187 : i32
        %parallel_loop3A_2189 = arith.constant 192 : i32
        %parallel_loop3A_2190 = arith.addi %parallel_loop3A_2188, %parallel_loop3A_2189 : i32
        %parallel_loop3A_2191 = arith.constant 1 : i32
        %parallel_loop3A_2192 = arith.index_cast %parallel_loop3A_2191 : i32 to index
        %parallel_loop3A_2193 = arith.index_cast %parallel_loop3A_2190 : i32 to index
        %parallel_loop3A_2194 = tpu.vector_load %arg6[%parallel_loop3A_2192, %parallel_loop3A_2193] {strides = array<i32>} : memref<2x8448xf32, #tpu.memory_space<vmem>>, vector<1x16xf32>,
        %parallel_loop3A_2195 = vector.shape_cast %parallel_loop3A_2194 : vector<1x16xf32> to vector<16xf32>
        %parallel_loop3A_2196 = arith.constant 32 : i32
        %parallel_loop3A_2197 = arith.addi %parallel_loop3A_2196, %parallel_loop3A_1681 : i32
        %parallel_loop3A_2198 = arith.index_cast %parallel_loop3A_2197 : i32 to index
        %parallel_loop3A_2199 = arith.constant 192 : index
        %parallel_loop3A_2200 = tpu.vector_load %arg5[%parallel_loop3A_2198, %parallel_loop3A_2199] {strides = array<i32>} : memref<64x512xf32, #tpu.memory_space<vmem>>, vector<1x16xf32>,
        %parallel_loop3A_2201 = vector.shape_cast %parallel_loop3A_2200 : vector<1x16xf32> to vector<16xf32>
        %parallel_loop3A_2202 = arith.mulf %parallel_loop3A_2201, %parallel_loop3A_2195 : vector<16xf32>
        %parallel_loop3A_2203 = arith.constant 1 : i32
        %parallel_loop3A_2204 = arith.index_cast %parallel_loop3A_2203 : i32 to index
        %parallel_loop3A_2205 = arith.index_cast %parallel_loop3A_1681 : i32 to index
        %parallel_loop3A_2206 = arith.constant 192 : index
        %parallel_loop3A_2207 = tpu.vector_load %arg7[%parallel_loop3A_2204, %parallel_loop3A_2205, %parallel_loop3A_2206] {strides = array<i32>} : memref<2x32x512xf32, #tpu.memory_space<vmem>>, vector<1x1x16xf32>,
        %parallel_loop3A_2208 = vector.shape_cast %parallel_loop3A_2207 : vector<1x1x16xf32> to vector<16xf32>
        %parallel_loop3A_2209 = vector.shape_cast %parallel_loop3A_2202 : vector<16xf32> to vector<1x1x16xf32>
        tpu.vector_store %arg7[%parallel_loop3A_2204, %parallel_loop3A_2205, %parallel_loop3A_2206], %parallel_loop3A_2209 {strides = array<i32>} : memref<2x32x512xf32, #tpu.memory_space<vmem>>, vector<1x1x16xf32>,
        %parallel_loop3A_2210 = arith.constant 32 : i32
        %parallel_loop3A_2211 = arith.addi %parallel_loop3A_2210, %parallel_loop3A_1681 : i32
        %parallel_loop3A_2212 = arith.constant 1 : i32
        %parallel_loop3A_2213 = arith.subi %parallel_loop3A_2211, %parallel_loop3A_2212 : i32
        %parallel_loop3A_2214 = arith.index_cast %parallel_loop3A_2213 : i32 to index
        %parallel_loop3A_2215 = arith.constant 448 : index
        %parallel_loop3A_2216 = tpu.vector_load %arg5[%parallel_loop3A_2214, %parallel_loop3A_2215] {strides = array<i32>} : memref<64x512xf32, #tpu.memory_space<vmem>>, vector<1x16xf32>,
        %parallel_loop3A_2217 = vector.shape_cast %parallel_loop3A_2216 : vector<1x16xf32> to vector<16xf32>
        %parallel_loop3A_2218 = arith.mulf %parallel_loop3A_2217, %parallel_loop3A_2195 : vector<16xf32>
        %parallel_loop3A_2219 = arith.constant 1 : i32
        %parallel_loop3A_2220 = arith.subi %parallel_loop3A_1681, %parallel_loop3A_2219 : i32
        %parallel_loop3A_2221 = arith.constant 1 : i32
        %parallel_loop3A_2222 = arith.index_cast %parallel_loop3A_2221 : i32 to index
        %parallel_loop3A_2223 = arith.index_cast %parallel_loop3A_2220 : i32 to index
        %parallel_loop3A_2224 = arith.constant 448 : index
        %parallel_loop3A_2225 = tpu.vector_load %arg7[%parallel_loop3A_2222, %parallel_loop3A_2223, %parallel_loop3A_2224] {strides = array<i32>} : memref<2x32x512xf32, #tpu.memory_space<vmem>>, vector<1x1x16xf32>,
        %parallel_loop3A_2226 = vector.shape_cast %parallel_loop3A_2225 : vector<1x1x16xf32> to vector<16xf32>
        %parallel_loop3A_2227 = vector.shape_cast %parallel_loop3A_2218 : vector<16xf32> to vector<1x1x16xf32>
        tpu.vector_store %arg7[%parallel_loop3A_2222, %parallel_loop3A_2223, %parallel_loop3A_2224], %parallel_loop3A_2227 {strides = array<i32>} : memref<2x32x512xf32, #tpu.memory_space<vmem>>, vector<1x1x16xf32>,
        %parallel_loop3A_2228 = arith.constant 256 : i32
        %parallel_loop3A_2229 = arith.muli %parallel_loop3A_1681, %parallel_loop3A_2228 : i32
        %parallel_loop3A_2230 = arith.addi %sub3A_878, %parallel_loop3A_2229 : i32
        %parallel_loop3A_2231 = arith.constant 208 : i32
        %parallel_loop3A_2232 = arith.addi %parallel_loop3A_2230, %parallel_loop3A_2231 : i32
        %parallel_loop3A_2233 = arith.constant 1 : i32
        %parallel_loop3A_2234 = arith.index_cast %parallel_loop3A_2233 : i32 to index
        %parallel_loop3A_2235 = arith.index_cast %parallel_loop3A_2232 : i32 to index
        %parallel_loop3A_2236 = tpu.vector_load %arg6[%parallel_loop3A_2234, %parallel_loop3A_2235] {strides = array<i32>} : memref<2x8448xf32, #tpu.memory_space<vmem>>, vector<1x16xf32>,
        %parallel_loop3A_2237 = vector.shape_cast %parallel_loop3A_2236 : vector<1x16xf32> to vector<16xf32>
        %parallel_loop3A_2238 = arith.constant 32 : i32
        %parallel_loop3A_2239 = arith.addi %parallel_loop3A_2238, %parallel_loop3A_1681 : i32
        %parallel_loop3A_2240 = arith.index_cast %parallel_loop3A_2239 : i32 to index
        %parallel_loop3A_2241 = arith.constant 208 : index
        %parallel_loop3A_2242 = tpu.vector_load %arg5[%parallel_loop3A_2240, %parallel_loop3A_2241] {strides = array<i32>} : memref<64x512xf32, #tpu.memory_space<vmem>>, vector<1x16xf32>,
        %parallel_loop3A_2243 = vector.shape_cast %parallel_loop3A_2242 : vector<1x16xf32> to vector<16xf32>
        %parallel_loop3A_2244 = arith.mulf %parallel_loop3A_2243, %parallel_loop3A_2237 : vector<16xf32>
        %parallel_loop3A_2245 = arith.constant 1 : i32
        %parallel_loop3A_2246 = arith.index_cast %parallel_loop3A_2245 : i32 to index
        %parallel_loop3A_2247 = arith.index_cast %parallel_loop3A_1681 : i32 to index
        %parallel_loop3A_2248 = arith.constant 208 : index
        %parallel_loop3A_2249 = tpu.vector_load %arg7[%parallel_loop3A_2246, %parallel_loop3A_2247, %parallel_loop3A_2248] {strides = array<i32>} : memref<2x32x512xf32, #tpu.memory_space<vmem>>, vector<1x1x16xf32>,
        %parallel_loop3A_2250 = vector.shape_cast %parallel_loop3A_2249 : vector<1x1x16xf32> to vector<16xf32>
        %parallel_loop3A_2251 = vector.shape_cast %parallel_loop3A_2244 : vector<16xf32> to vector<1x1x16xf32>
        tpu.vector_store %arg7[%parallel_loop3A_2246, %parallel_loop3A_2247, %parallel_loop3A_2248], %parallel_loop3A_2251 {strides = array<i32>} : memref<2x32x512xf32, #tpu.memory_space<vmem>>, vector<1x1x16xf32>,
        %parallel_loop3A_2252 = arith.constant 32 : i32
        %parallel_loop3A_2253 = arith.addi %parallel_loop3A_2252, %parallel_loop3A_1681 : i32
        %parallel_loop3A_2254 = arith.constant 1 : i32
        %parallel_loop3A_2255 = arith.subi %parallel_loop3A_2253, %parallel_loop3A_2254 : i32
        %parallel_loop3A_2256 = arith.index_cast %parallel_loop3A_2255 : i32 to index
        %parallel_loop3A_2257 = arith.constant 464 : index
        %parallel_loop3A_2258 = tpu.vector_load %arg5[%parallel_loop3A_2256, %parallel_loop3A_2257] {strides = array<i32>} : memref<64x512xf32, #tpu.memory_space<vmem>>, vector<1x16xf32>,
        %parallel_loop3A_2259 = vector.shape_cast %parallel_loop3A_2258 : vector<1x16xf32> to vector<16xf32>
        %parallel_loop3A_2260 = arith.mulf %parallel_loop3A_2259, %parallel_loop3A_2237 : vector<16xf32>
        %parallel_loop3A_2261 = arith.constant 1 : i32
        %parallel_loop3A_2262 = arith.subi %parallel_loop3A_1681, %parallel_loop3A_2261 : i32
        %parallel_loop3A_2263 = arith.constant 1 : i32
        %parallel_loop3A_2264 = arith.index_cast %parallel_loop3A_2263 : i32 to index
        %parallel_loop3A_2265 = arith.index_cast %parallel_loop3A_2262 : i32 to index
        %parallel_loop3A_2266 = arith.constant 464 : index
        %parallel_loop3A_2267 = tpu.vector_load %arg7[%parallel_loop3A_2264, %parallel_loop3A_2265, %parallel_loop3A_2266] {strides = array<i32>} : memref<2x32x512xf32, #tpu.memory_space<vmem>>, vector<1x1x16xf32>,
        %parallel_loop3A_2268 = vector.shape_cast %parallel_loop3A_2267 : vector<1x1x16xf32> to vector<16xf32>
        %parallel_loop3A_2269 = vector.shape_cast %parallel_loop3A_2260 : vector<16xf32> to vector<1x1x16xf32>
        tpu.vector_store %arg7[%parallel_loop3A_2264, %parallel_loop3A_2265, %parallel_loop3A_2266], %parallel_loop3A_2269 {strides = array<i32>} : memref<2x32x512xf32, #tpu.memory_space<vmem>>, vector<1x1x16xf32>,
        %parallel_loop3A_2270 = arith.constant 256 : i32
        %parallel_loop3A_2271 = arith.muli %parallel_loop3A_1681, %parallel_loop3A_2270 : i32
        %parallel_loop3A_2272 = arith.addi %sub3A_878, %parallel_loop3A_2271 : i32
        %parallel_loop3A_2273 = arith.constant 224 : i32
        %parallel_loop3A_2274 = arith.addi %parallel_loop3A_2272, %parallel_loop3A_2273 : i32
        %parallel_loop3A_2275 = arith.constant 1 : i32
        %parallel_loop3A_2276 = arith.index_cast %parallel_loop3A_2275 : i32 to index
        %parallel_loop3A_2277 = arith.index_cast %parallel_loop3A_2274 : i32 to index
        %parallel_loop3A_2278 = tpu.vector_load %arg6[%parallel_loop3A_2276, %parallel_loop3A_2277] {strides = array<i32>} : memref<2x8448xf32, #tpu.memory_space<vmem>>, vector<1x16xf32>,
        %parallel_loop3A_2279 = vector.shape_cast %parallel_loop3A_2278 : vector<1x16xf32> to vector<16xf32>
        %parallel_loop3A_2280 = arith.constant 32 : i32
        %parallel_loop3A_2281 = arith.addi %parallel_loop3A_2280, %parallel_loop3A_1681 : i32
        %parallel_loop3A_2282 = arith.index_cast %parallel_loop3A_2281 : i32 to index
        %parallel_loop3A_2283 = arith.constant 224 : index
        %parallel_loop3A_2284 = tpu.vector_load %arg5[%parallel_loop3A_2282, %parallel_loop3A_2283] {strides = array<i32>} : memref<64x512xf32, #tpu.memory_space<vmem>>, vector<1x16xf32>,
        %parallel_loop3A_2285 = vector.shape_cast %parallel_loop3A_2284 : vector<1x16xf32> to vector<16xf32>
        %parallel_loop3A_2286 = arith.mulf %parallel_loop3A_2285, %parallel_loop3A_2279 : vector<16xf32>
        %parallel_loop3A_2287 = arith.constant 1 : i32
        %parallel_loop3A_2288 = arith.index_cast %parallel_loop3A_2287 : i32 to index
        %parallel_loop3A_2289 = arith.index_cast %parallel_loop3A_1681 : i32 to index
        %parallel_loop3A_2290 = arith.constant 224 : index
        %parallel_loop3A_2291 = tpu.vector_load %arg7[%parallel_loop3A_2288, %parallel_loop3A_2289, %parallel_loop3A_2290] {strides = array<i32>} : memref<2x32x512xf32, #tpu.memory_space<vmem>>, vector<1x1x16xf32>,
        %parallel_loop3A_2292 = vector.shape_cast %parallel_loop3A_2291 : vector<1x1x16xf32> to vector<16xf32>
        %parallel_loop3A_2293 = vector.shape_cast %parallel_loop3A_2286 : vector<16xf32> to vector<1x1x16xf32>
        tpu.vector_store %arg7[%parallel_loop3A_2288, %parallel_loop3A_2289, %parallel_loop3A_2290], %parallel_loop3A_2293 {strides = array<i32>} : memref<2x32x512xf32, #tpu.memory_space<vmem>>, vector<1x1x16xf32>,
        %parallel_loop3A_2294 = arith.constant 32 : i32
        %parallel_loop3A_2295 = arith.addi %parallel_loop3A_2294, %parallel_loop3A_1681 : i32
        %parallel_loop3A_2296 = arith.constant 1 : i32
        %parallel_loop3A_2297 = arith.subi %parallel_loop3A_2295, %parallel_loop3A_2296 : i32
        %parallel_loop3A_2298 = arith.index_cast %parallel_loop3A_2297 : i32 to index
        %parallel_loop3A_2299 = arith.constant 480 : index
        %parallel_loop3A_2300 = tpu.vector_load %arg5[%parallel_loop3A_2298, %parallel_loop3A_2299] {strides = array<i32>} : memref<64x512xf32, #tpu.memory_space<vmem>>, vector<1x16xf32>,
        %parallel_loop3A_2301 = vector.shape_cast %parallel_loop3A_2300 : vector<1x16xf32> to vector<16xf32>
        %parallel_loop3A_2302 = arith.mulf %parallel_loop3A_2301, %parallel_loop3A_2279 : vector<16xf32>
        %parallel_loop3A_2303 = arith.constant 1 : i32
        %parallel_loop3A_2304 = arith.subi %parallel_loop3A_1681, %parallel_loop3A_2303 : i32
        %parallel_loop3A_2305 = arith.constant 1 : i32
        %parallel_loop3A_2306 = arith.index_cast %parallel_loop3A_2305 : i32 to index
        %parallel_loop3A_2307 = arith.index_cast %parallel_loop3A_2304 : i32 to index
        %parallel_loop3A_2308 = arith.constant 480 : index
        %parallel_loop3A_2309 = tpu.vector_load %arg7[%parallel_loop3A_2306, %parallel_loop3A_2307, %parallel_loop3A_2308] {strides = array<i32>} : memref<2x32x512xf32, #tpu.memory_space<vmem>>, vector<1x1x16xf32>,
        %parallel_loop3A_2310 = vector.shape_cast %parallel_loop3A_2309 : vector<1x1x16xf32> to vector<16xf32>
        %parallel_loop3A_2311 = vector.shape_cast %parallel_loop3A_2302 : vector<16xf32> to vector<1x1x16xf32>
        tpu.vector_store %arg7[%parallel_loop3A_2306, %parallel_loop3A_2307, %parallel_loop3A_2308], %parallel_loop3A_2311 {strides = array<i32>} : memref<2x32x512xf32, #tpu.memory_space<vmem>>, vector<1x1x16xf32>,
        %parallel_loop3A_2312 = arith.constant 256 : i32
        %parallel_loop3A_2313 = arith.muli %parallel_loop3A_1681, %parallel_loop3A_2312 : i32
        %parallel_loop3A_2314 = arith.addi %sub3A_878, %parallel_loop3A_2313 : i32
        %parallel_loop3A_2315 = arith.constant 240 : i32
        %parallel_loop3A_2316 = arith.addi %parallel_loop3A_2314, %parallel_loop3A_2315 : i32
        %parallel_loop3A_2317 = arith.constant 1 : i32
        %parallel_loop3A_2318 = arith.index_cast %parallel_loop3A_2317 : i32 to index
        %parallel_loop3A_2319 = arith.index_cast %parallel_loop3A_2316 : i32 to index
        %parallel_loop3A_2320 = tpu.vector_load %arg6[%parallel_loop3A_2318, %parallel_loop3A_2319] {strides = array<i32>} : memref<2x8448xf32, #tpu.memory_space<vmem>>, vector<1x16xf32>,
        %parallel_loop3A_2321 = vector.shape_cast %parallel_loop3A_2320 : vector<1x16xf32> to vector<16xf32>
        %parallel_loop3A_2322 = arith.constant 32 : i32
        %parallel_loop3A_2323 = arith.addi %parallel_loop3A_2322, %parallel_loop3A_1681 : i32
        %parallel_loop3A_2324 = arith.index_cast %parallel_loop3A_2323 : i32 to index
        %parallel_loop3A_2325 = arith.constant 240 : index
        %parallel_loop3A_2326 = tpu.vector_load %arg5[%parallel_loop3A_2324, %parallel_loop3A_2325] {strides = array<i32>} : memref<64x512xf32, #tpu.memory_space<vmem>>, vector<1x16xf32>,
        %parallel_loop3A_2327 = vector.shape_cast %parallel_loop3A_2326 : vector<1x16xf32> to vector<16xf32>
        %parallel_loop3A_2328 = arith.mulf %parallel_loop3A_2327, %parallel_loop3A_2321 : vector<16xf32>
        %parallel_loop3A_2329 = arith.constant 1 : i32
        %parallel_loop3A_2330 = arith.index_cast %parallel_loop3A_2329 : i32 to index
        %parallel_loop3A_2331 = arith.index_cast %parallel_loop3A_1681 : i32 to index
        %parallel_loop3A_2332 = arith.constant 240 : index
        %parallel_loop3A_2333 = tpu.vector_load %arg7[%parallel_loop3A_2330, %parallel_loop3A_2331, %parallel_loop3A_2332] {strides = array<i32>} : memref<2x32x512xf32, #tpu.memory_space<vmem>>, vector<1x1x16xf32>,
        %parallel_loop3A_2334 = vector.shape_cast %parallel_loop3A_2333 : vector<1x1x16xf32> to vector<16xf32>
        %parallel_loop3A_2335 = vector.shape_cast %parallel_loop3A_2328 : vector<16xf32> to vector<1x1x16xf32>
        tpu.vector_store %arg7[%parallel_loop3A_2330, %parallel_loop3A_2331, %parallel_loop3A_2332], %parallel_loop3A_2335 {strides = array<i32>} : memref<2x32x512xf32, #tpu.memory_space<vmem>>, vector<1x1x16xf32>,
        %parallel_loop3A_2336 = arith.constant 32 : i32
        %parallel_loop3A_2337 = arith.addi %parallel_loop3A_2336, %parallel_loop3A_1681 : i32
        %parallel_loop3A_2338 = arith.constant 1 : i32
        %parallel_loop3A_2339 = arith.subi %parallel_loop3A_2337, %parallel_loop3A_2338 : i32
        %parallel_loop3A_2340 = arith.index_cast %parallel_loop3A_2339 : i32 to index
        %parallel_loop3A_2341 = arith.constant 496 : index
        %parallel_loop3A_2342 = tpu.vector_load %arg5[%parallel_loop3A_2340, %parallel_loop3A_2341] {strides = array<i32>} : memref<64x512xf32, #tpu.memory_space<vmem>>, vector<1x16xf32>,
        %parallel_loop3A_2343 = vector.shape_cast %parallel_loop3A_2342 : vector<1x16xf32> to vector<16xf32>
        %parallel_loop3A_2344 = arith.mulf %parallel_loop3A_2343, %parallel_loop3A_2321 : vector<16xf32>
        %parallel_loop3A_2345 = arith.constant 1 : i32
        %parallel_loop3A_2346 = arith.subi %parallel_loop3A_1681, %parallel_loop3A_2345 : i32
        %parallel_loop3A_2347 = arith.constant 1 : i32
        %parallel_loop3A_2348 = arith.index_cast %parallel_loop3A_2347 : i32 to index
        %parallel_loop3A_2349 = arith.index_cast %parallel_loop3A_2346 : i32 to index
        %parallel_loop3A_2350 = arith.constant 496 : index
        %parallel_loop3A_2351 = tpu.vector_load %arg7[%parallel_loop3A_2348, %parallel_loop3A_2349, %parallel_loop3A_2350] {strides = array<i32>} : memref<2x32x512xf32, #tpu.memory_space<vmem>>, vector<1x1x16xf32>,
        %parallel_loop3A_2352 = vector.shape_cast %parallel_loop3A_2351 : vector<1x1x16xf32> to vector<16xf32>
        %parallel_loop3A_2353 = vector.shape_cast %parallel_loop3A_2344 : vector<16xf32> to vector<1x1x16xf32>
        tpu.vector_store %arg7[%parallel_loop3A_2348, %parallel_loop3A_2349, %parallel_loop3A_2350], %parallel_loop3A_2353 {strides = array<i32>} : memref<2x32x512xf32, #tpu.memory_space<vmem>>, vector<1x1x16xf32>,
      } {sc.loop_unroll_factor = 2 : i64, sc.parallel_access}
      %mul3A_1218 = arith.constant 256 : i32
      %mul3A_1219 = arith.muli %select_n3A, %mul3A_1218 : i32
      %add3A_1220 = arith.addi %sub3A_878, %mul3A_1219 : i32
      %add3A_1221 = arith.constant 0 : i32
      %add3A_1222 = arith.addi %add3A_1220, %add3A_1221 : i32
      %get3A_1223 = arith.constant 1 : i32
      %get3A_1224 = arith.index_cast %get3A_1223 : i32 to index
      %get3A_1225 = arith.index_cast %add3A_1222 : i32 to index
      %get3A_1226 = tpu.vector_load %arg6[%get3A_1224, %get3A_1225] {strides = array<i32>} : memref<2x8448xf32, #tpu.memory_space<vmem>>, vector<1x16xf32>,
      %get3A_1227 = vector.shape_cast %get3A_1226 : vector<1x16xf32> to vector<16xf32>
      %add3A_1228 = arith.constant 32 : i32
      %add3A_1229 = arith.addi %add3A_1228, %select_n3A : i32
      %sub3A_1230 = arith.constant 1 : i32
      %sub3A_1231 = arith.subi %add3A_1229, %sub3A_1230 : i32
      %get3A_1232 = arith.index_cast %sub3A_1231 : i32 to index
      %get3A_1233 = arith.constant 256 : index
      %get3A_1234 = tpu.vector_load %arg5[%get3A_1232, %get3A_1233] {strides = array<i32>} : memref<64x512xf32, #tpu.memory_space<vmem>>, vector<1x16xf32>,
      %get3A_1235 = vector.shape_cast %get3A_1234 : vector<1x16xf32> to vector<16xf32>
      %mul3A_1236 = arith.mulf %get3A_1235, %get3A_1227 : vector<16xf32>
      %sub3A_1237 = arith.constant 1 : i32
      %sub3A_1238 = arith.subi %select_n3A, %sub3A_1237 : i32
      %swap3A_1239 = arith.constant 1 : i32
      %swap3A_1240 = arith.index_cast %swap3A_1239 : i32 to index
      %swap3A_1241 = arith.index_cast %sub3A_1238 : i32 to index
      %swap3A_1242 = arith.constant 256 : index
      %swap3A_1243 = tpu.vector_load %arg7[%swap3A_1240, %swap3A_1241, %swap3A_1242] {strides = array<i32>} : memref<2x32x512xf32, #tpu.memory_space<vmem>>, vector<1x1x16xf32>,
      %swap3A_1244 = vector.shape_cast %swap3A_1243 : vector<1x1x16xf32> to vector<16xf32>
      %swap3A_1245 = vector.shape_cast %mul3A_1236 : vector<16xf32> to vector<1x1x16xf32>
      tpu.vector_store %arg7[%swap3A_1240, %swap3A_1241, %swap3A_1242], %swap3A_1245 {strides = array<i32>} : memref<2x32x512xf32, #tpu.memory_space<vmem>>, vector<1x1x16xf32>,
      %mul3A_1246 = arith.constant 256 : i32
      %mul3A_1247 = arith.muli %select_n3A, %mul3A_1246 : i32
      %add3A_1248 = arith.addi %sub3A_878, %mul3A_1247 : i32
      %add3A_1249 = arith.constant 16 : i32
      %add3A_1250 = arith.addi %add3A_1248, %add3A_1249 : i32
      %get3A_1251 = arith.constant 1 : i32
      %get3A_1252 = arith.index_cast %get3A_1251 : i32 to index
      %get3A_1253 = arith.index_cast %add3A_1250 : i32 to index
      %get3A_1254 = tpu.vector_load %arg6[%get3A_1252, %get3A_1253] {strides = array<i32>} : memref<2x8448xf32, #tpu.memory_space<vmem>>, vector<1x16xf32>,
      %get3A_1255 = vector.shape_cast %get3A_1254 : vector<1x16xf32> to vector<16xf32>
      %add3A_1256 = arith.constant 32 : i32
      %add3A_1257 = arith.addi %add3A_1256, %select_n3A : i32
      %sub3A_1258 = arith.constant 1 : i32
      %sub3A_1259 = arith.subi %add3A_1257, %sub3A_1258 : i32
      %get3A_1260 = arith.index_cast %sub3A_1259 : i32 to index
      %get3A_1261 = arith.constant 272 : index
      %get3A_1262 = tpu.vector_load %arg5[%get3A_1260, %get3A_1261] {strides = array<i32>} : memref<64x512xf32, #tpu.memory_space<vmem>>, vector<1x16xf32>,
      %get3A_1263 = vector.shape_cast %get3A_1262 : vector<1x16xf32> to vector<16xf32>
      %mul3A_1264 = arith.mulf %get3A_1263, %get3A_1255 : vector<16xf32>
      %sub3A_1265 = arith.constant 1 : i32
      %sub3A_1266 = arith.subi %select_n3A, %sub3A_1265 : i32
      %swap3A_1267 = arith.constant 1 : i32
      %swap3A_1268 = arith.index_cast %swap3A_1267 : i32 to index
      %swap3A_1269 = arith.index_cast %sub3A_1266 : i32 to index
      %swap3A_1270 = arith.constant 272 : index
      %swap3A_1271 = tpu.vector_load %arg7[%swap3A_1268, %swap3A_1269, %swap3A_1270] {strides = array<i32>} : memref<2x32x512xf32, #tpu.memory_space<vmem>>, vector<1x1x16xf32>,
      %swap3A_1272 = vector.shape_cast %swap3A_1271 : vector<1x1x16xf32> to vector<16xf32>
      %swap3A_1273 = vector.shape_cast %mul3A_1264 : vector<16xf32> to vector<1x1x16xf32>
      tpu.vector_store %arg7[%swap3A_1268, %swap3A_1269, %swap3A_1270], %swap3A_1273 {strides = array<i32>} : memref<2x32x512xf32, #tpu.memory_space<vmem>>, vector<1x1x16xf32>,
      %mul3A_1274 = arith.constant 256 : i32
      %mul3A_1275 = arith.muli %select_n3A, %mul3A_1274 : i32
      %add3A_1276 = arith.addi %sub3A_878, %mul3A_1275 : i32
      %add3A_1277 = arith.constant 32 : i32
      %add3A_1278 = arith.addi %add3A_1276, %add3A_1277 : i32
      %get3A_1279 = arith.constant 1 : i32
      %get3A_1280 = arith.index_cast %get3A_1279 : i32 to index
      %get3A_1281 = arith.index_cast %add3A_1278 : i32 to index
      %get3A_1282 = tpu.vector_load %arg6[%get3A_1280, %get3A_1281] {strides = array<i32>} : memref<2x8448xf32, #tpu.memory_space<vmem>>, vector<1x16xf32>,
      %get3A_1283 = vector.shape_cast %get3A_1282 : vector<1x16xf32> to vector<16xf32>
      %add3A_1284 = arith.constant 32 : i32
      %add3A_1285 = arith.addi %add3A_1284, %select_n3A : i32
      %sub3A_1286 = arith.constant 1 : i32
      %sub3A_1287 = arith.subi %add3A_1285, %sub3A_1286 : i32
      %get3A_1288 = arith.index_cast %sub3A_1287 : i32 to index
      %get3A_1289 = arith.constant 288 : index
      %get3A_1290 = tpu.vector_load %arg5[%get3A_1288, %get3A_1289] {strides = array<i32>} : memref<64x512xf32, #tpu.memory_space<vmem>>, vector<1x16xf32>,
      %get3A_1291 = vector.shape_cast %get3A_1290 : vector<1x16xf32> to vector<16xf32>
      %mul3A_1292 = arith.mulf %get3A_1291, %get3A_1283 : vector<16xf32>
      %sub3A_1293 = arith.constant 1 : i32
      %sub3A_1294 = arith.subi %select_n3A, %sub3A_1293 : i32
      %swap3A_1295 = arith.constant 1 : i32
      %swap3A_1296 = arith.index_cast %swap3A_1295 : i32 to index
      %swap3A_1297 = arith.index_cast %sub3A_1294 : i32 to index
      %swap3A_1298 = arith.constant 288 : index
      %swap3A_1299 = tpu.vector_load %arg7[%swap3A_1296, %swap3A_1297, %swap3A_1298] {strides = array<i32>} : memref<2x32x512xf32, #tpu.memory_space<vmem>>, vector<1x1x16xf32>,
      %swap3A_1300 = vector.shape_cast %swap3A_1299 : vector<1x1x16xf32> to vector<16xf32>
      %swap3A_1301 = vector.shape_cast %mul3A_1292 : vector<16xf32> to vector<1x1x16xf32>
      tpu.vector_store %arg7[%swap3A_1296, %swap3A_1297, %swap3A_1298], %swap3A_1301 {strides = array<i32>} : memref<2x32x512xf32, #tpu.memory_space<vmem>>, vector<1x1x16xf32>,
      %mul3A_1302 = arith.constant 256 : i32
      %mul3A_1303 = arith.muli %select_n3A, %mul3A_1302 : i32
      %add3A_1304 = arith.addi %sub3A_878, %mul3A_1303 : i32
      %add3A_1305 = arith.constant 48 : i32
      %add3A_1306 = arith.addi %add3A_1304, %add3A_1305 : i32
      %get3A_1307 = arith.constant 1 : i32
      %get3A_1308 = arith.index_cast %get3A_1307 : i32 to index
      %get3A_1309 = arith.index_cast %add3A_1306 : i32 to index
      %get3A_1310 = tpu.vector_load %arg6[%get3A_1308, %get3A_1309] {strides = array<i32>} : memref<2x8448xf32, #tpu.memory_space<vmem>>, vector<1x16xf32>,
      %get3A_1311 = vector.shape_cast %get3A_1310 : vector<1x16xf32> to vector<16xf32>
      %add3A_1312 = arith.constant 32 : i32
      %add3A_1313 = arith.addi %add3A_1312, %select_n3A : i32
      %sub3A_1314 = arith.constant 1 : i32
      %sub3A_1315 = arith.subi %add3A_1313, %sub3A_1314 : i32
      %get3A_1316 = arith.index_cast %sub3A_1315 : i32 to index
      %get3A_1317 = arith.constant 304 : index
      %get3A_1318 = tpu.vector_load %arg5[%get3A_1316, %get3A_1317] {strides = array<i32>} : memref<64x512xf32, #tpu.memory_space<vmem>>, vector<1x16xf32>,
      %get3A_1319 = vector.shape_cast %get3A_1318 : vector<1x16xf32> to vector<16xf32>
      %mul3A_1320 = arith.mulf %get3A_1319, %get3A_1311 : vector<16xf32>
      %sub3A_1321 = arith.constant 1 : i32
      %sub3A_1322 = arith.subi %select_n3A, %sub3A_1321 : i32
      %swap3A_1323 = arith.constant 1 : i32
      %swap3A_1324 = arith.index_cast %swap3A_1323 : i32 to index
      %swap3A_1325 = arith.index_cast %sub3A_1322 : i32 to index
      %swap3A_1326 = arith.constant 304 : index
      %swap3A_1327 = tpu.vector_load %arg7[%swap3A_1324, %swap3A_1325, %swap3A_1326] {strides = array<i32>} : memref<2x32x512xf32, #tpu.memory_space<vmem>>, vector<1x1x16xf32>,
      %swap3A_1328 = vector.shape_cast %swap3A_1327 : vector<1x1x16xf32> to vector<16xf32>
      %swap3A_1329 = vector.shape_cast %mul3A_1320 : vector<16xf32> to vector<1x1x16xf32>
      tpu.vector_store %arg7[%swap3A_1324, %swap3A_1325, %swap3A_1326], %swap3A_1329 {strides = array<i32>} : memref<2x32x512xf32, #tpu.memory_space<vmem>>, vector<1x1x16xf32>,
      %mul3A_1330 = arith.constant 256 : i32
      %mul3A_1331 = arith.muli %select_n3A, %mul3A_1330 : i32
      %add3A_1332 = arith.addi %sub3A_878, %mul3A_1331 : i32
      %add3A_1333 = arith.constant 64 : i32
      %add3A_1334 = arith.addi %add3A_1332, %add3A_1333 : i32
      %get3A_1335 = arith.constant 1 : i32
      %get3A_1336 = arith.index_cast %get3A_1335 : i32 to index
      %get3A_1337 = arith.index_cast %add3A_1334 : i32 to index
      %get3A_1338 = tpu.vector_load %arg6[%get3A_1336, %get3A_1337] {strides = array<i32>} : memref<2x8448xf32, #tpu.memory_space<vmem>>, vector<1x16xf32>,
      %get3A_1339 = vector.shape_cast %get3A_1338 : vector<1x16xf32> to vector<16xf32>
      %add3A_1340 = arith.constant 32 : i32
      %add3A_1341 = arith.addi %add3A_1340, %select_n3A : i32
      %sub3A_1342 = arith.constant 1 : i32
      %sub3A_1343 = arith.subi %add3A_1341, %sub3A_1342 : i32
      %get3A_1344 = arith.index_cast %sub3A_1343 : i32 to index
      %get3A_1345 = arith.constant 320 : index
      %get3A_1346 = tpu.vector_load %arg5[%get3A_1344, %get3A_1345] {strides = array<i32>} : memref<64x512xf32, #tpu.memory_space<vmem>>, vector<1x16xf32>,
      %get3A_1347 = vector.shape_cast %get3A_1346 : vector<1x16xf32> to vector<16xf32>
      %mul3A_1348 = arith.mulf %get3A_1347, %get3A_1339 : vector<16xf32>
      %sub3A_1349 = arith.constant 1 : i32
      %sub3A_1350 = arith.subi %select_n3A, %sub3A_1349 : i32
      %swap3A_1351 = arith.constant 1 : i32
      %swap3A_1352 = arith.index_cast %swap3A_1351 : i32 to index
      %swap3A_1353 = arith.index_cast %sub3A_1350 : i32 to index
      %swap3A_1354 = arith.constant 320 : index
      %swap3A_1355 = tpu.vector_load %arg7[%swap3A_1352, %swap3A_1353, %swap3A_1354] {strides = array<i32>} : memref<2x32x512xf32, #tpu.memory_space<vmem>>, vector<1x1x16xf32>,
      %swap3A_1356 = vector.shape_cast %swap3A_1355 : vector<1x1x16xf32> to vector<16xf32>
      %swap3A_1357 = vector.shape_cast %mul3A_1348 : vector<16xf32> to vector<1x1x16xf32>
      tpu.vector_store %arg7[%swap3A_1352, %swap3A_1353, %swap3A_1354], %swap3A_1357 {strides = array<i32>} : memref<2x32x512xf32, #tpu.memory_space<vmem>>, vector<1x1x16xf32>,
      %mul3A_1358 = arith.constant 256 : i32
      %mul3A_1359 = arith.muli %select_n3A, %mul3A_1358 : i32
      %add3A_1360 = arith.addi %sub3A_878, %mul3A_1359 : i32
      %add3A_1361 = arith.constant 80 : i32
      %add3A_1362 = arith.addi %add3A_1360, %add3A_1361 : i32
      %get3A_1363 = arith.constant 1 : i32
      %get3A_1364 = arith.index_cast %get3A_1363 : i32 to index
      %get3A_1365 = arith.index_cast %add3A_1362 : i32 to index
      %get3A_1366 = tpu.vector_load %arg6[%get3A_1364, %get3A_1365] {strides = array<i32>} : memref<2x8448xf32, #tpu.memory_space<vmem>>, vector<1x16xf32>,
      %get3A_1367 = vector.shape_cast %get3A_1366 : vector<1x16xf32> to vector<16xf32>
      %add3A_1368 = arith.constant 32 : i32
      %add3A_1369 = arith.addi %add3A_1368, %select_n3A : i32
      %sub3A_1370 = arith.constant 1 : i32
      %sub3A_1371 = arith.subi %add3A_1369, %sub3A_1370 : i32
      %get3A_1372 = arith.index_cast %sub3A_1371 : i32 to index
      %get3A_1373 = arith.constant 336 : index
      %get3A_1374 = tpu.vector_load %arg5[%get3A_1372, %get3A_1373] {strides = array<i32>} : memref<64x512xf32, #tpu.memory_space<vmem>>, vector<1x16xf32>,
      %get3A_1375 = vector.shape_cast %get3A_1374 : vector<1x16xf32> to vector<16xf32>
      %mul3A_1376 = arith.mulf %get3A_1375, %get3A_1367 : vector<16xf32>
      %sub3A_1377 = arith.constant 1 : i32
      %sub3A_1378 = arith.subi %select_n3A, %sub3A_1377 : i32
      %swap3A_1379 = arith.constant 1 : i32
      %swap3A_1380 = arith.index_cast %swap3A_1379 : i32 to index
      %swap3A_1381 = arith.index_cast %sub3A_1378 : i32 to index
      %swap3A_1382 = arith.constant 336 : index
      %swap3A_1383 = tpu.vector_load %arg7[%swap3A_1380, %swap3A_1381, %swap3A_1382] {strides = array<i32>} : memref<2x32x512xf32, #tpu.memory_space<vmem>>, vector<1x1x16xf32>,
      %swap3A_1384 = vector.shape_cast %swap3A_1383 : vector<1x1x16xf32> to vector<16xf32>
      %swap3A_1385 = vector.shape_cast %mul3A_1376 : vector<16xf32> to vector<1x1x16xf32>
      tpu.vector_store %arg7[%swap3A_1380, %swap3A_1381, %swap3A_1382], %swap3A_1385 {strides = array<i32>} : memref<2x32x512xf32, #tpu.memory_space<vmem>>, vector<1x1x16xf32>,
      %mul3A_1386 = arith.constant 256 : i32
      %mul3A_1387 = arith.muli %select_n3A, %mul3A_1386 : i32
      %add3A_1388 = arith.addi %sub3A_878, %mul3A_1387 : i32
      %add3A_1389 = arith.constant 96 : i32
      %add3A_1390 = arith.addi %add3A_1388, %add3A_1389 : i32
      %get3A_1391 = arith.constant 1 : i32
      %get3A_1392 = arith.index_cast %get3A_1391 : i32 to index
      %get3A_1393 = arith.index_cast %add3A_1390 : i32 to index
      %get3A_1394 = tpu.vector_load %arg6[%get3A_1392, %get3A_1393] {strides = array<i32>} : memref<2x8448xf32, #tpu.memory_space<vmem>>, vector<1x16xf32>,
      %get3A_1395 = vector.shape_cast %get3A_1394 : vector<1x16xf32> to vector<16xf32>
      %add3A_1396 = arith.constant 32 : i32
      %add3A_1397 = arith.addi %add3A_1396, %select_n3A : i32
      %sub3A_1398 = arith.constant 1 : i32
      %sub3A_1399 = arith.subi %add3A_1397, %sub3A_1398 : i32
      %get3A_1400 = arith.index_cast %sub3A_1399 : i32 to index
      %get3A_1401 = arith.constant 352 : index
      %get3A_1402 = tpu.vector_load %arg5[%get3A_1400, %get3A_1401] {strides = array<i32>} : memref<64x512xf32, #tpu.memory_space<vmem>>, vector<1x16xf32>,
      %get3A_1403 = vector.shape_cast %get3A_1402 : vector<1x16xf32> to vector<16xf32>
      %mul3A_1404 = arith.mulf %get3A_1403, %get3A_1395 : vector<16xf32>
      %sub3A_1405 = arith.constant 1 : i32
      %sub3A_1406 = arith.subi %select_n3A, %sub3A_1405 : i32
      %swap3A_1407 = arith.constant 1 : i32
      %swap3A_1408 = arith.index_cast %swap3A_1407 : i32 to index
      %swap3A_1409 = arith.index_cast %sub3A_1406 : i32 to index
      %swap3A_1410 = arith.constant 352 : index
      %swap3A_1411 = tpu.vector_load %arg7[%swap3A_1408, %swap3A_1409, %swap3A_1410] {strides = array<i32>} : memref<2x32x512xf32, #tpu.memory_space<vmem>>, vector<1x1x16xf32>,
      %swap3A_1412 = vector.shape_cast %swap3A_1411 : vector<1x1x16xf32> to vector<16xf32>
      %swap3A_1413 = vector.shape_cast %mul3A_1404 : vector<16xf32> to vector<1x1x16xf32>
      tpu.vector_store %arg7[%swap3A_1408, %swap3A_1409, %swap3A_1410], %swap3A_1413 {strides = array<i32>} : memref<2x32x512xf32, #tpu.memory_space<vmem>>, vector<1x1x16xf32>,
      %mul3A_1414 = arith.constant 256 : i32
      %mul3A_1415 = arith.muli %select_n3A, %mul3A_1414 : i32
      %add3A_1416 = arith.addi %sub3A_878, %mul3A_1415 : i32
      %add3A_1417 = arith.constant 112 : i32
      %add3A_1418 = arith.addi %add3A_1416, %add3A_1417 : i32
      %get3A_1419 = arith.constant 1 : i32
      %get3A_1420 = arith.index_cast %get3A_1419 : i32 to index
      %get3A_1421 = arith.index_cast %add3A_1418 : i32 to index
      %get3A_1422 = tpu.vector_load %arg6[%get3A_1420, %get3A_1421] {strides = array<i32>} : memref<2x8448xf32, #tpu.memory_space<vmem>>, vector<1x16xf32>,
      %get3A_1423 = vector.shape_cast %get3A_1422 : vector<1x16xf32> to vector<16xf32>
      %add3A_1424 = arith.constant 32 : i32
      %add3A_1425 = arith.addi %add3A_1424, %select_n3A : i32
      %sub3A_1426 = arith.constant 1 : i32
      %sub3A_1427 = arith.subi %add3A_1425, %sub3A_1426 : i32
      %get3A_1428 = arith.index_cast %sub3A_1427 : i32 to index
      %get3A_1429 = arith.constant 368 : index
      %get3A_1430 = tpu.vector_load %arg5[%get3A_1428, %get3A_1429] {strides = array<i32>} : memref<64x512xf32, #tpu.memory_space<vmem>>, vector<1x16xf32>,
      %get3A_1431 = vector.shape_cast %get3A_1430 : vector<1x16xf32> to vector<16xf32>
      %mul3A_1432 = arith.mulf %get3A_1431, %get3A_1423 : vector<16xf32>
      %sub3A_1433 = arith.constant 1 : i32
      %sub3A_1434 = arith.subi %select_n3A, %sub3A_1433 : i32
      %swap3A_1435 = arith.constant 1 : i32
      %swap3A_1436 = arith.index_cast %swap3A_1435 : i32 to index
      %swap3A_1437 = arith.index_cast %sub3A_1434 : i32 to index
      %swap3A_1438 = arith.constant 368 : index
      %swap3A_1439 = tpu.vector_load %arg7[%swap3A_1436, %swap3A_1437, %swap3A_1438] {strides = array<i32>} : memref<2x32x512xf32, #tpu.memory_space<vmem>>, vector<1x1x16xf32>,
      %swap3A_1440 = vector.shape_cast %swap3A_1439 : vector<1x1x16xf32> to vector<16xf32>
      %swap3A_1441 = vector.shape_cast %mul3A_1432 : vector<16xf32> to vector<1x1x16xf32>
      tpu.vector_store %arg7[%swap3A_1436, %swap3A_1437, %swap3A_1438], %swap3A_1441 {strides = array<i32>} : memref<2x32x512xf32, #tpu.memory_space<vmem>>, vector<1x1x16xf32>,
      %mul3A_1442 = arith.constant 256 : i32
      %mul3A_1443 = arith.muli %select_n3A, %mul3A_1442 : i32
      %add3A_1444 = arith.addi %sub3A_878, %mul3A_1443 : i32
      %add3A_1445 = arith.constant 128 : i32
      %add3A_1446 = arith.addi %add3A_1444, %add3A_1445 : i32
      %get3A_1447 = arith.constant 1 : i32
      %get3A_1448 = arith.index_cast %get3A_1447 : i32 to index
      %get3A_1449 = arith.index_cast %add3A_1446 : i32 to index
      %get3A_1450 = tpu.vector_load %arg6[%get3A_1448, %get3A_1449] {strides = array<i32>} : memref<2x8448xf32, #tpu.memory_space<vmem>>, vector<1x16xf32>,
      %get3A_1451 = vector.shape_cast %get3A_1450 : vector<1x16xf32> to vector<16xf32>
      %add3A_1452 = arith.constant 32 : i32
      %add3A_1453 = arith.addi %add3A_1452, %select_n3A : i32
      %sub3A_1454 = arith.constant 1 : i32
      %sub3A_1455 = arith.subi %add3A_1453, %sub3A_1454 : i32
      %get3A_1456 = arith.index_cast %sub3A_1455 : i32 to index
      %get3A_1457 = arith.constant 384 : index
      %get3A_1458 = tpu.vector_load %arg5[%get3A_1456, %get3A_1457] {strides = array<i32>} : memref<64x512xf32, #tpu.memory_space<vmem>>, vector<1x16xf32>,
      %get3A_1459 = vector.shape_cast %get3A_1458 : vector<1x16xf32> to vector<16xf32>
      %mul3A_1460 = arith.mulf %get3A_1459, %get3A_1451 : vector<16xf32>
      %sub3A_1461 = arith.constant 1 : i32
      %sub3A_1462 = arith.subi %select_n3A, %sub3A_1461 : i32
      %swap3A_1463 = arith.constant 1 : i32
      %swap3A_1464 = arith.index_cast %swap3A_1463 : i32 to index
      %swap3A_1465 = arith.index_cast %sub3A_1462 : i32 to index
      %swap3A_1466 = arith.constant 384 : index
      %swap3A_1467 = tpu.vector_load %arg7[%swap3A_1464, %swap3A_1465, %swap3A_1466] {strides = array<i32>} : memref<2x32x512xf32, #tpu.memory_space<vmem>>, vector<1x1x16xf32>,
      %swap3A_1468 = vector.shape_cast %swap3A_1467 : vector<1x1x16xf32> to vector<16xf32>
      %swap3A_1469 = vector.shape_cast %mul3A_1460 : vector<16xf32> to vector<1x1x16xf32>
      tpu.vector_store %arg7[%swap3A_1464, %swap3A_1465, %swap3A_1466], %swap3A_1469 {strides = array<i32>} : memref<2x32x512xf32, #tpu.memory_space<vmem>>, vector<1x1x16xf32>,
      %mul3A_1470 = arith.constant 256 : i32
      %mul3A_1471 = arith.muli %select_n3A, %mul3A_1470 : i32
      %add3A_1472 = arith.addi %sub3A_878, %mul3A_1471 : i32
      %add3A_1473 = arith.constant 144 : i32
      %add3A_1474 = arith.addi %add3A_1472, %add3A_1473 : i32
      %get3A_1475 = arith.constant 1 : i32
      %get3A_1476 = arith.index_cast %get3A_1475 : i32 to index
      %get3A_1477 = arith.index_cast %add3A_1474 : i32 to index
      %get3A_1478 = tpu.vector_load %arg6[%get3A_1476, %get3A_1477] {strides = array<i32>} : memref<2x8448xf32, #tpu.memory_space<vmem>>, vector<1x16xf32>,
      %get3A_1479 = vector.shape_cast %get3A_1478 : vector<1x16xf32> to vector<16xf32>
      %add3A_1480 = arith.constant 32 : i32
      %add3A_1481 = arith.addi %add3A_1480, %select_n3A : i32
      %sub3A_1482 = arith.constant 1 : i32
      %sub3A_1483 = arith.subi %add3A_1481, %sub3A_1482 : i32
      %get3A_1484 = arith.index_cast %sub3A_1483 : i32 to index
      %get3A_1485 = arith.constant 400 : index
      %get3A_1486 = tpu.vector_load %arg5[%get3A_1484, %get3A_1485] {strides = array<i32>} : memref<64x512xf32, #tpu.memory_space<vmem>>, vector<1x16xf32>,
      %get3A_1487 = vector.shape_cast %get3A_1486 : vector<1x16xf32> to vector<16xf32>
      %mul3A_1488 = arith.mulf %get3A_1487, %get3A_1479 : vector<16xf32>
      %sub3A_1489 = arith.constant 1 : i32
      %sub3A_1490 = arith.subi %select_n3A, %sub3A_1489 : i32
      %swap3A_1491 = arith.constant 1 : i32
      %swap3A_1492 = arith.index_cast %swap3A_1491 : i32 to index
      %swap3A_1493 = arith.index_cast %sub3A_1490 : i32 to index
      %swap3A_1494 = arith.constant 400 : index
      %swap3A_1495 = tpu.vector_load %arg7[%swap3A_1492, %swap3A_1493, %swap3A_1494] {strides = array<i32>} : memref<2x32x512xf32, #tpu.memory_space<vmem>>, vector<1x1x16xf32>,
      %swap3A_1496 = vector.shape_cast %swap3A_1495 : vector<1x1x16xf32> to vector<16xf32>
      %swap3A_1497 = vector.shape_cast %mul3A_1488 : vector<16xf32> to vector<1x1x16xf32>
      tpu.vector_store %arg7[%swap3A_1492, %swap3A_1493, %swap3A_1494], %swap3A_1497 {strides = array<i32>} : memref<2x32x512xf32, #tpu.memory_space<vmem>>, vector<1x1x16xf32>,
      %mul3A_1498 = arith.constant 256 : i32
      %mul3A_1499 = arith.muli %select_n3A, %mul3A_1498 : i32
      %add3A_1500 = arith.addi %sub3A_878, %mul3A_1499 : i32
      %add3A_1501 = arith.constant 160 : i32
      %add3A_1502 = arith.addi %add3A_1500, %add3A_1501 : i32
      %get3A_1503 = arith.constant 1 : i32
      %get3A_1504 = arith.index_cast %get3A_1503 : i32 to index
      %get3A_1505 = arith.index_cast %add3A_1502 : i32 to index
      %get3A_1506 = tpu.vector_load %arg6[%get3A_1504, %get3A_1505] {strides = array<i32>} : memref<2x8448xf32, #tpu.memory_space<vmem>>, vector<1x16xf32>,
      %get3A_1507 = vector.shape_cast %get3A_1506 : vector<1x16xf32> to vector<16xf32>
      %add3A_1508 = arith.constant 32 : i32
      %add3A_1509 = arith.addi %add3A_1508, %select_n3A : i32
      %sub3A_1510 = arith.constant 1 : i32
      %sub3A_1511 = arith.subi %add3A_1509, %sub3A_1510 : i32
      %get3A_1512 = arith.index_cast %sub3A_1511 : i32 to index
      %get3A_1513 = arith.constant 416 : index
      %get3A_1514 = tpu.vector_load %arg5[%get3A_1512, %get3A_1513] {strides = array<i32>} : memref<64x512xf32, #tpu.memory_space<vmem>>, vector<1x16xf32>,
      %get3A_1515 = vector.shape_cast %get3A_1514 : vector<1x16xf32> to vector<16xf32>
      %mul3A_1516 = arith.mulf %get3A_1515, %get3A_1507 : vector<16xf32>
      %sub3A_1517 = arith.constant 1 : i32
      %sub3A_1518 = arith.subi %select_n3A, %sub3A_1517 : i32
      %swap3A_1519 = arith.constant 1 : i32
      %swap3A_1520 = arith.index_cast %swap3A_1519 : i32 to index
      %swap3A_1521 = arith.index_cast %sub3A_1518 : i32 to index
      %swap3A_1522 = arith.constant 416 : index
      %swap3A_1523 = tpu.vector_load %arg7[%swap3A_1520, %swap3A_1521, %swap3A_1522] {strides = array<i32>} : memref<2x32x512xf32, #tpu.memory_space<vmem>>, vector<1x1x16xf32>,
      %swap3A_1524 = vector.shape_cast %swap3A_1523 : vector<1x1x16xf32> to vector<16xf32>
      %swap3A_1525 = vector.shape_cast %mul3A_1516 : vector<16xf32> to vector<1x1x16xf32>
      tpu.vector_store %arg7[%swap3A_1520, %swap3A_1521, %swap3A_1522], %swap3A_1525 {strides = array<i32>} : memref<2x32x512xf32, #tpu.memory_space<vmem>>, vector<1x1x16xf32>,
      %mul3A_1526 = arith.constant 256 : i32
      %mul3A_1527 = arith.muli %select_n3A, %mul3A_1526 : i32
      %add3A_1528 = arith.addi %sub3A_878, %mul3A_1527 : i32
      %add3A_1529 = arith.constant 176 : i32
      %add3A_1530 = arith.addi %add3A_1528, %add3A_1529 : i32
      %get3A_1531 = arith.constant 1 : i32
      %get3A_1532 = arith.index_cast %get3A_1531 : i32 to index
      %get3A_1533 = arith.index_cast %add3A_1530 : i32 to index
      %get3A_1534 = tpu.vector_load %arg6[%get3A_1532, %get3A_1533] {strides = array<i32>} : memref<2x8448xf32, #tpu.memory_space<vmem>>, vector<1x16xf32>,
      %get3A_1535 = vector.shape_cast %get3A_1534 : vector<1x16xf32> to vector<16xf32>
      %add3A_1536 = arith.constant 32 : i32
      %add3A_1537 = arith.addi %add3A_1536, %select_n3A : i32
      %sub3A_1538 = arith.constant 1 : i32
      %sub3A_1539 = arith.subi %add3A_1537, %sub3A_1538 : i32
      %get3A_1540 = arith.index_cast %sub3A_1539 : i32 to index
      %get3A_1541 = arith.constant 432 : index
      %get3A_1542 = tpu.vector_load %arg5[%get3A_1540, %get3A_1541] {strides = array<i32>} : memref<64x512xf32, #tpu.memory_space<vmem>>, vector<1x16xf32>,
      %get3A_1543 = vector.shape_cast %get3A_1542 : vector<1x16xf32> to vector<16xf32>
      %mul3A_1544 = arith.mulf %get3A_1543, %get3A_1535 : vector<16xf32>
      %sub3A_1545 = arith.constant 1 : i32
      %sub3A_1546 = arith.subi %select_n3A, %sub3A_1545 : i32
      %swap3A_1547 = arith.constant 1 : i32
      %swap3A_1548 = arith.index_cast %swap3A_1547 : i32 to index
      %swap3A_1549 = arith.index_cast %sub3A_1546 : i32 to index
      %swap3A_1550 = arith.constant 432 : index
      %swap3A_1551 = tpu.vector_load %arg7[%swap3A_1548, %swap3A_1549, %swap3A_1550] {strides = array<i32>} : memref<2x32x512xf32, #tpu.memory_space<vmem>>, vector<1x1x16xf32>,
      %swap3A_1552 = vector.shape_cast %swap3A_1551 : vector<1x1x16xf32> to vector<16xf32>
      %swap3A_1553 = vector.shape_cast %mul3A_1544 : vector<16xf32> to vector<1x1x16xf32>
      tpu.vector_store %arg7[%swap3A_1548, %swap3A_1549, %swap3A_1550], %swap3A_1553 {strides = array<i32>} : memref<2x32x512xf32, #tpu.memory_space<vmem>>, vector<1x1x16xf32>,
      %mul3A_1554 = arith.constant 256 : i32
      %mul3A_1555 = arith.muli %select_n3A, %mul3A_1554 : i32
      %add3A_1556 = arith.addi %sub3A_878, %mul3A_1555 : i32
      %add3A_1557 = arith.constant 192 : i32
      %add3A_1558 = arith.addi %add3A_1556, %add3A_1557 : i32
      %get3A_1559 = arith.constant 1 : i32
      %get3A_1560 = arith.index_cast %get3A_1559 : i32 to index
      %get3A_1561 = arith.index_cast %add3A_1558 : i32 to index
      %get3A_1562 = tpu.vector_load %arg6[%get3A_1560, %get3A_1561] {strides = array<i32>} : memref<2x8448xf32, #tpu.memory_space<vmem>>, vector<1x16xf32>,
      %get3A_1563 = vector.shape_cast %get3A_1562 : vector<1x16xf32> to vector<16xf32>
      %add3A_1564 = arith.constant 32 : i32
      %add3A_1565 = arith.addi %add3A_1564, %select_n3A : i32
      %sub3A_1566 = arith.constant 1 : i32
      %sub3A_1567 = arith.subi %add3A_1565, %sub3A_1566 : i32
      %get3A_1568 = arith.index_cast %sub3A_1567 : i32 to index
      %get3A_1569 = arith.constant 448 : index
      %get3A_1570 = tpu.vector_load %arg5[%get3A_1568, %get3A_1569] {strides = array<i32>} : memref<64x512xf32, #tpu.memory_space<vmem>>, vector<1x16xf32>,
      %get3A_1571 = vector.shape_cast %get3A_1570 : vector<1x16xf32> to vector<16xf32>
      %mul3A_1572 = arith.mulf %get3A_1571, %get3A_1563 : vector<16xf32>
      %sub3A_1573 = arith.constant 1 : i32
      %sub3A_1574 = arith.subi %select_n3A, %sub3A_1573 : i32
      %swap3A_1575 = arith.constant 1 : i32
      %swap3A_1576 = arith.index_cast %swap3A_1575 : i32 to index
      %swap3A_1577 = arith.index_cast %sub3A_1574 : i32 to index
      %swap3A_1578 = arith.constant 448 : index
      %swap3A_1579 = tpu.vector_load %arg7[%swap3A_1576, %swap3A_1577, %swap3A_1578] {strides = array<i32>} : memref<2x32x512xf32, #tpu.memory_space<vmem>>, vector<1x1x16xf32>,
      %swap3A_1580 = vector.shape_cast %swap3A_1579 : vector<1x1x16xf32> to vector<16xf32>
      %swap3A_1581 = vector.shape_cast %mul3A_1572 : vector<16xf32> to vector<1x1x16xf32>
      tpu.vector_store %arg7[%swap3A_1576, %swap3A_1577, %swap3A_1578], %swap3A_1581 {strides = array<i32>} : memref<2x32x512xf32, #tpu.memory_space<vmem>>, vector<1x1x16xf32>,
      %mul3A_1582 = arith.constant 256 : i32
      %mul3A_1583 = arith.muli %select_n3A, %mul3A_1582 : i32
      %add3A_1584 = arith.addi %sub3A_878, %mul3A_1583 : i32
      %add3A_1585 = arith.constant 208 : i32
      %add3A_1586 = arith.addi %add3A_1584, %add3A_1585 : i32
      %get3A_1587 = arith.constant 1 : i32
      %get3A_1588 = arith.index_cast %get3A_1587 : i32 to index
      %get3A_1589 = arith.index_cast %add3A_1586 : i32 to index
      %get3A_1590 = tpu.vector_load %arg6[%get3A_1588, %get3A_1589] {strides = array<i32>} : memref<2x8448xf32, #tpu.memory_space<vmem>>, vector<1x16xf32>,
      %get3A_1591 = vector.shape_cast %get3A_1590 : vector<1x16xf32> to vector<16xf32>
      %add3A_1592 = arith.constant 32 : i32
      %add3A_1593 = arith.addi %add3A_1592, %select_n3A : i32
      %sub3A_1594 = arith.constant 1 : i32
      %sub3A_1595 = arith.subi %add3A_1593, %sub3A_1594 : i32
      %get3A_1596 = arith.index_cast %sub3A_1595 : i32 to index
      %get3A_1597 = arith.constant 464 : index
      %get3A_1598 = tpu.vector_load %arg5[%get3A_1596, %get3A_1597] {strides = array<i32>} : memref<64x512xf32, #tpu.memory_space<vmem>>, vector<1x16xf32>,
      %get3A_1599 = vector.shape_cast %get3A_1598 : vector<1x16xf32> to vector<16xf32>
      %mul3A_1600 = arith.mulf %get3A_1599, %get3A_1591 : vector<16xf32>
      %sub3A_1601 = arith.constant 1 : i32
      %sub3A_1602 = arith.subi %select_n3A, %sub3A_1601 : i32
      %swap3A_1603 = arith.constant 1 : i32
      %swap3A_1604 = arith.index_cast %swap3A_1603 : i32 to index
      %swap3A_1605 = arith.index_cast %sub3A_1602 : i32 to index
      %swap3A_1606 = arith.constant 464 : index
      %swap3A_1607 = tpu.vector_load %arg7[%swap3A_1604, %swap3A_1605, %swap3A_1606] {strides = array<i32>} : memref<2x32x512xf32, #tpu.memory_space<vmem>>, vector<1x1x16xf32>,
      %swap3A_1608 = vector.shape_cast %swap3A_1607 : vector<1x1x16xf32> to vector<16xf32>
      %swap3A_1609 = vector.shape_cast %mul3A_1600 : vector<16xf32> to vector<1x1x16xf32>
      tpu.vector_store %arg7[%swap3A_1604, %swap3A_1605, %swap3A_1606], %swap3A_1609 {strides = array<i32>} : memref<2x32x512xf32, #tpu.memory_space<vmem>>, vector<1x1x16xf32>,
      %mul3A_1610 = arith.constant 256 : i32
      %mul3A_1611 = arith.muli %select_n3A, %mul3A_1610 : i32
      %add3A_1612 = arith.addi %sub3A_878, %mul3A_1611 : i32
      %add3A_1613 = arith.constant 224 : i32
      %add3A_1614 = arith.addi %add3A_1612, %add3A_1613 : i32
      %get3A_1615 = arith.constant 1 : i32
      %get3A_1616 = arith.index_cast %get3A_1615 : i32 to index
      %get3A_1617 = arith.index_cast %add3A_1614 : i32 to index
      %get3A_1618 = tpu.vector_load %arg6[%get3A_1616, %get3A_1617] {strides = array<i32>} : memref<2x8448xf32, #tpu.memory_space<vmem>>, vector<1x16xf32>,
      %get3A_1619 = vector.shape_cast %get3A_1618 : vector<1x16xf32> to vector<16xf32>
      %add3A_1620 = arith.constant 32 : i32
      %add3A_1621 = arith.addi %add3A_1620, %select_n3A : i32
      %sub3A_1622 = arith.constant 1 : i32
      %sub3A_1623 = arith.subi %add3A_1621, %sub3A_1622 : i32
      %get3A_1624 = arith.index_cast %sub3A_1623 : i32 to index
      %get3A_1625 = arith.constant 480 : index
      %get3A_1626 = tpu.vector_load %arg5[%get3A_1624, %get3A_1625] {strides = array<i32>} : memref<64x512xf32, #tpu.memory_space<vmem>>, vector<1x16xf32>,
      %get3A_1627 = vector.shape_cast %get3A_1626 : vector<1x16xf32> to vector<16xf32>
      %mul3A_1628 = arith.mulf %get3A_1627, %get3A_1619 : vector<16xf32>
      %sub3A_1629 = arith.constant 1 : i32
      %sub3A_1630 = arith.subi %select_n3A, %sub3A_1629 : i32
      %swap3A_1631 = arith.constant 1 : i32
      %swap3A_1632 = arith.index_cast %swap3A_1631 : i32 to index
      %swap3A_1633 = arith.index_cast %sub3A_1630 : i32 to index
      %swap3A_1634 = arith.constant 480 : index
      %swap3A_1635 = tpu.vector_load %arg7[%swap3A_1632, %swap3A_1633, %swap3A_1634] {strides = array<i32>} : memref<2x32x512xf32, #tpu.memory_space<vmem>>, vector<1x1x16xf32>,
      %swap3A_1636 = vector.shape_cast %swap3A_1635 : vector<1x1x16xf32> to vector<16xf32>
      %swap3A_1637 = vector.shape_cast %mul3A_1628 : vector<16xf32> to vector<1x1x16xf32>
      tpu.vector_store %arg7[%swap3A_1632, %swap3A_1633, %swap3A_1634], %swap3A_1637 {strides = array<i32>} : memref<2x32x512xf32, #tpu.memory_space<vmem>>, vector<1x1x16xf32>,
      %mul3A_1638 = arith.constant 256 : i32
      %mul3A_1639 = arith.muli %select_n3A, %mul3A_1638 : i32
      %add3A_1640 = arith.addi %sub3A_878, %mul3A_1639 : i32
      %add3A_1641 = arith.constant 240 : i32
      %add3A_1642 = arith.addi %add3A_1640, %add3A_1641 : i32
      %get3A_1643 = arith.constant 1 : i32
      %get3A_1644 = arith.index_cast %get3A_1643 : i32 to index
      %get3A_1645 = arith.index_cast %add3A_1642 : i32 to index
      %get3A_1646 = tpu.vector_load %arg6[%get3A_1644, %get3A_1645] {strides = array<i32>} : memref<2x8448xf32, #tpu.memory_space<vmem>>, vector<1x16xf32>,
      %get3A_1647 = vector.shape_cast %get3A_1646 : vector<1x16xf32> to vector<16xf32>
      %add3A_1648 = arith.constant 32 : i32
      %add3A_1649 = arith.addi %add3A_1648, %select_n3A : i32
      %sub3A_1650 = arith.constant 1 : i32
      %sub3A_1651 = arith.subi %add3A_1649, %sub3A_1650 : i32
      %get3A_1652 = arith.index_cast %sub3A_1651 : i32 to index
      %get3A_1653 = arith.constant 496 : index
      %get3A_1654 = tpu.vector_load %arg5[%get3A_1652, %get3A_1653] {strides = array<i32>} : memref<64x512xf32, #tpu.memory_space<vmem>>, vector<1x16xf32>,
      %get3A_1655 = vector.shape_cast %get3A_1654 : vector<1x16xf32> to vector<16xf32>
      %mul3A_1656 = arith.mulf %get3A_1655, %get3A_1647 : vector<16xf32>
      %sub3A_1657 = arith.constant 1 : i32
      %sub3A_1658 = arith.subi %select_n3A, %sub3A_1657 : i32
      %swap3A_1659 = arith.constant 1 : i32
      %swap3A_1660 = arith.index_cast %swap3A_1659 : i32 to index
      %swap3A_1661 = arith.index_cast %sub3A_1658 : i32 to index
      %swap3A_1662 = arith.constant 496 : index
      %swap3A_1663 = tpu.vector_load %arg7[%swap3A_1660, %swap3A_1661, %swap3A_1662] {strides = array<i32>} : memref<2x32x512xf32, #tpu.memory_space<vmem>>, vector<1x1x16xf32>,
      %swap3A_1664 = vector.shape_cast %swap3A_1663 : vector<1x1x16xf32> to vector<16xf32>
      %swap3A_1665 = vector.shape_cast %mul3A_1656 : vector<16xf32> to vector<1x1x16xf32>
      tpu.vector_store %arg7[%swap3A_1660, %swap3A_1661, %swap3A_1662], %swap3A_1665 {strides = array<i32>} : memref<2x32x512xf32, #tpu.memory_space<vmem>>, vector<1x1x16xf32>,
      %not3A_1666 = arith.constant true
      %not3A_1667 = arith.xori %eq3A_3, %not3A_1666 : i1
      %convert_element_type3A_1668 = arith.extui %not3A_1667 : i1 to i32
      %cond3A_1669 = arith.constant 0 : i32
      %cond3A_1670 = arith.cmpi ne, %convert_element_type3A_1668, %cond3A_1669 : i32
      scf.if %cond3A_1670 {
        %add3A_1681 = arith.constant 32 : i32
        %add3A_1682 = arith.addi %mul3A_2, %add3A_1681 : i32
        %dma_start3A_1683 = arith.constant 1 : i32
        %dma_start3A_1684 = arith.constant 1 : i32
        %dma_start3A_1685 = arith.constant 0 : i32
        %dma_start3A_1686 = arith.constant 0 : i32
        %dma_start3A_1687 = tpu.memref_slice %arg7[%dma_start3A_1683, %dma_start3A_1685, %dma_start3A_1686] : memref<2x32x512xf32, #tpu.memory_space<vmem>> -> memref<1x32x512xf32, #tpu.memory_space<vmem>>
        %dma_start3A_1688 = tpu.memref_squeeze %dma_start3A_1687 : memref<1x32x512xf32, #tpu.memory_space<vmem>> -> memref<32x512xf32, #tpu.memory_space<vmem>>
        %dma_start3A_1689 = arith.constant 0 : i32
        %dma_start3A_1690 = tpu.memref_slice %arg4[%scan3A_82, %add3A_1682, %dma_start3A_1689] : memref<32x2047x512xf32, #tpu.memory_space<hbm>> -> memref<1x32x512xf32, #tpu.memory_space<hbm>>
        %dma_start3A_1691 = tpu.memref_squeeze %dma_start3A_1690 : memref<1x32x512xf32, #tpu.memory_space<hbm>> -> memref<32x512xf32, #tpu.memory_space<hbm>>
        %dma_start3A_1692 = tpu.memref_slice %arg9[%dma_start3A_1684] : memref<2x!tpu.dma_semaphore, #tpu.memory_space<semaphore_mem>> -> memref<1x!tpu.dma_semaphore, #tpu.memory_space<semaphore_mem>>
        %dma_start3A_1693 = tpu.memref_squeeze %dma_start3A_1692 : memref<1x!tpu.dma_semaphore, #tpu.memory_space<semaphore_mem>> -> memref<!tpu.dma_semaphore, #tpu.memory_space<semaphore_mem>>
        %dma_start3A_1694 = arith.constant 0 : i32
        %dma_start3A_1695 = tpu.memref_slice %arg4[%scan3A_82, %add3A_1682, %dma_start3A_1694] : memref<32x2047x512xf32, #tpu.memory_space<hbm>> -> memref<1x32x512xf32, #tpu.memory_space<hbm>>
        %dma_start3A_1696 = tpu.memref_squeeze %dma_start3A_1695 : memref<1x32x512xf32, #tpu.memory_space<hbm>> -> memref<32x512xf32, #tpu.memory_space<hbm>>
        %dma_start3A_1697 = arith.constant 0 : i32
        %dma_start3A_1698 = arith.constant 0 : i32
        %dma_start3A_1699 = tpu.memref_slice %arg7[%dma_start3A_1683, %dma_start3A_1697, %dma_start3A_1698] : memref<2x32x512xf32, #tpu.memory_space<vmem>> -> memref<1x32x512xf32, #tpu.memory_space<vmem>>
        %dma_start3A_1700 = tpu.memref_squeeze %dma_start3A_1699 : memref<1x32x512xf32, #tpu.memory_space<vmem>> -> memref<32x512xf32, #tpu.memory_space<vmem>>
        tpu.enqueue_dma source(%dma_start3A_1700 : memref<32x512xf32, #tpu.memory_space<vmem>>) target(%dma_start3A_1696 : memref<32x512xf32, #tpu.memory_space<hbm>>) target_semaphore(%dma_start3A_1693 : memref<!tpu.dma_semaphore, #tpu.memory_space<semaphore_mem>>)
      } else {
      }
      %convert_element_type3A_1671 = arith.extui %eq3A_3 : i1 to i32
      %cond3A_1672 = arith.constant 0 : i32
      %cond3A_1673 = arith.cmpi ne, %convert_element_type3A_1671, %cond3A_1672 : i32
      scf.if %cond3A_1673 {
        %add3A_1681 = arith.constant 32 : i32
        %add3A_1682 = arith.addi %mul3A_2, %add3A_1681 : i32
        %dma_start3A_1683 = arith.constant 1 : i32
        %dma_start3A_1684 = arith.constant 1 : i32
        %dma_start3A_1685 = arith.constant 0 : i32
        %dma_start3A_1686 = arith.constant 0 : i32
        %dma_start3A_1687 = tpu.memref_slice %arg7[%dma_start3A_1683, %dma_start3A_1685, %dma_start3A_1686] : memref<2x32x512xf32, #tpu.memory_space<vmem>> -> memref<1x31x512xf32, #tpu.memory_space<vmem>>
        %dma_start3A_1688 = tpu.memref_squeeze %dma_start3A_1687 : memref<1x31x512xf32, #tpu.memory_space<vmem>> -> memref<31x512xf32, #tpu.memory_space<vmem>>
        %dma_start3A_1689 = arith.constant 0 : i32
        %dma_start3A_1690 = tpu.memref_slice %arg4[%scan3A_82, %add3A_1682, %dma_start3A_1689] : memref<32x2047x512xf32, #tpu.memory_space<hbm>> -> memref<1x31x512xf32, #tpu.memory_space<hbm>>
        %dma_start3A_1691 = tpu.memref_squeeze %dma_start3A_1690 : memref<1x31x512xf32, #tpu.memory_space<hbm>> -> memref<31x512xf32, #tpu.memory_space<hbm>>
        %dma_start3A_1692 = tpu.memref_slice %arg9[%dma_start3A_1684] : memref<2x!tpu.dma_semaphore, #tpu.memory_space<semaphore_mem>> -> memref<1x!tpu.dma_semaphore, #tpu.memory_space<semaphore_mem>>
        %dma_start3A_1693 = tpu.memref_squeeze %dma_start3A_1692 : memref<1x!tpu.dma_semaphore, #tpu.memory_space<semaphore_mem>> -> memref<!tpu.dma_semaphore, #tpu.memory_space<semaphore_mem>>
        %dma_start3A_1694 = arith.constant 0 : i32
        %dma_start3A_1695 = tpu.memref_slice %arg4[%scan3A_82, %add3A_1682, %dma_start3A_1694] : memref<32x2047x512xf32, #tpu.memory_space<hbm>> -> memref<1x31x512xf32, #tpu.memory_space<hbm>>
        %dma_start3A_1696 = tpu.memref_squeeze %dma_start3A_1695 : memref<1x31x512xf32, #tpu.memory_space<hbm>> -> memref<31x512xf32, #tpu.memory_space<hbm>>
        %dma_start3A_1697 = arith.constant 0 : i32
        %dma_start3A_1698 = arith.constant 0 : i32
        %dma_start3A_1699 = tpu.memref_slice %arg7[%dma_start3A_1683, %dma_start3A_1697, %dma_start3A_1698] : memref<2x32x512xf32, #tpu.memory_space<vmem>> -> memref<1x31x512xf32, #tpu.memory_space<vmem>>
        %dma_start3A_1700 = tpu.memref_squeeze %dma_start3A_1699 : memref<1x31x512xf32, #tpu.memory_space<vmem>> -> memref<31x512xf32, #tpu.memory_space<vmem>>
        tpu.enqueue_dma source(%dma_start3A_1700 : memref<31x512xf32, #tpu.memory_space<vmem>>) target(%dma_start3A_1696 : memref<31x512xf32, #tpu.memory_space<hbm>>) target_semaphore(%dma_start3A_1693 : memref<!tpu.dma_semaphore, #tpu.memory_space<semaphore_mem>>)
      } else {
      }
      %add3A_1674 = arith.constant 1 : i32
      %add3A_1675 = arith.addi %scan3A_82, %add3A_1674 : i32
      %lt3A_1676 = arith.constant 32 : i32
      %lt3A_1677 = arith.cmpi slt, %add3A_1675, %lt3A_1676 : i32
      %convert_element_type3A_1678 = arith.extui %lt3A_1677 : i1 to i32
      %cond3A_1679 = arith.constant 0 : i32
      %cond3A_1680 = arith.cmpi ne, %convert_element_type3A_1678, %cond3A_1679 : i32
      scf.if %cond3A_1680 {
        %add3A_1681 = arith.constant 1 : i32
        %add3A_1682 = arith.addi %scan3A_82, %add3A_1681 : i32
        %add3A_1683 = arith.constant 32 : i32
        %add3A_1684 = arith.addi %mul3A_2, %add3A_1683 : i32
        %mul3A_1685 = arith.constant 256 : i32
        %mul3A_1686 = arith.muli %add3A_1684, %mul3A_1685 : i32
        %min3A_1687 = arith.constant 515840 : i32
        %min3A_1688 = arith.minsi %mul3A_1686, %min3A_1687 : i32
        %dma_start3A_1689 = arith.constant 1 : i32
        %dma_start3A_1690 = arith.constant 1 : i32
        %dma_start3A_1691 = arith.constant 0 : i32
        %dma_start3A_1692 = tpu.memref_slice %arg6[%dma_start3A_1689, %dma_start3A_1691] : memref<2x8448xf32, #tpu.memory_space<vmem>> -> memref<1x8448xf32, #tpu.memory_space<vmem>>
        %dma_start3A_1693 = tpu.memref_squeeze %dma_start3A_1692 : memref<1x8448xf32, #tpu.memory_space<vmem>> -> memref<8448xf32, #tpu.memory_space<vmem>>
        %dma_start3A_1694 = tpu.memref_slice %arg2[%add3A_1682, %min3A_1688] : memref<32x524288xf32, #tpu.memory_space<hbm>> -> memref<1x8448xf32, #tpu.memory_space<hbm>>
        %dma_start3A_1695 = tpu.memref_squeeze %dma_start3A_1694 : memref<1x8448xf32, #tpu.memory_space<hbm>> -> memref<8448xf32, #tpu.memory_space<hbm>>
        %dma_start3A_1696 = tpu.memref_slice %arg8[%dma_start3A_1690] : memref<2x!tpu.dma_semaphore, #tpu.memory_space<semaphore_mem>> -> memref<1x!tpu.dma_semaphore, #tpu.memory_space<semaphore_mem>>
        %dma_start3A_1697 = tpu.memref_squeeze %dma_start3A_1696 : memref<1x!tpu.dma_semaphore, #tpu.memory_space<semaphore_mem>> -> memref<!tpu.dma_semaphore, #tpu.memory_space<semaphore_mem>>
        %dma_start3A_1698 = arith.constant 0 : i32
        %dma_start3A_1699 = tpu.memref_slice %arg6[%dma_start3A_1689, %dma_start3A_1698] : memref<2x8448xf32, #tpu.memory_space<vmem>> -> memref<1x8448xf32, #tpu.memory_space<vmem>>
        %dma_start3A_1700 = tpu.memref_squeeze %dma_start3A_1699 : memref<1x8448xf32, #tpu.memory_space<vmem>> -> memref<8448xf32, #tpu.memory_space<vmem>>
        %dma_start3A_1701 = tpu.memref_slice %arg2[%add3A_1682, %min3A_1688] : memref<32x524288xf32, #tpu.memory_space<hbm>> -> memref<1x8448xf32, #tpu.memory_space<hbm>>
        %dma_start3A_1702 = tpu.memref_squeeze %dma_start3A_1701 : memref<1x8448xf32, #tpu.memory_space<hbm>> -> memref<8448xf32, #tpu.memory_space<hbm>>
        tpu.enqueue_dma source(%dma_start3A_1702 : memref<8448xf32, #tpu.memory_space<hbm>>) target(%dma_start3A_1700 : memref<8448xf32, #tpu.memory_space<vmem>>) target_semaphore(%dma_start3A_1697 : memref<!tpu.dma_semaphore, #tpu.memory_space<semaphore_mem>>)
      } else {
      }
    }
    %scan3A_53 = arith.constant 32 : i32
    %add3A_54 = arith.constant 0 : i32
    %add3A_55 = arith.addi %mul3A_2, %add3A_54 : i32
    %dma_wait3A = arith.constant 0 : i32
    %dma_wait3A_56 = arith.constant 31 : i32
    %dma_wait3A_57 = arith.constant 0 : i32
    %dma_wait3A_58 = arith.constant 0 : i32
    %dma_wait3A_59 = arith.constant 0 : i32
    %dma_wait3A_60 = tpu.memref_slice %arg7[%dma_wait3A, %dma_wait3A_58, %dma_wait3A_59] : memref<2x32x512xf32, #tpu.memory_space<vmem>> -> memref<1x32x512xf32, #tpu.memory_space<vmem>>
    %dma_wait3A_61 = tpu.memref_squeeze %dma_wait3A_60 : memref<1x32x512xf32, #tpu.memory_space<vmem>> -> memref<32x512xf32, #tpu.memory_space<vmem>>
    %dma_wait3A_62 = arith.constant 0 : i32
    %dma_wait3A_63 = tpu.memref_slice %arg4[%dma_wait3A_56, %add3A_55, %dma_wait3A_62] : memref<32x2047x512xf32, #tpu.memory_space<hbm>> -> memref<1x32x512xf32, #tpu.memory_space<hbm>>
    %dma_wait3A_64 = tpu.memref_squeeze %dma_wait3A_63 : memref<1x32x512xf32, #tpu.memory_space<hbm>> -> memref<32x512xf32, #tpu.memory_space<hbm>>
    %dma_wait3A_65 = tpu.memref_slice %arg9[%dma_wait3A_57] : memref<2x!tpu.dma_semaphore, #tpu.memory_space<semaphore_mem>> -> memref<1x!tpu.dma_semaphore, #tpu.memory_space<semaphore_mem>>
    %dma_wait3A_66 = tpu.memref_squeeze %dma_wait3A_65 : memref<1x!tpu.dma_semaphore, #tpu.memory_space<semaphore_mem>> -> memref<!tpu.dma_semaphore, #tpu.memory_space<semaphore_mem>>
    %dma_wait3A_67 = arith.constant 0 : i32
    %dma_wait3A_68 = tpu.memref_slice %arg4[%dma_wait3A_56, %add3A_55, %dma_wait3A_67] : memref<32x2047x512xf32, #tpu.memory_space<hbm>> -> memref<1x32x512xf32, #tpu.memory_space<hbm>>
    %dma_wait3A_69 = tpu.memref_squeeze %dma_wait3A_68 : memref<1x32x512xf32, #tpu.memory_space<hbm>> -> memref<32x512xf32, #tpu.memory_space<hbm>>
    %dma_wait3A_70 = arith.constant 0 : i32
    %dma_wait3A_71 = arith.constant 0 : i32
    %dma_wait3A_72 = tpu.memref_slice %arg7[%dma_wait3A, %dma_wait3A_70, %dma_wait3A_71] : memref<2x32x512xf32, #tpu.memory_space<vmem>> -> memref<1x32x512xf32, #tpu.memory_space<vmem>>
    %dma_wait3A_73 = tpu.memref_squeeze %dma_wait3A_72 : memref<1x32x512xf32, #tpu.memory_space<vmem>> -> memref<32x512xf32, #tpu.memory_space<vmem>>
    tpu.wait_dma2 semaphore(%dma_wait3A_66 : memref<!tpu.dma_semaphore, #tpu.memory_space<semaphore_mem>>) src(%dma_wait3A_73 : memref<32x512xf32, #tpu.memory_space<vmem>>) dst(%dma_wait3A_69 : memref<32x512xf32, #tpu.memory_space<hbm>>)
    %not3A_74 = arith.constant true
    %not3A_75 = arith.xori %eq3A_3, %not3A_74 : i1
    %convert_element_type3A_76 = arith.extui %not3A_75 : i1 to i32
    %cond3A_77 = arith.constant 0 : i32
    %cond3A_78 = arith.cmpi ne, %convert_element_type3A_76, %cond3A_77 : i32
    scf.if %cond3A_78 {
      %add3A_82 = arith.constant 32 : i32
      %add3A_83 = arith.addi %mul3A_2, %add3A_82 : i32
      %dma_wait3A_84 = arith.constant 1 : i32
      %dma_wait3A_85 = arith.constant 31 : i32
      %dma_wait3A_86 = arith.constant 1 : i32
      %dma_wait3A_87 = arith.constant 0 : i32
      %dma_wait3A_88 = arith.constant 0 : i32
      %dma_wait3A_89 = tpu.memref_slice %arg7[%dma_wait3A_84, %dma_wait3A_87, %dma_wait3A_88] : memref<2x32x512xf32, #tpu.memory_space<vmem>> -> memref<1x32x512xf32, #tpu.memory_space<vmem>>
      %dma_wait3A_90 = tpu.memref_squeeze %dma_wait3A_89 : memref<1x32x512xf32, #tpu.memory_space<vmem>> -> memref<32x512xf32, #tpu.memory_space<vmem>>
      %dma_wait3A_91 = arith.constant 0 : i32
      %dma_wait3A_92 = tpu.memref_slice %arg4[%dma_wait3A_85, %add3A_83, %dma_wait3A_91] : memref<32x2047x512xf32, #tpu.memory_space<hbm>> -> memref<1x32x512xf32, #tpu.memory_space<hbm>>
      %dma_wait3A_93 = tpu.memref_squeeze %dma_wait3A_92 : memref<1x32x512xf32, #tpu.memory_space<hbm>> -> memref<32x512xf32, #tpu.memory_space<hbm>>
      %dma_wait3A_94 = tpu.memref_slice %arg9[%dma_wait3A_86] : memref<2x!tpu.dma_semaphore, #tpu.memory_space<semaphore_mem>> -> memref<1x!tpu.dma_semaphore, #tpu.memory_space<semaphore_mem>>
      %dma_wait3A_95 = tpu.memref_squeeze %dma_wait3A_94 : memref<1x!tpu.dma_semaphore, #tpu.memory_space<semaphore_mem>> -> memref<!tpu.dma_semaphore, #tpu.memory_space<semaphore_mem>>
      %dma_wait3A_96 = arith.constant 0 : i32
      %dma_wait3A_97 = tpu.memref_slice %arg4[%dma_wait3A_85, %add3A_83, %dma_wait3A_96] : memref<32x2047x512xf32, #tpu.memory_space<hbm>> -> memref<1x32x512xf32, #tpu.memory_space<hbm>>
      %dma_wait3A_98 = tpu.memref_squeeze %dma_wait3A_97 : memref<1x32x512xf32, #tpu.memory_space<hbm>> -> memref<32x512xf32, #tpu.memory_space<hbm>>
      %dma_wait3A_99 = arith.constant 0 : i32
      %dma_wait3A_100 = arith.constant 0 : i32
      %dma_wait3A_101 = tpu.memref_slice %arg7[%dma_wait3A_84, %dma_wait3A_99, %dma_wait3A_100] : memref<2x32x512xf32, #tpu.memory_space<vmem>> -> memref<1x32x512xf32, #tpu.memory_space<vmem>>
      %dma_wait3A_102 = tpu.memref_squeeze %dma_wait3A_101 : memref<1x32x512xf32, #tpu.memory_space<vmem>> -> memref<32x512xf32, #tpu.memory_space<vmem>>
      tpu.wait_dma2 semaphore(%dma_wait3A_95 : memref<!tpu.dma_semaphore, #tpu.memory_space<semaphore_mem>>) src(%dma_wait3A_102 : memref<32x512xf32, #tpu.memory_space<vmem>>) dst(%dma_wait3A_98 : memref<32x512xf32, #tpu.memory_space<hbm>>)
    } else {
    }
    %convert_element_type3A_79 = arith.extui %eq3A_3 : i1 to i32
    %cond3A_80 = arith.constant 0 : i32
    %cond3A_81 = arith.cmpi ne, %convert_element_type3A_79, %cond3A_80 : i32
    scf.if %cond3A_81 {
      %add3A_82 = arith.constant 32 : i32
      %add3A_83 = arith.addi %mul3A_2, %add3A_82 : i32
      %dma_wait3A_84 = arith.constant 1 : i32
      %dma_wait3A_85 = arith.constant 31 : i32
      %dma_wait3A_86 = arith.constant 1 : i32
      %dma_wait3A_87 = arith.constant 0 : i32
      %dma_wait3A_88 = arith.constant 0 : i32
      %dma_wait3A_89 = tpu.memref_slice %arg7[%dma_wait3A_84, %dma_wait3A_87, %dma_wait3A_88] : memref<2x32x512xf32, #tpu.memory_space<vmem>> -> memref<1x31x512xf32, #tpu.memory_space<vmem>>
      %dma_wait3A_90 = tpu.memref_squeeze %dma_wait3A_89 : memref<1x31x512xf32, #tpu.memory_space<vmem>> -> memref<31x512xf32, #tpu.memory_space<vmem>>
      %dma_wait3A_91 = arith.constant 0 : i32
      %dma_wait3A_92 = tpu.memref_slice %arg4[%dma_wait3A_85, %add3A_83, %dma_wait3A_91] : memref<32x2047x512xf32, #tpu.memory_space<hbm>> -> memref<1x31x512xf32, #tpu.memory_space<hbm>>
      %dma_wait3A_93 = tpu.memref_squeeze %dma_wait3A_92 : memref<1x31x512xf32, #tpu.memory_space<hbm>> -> memref<31x512xf32, #tpu.memory_space<hbm>>
      %dma_wait3A_94 = tpu.memref_slice %arg9[%dma_wait3A_86] : memref<2x!tpu.dma_semaphore, #tpu.memory_space<semaphore_mem>> -> memref<1x!tpu.dma_semaphore, #tpu.memory_space<semaphore_mem>>
      %dma_wait3A_95 = tpu.memref_squeeze %dma_wait3A_94 : memref<1x!tpu.dma_semaphore, #tpu.memory_space<semaphore_mem>> -> memref<!tpu.dma_semaphore, #tpu.memory_space<semaphore_mem>>
      %dma_wait3A_96 = arith.constant 0 : i32
      %dma_wait3A_97 = tpu.memref_slice %arg4[%dma_wait3A_85, %add3A_83, %dma_wait3A_96] : memref<32x2047x512xf32, #tpu.memory_space<hbm>> -> memref<1x31x512xf32, #tpu.memory_space<hbm>>
      %dma_wait3A_98 = tpu.memref_squeeze %dma_wait3A_97 : memref<1x31x512xf32, #tpu.memory_space<hbm>> -> memref<31x512xf32, #tpu.memory_space<hbm>>
      %dma_wait3A_99 = arith.constant 0 : i32
      %dma_wait3A_100 = arith.constant 0 : i32
      %dma_wait3A_101 = tpu.memref_slice %arg7[%dma_wait3A_84, %dma_wait3A_99, %dma_wait3A_100] : memref<2x32x512xf32, #tpu.memory_space<vmem>> -> memref<1x31x512xf32, #tpu.memory_space<vmem>>
      %dma_wait3A_102 = tpu.memref_squeeze %dma_wait3A_101 : memref<1x31x512xf32, #tpu.memory_space<vmem>> -> memref<31x512xf32, #tpu.memory_space<vmem>>
      tpu.wait_dma2 semaphore(%dma_wait3A_95 : memref<!tpu.dma_semaphore, #tpu.memory_space<semaphore_mem>>) src(%dma_wait3A_102 : memref<31x512xf32, #tpu.memory_space<vmem>>) dst(%dma_wait3A_98 : memref<31x512xf32, #tpu.memory_space<hbm>>)
    } else {
    }
    return
  }
}

</mosaic_0001>

<sc_bundles>
// kernel: _segmentor.3.cloned.1.call-start
scs
__scs_entry_jumppad:
0x0: {  	(pc) =	sbr.rel $0x88, $3  }
0x1: {  	(tag) =	ssettag $0x0;
	lr =	simm.s32 $0x1  }
0x2: {  	[smem:$0x3F9F] =	sst lr;
	_ =	strace $0xD0000000  }
0x3: {  	_ = 	snop  }
0x4: {  	_ = 	snop  }
0x5: {  	_ = 	snop  }
0x6: {  	_ = 	snop  }
0x7: {  	_ = 	snop  }
__scs_overlays_trampoline_lowered:
0x8: {  	[smem:$0x3FAE] =	sst s0  }
0x9: {  	[smem:$0x3FAF] =	sst s1  }
0xa: {  	[smem:$0x3FB0] =	sst s2  }
0xb: {  	[smem:$0x3FB1] =	sst s3  }
0xc: {  	[smem:$0x3FB2] =	sst s4  }
0xd: {  	[smem:$0x3FB3] =	sst s5  }
0xe: {  	[smem:$0x3FB4] =	sst s6  }
0xf: {  	[smem:$0x3FB5] =	sst s7  }
0x10: {  	[smem:$0x3FB6] =	sst s8  }
0x11: {  	[smem:$0x3FB7] =	sst s9;
	s0 =	simm.s32 @!p0 $0x0  }
0x12: {  	s1 =	sld [smem:$0x3F9D];
	s0 =	simm.s32 @p0 $0x1  }
0x13: {  	[smem:$0x3FB8] =	sst s0;
	s0 =	simm.s32 @!p1 $0x0  }
0x14: {  	s2 =	sld [smem:$0x3F9C];
	s0 =	simm.s32 @p1 $0x1  }
0x15: {  	[smem:$0x3FB9] =	sst s0;
	s0 =	simm.s32 @!p2 $0x0  }
0x16: {  	s3 =	sld [smem:$0x3FDB];
	s0 =	simm.s32 @p2 $0x1  }
0x17: {  	s4 =	simm.s32 $0x1BF5;
	[smem:$0x3FBB] =	sst s0  }
0x18: {  	s0 =	sld [smem:$0x3F9E];
	_ =	swait.ge [sflag:s4], $0x0  }
0x19: {  	s7 =	sld [smem:$0x3F9F]  }
0x1a: {  	s8 =	sadd.s32 $0xFFFFE003, lr  }
0x1b: {  	s9 =	sadd.s32 $0xFFFFFEF7, lr;
	s5 =	simm.s32 $0xFFFFFFFF;
	p2 =	slt.u32 s8, $0xFFFFF086  }
0x1c: {  	p1 =	slt.u32 s9, $0xF7A;
	s5 =	simm.s32 @!p2 $0x0  }
0x1d: {  	s5 =	simm.s32 @p1 $0x1;
	p0 =	seq.s32 s7, s2  }
0x1e: {  	s7 =	smul.u32 @!p0 $0xF7A, s2;
	p2 =	seq.s32 @!p0 s5, $0x0  }
0x1f: {  	s9 =	smul.u32 $0xF7A, s1;
	s8 =	simm.s32 @!p0 $0x1BF5;
	p2 =	por !p2, p0  }
0x20: {  	[sflag:s8] =	ssyncset.s32 @!p0 $0xFFFFF086;
	s6 =	sadd.s32 @!p0 s3, s7;
	s7 =	simm.s32 @!p0 $0x108  }
0x21: {  	s3 =	sadd.s32 s3, s9;
	s6 =	sadd.s32 @!p0 $0x88, s6;
	s7 =	simm.s32 @p2 $0x1082  }
0x22: {  	[simem:s7], [sflag:s8] =	dma.local @!p0 [hbm:s6], $0xF7A  }
0x23: {  	s9 =	sor.u32 $0xD0000000, s2;
	s6 =	simm.s32 $0x108;
	_ =	swait.ge @!p0 [sflag:s8], $0x0  }
0x24: {  	s3 =	sadd.s32 $0x88, s3;
	s6 =	simm.s32 @!p1 $0x1082;
	[sflag:s4] =	ssyncset.s32 $0xFFFFF086  }
0x25: {  	[simem:s6], [sflag:s4] =	dma.local [hbm:s3], $0xF7A  }
0x26: {  	[smem:$0x3F9F] =	sst s1;
	(tag) =	ssettag s2;
	_ =	strace s9  }
0x27: {  	s1 =	sld [smem:$0x3FAF]  }
0x28: {  	s2 =	sld [smem:$0x3FB0]  }
0x29: {  	s4 =	sld [smem:$0x3FB2]  }
0x2a: {  	p0 =	seq.s32 s5, $0x0;
	s5 =	sld [smem:$0x3FB3]  }
0x2b: {  	s6 =	sld [smem:$0x3FB4]  }
0x2c: {  	s7 =	sld [smem:$0x3FB5]  }
0x2d: {  	s3 =	simm.s32 $0x108;
	s8 =	sld [smem:$0x3FB6]  }
0x2e: {  	s3 =	simm.s32 @!p0 $0x1082;
	s9 =	sld [smem:$0x3FB7]  }
0x2f: {  	lr =	sadd.s32 s0, s3;
	s0 =	sld [smem:$0x3FAE]  }
0x30: {  	s3 =	sld [smem:$0x3FB1]  }
0x31: {  	[smem:$0x3FBA] =	sst s10  }
0x32: {  	s10 =	sld [smem:$0x3FB8];
	_ =	sdelay $0x3  }
0x33: {  	p0 =	seq.s32 s10, $0x1;
	s10 =	sld [smem:$0x3FBA];
	_ =	sdelay $0x3  }
0x34: {  	[smem:$0x3FBA] =	sst s10  }
0x35: {  	s10 =	sld [smem:$0x3FB9];
	_ =	sdelay $0x3  }
0x36: {  	p1 =	seq.s32 s10, $0x1;
	s10 =	sld [smem:$0x3FBA];
	_ =	sdelay $0x3  }
0x37: {  	[smem:$0x3FBA] =	sst s10  }
0x38: {  	s10 =	sld [smem:$0x3FBB]  }
0x39: {  	_ = 	snop;
	(pc) =	sbr.ind lr, $3  }
0x3a: {  	_ = 	snop  }
0x3b: {  	_ = 	snop  }
0x3c: {  	p2 =	seq.s32 s10, $0x1;
	s10 =	sld [smem:$0x3FBA]  }
0x3d: {  	_ =	shalt  }
0x3e: {  	_ =	shalt  }
0x3f: {  	_ =	shalt  }
0x40: {  	_ =	shalt  }
0x41: {  	_ =	shalt  }
0x42: {  	_ =	shalt  }
0x43: {  	_ =	shalt  }
0x44: {  	_ =	shalt  }
0x45: {  	_ =	shalt  }
0x46: {  	_ =	shalt  }
0x47: {  	_ =	shalt  }
0x48: {  	_ =	shalt  }
0x49: {  	_ =	shalt  }
0x4a: {  	_ =	shalt  }
0x4b: {  	_ =	shalt  }
0x4c: {  	_ =	shalt  }
0x4d: {  	_ =	shalt  }
0x4e: {  	_ =	shalt  }
0x4f: {  	_ =	shalt  }
0x50: {  	_ =	shalt  }
0x51: {  	_ =	shalt  }
0x52: {  	_ =	shalt  }
0x53: {  	_ =	shalt  }
0x54: {  	_ =	shalt  }
0x55: {  	_ =	shalt  }
0x56: {  	_ =	shalt  }
0x57: {  	_ =	shalt  }
0x58: {  	_ =	shalt  }
0x59: {  	_ =	shalt  }
0x5a: {  	_ =	shalt  }
0x5b: {  	_ =	shalt  }
0x5c: {  	_ =	shalt  }
0x5d: {  	_ =	shalt  }
0x5e: {  	_ =	shalt  }
0x5f: {  	_ =	shalt  }
0x60: {  	_ =	shalt  }
0x61: {  	_ =	shalt  }
0x62: {  	_ =	shalt  }
0x63: {  	_ =	shalt  }
0x64: {  	_ =	shalt  }
0x65: {  	_ =	shalt  }
0x66: {  	_ =	shalt  }
0x67: {  	_ =	shalt  }
0x68: {  	_ =	shalt  }
0x69: {  	_ =	shalt  }
0x6a: {  	_ =	shalt  }
0x6b: {  	_ =	shalt  }
0x6c: {  	_ =	shalt  }
0x6d: {  	_ =	shalt  }
0x6e: {  	_ =	shalt  }
0x6f: {  	_ =	shalt  }
0x70: {  	_ =	shalt  }
0x71: {  	_ =	shalt  }
0x72: {  	_ =	shalt  }
0x73: {  	_ =	shalt  }
0x74: {  	_ =	shalt  }
0x75: {  	_ =	shalt  }
0x76: {  	_ =	shalt  }
0x77: {  	_ =	shalt  }
0x78: {  	_ =	shalt  }
0x79: {  	_ =	shalt  }
0x7a: {  	_ =	shalt  }
0x7b: {  	_ =	shalt  }
0x7c: {  	_ =	shalt  }
0x7d: {  	_ =	shalt  }
0x7e: {  	_ =	shalt  }
0x7f: {  	_ =	shalt  }
0x80: {  	_ =	shalt  }
0x81: {  	_ =	shalt  }
0x82: {  	_ =	shalt  }
0x83: {  	_ =	shalt  }
0x84: {  	_ =	shalt  }
0x85: {  	_ =	shalt  }
0x86: {  	_ =	shalt  }
0x87: {  	_ =	shalt  }
.Lfunc_end0:
.L_simem_size_0:
called_computation.2_lowered:
.L_overlay_start_0:
0x88: {  	s2 =	sld [smem:$0x3FD9]  }
0x89: {  	s3 =	sld [smem:$0x3FFE];
	_ =	sdelay $0x1  }
0x8a: {  	s1 =	srdreg.scid  }
0x8b: {  	s0 =	sand.u32 $0x1, s1  }
0x8c: {  	s17 =	sshll.u32 s0, $0xA;
	s2 =	sadd.s32 s3, s2  }
0x8d: {  	s2 =	sadd.s32 s2, s17  }
0x8e: {  	[smem:$0x3FC6] =	sst s2  }
0x8f: {  	_ = 	snop  }
0x90: {  	s2 =	sld [smem:$0x3FD0];
	(tm) =	ssettm $0x1  }
0x91: {  	s18 =	sld [smem:$0x3FFB];
	_ =	sdelay $0x3  }
0x92: {  	_ =	strace s18  }
0x93: {  	s3 =	sld [smem:$0x3FFC];
	_ =	sdelay $0x3  }
0x94: {  	_ =	strace s3  }
0x95: {  	s3 =	sld [smem:$0x3FFD];
	_ =	sdelay $0x3  }
0x96: {  	_ =	strace s3  }
0x97: {  	_ =	strace $0x8FFFFFFF  }
0x98: {  	s19 =	sld [smem:$0x3FDB];
	_ =	sdelay $0x1  }
0x99: {  	s4 =	simm.s32 $_scs_section_size  }
0x9a: {  	s5 =	simm.s32 $_size__tile_overlayer_lowered;
	s6 =	simm.s32 $_tile_overlayer_lowered  }
0x9b: {  	s22 =	simm.s32 $0x1BFF;
	s21 =	sshll.u32 s6, $0x1;
	s3 =	sadd.s32 s4, s19  }
0x9c: {  	s7 =	simm.s32 $0x0;
	s20 =	sshll.u32 s5, $0x1;
	s5 =	sadd.s32 s21, s3  }
0x9d: {  	[timem:s7], [sflag:s22] =	dma.local [hbm:s5], s20  }
0x9e: {  	_ =	swait.ge [sflag:s22], s20  }
0x9f: {  	s4 =	ssub.s32 $0x0, s20;
	[sflag:s22] =	ssyncset.done $0x0  }
0xa0: {  	[sflag:s22] =	ssyncadd.s32 s4;
	_ =	sdelay $0x1  }
0xa1: {  	s23 =	simm.s32 $0x1B8B  }
0xa2: {  	_ =	swait.ge [sflag:s23], $0x1  }
0xa3: {  	[sflag:s23] =	ssyncset.done $0x0  }
0xa4: {  	s25 =	simm.s32 $0x1B8E;
	s24 =	sld [smem:$0x3FFE];
	[sflag:s23] =	ssyncadd.s32 $0xFFFFFFFF  }
0xa5: {  	s26 =	simm.s32 $execute0_lowered;
	[smem:$0x3FD2] =	sst s25  }
0xa6: {  	s5 =	sshll.u32 s26, $0x1;
	_ =	strace $0x80000049;
	[dreg:$0x1] =	wrdreg $0xFFFFFFFF  }
0xa7: {  	s28 =	simm.s32 $_size_execute0_lowered;
	s3 =	sadd.s32 s3, s5;
	[dreg:$0x0] =	wrdreg $0x0  }
0xa8: {  	s5 =	sshll.u32 s28, $0x1;
	[dreg:$0x2] =	wrdreg s3  }
0xa9: {  	[dreg:$0x3] =	wrdreg s5  }
0xaa: {  	[dreg:$0x4] =	wrdreg $0xC0  }
0xab: {  	_ =	task [dreg:s7], $0x5FFFF  }
0xac: {  	[dreg:$0x1] =	wrdreg $0xFFFFFFFF  }
0xad: {  	[dreg:$0x0] =	wrdreg $0x60  }
0xae: {  	[dreg:$0x2] =	wrdreg s24  }
0xaf: {  	[dreg:$0x3] =	wrdreg s2  }
0xb0: {  	[dreg:$0x4] =	wrdreg $0x9  }
0xb1: {  	_ =	task.clear_ibuf [dreg:s7], $0x5FFFF;
	_ =	strace $0x90000049  }
0xb2: {  	s29 =	simm.s32 $0x9;
	_ =	strace $0x8000004B  }
0xb3: {  	_ =	swait.ge [sflag:s29], $0x1  }
0xb4: {  	[sflag:s29] =	ssyncadd.s32 $0xFFFFFFFF  }
0xb5: {  	_ =	strace $0x9000004B  }
0xb6: {  	_ =	sfence  }
0xb7: {  	s30 =	sld [smem:$0x0];
	_ =	sdelay $0x2  }
0xb8: {  	s31 =	sshll.u32 s1, $0xD;
	s1 =	sshrl.u32 s1, $0x2  }
0xb9: {  	s3 =	sand.u32 $0x4000, s31;
	s1 =	sadd.s32 s1, s30  }
0xba: {  	s0 =	sor.u32 s3, s0;
	s1 =	sshll.u32 s1, $0x11  }
0xbb: {  	s0 =	sor.u32 s1, s0  }
0xbc: {  	s0 =	sadd.s32 $0x8F2B, s0  }
0xbd: {  	[sflag:s0] =	ssyncadd.remote.s32 $0x1  }
0xbe: {  	_ =	sfence.sel $0xFFFF  }
0xbf: {  	[dreg:$0x0] =	wrdreg $0xFFFFFFFF;
	(pc) =	sbr.abs _section_cstart, $3  }
0xc0: {  	[dreg:$0x1] =	wrdreg $0xFFFFFFFF  }
0xc1: {  	_ =	task.clear_ibuf [dreg:s7], $0x2FFFF;
	_ =	strace $0x9FFFFFFF  }
0xc2: {  	(tm) =	ssettm $0x7FFFFFFF  }
0xc3: {  	_ =	shalt  }
tec
execute0_lowered:
.L_overlay_start_1:
0x0: {  	(tag) =	ssettag $0x1  }
0x1: {  	s0 =	rddreg [dreg:$0x0]  }
0x2: {  	s2 =	rddreg [dreg:$0x1];
	s1 =	srdreg.scid  }
0x3: {  	s15 =	stileid.u32;
	s3 =	simm.s32 $0x0;
	s14 =	simm.s32 $0x1F  }
0x4: {  	s17 =	simm.s32 $0x8000;
	s19 =	simm.s32 $0x1;
	s20 =	simm.s32 $0xC200  }
0x5: {  	s21 =	simm.s32 $0x2;
	s1 =	sand.u32 $0x1, s1;
	s4 =	sshll.u32 s15, $0x1  }
0x6: {  	[smem:$0x7FF] =	sst s3;
	s24 =	sshll.u32 s15, $0xF;
	s26 =	sshll.u32 s15, $0x11  }
0x7: {  	s7 =	sor.u32 s1, s4;
	_ =	strace $0x8000004A;
	s4 =	sadd.s32 $0xE00, s0  }
0x8: {  	s8 =	ssub.s32 $0x2, s1;
	s13 =	sshll.u32 s1, $0xE;
	s5 =	sshll.u32 s7, $0x6  }
0x9: {  	s1 =	sshll.u32 s1, $0x10;
	s6 =	sshll.u32 s7, $0xC;
	s10 =	sor.u32 $0x20, s5  }
0xa: {  	s22 =	sshrl.u32 s8, $0x1;
	s23 =	sshll.u32 s7, $0xB;
	s11 =	sshll.u32 s10, $0x8  }
0xb: {  	p0 =	seq.s32 s7, $0x1F;
	s1 =	sor.u32 s1, s26;
	s5 =	smin.u32 s11, $0x7DF00  }
0xc: {  	s9 =	sadd.s32 s6, s0;
	s8 =	ssub.s32 s8, s22;
	s12 =	sshrl.u32 s5, $0x3  }
0xd: {  	s6 =	sadd.s32 s4, s23;
	s14 =	simm.s32 @!p0 $0x20;
	s12 =	sadd.s32 s4, s12  }
0xe: {  	s0 =	sadd.s32 $0x21FE00, s0;
	[dreg:$0x3] =	wrdreg s12;
	s12 =	sor.u32 s13, s24  }
0xf: {  	s9 =	sadd.s32 $0x200E00, s9;
	[dreg:$0x5] =	wrdreg s0;
	s25 =	sor.u32 $0x2000, s12  }
0x10: {  	[dreg:$0x4] =	wrdreg s9;
	s9 =	ssub.s32 s11, s5;
	s11 =	smin.u32 s25, $0x7DF00  }
.Ltmp0:
0x11: {  	s31 =	smax.u32 s8, $0x1;
	s11 =	sshll.u32 s11, $0x2;
	(pc) =	sbr.rel .LBB2_1-.Ltmp0, $4  }
0x12: {  	s28 =	sshll.u32 s14, $0x8;
	[dreg:$0x6] =	wrdreg s31;
	s1 =	ssub.s32 s1, s11  }
0x13: {  	s29 =	sadd.s32 s28, s9;
	s13 =	sshll.u32 s14, $0x9;
	s30 =	sadd.s32 $0x10C00, s1  }
0x14: {  	s14 =	sshll.u32 s10, $0x9;
	s12 =	sadd.s32 $0x8000, s29;
	s0 =	sshra.s32 s30, $0x2  }
0x15: {  	s11 =	sshll.u32 s7, $0xF;
	s7 =	simm.s32 $0x0;
	s16 =	sadd.s32 $0x8000, s0  }
.LBB2_19:
0x16: {  	s0 =	simm.s32 $0x3  }
0x17: {  	_ =	swait.ge [sflag:s0], $0x4000  }
0x18: {  	[sflag:s0] =	ssyncset.done $0x0  }
0x19: {  	[sflag:s0] =	ssyncadd.s32 $0xFFFFC000;
	s0 =	simm.s32 @p0 $0x4  }
0x1a: {  	_ =	swait.ge @p0 [sflag:s0], $0x3E00  }
0x1b: {  	[sflag:s0] =	ssyncset.done @p0 $0x0  }
0x1c: {  	[sflag:s0] =	ssyncadd.s32 @p0 $0xFFFFC200;
	s0 =	simm.s32 @!p0 $0x4  }
0x1d: {  	_ =	swait.ge @!p0 [sflag:s0], $0x4000  }
0x1e: {  	s7 =	rddreg [dreg:$0x7]  }
0x1f: {  	s1 =	rddreg [dreg:$0x6];
	s7 =	sadd.s32 $0x1, s7  }
0x20: {  	p1 =	sne.s32 s7, s1  }
.Ltmp1:
0x21: {  	_ = 	snop;
	(pc) =	sbr.rel @!p1 .LBB2_20-.Ltmp1, $3  }
0x22: {  	_ =	sdelay $0x1  }
0x23: {  	[sflag:s0] =	ssyncset.done @!p0 $0x0  }
0x24: {  	[sflag:s0] =	ssyncadd.s32 @!p0 $0xFFFFC000  }
.LBB2_1:
0x25: {  	[tilespmem:s17], [sflag:$0x1] =	stream.linear.gather [hbm4b:s6+s3], $0x2100, $0x38;
	[tilespmem:$0x14200] =	vst v63  }
0x26: {  	s0 =	rddreg [dreg:$0x3];
	s1 =	simm.s32 $0xA100  }
0x27: {  	[tilespmem:s1], [sflag:$0x2] =	stream.linear.gather [hbm4b:s0+s3], $0x2100, $0x38;
	[tilespmem:$0x14200] =	vst v63  }
0x28: {  	s0 =	simm.s32 @p0 $0x0;
	s1 =	rddreg [dreg:$0x5]  }
0x29: {  	[tilespmem:s0], [sflag:$0x5] =	stream.linear.gather @p0 [hbm4b:s1+s0], $0x7E00, $0x38;
	[tilespmem:$0x14200] =	vst v63  }
0x2a: {  	[dreg:$0x7] =	wrdreg s7;
	s0 =	simm.s32 @p0 $0x5  }
0x2b: {  	_ =	swait.ge @p0 [sflag:s0], $0x7E00  }
0x2c: {  	[sflag:s0] =	ssyncset.done @p0 $0x0  }
0x2d: {  	s1 =	rddreg [dreg:$0x4];
	[sflag:s0] =	ssyncadd.s32 @p0 $0xFFFF8200;
	s0 =	simm.s32 @!p0 $0x0  }
0x2e: {  	[tilespmem:s0], [sflag:$0x5] =	stream.linear.gather @!p0 [hbm4b:s1+s0], $0x8000, $0x38;
	[tilespmem:$0x14200] =	vst v63  }
.Ltmp2:
0x2f: {  	_ = 	snop;
	(pc) =	sbr.rel .LBB2_2-.Ltmp2, $4  }
0x30: {  	s0 =	simm.s32 @!p0 $0x5  }
0x31: {  	_ =	swait.ge @!p0 [sflag:s0], $0x8000  }
0x32: {  	[sflag:s0] =	ssyncset.done @!p0 $0x0  }
0x33: {  	s25 =	simm.s32 $0x0;
	[sflag:s0] =	ssyncadd.s32 @!p0 $0xFFFF8000  }
.LBB2_18:
0x34: {  	v0 =	vld [tilespmem:s12+$0x2100]  }
0x35: {  	v1 =	vld [tilespmem:s13+$0x3F00];
	_ =	sdelay $0x4  }
0x36: {  	v0 =	vmul.f32 v1, v0;
	_ =	sdelay $0x1  }
0x37: {  	v49 =	vld [tilespmem:s13+$0x3F10];
	[tilespmem:s13+$0x10100] =	vst v0  }
0x38: {  	v0 =	vld [tilespmem:s12+$0x2110];
	_ =	sdelay $0x4  }
0x39: {  	v0 =	vmul.f32 v49, v0;
	_ =	sdelay $0x1  }
0x3a: {  	v50 =	vld [tilespmem:s13+$0x3F20];
	[tilespmem:s13+$0x10110] =	vst v0  }
0x3b: {  	v0 =	vld [tilespmem:s12+$0x2120];
	_ =	sdelay $0x4  }
0x3c: {  	v0 =	vmul.f32 v50, v0;
	_ =	sdelay $0x1  }
0x3d: {  	v51 =	vld [tilespmem:s13+$0x3F30];
	[tilespmem:s13+$0x10120] =	vst v0  }
0x3e: {  	v0 =	vld [tilespmem:s12+$0x2130];
	_ =	sdelay $0x4  }
0x3f: {  	v0 =	vmul.f32 v51, v0;
	_ =	sdelay $0x1  }
0x40: {  	v52 =	vld [tilespmem:s13+$0x3F40];
	[tilespmem:s13+$0x10130] =	vst v0  }
0x41: {  	v0 =	vld [tilespmem:s12+$0x2140];
	_ =	sdelay $0x4  }
0x42: {  	v0 =	vmul.f32 v52, v0;
	_ =	sdelay $0x1  }
0x43: {  	v53 =	vld [tilespmem:s13+$0x3F50];
	[tilespmem:s13+$0x10140] =	vst v0  }
0x44: {  	v0 =	vld [tilespmem:s12+$0x2150];
	_ =	sdelay $0x4  }
0x45: {  	v0 =	vmul.f32 v53, v0;
	_ =	sdelay $0x1  }
0x46: {  	v54 =	vld [tilespmem:s13+$0x3F60];
	[tilespmem:s13+$0x10150] =	vst v0  }
0x47: {  	v0 =	vld [tilespmem:s12+$0x2160];
	_ =	sdelay $0x4  }
0x48: {  	v0 =	vmul.f32 v54, v0;
	_ =	sdelay $0x1  }
0x49: {  	v55 =	vld [tilespmem:s13+$0x3F70];
	[tilespmem:s13+$0x10160] =	vst v0  }
0x4a: {  	v0 =	vld [tilespmem:s12+$0x2170];
	_ =	sdelay $0x4  }
0x4b: {  	v0 =	vmul.f32 v55, v0;
	_ =	sdelay $0x1  }
0x4c: {  	v56 =	vld [tilespmem:s13+$0x3F80];
	[tilespmem:s13+$0x10170] =	vst v0  }
0x4d: {  	v0 =	vld [tilespmem:s12+$0x2180];
	_ =	sdelay $0x4  }
0x4e: {  	v0 =	vmul.f32 v56, v0;
	_ =	sdelay $0x1  }
0x4f: {  	v57 =	vld [tilespmem:s13+$0x3F90];
	[tilespmem:s13+$0x10180] =	vst v0  }
0x50: {  	v0 =	vld [tilespmem:s12+$0x2190];
	_ =	sdelay $0x4  }
0x51: {  	v0 =	vmul.f32 v57, v0;
	_ =	sdelay $0x1  }
0x52: {  	v58 =	vld [tilespmem:s13+$0x3FA0];
	[tilespmem:s13+$0x10190] =	vst v0  }
0x53: {  	v0 =	vld [tilespmem:s12+$0x21A0];
	_ =	sdelay $0x4  }
0x54: {  	v0 =	vmul.f32 v58, v0;
	_ =	sdelay $0x1  }
0x55: {  	v59 =	vld [tilespmem:s13+$0x3FB0];
	[tilespmem:s13+$0x101A0] =	vst v0  }
0x56: {  	v0 =	vld [tilespmem:s12+$0x21B0];
	_ =	sdelay $0x4  }
0x57: {  	v0 =	vmul.f32 v59, v0;
	_ =	sdelay $0x1  }
0x58: {  	v60 =	vld [tilespmem:s13+$0x3FC0];
	[tilespmem:s13+$0x101B0] =	vst v0  }
0x59: {  	v0 =	vld [tilespmem:s12+$0x21C0];
	_ =	sdelay $0x4  }
0x5a: {  	v0 =	vmul.f32 v60, v0;
	_ =	sdelay $0x1  }
0x5b: {  	v61 =	vld [tilespmem:s13+$0x3FD0];
	[tilespmem:s13+$0x101C0] =	vst v0  }
0x5c: {  	v0 =	vld [tilespmem:s12+$0x21D0];
	_ =	sdelay $0x4  }
0x5d: {  	v0 =	vmul.f32 v61, v0;
	_ =	sdelay $0x1  }
0x5e: {  	v62 =	vld [tilespmem:s13+$0x3FE0];
	[tilespmem:s13+$0x101D0] =	vst v0  }
0x5f: {  	v0 =	vld [tilespmem:s12+$0x21E0];
	_ =	sdelay $0x4  }
0x60: {  	v0 =	vmul.f32 v62, v0;
	_ =	sdelay $0x1  }
0x61: {  	v63 =	vld [tilespmem:s13+$0x3FF0];
	[tilespmem:s13+$0x101E0] =	vst v0  }
0x62: {  	v0 =	vld [tilespmem:s12+$0x21F0];
	_ =	sdelay $0x4  }
0x63: {  	s0 =	sshrl.u32 @p0 s26, $0x3;
	v0 =	vmul.f32 v63, v0  }
0x64: {  	s0 =	sadd.s32 @p0 s2, s0  }
0x65: {  	s1 =	simm.s32 @p0 $0x0;
	s7 =	simm.s32 @p0 $0x10200;
	s0 =	sadd.s32 @p0 $0x1F800, s0;
	[tilespmem:s13+$0x101F0] =	vst v0  }
0x66: {  	[hbm4b:s0+s1] =	stream.linear.scatter @p0 [tilespmem:s7], [sflag:$0x4], $0x3E00, $0x38;
	[tilespmem:$0x14200] =	vst v63  }
0x67: {  	s0 =	sadd.s32 @!p0 s14, s26  }
0x68: {  	p1 =	seq.s32 s24, $0x1F;
	s0 =	sshrl.u32 @!p0 s0, $0x3  }
0x69: {  	s1 =	simm.s32 @!p0 $0x0;
	s7 =	simm.s32 @!p0 $0x10200;
	s0 =	sadd.s32 @!p0 s2, s0  }
0x6a: {  	[hbm4b:s0+s1] =	stream.linear.scatter @!p0 [tilespmem:s7], [sflag:$0x4], $0x4000, $0x38;
	[tilespmem:$0x14200] =	vst v63  }
0x6b: {  	s0 =	sshll.u32 @!p1 s25, $0x13  }
0x6c: {  	s0 =	sor.u32 @!p1 s5, s0  }
0x6d: {  	p2 =	sne.s32 @!p1 s25, $0x20;
	s0 =	sshrl.u32 @!p1 s0, $0x3  }
0x6e: {  	s1 =	simm.s32 @!p1 $0x0;
	s7 =	simm.s32 @!p1 $0xA100;
	s0 =	sadd.s32 @!p1 s4, s0  }
0x6f: {  	[tilespmem:s7], [sflag:$0x2] =	stream.linear.gather @!p1 [hbm4b:s0+s1], $0x2100, $0x38;
	[tilespmem:$0x14200] =	vst v63  }
0x70: {  	p1 =	por p1, !p2  }
.Ltmp3:
0x71: {  	_ = 	snop;
	(pc) =	sbr.rel @p1 .LBB2_19-.Ltmp3, $1  }
0x72: {  	_ =	sdelay $0x3  }
.LBB2_2:
0x73: {  	_ =	swait.ge [sflag:s19], $0x2100  }
0x74: {  	p1 =	seq.s32 s25, $0x0;
	[sflag:s19] =	ssyncset.done $0x0  }
0x75: {  	s0 =	simm.s32 @!p1 $0x3;
	[sflag:s19] =	ssyncadd.s32 $0xFFFFDF00  }
0x76: {  	_ =	swait.ge @!p1 [sflag:s0], $0x4000  }
0x77: {  	[sflag:s0] =	ssyncset.done @!p1 $0x0  }
0x78: {  	[sflag:s0] =	ssyncadd.s32 @!p1 $0xFFFFC000  }
0x79: {  	v0 =	vld [tilespmem:$0x8000]  }
0x7a: {  	v1 =	vld [tilespmem:$0x0]  }
0x7b: {  	v2 =	vld [tilespmem:$0x8010]  }
0x7c: {  	v3 =	vld [tilespmem:$0x10]  }
0x7d: {  	v4 =	vld [tilespmem:$0x8020]  }
0x7e: {  	v5 =	vld [tilespmem:$0x20]  }
0x7f: {  	v6 =	vld [tilespmem:$0x8030]  }
0x80: {  	v7 =	vld [tilespmem:$0x30]  }
0x81: {  	v8 =	vld [tilespmem:$0x8040]  }
0x82: {  	v9 =	vld [tilespmem:$0x40]  }
0x83: {  	v10 =	vld [tilespmem:$0x8050]  }
0x84: {  	v0 =	vmul.f32 v1, v0;
	v1 =	vld [tilespmem:$0x50]  }
0x85: {  	v2 =	vmul.f32 v3, v2  }
0x86: {  	[tilespmem:$0xC200] =	vst v0;
	v0 =	vmul.f32 v5, v4  }
0x87: {  	[tilespmem:$0xC210] =	vst v2;
	v2 =	vmul.f32 v7, v6  }
0x88: {  	[tilespmem:$0xC220] =	vst v0;
	v0 =	vmul.f32 v9, v8  }
0x89: {  	[tilespmem:$0xC230] =	vst v2;
	v1 =	vmul.f32 v1, v10  }
0x8a: {  	[tilespmem:$0xC240] =	vst v0  }
0x8b: {  	[tilespmem:$0xC250] =	vst v1  }
0x8c: {  	v0 =	vld [tilespmem:$0x8060]  }
0x8d: {  	v1 =	vld [tilespmem:$0x60]  }
0x8e: {  	v2 =	vld [tilespmem:$0x8070]  }
0x8f: {  	v3 =	vld [tilespmem:$0x70]  }
0x90: {  	v4 =	vld [tilespmem:$0x8080]  }
0x91: {  	v5 =	vld [tilespmem:$0x80]  }
0x92: {  	v6 =	vld [tilespmem:$0x8090]  }
0x93: {  	v7 =	vld [tilespmem:$0x90]  }
0x94: {  	v8 =	vld [tilespmem:$0x80A0]  }
0x95: {  	v9 =	vld [tilespmem:$0xA0]  }
0x96: {  	v10 =	vld [tilespmem:$0x80B0]  }
0x97: {  	v11 =	vld [tilespmem:$0xB0]  }
0x98: {  	v12 =	vld [tilespmem:$0x80C0]  }
0x99: {  	v13 =	vld [tilespmem:$0xC0]  }
0x9a: {  	v14 =	vld [tilespmem:$0x80D0]  }
0x9b: {  	v0 =	vmul.f32 v1, v0;
	v1 =	vld [tilespmem:$0xD0]  }
0x9c: {  	v2 =	vmul.f32 v3, v2;
	v3 =	vld [tilespmem:$0x80E0]  }
0x9d: {  	[tilespmem:$0xC260] =	vst v0;
	v0 =	vmul.f32 v5, v4;
	v5 =	vld [tilespmem:$0x80F0]  }
0x9e: {  	[tilespmem:$0xC270] =	vst v2;
	v2 =	vmul.f32 v7, v6;
	v6 =	vld [tilespmem:$0xF0]  }
0x9f: {  	v4 =	vld [tilespmem:$0xE0];
	[tilespmem:$0xC280] =	vst v0;
	v0 =	vmul.f32 v9, v8  }
0xa0: {  	[tilespmem:$0xC290] =	vst v2;
	v2 =	vmul.f32 v11, v10  }
0xa1: {  	v1 =	vmul.f32 v1, v14;
	[tilespmem:$0xC2A0] =	vst v0  }
0xa2: {  	v0 =	vmul.f32 v13, v12;
	[tilespmem:$0xC2B0] =	vst v2  }
0xa3: {  	[tilespmem:$0xC2D0] =	vst v1;
	v1 =	vmul.f32 v6, v5  }
0xa4: {  	[tilespmem:$0xC2C0] =	vst v0;
	v0 =	vmul.f32 v4, v3  }
0xa5: {  	[tilespmem:$0xC2F0] =	vst v1  }
0xa6: {  	s7 =	simm.s32 $0x8180;
	[tilespmem:$0xC2E0] =	vst v0  }
0xa7: {  	s26 =	simm.s32 $0x280;
	v0 =	vld [tilespmem:s7+$0x80]  }
0xa8: {  	v1 =	vld [tilespmem:s26+$0x180];
	_ =	sdelay $0x4  }
0xa9: {  	v1 =	vmul.f32 v1, v0  }
0xaa: {  	s24 =	smov.u32 s25;
	s25 =	simm.s32 $0xC480  }
0xab: {  	[tilespmem:s25+$0x180] =	vst v1  }
0xac: {  	v1 =	vld [tilespmem:s26+$0x80];
	_ =	sdelay $0x4  }
0xad: {  	v0 =	vmul.f32 v1, v0;
	_ =	sdelay $0x1  }
0xae: {  	[tilespmem:s25+$0x80] =	vst v0  }
0xaf: {  	v0 =	vld [tilespmem:s7+$0x90]  }
0xb0: {  	v1 =	vld [tilespmem:s26+$0x190];
	_ =	sdelay $0x4  }
0xb1: {  	v1 =	vmul.f32 v1, v0;
	_ =	sdelay $0x1  }
0xb2: {  	[tilespmem:s25+$0x190] =	vst v1  }
0xb3: {  	v1 =	vld [tilespmem:s26+$0x90];
	_ =	sdelay $0x3  }
0xb4: {  	v2 =	vld [tilespmem:s26+$0xFFFFFF80]  }
0xb5: {  	v3 =	vld [tilespmem:s7+$0xFFFFFF80];
	v0 =	vmul.f32 v1, v0;
	_ =	sdelay $0x1  }
0xb6: {  	[tilespmem:s25+$0x90] =	vst v0  }
0xb7: {  	v0 =	vld [tilespmem:s7+$0xA0]  }
0xb8: {  	v1 =	vld [tilespmem:s26+$0x1A0]  }
0xb9: {  	v2 =	vmul.f32 v2, v3;
	_ =	sdelay $0x1  }
0xba: {  	[tilespmem:s25+$0xFFFFFF80] =	vst v2  }
0xbb: {  	v2 =	vld [tilespmem:s26+$0xFFFFFE80]  }
0xbc: {  	v1 =	vmul.f32 v1, v0;
	_ =	sdelay $0x1  }
0xbd: {  	[tilespmem:s25+$0x1A0] =	vst v1  }
0xbe: {  	v1 =	vld [tilespmem:s26+$0xA0]  }
0xbf: {  	v2 =	vmul.f32 v2, v3;
	_ =	sdelay $0x1  }
0xc0: {  	[tilespmem:s25+$0xFFFFFE80] =	vst v2  }
0xc1: {  	v2 =	vld [tilespmem:s7+$0xFFFFFF90]  }
0xc2: {  	v3 =	vld [tilespmem:s26+$0xFFFFFF90];
	v0 =	vmul.f32 v1, v0;
	_ =	sdelay $0x1  }
0xc3: {  	[tilespmem:s25+$0xA0] =	vst v0  }
0xc4: {  	v0 =	vld [tilespmem:s7+$0xB0]  }
0xc5: {  	v1 =	vld [tilespmem:s26+$0x1B0]  }
0xc6: {  	v3 =	vmul.f32 v3, v2;
	_ =	sdelay $0x1  }
0xc7: {  	[tilespmem:s25+$0xFFFFFF90] =	vst v3  }
0xc8: {  	v3 =	vld [tilespmem:s26+$0xFFFFFE90]  }
0xc9: {  	v1 =	vmul.f32 v1, v0;
	_ =	sdelay $0x1  }
0xca: {  	[tilespmem:s25+$0x1B0] =	vst v1  }
0xcb: {  	v1 =	vld [tilespmem:s26+$0xB0]  }
0xcc: {  	v2 =	vmul.f32 v3, v2;
	_ =	sdelay $0x1  }
0xcd: {  	[tilespmem:s25+$0xFFFFFE90] =	vst v2  }
0xce: {  	v2 =	vld [tilespmem:s7+$0xFFFFFFA0]  }
0xcf: {  	v3 =	vld [tilespmem:s26+$0xFFFFFFA0];
	v0 =	vmul.f32 v1, v0;
	_ =	sdelay $0x1  }
0xd0: {  	[tilespmem:s25+$0xB0] =	vst v0  }
0xd1: {  	v0 =	vld [tilespmem:s7+$0xC0]  }
0xd2: {  	v1 =	vld [tilespmem:s26+$0x1C0]  }
0xd3: {  	v3 =	vmul.f32 v3, v2;
	_ =	sdelay $0x1  }
0xd4: {  	[tilespmem:s25+$0xFFFFFFA0] =	vst v3  }
0xd5: {  	v3 =	vld [tilespmem:s26+$0xFFFFFEA0]  }
0xd6: {  	v1 =	vmul.f32 v1, v0;
	_ =	sdelay $0x1  }
0xd7: {  	[tilespmem:s25+$0x1C0] =	vst v1  }
0xd8: {  	v1 =	vld [tilespmem:s26+$0xC0]  }
0xd9: {  	v2 =	vmul.f32 v3, v2;
	_ =	sdelay $0x1  }
0xda: {  	[tilespmem:s25+$0xFFFFFEA0] =	vst v2  }
0xdb: {  	v2 =	vld [tilespmem:s7+$0xFFFFFFB0]  }
0xdc: {  	v3 =	vld [tilespmem:s26+$0xFFFFFFB0];
	v0 =	vmul.f32 v1, v0;
	_ =	sdelay $0x1  }
0xdd: {  	[tilespmem:s25+$0xC0] =	vst v0  }
0xde: {  	v0 =	vld [tilespmem:s7+$0xD0]  }
0xdf: {  	v1 =	vld [tilespmem:s26+$0x1D0]  }
0xe0: {  	v3 =	vmul.f32 v3, v2;
	_ =	sdelay $0x1  }
0xe1: {  	[tilespmem:s25+$0xFFFFFFB0] =	vst v3  }
0xe2: {  	v3 =	vld [tilespmem:s26+$0xFFFFFEB0]  }
0xe3: {  	v1 =	vmul.f32 v1, v0;
	_ =	sdelay $0x1  }
0xe4: {  	[tilespmem:s25+$0x1D0] =	vst v1  }
0xe5: {  	s29 =	simm.s32 $0x680;
	v1 =	vld [tilespmem:s26+$0xD0]  }
0xe6: {  	s30 =	simm.s32 $0x8380;
	v4 =	vld [tilespmem:s29+$0x180];
	v2 =	vmul.f32 v3, v2  }
0xe7: {  	v3 =	vld [tilespmem:s30+$0x80]  }
0xe8: {  	[tilespmem:s25+$0xFFFFFEB0] =	vst v2  }
0xe9: {  	v2 =	vld [tilespmem:s7+$0xFFFFFFC0]  }
0xea: {  	v5 =	vld [tilespmem:s26+$0xFFFFFFC0];
	v0 =	vmul.f32 v1, v0;
	_ =	sdelay $0x1  }
0xeb: {  	[tilespmem:s25+$0xD0] =	vst v0;
	v0 =	vmul.f32 v4, v3  }
0xec: {  	s28 =	simm.s32 $0xC880;
	v1 =	vld [tilespmem:s7+$0xE0]  }
0xed: {  	v4 =	vld [tilespmem:s26+$0x1E0];
	[tilespmem:s28+$0x180] =	vst v0  }
0xee: {  	v0 =	vmul.f32 v5, v2;
	v5 =	vld [tilespmem:s29+$0x80];
	_ =	sdelay $0x1  }
0xef: {  	[tilespmem:s25+$0xFFFFFFC0] =	vst v0  }
0xf0: {  	v0 =	vld [tilespmem:s26+$0xFFFFFEC0]  }
0xf1: {  	v6 =	vld [tilespmem:s29+$0xFFFFFF80];
	v4 =	vmul.f32 v4, v1  }
0xf2: {  	v7 =	vld [tilespmem:s30+$0xFFFFFF80];
	v3 =	vmul.f32 v5, v3  }
0xf3: {  	[tilespmem:s25+$0x1E0] =	vst v4  }
0xf4: {  	v4 =	vld [tilespmem:s26+$0xE0];
	[tilespmem:s28+$0x80] =	vst v3  }
0xf5: {  	v0 =	vmul.f32 v0, v2;
	v2 =	vld [tilespmem:s30+$0x90]  }
0xf6: {  	v3 =	vld [tilespmem:s29+$0x190]  }
0xf7: {  	[tilespmem:s25+$0xFFFFFEC0] =	vst v0;
	v0 =	vmul.f32 v6, v7  }
0xf8: {  	v5 =	vld [tilespmem:s7+$0xFFFFFFD0]  }
0xf9: {  	v6 =	vld [tilespmem:s26+$0xFFFFFFD0];
	[tilespmem:s28+$0xFFFFFF80] =	vst v0;
	v0 =	vmul.f32 v4, v1  }
0xfa: {  	v1 =	vld [tilespmem:s29+$0xFFFFFE80]  }
0xfb: {  	[tilespmem:s25+$0xE0] =	vst v0;
	v0 =	vmul.f32 v3, v2  }
0xfc: {  	v3 =	vld [tilespmem:s7+$0xF0]  }
0xfd: {  	v4 =	vld [tilespmem:s26+$0x1F0];
	[tilespmem:s28+$0x190] =	vst v0  }
0xfe: {  	v0 =	vmul.f32 v6, v5;
	v6 =	vld [tilespmem:s29+$0x90]  }
0xff: {  	v1 =	vmul.f32 v1, v7  }
0x100: {  	[tilespmem:s25+$0xFFFFFFD0] =	vst v0  }
0x101: {  	v0 =	vld [tilespmem:s26+$0xFFFFFED0];
	[tilespmem:s28+$0xFFFFFE80] =	vst v1  }
0x102: {  	v4 =	vmul.f32 v4, v3;
	v1 =	vld [tilespmem:s30+$0xFFFFFF90]  }
0x103: {  	v7 =	vld [tilespmem:s29+$0xFFFFFF90];
	v2 =	vmul.f32 v6, v2  }
0x104: {  	[tilespmem:s25+$0x1F0] =	vst v4  }
0x105: {  	v4 =	vld [tilespmem:s26+$0xF0];
	[tilespmem:s28+$0x90] =	vst v2  }
0x106: {  	v0 =	vmul.f32 v0, v5;
	v2 =	vld [tilespmem:s30+$0xA0]  }
0x107: {  	v5 =	vld [tilespmem:s29+$0x1A0]  }
0x108: {  	[tilespmem:s25+$0xFFFFFED0] =	vst v0;
	v0 =	vmul.f32 v7, v1  }
0x109: {  	v6 =	vld [tilespmem:s7+$0xFFFFFFE0]  }
0x10a: {  	v7 =	vld [tilespmem:s26+$0xFFFFFFE0];
	[tilespmem:s28+$0xFFFFFF90] =	vst v0;
	v0 =	vmul.f32 v4, v3  }
0x10b: {  	v3 =	vld [tilespmem:s29+$0xFFFFFE90]  }
0x10c: {  	[tilespmem:s25+$0xF0] =	vst v0;
	v0 =	vmul.f32 v5, v2  }
0x10d: {  	v4 =	vld [tilespmem:s7+$0x100]  }
0x10e: {  	v5 =	vld [tilespmem:s26+$0x200];
	[tilespmem:s28+$0x1A0] =	vst v0  }
0x10f: {  	v0 =	vmul.f32 v7, v6;
	v7 =	vld [tilespmem:s29+$0xA0]  }
0x110: {  	v1 =	vmul.f32 v3, v1  }
0x111: {  	[tilespmem:s25+$0xFFFFFFE0] =	vst v0  }
0x112: {  	v0 =	vld [tilespmem:s26+$0xFFFFFEE0];
	[tilespmem:s28+$0xFFFFFE90] =	vst v1  }
0x113: {  	v3 =	vmul.f32 v5, v4;
	v1 =	vld [tilespmem:s30+$0xFFFFFFA0]  }
0x114: {  	v5 =	vld [tilespmem:s29+$0xFFFFFFA0];
	v2 =	vmul.f32 v7, v2  }
0x115: {  	[tilespmem:s25+$0x200] =	vst v3  }
0x116: {  	v3 =	vld [tilespmem:s26+$0x100];
	[tilespmem:s28+$0xA0] =	vst v2  }
0x117: {  	v0 =	vmul.f32 v0, v6;
	v2 =	vld [tilespmem:s30+$0xB0]  }
0x118: {  	v6 =	vld [tilespmem:s29+$0x1B0]  }
0x119: {  	[tilespmem:s25+$0xFFFFFEE0] =	vst v0;
	v0 =	vmul.f32 v5, v1  }
0x11a: {  	v5 =	vld [tilespmem:s7+$0xFFFFFFF0]  }
0x11b: {  	v7 =	vld [tilespmem:s26+$0xFFFFFFF0];
	[tilespmem:s28+$0xFFFFFFA0] =	vst v0;
	v0 =	vmul.f32 v3, v4  }
0x11c: {  	v3 =	vld [tilespmem:s29+$0xFFFFFEA0]  }
0x11d: {  	[tilespmem:s25+$0x100] =	vst v0;
	v0 =	vmul.f32 v6, v2  }
0x11e: {  	v4 =	vld [tilespmem:s7+$0x110]  }
0x11f: {  	v6 =	vld [tilespmem:s26+$0x210];
	[tilespmem:s28+$0x1B0] =	vst v0  }
0x120: {  	v0 =	vmul.f32 v7, v5;
	v7 =	vld [tilespmem:s29+$0xB0]  }
0x121: {  	v1 =	vmul.f32 v3, v1  }
0x122: {  	[tilespmem:s25+$0xFFFFFFF0] =	vst v0  }
0x123: {  	v0 =	vld [tilespmem:s26+$0xFFFFFEF0];
	[tilespmem:s28+$0xFFFFFEA0] =	vst v1  }
0x124: {  	v3 =	vmul.f32 v6, v4;
	v1 =	vld [tilespmem:s30+$0xFFFFFFB0]  }
0x125: {  	v6 =	vld [tilespmem:s29+$0xFFFFFFB0];
	v2 =	vmul.f32 v7, v2  }
0x126: {  	[tilespmem:s25+$0x210] =	vst v3  }
0x127: {  	v3 =	vld [tilespmem:s26+$0x110];
	[tilespmem:s28+$0xB0] =	vst v2  }
0x128: {  	v2 =	vld [tilespmem:s30+$0xC0]  }
0x129: {  	v0 =	vmul.f32 v0, v5;
	v5 =	vld [tilespmem:s29+$0x1C0]  }
0x12a: {  	v6 =	vmul.f32 v6, v1  }
0x12b: {  	[tilespmem:s25+$0xFFFFFEF0] =	vst v0  }
0x12c: {  	v0 =	vld [tilespmem:s7+$0x0];
	[tilespmem:s28+$0xFFFFFFB0] =	vst v6;
	v3 =	vmul.f32 v3, v4  }
0x12d: {  	v4 =	vld [tilespmem:s29+$0xFFFFFEB0]  }
0x12e: {  	v6 =	vld [tilespmem:s26+$0x0];
	[tilespmem:s25+$0x110] =	vst v3;
	v3 =	vmul.f32 v5, v2  }
0x12f: {  	v5 =	vld [tilespmem:s7+$0x120]  }
0x130: {  	v7 =	vld [tilespmem:s26+$0x220];
	[tilespmem:s28+$0x1C0] =	vst v3  }
0x131: {  	v3 =	vld [tilespmem:s29+$0xC0]  }
0x132: {  	v1 =	vmul.f32 v4, v1;
	_ =	sdelay $0x1  }
0x133: {  	v4 =	vmul.f32 v6, v0;
	[tilespmem:s28+$0xFFFFFEB0] =	vst v1  }
0x134: {  	v6 =	vmul.f32 v7, v5;
	v1 =	vld [tilespmem:s30+$0xFFFFFFC0]  }
0x135: {  	[tilespmem:s25+$0x0] =	vst v4;
	v4 =	vld [tilespmem:s29+$0xFFFFFFC0];
	v2 =	vmul.f32 v3, v2  }
0x136: {  	v3 =	vld [tilespmem:s26+$0xFFFFFF00];
	[tilespmem:s25+$0x220] =	vst v6  }
0x137: {  	v6 =	vld [tilespmem:s26+$0x120];
	[tilespmem:s28+$0xC0] =	vst v2  }
0x138: {  	v2 =	vld [tilespmem:s30+$0xD0]  }
0x139: {  	v7 =	vld [tilespmem:s29+$0x1D0]  }
0x13a: {  	v4 =	vmul.f32 v4, v1  }
0x13b: {  	v0 =	vmul.f32 v3, v0  }
0x13c: {  	[tilespmem:s28+$0xFFFFFFC0] =	vst v4;
	v3 =	vmul.f32 v6, v5  }
0x13d: {  	s31 =	simm.s32 $0xA80;
	[tilespmem:s25+$0xFFFFFF00] =	vst v0;
	v0 =	vld [tilespmem:s29+$0xFFFFFEC0]  }
0x13e: {  	v9 =	vld [tilespmem:s31+$0xFFFFFF80];
	[tilespmem:s25+$0x120] =	vst v3;
	v3 =	vmul.f32 v7, v2  }
0x13f: {  	v5 =	vld [tilespmem:s7+$0x130]  }
0x140: {  	v6 =	vld [tilespmem:s26+$0x230];
	[tilespmem:s28+$0x1D0] =	vst v3  }
0x141: {  	v3 =	vld [tilespmem:s29+$0xD0]  }
0x142: {  	s1 =	simm.s32 $0x8580;
	v4 =	vld [tilespmem:s7+$0x10];
	v0 =	vmul.f32 v0, v1  }
0x143: {  	v1 =	vld [tilespmem:s1+$0x80]  }
0x144: {  	[tilespmem:s28+$0xFFFFFEC0] =	vst v0;
	v0 =	vld [tilespmem:s31+$0x180]  }
0x145: {  	v7 =	vld [tilespmem:s26+$0x10];
	v6 =	vmul.f32 v6, v5  }
0x146: {  	v8 =	vld [tilespmem:s30+$0xFFFFFFD0];
	v2 =	vmul.f32 v3, v2  }
0x147: {  	v3 =	vld [tilespmem:s1+$0xFFFFFF80];
	[tilespmem:s25+$0x230] =	vst v6  }
0x148: {  	v6 =	vld [tilespmem:s26+$0x130];
	[tilespmem:s28+$0xD0] =	vst v2  }
0x149: {  	v0 =	vmul.f32 v0, v1;
	v2 =	vld [tilespmem:s30+$0xE0]  }
0x14a: {  	s0 =	simm.s32 $0xCC80;
	v10 =	vld [tilespmem:s29+$0x1E0]  }
0x14b: {  	v7 =	vmul.f32 v7, v4;
	v11 =	vld [tilespmem:s29+$0xFFFFFFD0];
	[tilespmem:s0+$0x180] =	vst v0  }
0x14c: {  	v0 =	vmul.f32 v9, v3;
	v9 =	vld [tilespmem:s31+$0x80]  }
0x14d: {  	[tilespmem:s25+$0x10] =	vst v7;
	v5 =	vmul.f32 v6, v5  }
0x14e: {  	v6 =	vld [tilespmem:s26+$0xFFFFFF10];
	[tilespmem:s0+$0xFFFFFF80] =	vst v0  }
0x14f: {  	v0 =	vld [tilespmem:s31+$0xFFFFFE80];
	[tilespmem:s25+$0x130] =	vst v5;
	v5 =	vmul.f32 v10, v2  }
0x150: {  	v7 =	vmul.f32 v11, v8;
	v10 =	vld [tilespmem:s7+$0x140]  }
0x151: {  	v11 =	vld [tilespmem:s26+$0x240];
	[tilespmem:s28+$0x1E0] =	vst v5;
	v1 =	vmul.f32 v9, v1  }
0x152: {  	[tilespmem:s28+$0xFFFFFFD0] =	vst v7;
	v5 =	vld [tilespmem:s29+$0xE0]  }
0x153: {  	v4 =	vmul.f32 v6, v4;
	v6 =	vld [tilespmem:s29+$0xFFFFFED0];
	[tilespmem:s0+$0x80] =	vst v1  }
0x154: {  	v0 =	vmul.f32 v0, v3;
	v1 =	vld [tilespmem:s1+$0x90]  }
0x155: {  	[tilespmem:s25+$0xFFFFFF10] =	vst v4;
	v3 =	vld [tilespmem:s31+$0x190]  }
0x156: {  	v4 =	vld [tilespmem:s7+$0x20];
	[tilespmem:s0+$0xFFFFFE80] =	vst v0;
	v0 =	vmul.f32 v11, v10  }
0x157: {  	v7 =	vld [tilespmem:s1+$0xFFFFFF90];
	v2 =	vmul.f32 v5, v2  }
0x158: {  	v5 =	vld [tilespmem:s31+$0xFFFFFF90];
	[tilespmem:s25+$0x240] =	vst v0  }
0x159: {  	v0 =	vld [tilespmem:s26+$0x140];
	[tilespmem:s28+$0xE0] =	vst v2  }
0x15a: {  	v2 =	vmul.f32 v3, v1;
	v3 =	vld [tilespmem:s30+$0xF0]  }
0x15b: {  	v6 =	vmul.f32 v6, v8;
	v8 =	vld [tilespmem:s29+$0x1F0]  }
0x15c: {  	v9 =	vld [tilespmem:s26+$0x20];
	[tilespmem:s0+$0x190] =	vst v2  }
0x15d: {  	[tilespmem:s28+$0xFFFFFED0] =	vst v6;
	v2 =	vmul.f32 v5, v7;
	v5 =	vld [tilespmem:s31+$0x90]  }
0x15e: {  	v6 =	vld [tilespmem:s30+$0xFFFFFFE0];
	v0 =	vmul.f32 v0, v10  }
0x15f: {  	v10 =	vld [tilespmem:s29+$0xFFFFFFE0];
	[tilespmem:s0+$0xFFFFFF90] =	vst v2  }
0x160: {  	v2 =	vld [tilespmem:s31+$0xFFFFFE90];
	[tilespmem:s25+$0x140] =	vst v0;
	v0 =	vmul.f32 v8, v3  }
0x161: {  	v8 =	vmul.f32 v9, v4;
	v9 =	vld [tilespmem:s7+$0x150]  }
0x162: {  	v11 =	vld [tilespmem:s26+$0x250];
	v1 =	vmul.f32 v5, v1;
	[tilespmem:s28+$0x1F0] =	vst v0  }
0x163: {  	[tilespmem:s25+$0x20] =	vst v8;
	v0 =	vld [tilespmem:s29+$0xF0]  }
0x164: {  	v5 =	vmul.f32 v10, v6;
	v8 =	vld [tilespmem:s26+$0xFFFFFF20];
	[tilespmem:s0+$0x90] =	vst v1  }
0x165: {  	v1 =	vmul.f32 v2, v7;
	v2 =	vld [tilespmem:s1+$0xA0]  }
0x166: {  	[tilespmem:s28+$0xFFFFFFE0] =	vst v5;
	v5 =	vld [tilespmem:s31+$0x1A0]  }
0x167: {  	v7 =	vld [tilespmem:s29+$0xFFFFFEE0];
	[tilespmem:s0+$0xFFFFFE90] =	vst v1;
	v1 =	vmul.f32 v11, v9  }
0x168: {  	v10 =	vld [tilespmem:s1+$0xFFFFFFA0];
	v0 =	vmul.f32 v0, v3  }
0x169: {  	v3 =	vld [tilespmem:s31+$0xFFFFFFA0];
	[tilespmem:s25+$0x250] =	vst v1  }
0x16a: {  	v1 =	vmul.f32 v8, v4;
	v4 =	vld [tilespmem:s26+$0x150];
	[tilespmem:s28+$0xF0] =	vst v0  }
0x16b: {  	v0 =	vmul.f32 v5, v2;
	v5 =	vld [tilespmem:s30+$0x100]  }
0x16c: {  	[tilespmem:s25+$0xFFFFFF20] =	vst v1;
	v1 =	vmul.f32 v7, v6;
	v6 =	vld [tilespmem:s29+$0x200]  }
0x16d: {  	v7 =	vld [tilespmem:s7+$0x30];
	[tilespmem:s0+$0x1A0] =	vst v0  }
0x16e: {  	[tilespmem:s28+$0xFFFFFEE0] =	vst v1;
	v0 =	vld [tilespmem:s31+$0xA0]  }
0x16f: {  	v3 =	vmul.f32 v3, v10;
	v1 =	vld [tilespmem:s30+$0xFFFFFFF0]  }
0x170: {  	v8 =	vld [tilespmem:s29+$0xFFFFFFF0];
	v4 =	vmul.f32 v4, v9  }
0x171: {  	v9 =	vld [tilespmem:s26+$0x30];
	[tilespmem:s0+$0xFFFFFFA0] =	vst v3;
	v3 =	vmul.f32 v6, v5  }
0x172: {  	v6 =	vld [tilespmem:s31+$0xFFFFFEA0];
	[tilespmem:s25+$0x150] =	vst v4  }
0x173: {  	v4 =	vld [tilespmem:s7+$0x160];
	v0 =	vmul.f32 v0, v2;
	[tilespmem:s28+$0x200] =	vst v3  }
0x174: {  	v2 =	vld [tilespmem:s29+$0x100]  }
0x175: {  	v3 =	vmul.f32 v8, v1;
	v8 =	vld [tilespmem:s26+$0x260];
	[tilespmem:s0+$0xA0] =	vst v0  }
0x176: {  	v0 =	vmul.f32 v9, v7;
	v9 =	vld [tilespmem:s1+$0xB0]  }
0x177: {  	[tilespmem:s28+$0xFFFFFFF0] =	vst v3;
	v3 =	vmul.f32 v6, v10;
	v6 =	vld [tilespmem:s31+$0x1B0]  }
0x178: {  	v10 =	vld [tilespmem:s29+$0xFFFFFEF0];
	[tilespmem:s25+$0x30] =	vst v0  }
0x179: {  	v0 =	vld [tilespmem:s26+$0xFFFFFF30];
	[tilespmem:s0+$0xFFFFFEA0] =	vst v3;
	v2 =	vmul.f32 v2, v5  }
0x17a: {  	v3 =	vld [tilespmem:s1+$0xFFFFFFB0]  }
0x17b: {  	v5 =	vmul.f32 v8, v4;
	v8 =	vld [tilespmem:s31+$0xFFFFFFB0];
	[tilespmem:s28+$0x100] =	vst v2  }
0x17c: {  	v2 =	vmul.f32 v6, v9;
	v6 =	vld [tilespmem:s30+$0x110]  }
0x17d: {  	[tilespmem:s25+$0x260] =	vst v5;
	v5 =	vld [tilespmem:s29+$0x210]  }
0x17e: {  	v1 =	vmul.f32 v10, v1;
	v10 =	vld [tilespmem:s26+$0x160];
	[tilespmem:s0+$0x1B0] =	vst v2  }
0x17f: {  	v2 =	vld [tilespmem:s31+$0xB0]  }
0x180: {  	[tilespmem:s28+$0xFFFFFEF0] =	vst v1;
	v1 =	vmul.f32 v8, v3  }
0x181: {  	v0 =	vmul.f32 v0, v7;
	v7 =	vld [tilespmem:s30+$0x0]  }
0x182: {  	v8 =	vld [tilespmem:s29+$0x0];
	[tilespmem:s0+$0xFFFFFFB0] =	vst v1;
	v1 =	vmul.f32 v5, v6  }
0x183: {  	[tilespmem:s25+$0xFFFFFF30] =	vst v0;
	v0 =	vmul.f32 v10, v4;
	v4 =	vld [tilespmem:s31+$0xFFFFFEB0]  }
0x184: {  	v5 =	vld [tilespmem:s7+$0x40];
	v2 =	vmul.f32 v2, v9;
	[tilespmem:s28+$0x210] =	vst v1  }
0x185: {  	v1 =	vld [tilespmem:s29+$0x110]  }
0x186: {  	v10 =	vld [tilespmem:s26+$0x40];
	[tilespmem:s0+$0xB0] =	vst v2  }
0x187: {  	v2 =	vld [tilespmem:s1+$0xC0]  }
0x188: {  	[tilespmem:s25+$0x160] =	vst v0;
	v3 =	vmul.f32 v4, v3;
	v4 =	vld [tilespmem:s31+$0x1C0]  }
0x189: {  	v0 =	vld [tilespmem:s7+$0x170]  }
0x18a: {  	v9 =	vld [tilespmem:s26+$0x270];
	[tilespmem:s0+$0xFFFFFEB0] =	vst v3;
	v1 =	vmul.f32 v1, v6  }
0x18b: {  	v3 =	vld [tilespmem:s1+$0xFFFFFFC0]  }
0x18c: {  	v6 =	vmul.f32 v8, v7;
	v8 =	vld [tilespmem:s31+$0xFFFFFFC0];
	[tilespmem:s28+$0x110] =	vst v1  }
0x18d: {  	v1 =	vmul.f32 v4, v2;
	v4 =	vld [tilespmem:s30+$0x120]  }
0x18e: {  	[tilespmem:s28+$0x0] =	vst v6;
	v6 =	vld [tilespmem:s29+$0x220]  }
0x18f: {  	v11 =	vld [tilespmem:s29+$0xFFFFFF00];
	[tilespmem:s0+$0x1C0] =	vst v1  }
0x190: {  	v1 =	vmul.f32 v10, v5;
	v10 =	vld [tilespmem:s31+$0xC0]  }
0x191: {  	v9 =	vmul.f32 v9, v0  }
0x192: {  	v8 =	vmul.f32 v8, v3;
	[tilespmem:s25+$0x40] =	vst v1  }
0x193: {  	s18 =	simm.s32 $0x8780;
	[tilespmem:s25+$0x270] =	vst v9;
	v9 =	vld [tilespmem:s26+$0xFFFFFF40];
	v6 =	vmul.f32 v6, v4  }
0x194: {  	v48 =	vld [tilespmem:s18+$0x80];
	[tilespmem:s0+$0xFFFFFFC0] =	vst v8;
	v7 =	vmul.f32 v11, v7  }
0x195: {  	v8 =	vld [tilespmem:s31+$0xFFFFFEC0];
	v2 =	vmul.f32 v10, v2;
	[tilespmem:s28+$0x220] =	vst v6  }
0x196: {  	[tilespmem:s28+$0xFFFFFF00] =	vst v7;
	v6 =	vld [tilespmem:s29+$0x120]  }
0x197: {  	v7 =	vld [tilespmem:s30+$0x10];
	[tilespmem:s0+$0xC0] =	vst v2  }
0x198: {  	v2 =	vmul.f32 v9, v5;
	v5 =	vld [tilespmem:s1+$0xD0]  }
0x199: {  	v9 =	vld [tilespmem:s31+$0x1D0]  }
0x19a: {  	s8 =	simm.s32 $0xE80;
	v10 =	vld [tilespmem:s29+$0x10];
	[tilespmem:s25+$0xFFFFFF40] =	vst v2;
	v2 =	vmul.f32 v8, v3  }
0x19b: {  	v49 =	vld [tilespmem:s8+$0x180];
	v4 =	vmul.f32 v6, v4  }
0x19c: {  	v50 =	vld [tilespmem:s8+$0xFFFFFF80];
	[tilespmem:s0+$0xFFFFFEC0] =	vst v2  }
0x19d: {  	v2 =	vld [tilespmem:s1+$0xFFFFFFD0];
	[tilespmem:s28+$0x120] =	vst v4  }
0x19e: {  	v4 =	vmul.f32 v9, v5;
	v8 =	vld [tilespmem:s30+$0x130]  }
0x19f: {  	v9 =	vmul.f32 v10, v7;
	v10 =	vld [tilespmem:s29+$0x230]  }
0x1a0: {  	v11 =	vld [tilespmem:s31+$0xFFFFFFD0];
	[tilespmem:s0+$0x1D0] =	vst v4  }
0x1a1: {  	v4 =	vld [tilespmem:s31+$0xD0]  }
0x1a2: {  	v1 =	vld [tilespmem:s26+$0x170];
	[tilespmem:s28+$0x10] =	vst v9  }
0x1a3: {  	v9 =	vld [tilespmem:s29+$0xFFFFFF10]  }
0x1a4: {  	v3 =	vld [tilespmem:s7+$0x50];
	v10 =	vmul.f32 v10, v8  }
0x1a5: {  	v6 =	vld [tilespmem:s26+$0x50];
	v11 =	vmul.f32 v11, v2  }
0x1a6: {  	v4 =	vmul.f32 v4, v5;
	v5 =	vld [tilespmem:s18+$0xFFFFFF80];
	[tilespmem:s28+$0x230] =	vst v10  }
0x1a7: {  	[tilespmem:s0+$0xFFFFFFD0] =	vst v11;
	v10 =	vld [tilespmem:s29+$0x130]  }
0x1a8: {  	v7 =	vmul.f32 v9, v7;
	v9 =	vld [tilespmem:s31+$0xFFFFFED0];
	[tilespmem:s0+$0xD0] =	vst v4  }
0x1a9: {  	v4 =	vmul.f32 v49, v48;
	v11 =	vld [tilespmem:s1+$0xE0]  }
0x1aa: {  	s15 =	simm.s32 $0xD080;
	[tilespmem:s28+$0xFFFFFF10] =	vst v7;
	v7 =	vld [tilespmem:s31+$0x1E0]  }
0x1ab: {  	[tilespmem:s15+$0x180] =	vst v4;
	v4 =	vld [tilespmem:s30+$0x20];
	v51 =	vmul.f32 v50, v5  }
0x1ac: {  	v52 =	vld [tilespmem:s8+$0x80];
	v8 =	vmul.f32 v10, v8  }
0x1ad: {  	v10 =	vld [tilespmem:s29+$0x20];
	[tilespmem:s15+$0xFFFFFF80] =	vst v51  }
0x1ae: {  	v2 =	vmul.f32 v9, v2;
	v9 =	vld [tilespmem:s8+$0xFFFFFE80];
	[tilespmem:s28+$0x130] =	vst v8  }
0x1af: {  	v7 =	vmul.f32 v7, v11;
	v8 =	vld [tilespmem:s30+$0x140]  }
0x1b0: {  	[tilespmem:s0+$0xFFFFFED0] =	vst v2;
	v2 =	vld [tilespmem:s29+$0x240]  }
0x1b1: {  	v53 =	vld [tilespmem:s1+$0xFFFFFFE0];
	v12 =	vmul.f32 v52, v48;
	[tilespmem:s0+$0x1E0] =	vst v7  }
0x1b2: {  	v7 =	vld [tilespmem:s31+$0xE0]  }
0x1b3: {  	[tilespmem:s15+$0x80] =	vst v12;
	v5 =	vmul.f32 v9, v5;
	v9 =	vld [tilespmem:s31+$0xFFFFFFE0]  }
0x1b4: {  	v12 =	vld [tilespmem:s18+$0x90]  }
0x1b5: {  	v2 =	vmul.f32 v2, v8;
	[tilespmem:s15+$0xFFFFFE80] =	vst v5;
	v5 =	vld [tilespmem:s8+$0x190]  }
0x1b6: {  	v10 =	vmul.f32 v10, v4;
	v54 =	vld [tilespmem:s18+$0xFFFFFF90]  }
0x1b7: {  	v7 =	vmul.f32 v7, v11;
	v11 =	vld [tilespmem:s8+$0xFFFFFF90];
	[tilespmem:s28+$0x240] =	vst v2  }
0x1b8: {  	[tilespmem:s28+$0x20] =	vst v10;
	v2 =	vld [tilespmem:s29+$0x140]  }
0x1b9: {  	v9 =	vmul.f32 v9, v53;
	[tilespmem:s0+$0xE0] =	vst v7;
	v7 =	vld [tilespmem:s29+$0xFFFFFF20]  }
0x1ba: {  	v10 =	vld [tilespmem:s1+$0xF0];
	v5 =	vmul.f32 v5, v12  }
0x1bb: {  	v6 =	vmul.f32 v6, v3;
	[tilespmem:s0+$0xFFFFFFE0] =	vst v9;
	v9 =	vld [tilespmem:s31+$0x1F0]  }
0x1bc: {  	v11 =	vmul.f32 v11, v54;
	[tilespmem:s15+$0x190] =	vst v5;
	v5 =	vld [tilespmem:s31+$0xFFFFFEE0]  }
0x1bd: {  	[tilespmem:s25+$0x50] =	vst v6;
	v2 =	vmul.f32 v2, v8;
	v6 =	vld [tilespmem:s8+$0x90]  }
0x1be: {  	v8 =	vld [tilespmem:s26+$0xFFFFFF50];
	[tilespmem:s15+$0xFFFFFF90] =	vst v11  }
0x1bf: {  	v4 =	vmul.f32 v7, v4;
	v7 =	vld [tilespmem:s8+$0xFFFFFE90];
	[tilespmem:s28+$0x140] =	vst v2  }
0x1c0: {  	v2 =	vmul.f32 v9, v10;
	v9 =	vld [tilespmem:s30+$0x150]  }
0x1c1: {  	[tilespmem:s28+$0xFFFFFF20] =	vst v4;
	v4 =	vmul.f32 v5, v53;
	v5 =	vld [tilespmem:s29+$0x250]  }
0x1c2: {  	[tilespmem:s0+$0x1F0] =	vst v2;
	v2 =	vld [tilespmem:s30+$0x30];
	v6 =	vmul.f32 v6, v12  }
0x1c3: {  	[tilespmem:s0+$0xFFFFFEE0] =	vst v4;
	v4 =	vld [tilespmem:s31+$0xF0]  }
0x1c4: {  	v7 =	vmul.f32 v7, v54;
	[tilespmem:s15+$0x90] =	vst v6;
	v6 =	vld [tilespmem:s1+$0xFFFFFFF0]  }
0x1c5: {  	v11 =	vld [tilespmem:s18+$0xA0]  }
0x1c6: {  	[tilespmem:s15+$0xFFFFFE90] =	vst v7;
	v7 =	vld [tilespmem:s8+$0x1A0];
	v5 =	vmul.f32 v5, v9  }
0x1c7: {  	v55 =	vld [tilespmem:s18+$0xFFFFFFA0]  }
0x1c8: {  	v56 =	vld [tilespmem:s8+$0xFFFFFFA0];
	v4 =	vmul.f32 v4, v10;
	[tilespmem:s28+$0x250] =	vst v5  }
0x1c9: {  	v5 =	vld [tilespmem:s29+$0x150]  }
0x1ca: {  	v10 =	vld [tilespmem:s31+$0xFFFFFFF0];
	[tilespmem:s0+$0xF0] =	vst v4  }
0x1cb: {  	v4 =	vmul.f32 v7, v11;
	v7 =	vld [tilespmem:s1+$0x100]  }
0x1cc: {  	v3 =	vmul.f32 v8, v3;
	v8 =	vld [tilespmem:s31+$0x200]  }
0x1cd: {  	v13 =	vmul.f32 v56, v55;
	[tilespmem:s15+$0x1A0] =	vst v4;
	v4 =	vld [tilespmem:s29+$0x30]  }
0x1ce: {  	[tilespmem:s25+$0xFFFFFF50] =	vst v3;
	v3 =	vld [tilespmem:s8+$0xA0];
	v5 =	vmul.f32 v5, v9  }
0x1cf: {  	[tilespmem:s15+$0xFFFFFFA0] =	vst v13;
	v9 =	vld [tilespmem:s7+$0x60]  }
0x1d0: {  	v10 =	vmul.f32 v10, v6;
	v13 =	vld [tilespmem:s8+$0xFFFFFEA0];
	[tilespmem:s28+$0x150] =	vst v5  }
0x1d1: {  	v5 =	vmul.f32 v8, v7;
	v8 =	vld [tilespmem:s30+$0x160]  }
0x1d2: {  	[tilespmem:s0+$0xFFFFFFF0] =	vst v10;
	v4 =	vmul.f32 v4, v2;
	v10 =	vld [tilespmem:s29+$0x260]  }
0x1d3: {  	v3 =	vmul.f32 v3, v11;
	v11 =	vld [tilespmem:s31+$0xFFFFFEF0];
	[tilespmem:s0+$0x200] =	vst v5  }
0x1d4: {  	v5 =	vld [tilespmem:s31+$0x100];
	[tilespmem:s28+$0x30] =	vst v4  }
0x1d5: {  	v4 =	vmul.f32 v13, v55;
	[tilespmem:s15+$0xA0] =	vst v3;
	v3 =	vld [tilespmem:s29+$0xFFFFFF30]  }
0x1d6: {  	v57 =	vld [tilespmem:s18+$0xB0]  }
0x1d7: {  	[tilespmem:s15+$0xFFFFFEA0] =	vst v4;
	v4 =	vld [tilespmem:s8+$0x1B0];
	v10 =	vmul.f32 v10, v8  }
0x1d8: {  	v58 =	vld [tilespmem:s18+$0xFFFFFFB0];
	v6 =	vmul.f32 v11, v6  }
0x1d9: {  	v11 =	vld [tilespmem:s8+$0xFFFFFFB0];
	v5 =	vmul.f32 v5, v7;
	[tilespmem:s28+$0x260] =	vst v10  }
0x1da: {  	[tilespmem:s0+$0xFFFFFEF0] =	vst v6;
	v6 =	vld [tilespmem:s29+$0x160]  }
0x1db: {  	v7 =	vld [tilespmem:s1+$0x0];
	[tilespmem:s0+$0x100] =	vst v5  }
0x1dc: {  	v4 =	vmul.f32 v4, v57;
	v5 =	vld [tilespmem:s1+$0x110]  }
0x1dd: {  	v2 =	vmul.f32 v3, v2;
	v3 =	vld [tilespmem:s31+$0x210]  }
0x1de: {  	v10 =	vmul.f32 v11, v58;
	[tilespmem:s15+$0x1B0] =	vst v4;
	v4 =	vld [tilespmem:s31+$0x0]  }
0x1df: {  	[tilespmem:s28+$0xFFFFFF30] =	vst v2;
	v2 =	vld [tilespmem:s8+$0xB0];
	v6 =	vmul.f32 v6, v8  }
0x1e0: {  	[tilespmem:s15+$0xFFFFFFB0] =	vst v10;
	v8 =	vld [tilespmem:s30+$0x40]  }
0x1e1: {  	v10 =	vld [tilespmem:s8+$0xFFFFFEB0];
	[tilespmem:s28+$0x160] =	vst v6  }
0x1e2: {  	v3 =	vmul.f32 v3, v5;
	v11 =	vld [tilespmem:s30+$0x170]  }
0x1e3: {  	v4 =	vmul.f32 v4, v7;
	v6 =	vld [tilespmem:s29+$0x270]  }
0x1e4: {  	v2 =	vmul.f32 v2, v57;
	[tilespmem:s0+$0x210] =	vst v3;
	v3 =	vld [tilespmem:s29+$0x40]  }
0x1e5: {  	[tilespmem:s0+$0x0] =	vst v4;
	v4 =	vld [tilespmem:s31+$0x110]  }
0x1e6: {  	v10 =	vmul.f32 v10, v58;
	[tilespmem:s15+$0xB0] =	vst v2;
	v2 =	vld [tilespmem:s31+$0xFFFFFF00]  }
0x1e7: {  	v59 =	vld [tilespmem:s18+$0xC0]  }
0x1e8: {  	[tilespmem:s15+$0xFFFFFEB0] =	vst v10;
	v10 =	vld [tilespmem:s8+$0x1C0]  }
0x1e9: {  	v60 =	vld [tilespmem:s18+$0xFFFFFFC0];
	v3 =	vmul.f32 v3, v8  }
0x1ea: {  	v61 =	vld [tilespmem:s8+$0xFFFFFFC0];
	v4 =	vmul.f32 v4, v5  }
0x1eb: {  	v5 =	vld [tilespmem:s26+$0x60];
	[tilespmem:s28+$0x40] =	vst v3  }
0x1ec: {  	v3 =	vmul.f32 v6, v11;
	[tilespmem:s0+$0x110] =	vst v4;
	v4 =	vld [tilespmem:s29+$0xFFFFFF40]  }
0x1ed: {  	v6 =	vmul.f32 v10, v59;
	v10 =	vld [tilespmem:s1+$0x120]  }
0x1ee: {  	v2 =	vmul.f32 v2, v7;
	[tilespmem:s28+$0x270] =	vst v3;
	v3 =	vld [tilespmem:s31+$0x220]  }
0x1ef: {  	v7 =	vld [tilespmem:s29+$0x170];
	v14 =	vmul.f32 v61, v60;
	[tilespmem:s15+$0x1C0] =	vst v6  }
0x1f0: {  	[tilespmem:s0+$0xFFFFFF00] =	vst v2;
	v2 =	vld [tilespmem:s8+$0xC0]  }
0x1f1: {  	v15 =	vld [tilespmem:s1+$0x10];
	[tilespmem:s15+$0xFFFFFFC0] =	vst v14;
	v4 =	vmul.f32 v4, v8  }
0x1f2: {  	v6 =	vld [tilespmem:s8+$0xFFFFFEC0]  }
0x1f3: {  	v8 =	vld [tilespmem:s31+$0x10];
	v3 =	vmul.f32 v3, v10;
	[tilespmem:s28+$0xFFFFFF40] =	vst v4  }
0x1f4: {  	v4 =	vmul.f32 v5, v9;
	v62 =	vld [tilespmem:s30+$0x50]  }
0x1f5: {  	[tilespmem:s0+$0x220] =	vst v3;
	v3 =	vld [tilespmem:s29+$0x50];
	v2 =	vmul.f32 v2, v59  }
0x1f6: {  	[tilespmem:s25+$0x60] =	vst v4;
	v4 =	vld [tilespmem:s31+$0x120]  }
0x1f7: {  	v63 =	vld [tilespmem:s26+$0xFFFFFF60];
	v5 =	vmul.f32 v6, v60;
	[tilespmem:s15+$0xC0] =	vst v2  }
0x1f8: {  	v6 =	vld [tilespmem:s18+$0xD0]  }
0x1f9: {  	v2 =	vmul.f32 v8, v15;
	[tilespmem:s15+$0xFFFFFEC0] =	vst v5;
	v8 =	vld [tilespmem:s8+$0x1D0]  }
0x1fa: {  	v5 =	vld [tilespmem:s18+$0xFFFFFFD0];
	v3 =	vmul.f32 v3, v62  }
0x1fb: {  	[tilespmem:s0+$0x10] =	vst v2;
	v2 =	vmul.f32 v4, v10;
	v10 =	vld [tilespmem:s8+$0xFFFFFFD0]  }
0x1fc: {  	v0 =	vmul.f32 v1, v0;
	v1 =	vld [tilespmem:s31+$0xFFFFFF10];
	[tilespmem:s28+$0x50] =	vst v3  }
0x1fd: {  	v4 =	vmul.f32 v63, v9;
	[tilespmem:s0+$0x120] =	vst v2;
	v2 =	vld [tilespmem:s29+$0xFFFFFF50]  }
0x1fe: {  	[tilespmem:s25+$0x170] =	vst v0;
	v0 =	vmul.f32 v8, v6;
	v3 =	vld [tilespmem:s1+$0x130]  }
0x1ff: {  	v7 =	vmul.f32 v7, v11;
	[tilespmem:s25+$0xFFFFFF60] =	vst v4;
	v4 =	vld [tilespmem:s31+$0x230]  }
0x200: {  	v9 =	vmul.f32 v10, v5;
	[tilespmem:s15+$0x1D0] =	vst v0;
	v0 =	vld [tilespmem:s7+$0x70]  }
0x201: {  	s22 =	simm.s32 $0x7;
	[tilespmem:s28+$0x170] =	vst v7;
	v7 =	vmul.f32 v1, v15;
	v8 =	vld [tilespmem:s8+$0xD0]  }
0x202: {  	s23 =	simm.s32 $0x8980;
	s10 =	simm.s32 $0xE80;
	v1 =	vld [tilespmem:s26+$0x70];
	s7 =	simm.s32 $0xD080;
	[tilespmem:s15+$0xFFFFFFD0] =	vst v9;
	v2 =	vmul.f32 v2, v62  }
.LBB2_3:
0x203: {  	v9 =	vld [tilespmem:s23+$0x80];
	s8 =	sadd.s32 $0x400, s8;
	[tilespmem:s0+$0xFFFFFF10] =	vst v7  }
0x204: {  	v7 =	vld [tilespmem:s8+$0x180];
	v4 =	vmul.f32 v4, v3;
	[tilespmem:s28+$0xFFFFFF50] =	vst v2  }
0x205: {  	v2 =	vld [tilespmem:s8+$0xFFFFFF80]  }
0x206: {  	v10 =	vld [tilespmem:s23+$0xFFFFFF80];
	v6 =	vmul.f32 v8, v6;
	[tilespmem:s0+$0x230] =	vst v4  }
0x207: {  	v4 =	vld [tilespmem:s31+$0x130];
	v1 =	vmul.f32 v1, v0  }
0x208: {  	v8 =	vld [tilespmem:s10+$0xFFFFFED0];
	[tilespmem:s15+$0xD0] =	vst v6  }
0x209: {  	v6 =	vmul.f32 v7, v9;
	v7 =	vld [tilespmem:s18+$0xE0];
	[tilespmem:s25+$0x70] =	vst v1  }
0x20a: {  	s15 =	sadd.s32 $0x400, s15;
	v1 =	vld [tilespmem:s10+$0x1E0]  }
0x20b: {  	v2 =	vmul.f32 v2, v10;
	[tilespmem:s15+$0x180] =	vst v6;
	v6 =	vld [tilespmem:s1+$0x20]  }
0x20c: {  	v11 =	vld [tilespmem:s8+$0x80];
	v3 =	vmul.f32 v4, v3  }
0x20d: {  	[tilespmem:s15+$0xFFFFFF80] =	vst v2;
	v2 =	vmul.f32 v8, v5;
	v4 =	vld [tilespmem:s31+$0x20]  }
0x20e: {  	v5 =	vld [tilespmem:s8+$0xFFFFFE80];
	[tilespmem:s0+$0x130] =	vst v3  }
0x20f: {  	[tilespmem:s7+$0xFFFFFED0] =	vst v2;
	v1 =	vmul.f32 v1, v7;
	v2 =	vld [tilespmem:s1+$0x140]  }
0x210: {  	v3 =	vld [tilespmem:s31+$0x240]  }
0x211: {  	v8 =	vmul.f32 v11, v9;
	v9 =	vld [tilespmem:s18+$0xFFFFFFE0];
	[tilespmem:s7+$0x1E0] =	vst v1  }
0x212: {  	v1 =	vld [tilespmem:s10+$0xE0];
	v4 =	vmul.f32 v4, v6  }
0x213: {  	s22 =	sadd.s32 $0x2, s22;
	v5 =	vmul.f32 v5, v10;
	[tilespmem:s15+$0x80] =	vst v8;
	v8 =	vld [tilespmem:s10+$0xFFFFFFE0]  }
0x214: {  	p2 =	slt.u32 s22, $0x1D;
	v10 =	vld [tilespmem:s23+$0x90];
	[tilespmem:s0+$0x20] =	vst v4  }
0x215: {  	[tilespmem:s15+$0xFFFFFE80] =	vst v5;
	v4 =	vld [tilespmem:s8+$0x190];
	v3 =	vmul.f32 v3, v2  }
0x216: {  	v5 =	vld [tilespmem:s23+$0xFFFFFF90]  }
0x217: {  	v11 =	vld [tilespmem:s8+$0xFFFFFF90];
	v1 =	vmul.f32 v1, v7;
	[tilespmem:s0+$0x240] =	vst v3  }
0x218: {  	v3 =	vmul.f32 v8, v9;
	v7 =	vld [tilespmem:s31+$0x140]  }
0x219: {  	[tilespmem:s7+$0xE0] =	vst v1;
	v1 =	vld [tilespmem:s31+$0xFFFFFF20]  }
0x21a: {  	v4 =	vmul.f32 v4, v10;
	[tilespmem:s7+$0xFFFFFFE0] =	vst v3;
	v3 =	vld [tilespmem:s18+$0xF0]  }
0x21b: {  	v8 =	vld [tilespmem:s10+$0x1F0]  }
0x21c: {  	v11 =	vmul.f32 v11, v5;
	[tilespmem:s15+$0x190] =	vst v4;
	v4 =	vld [tilespmem:s10+$0xFFFFFEE0]  }
0x21d: {  	v12 =	vld [tilespmem:s8+$0x90];
	v2 =	vmul.f32 v7, v2  }
0x21e: {  	[tilespmem:s15+$0xFFFFFF90] =	vst v11;
	v6 =	vmul.f32 v1, v6;
	v1 =	vld [tilespmem:s30+$0x60]  }
0x21f: {  	v7 =	vld [tilespmem:s8+$0xFFFFFE90];
	[tilespmem:s0+$0x140] =	vst v2  }
0x220: {  	v2 =	vmul.f32 v8, v3;
	[tilespmem:s0+$0xFFFFFF20] =	vst v6;
	v6 =	vld [tilespmem:s1+$0x150]  }
0x221: {  	v4 =	vmul.f32 v4, v9;
	v8 =	vld [tilespmem:s31+$0x250]  }
0x222: {  	v9 =	vmul.f32 v12, v10;
	[tilespmem:s7+$0x1F0] =	vst v2;
	v2 =	vld [tilespmem:s1+$0x30]  }
0x223: {  	[tilespmem:s7+$0xFFFFFEE0] =	vst v4;
	v4 =	vld [tilespmem:s10+$0xF0]  }
0x224: {  	v5 =	vmul.f32 v7, v5;
	[tilespmem:s15+$0x90] =	vst v9;
	v7 =	vld [tilespmem:s18+$0xFFFFFFF0]  }
0x225: {  	v9 =	vld [tilespmem:s23+$0xA0]  }
0x226: {  	[tilespmem:s15+$0xFFFFFE90] =	vst v5;
	v5 =	vld [tilespmem:s8+$0x1A0];
	v8 =	vmul.f32 v8, v6  }
0x227: {  	v10 =	vld [tilespmem:s23+$0xFFFFFFA0]  }
0x228: {  	v11 =	vld [tilespmem:s8+$0xFFFFFFA0];
	v3 =	vmul.f32 v4, v3;
	[tilespmem:s0+$0x250] =	vst v8  }
0x229: {  	v4 =	vld [tilespmem:s31+$0x150]  }
0x22a: {  	v8 =	vld [tilespmem:s10+$0xFFFFFFF0];
	[tilespmem:s7+$0xF0] =	vst v3  }
0x22b: {  	v3 =	vmul.f32 v5, v9;
	v5 =	vld [tilespmem:s18+$0x100]  }
0x22c: {  	v12 =	vld [tilespmem:s10+$0x200]  }
0x22d: {  	v11 =	vmul.f32 v11, v10;
	[tilespmem:s15+$0x1A0] =	vst v3;
	v3 =	vld [tilespmem:s31+$0x30]  }
0x22e: {  	v13 =	vld [tilespmem:s8+$0xA0];
	v4 =	vmul.f32 v4, v6  }
0x22f: {  	[tilespmem:s15+$0xFFFFFFA0] =	vst v11;
	v6 =	vmul.f32 v8, v7;
	v8 =	vld [tilespmem:s29+$0x60]  }
0x230: {  	v11 =	vld [tilespmem:s8+$0xFFFFFEA0];
	[tilespmem:s0+$0x150] =	vst v4  }
0x231: {  	[tilespmem:s7+$0xFFFFFFF0] =	vst v6;
	v4 =	vmul.f32 v12, v5;
	v6 =	vld [tilespmem:s1+$0x160]  }
0x232: {  	v3 =	vmul.f32 v3, v2;
	v12 =	vld [tilespmem:s31+$0x260]  }
0x233: {  	v9 =	vmul.f32 v13, v9;
	v13 =	vld [tilespmem:s10+$0xFFFFFEF0];
	[tilespmem:s7+$0x200] =	vst v4  }
0x234: {  	v4 =	vld [tilespmem:s10+$0x100];
	[tilespmem:s0+$0x30] =	vst v3;
	v3 =	vmul.f32 v8, v1  }
0x235: {  	v8 =	vmul.f32 v11, v10;
	[tilespmem:s15+$0xA0] =	vst v9;
	v9 =	vld [tilespmem:s31+$0xFFFFFF30]  }
0x236: {  	v10 =	vld [tilespmem:s23+$0xB0];
	[tilespmem:s28+$0x60] =	vst v3  }
0x237: {  	[tilespmem:s15+$0xFFFFFEA0] =	vst v8;
	v3 =	vld [tilespmem:s8+$0x1B0];
	v8 =	vmul.f32 v12, v6  }
0x238: {  	v11 =	vld [tilespmem:s23+$0xFFFFFFB0];
	v7 =	vmul.f32 v13, v7  }
0x239: {  	v12 =	vld [tilespmem:s8+$0xFFFFFFB0];
	v4 =	vmul.f32 v4, v5;
	[tilespmem:s0+$0x260] =	vst v8  }
0x23a: {  	[tilespmem:s7+$0xFFFFFEF0] =	vst v7;
	v2 =	vmul.f32 v9, v2;
	v5 =	vld [tilespmem:s31+$0x160]  }
0x23b: {  	v7 =	vld [tilespmem:s18+$0x0];
	[tilespmem:s7+$0x100] =	vst v4  }
0x23c: {  	v3 =	vmul.f32 v3, v10;
	v4 =	vld [tilespmem:s18+$0x110];
	[tilespmem:s0+$0xFFFFFF30] =	vst v2  }
0x23d: {  	v2 =	vld [tilespmem:s10+$0x210]  }
0x23e: {  	v8 =	vmul.f32 v12, v11;
	[tilespmem:s15+$0x1B0] =	vst v3;
	v3 =	vld [tilespmem:s10+$0x0]  }
0x23f: {  	v9 =	vld [tilespmem:s8+$0xB0];
	v5 =	vmul.f32 v5, v6  }
0x240: {  	[tilespmem:s15+$0xFFFFFFB0] =	vst v8;
	v6 =	vld [tilespmem:s1+$0x40]  }
0x241: {  	v8 =	vld [tilespmem:s8+$0xFFFFFEB0];
	[tilespmem:s0+$0x160] =	vst v5  }
0x242: {  	v2 =	vmul.f32 v2, v4;
	v5 =	vld [tilespmem:s1+$0x170]  }
0x243: {  	v3 =	vmul.f32 v3, v7;
	v12 =	vld [tilespmem:s31+$0x270]  }
0x244: {  	v9 =	vmul.f32 v9, v10;
	[tilespmem:s7+$0x210] =	vst v2;
	v2 =	vld [tilespmem:s31+$0x40]  }
0x245: {  	[tilespmem:s7+$0x0] =	vst v3;
	v3 =	vld [tilespmem:s10+$0x110]  }
0x246: {  	v8 =	vmul.f32 v8, v11;
	[tilespmem:s15+$0xB0] =	vst v9;
	v9 =	vld [tilespmem:s10+$0xFFFFFF00]  }
0x247: {  	v10 =	vld [tilespmem:s23+$0xC0]  }
0x248: {  	[tilespmem:s15+$0xFFFFFEB0] =	vst v8;
	v8 =	vld [tilespmem:s8+$0x1C0];
	v11 =	vmul.f32 v12, v5  }
0x249: {  	v12 =	vld [tilespmem:s23+$0xFFFFFFC0];
	v2 =	vmul.f32 v2, v6  }
0x24a: {  	v13 =	vld [tilespmem:s8+$0xFFFFFFC0];
	v3 =	vmul.f32 v3, v4;
	[tilespmem:s0+$0x270] =	vst v11  }
0x24b: {  	v4 =	vmul.f32 v9, v7;
	[tilespmem:s0+$0x40] =	vst v2;
	v2 =	vld [tilespmem:s31+$0x170]  }
0x24c: {  	[tilespmem:s7+$0x110] =	vst v3;
	v3 =	vld [tilespmem:s31+$0xFFFFFF40]  }
0x24d: {  	v7 =	vmul.f32 v8, v10;
	[tilespmem:s7+$0xFFFFFF00] =	vst v4;
	v4 =	vld [tilespmem:s18+$0x120]  }
0x24e: {  	v8 =	vld [tilespmem:s10+$0x220]  }
0x24f: {  	v9 =	vmul.f32 v13, v12;
	[tilespmem:s15+$0x1C0] =	vst v7;
	v7 =	vld [tilespmem:s18+$0x10]  }
0x250: {  	v11 =	vld [tilespmem:s8+$0xC0];
	v2 =	vmul.f32 v2, v5  }
0x251: {  	[tilespmem:s15+$0xFFFFFFC0] =	vst v9;
	v5 =	vld [tilespmem:s10+$0x10];
	v3 =	vmul.f32 v3, v6  }
0x252: {  	v6 =	vld [tilespmem:s8+$0xFFFFFEC0];
	[tilespmem:s0+$0x170] =	vst v2  }
0x253: {  	v2 =	vmul.f32 v8, v4;
	[tilespmem:s0+$0xFFFFFF40] =	vst v3;
	v3 =	vld [tilespmem:s29+$0xFFFFFF60]  }
0x254: {  	v9 =	vld [tilespmem:s1+$0x50]  }
0x255: {  	v8 =	vmul.f32 v11, v10;
	[tilespmem:s7+$0x220] =	vst v2;
	v2 =	vld [tilespmem:s31+$0x50]  }
0x256: {  	v5 =	vmul.f32 v5, v7;
	v10 =	vld [tilespmem:s10+$0x120]  }
0x257: {  	v11 =	vmul.f32 v6, v12;
	[tilespmem:s15+$0xC0] =	vst v8;
	v8 =	vld [tilespmem:s26+$0xFFFFFF70];
	s26 =	smov.u32 s29;
	s29 =	smov.u32 s31;
	s31 =	smov.u32 s10  }
0x258: {  	s10 =	smov.u32 s8;
	v6 =	vld [tilespmem:s23+$0xD0];
	[tilespmem:s7+$0x10] =	vst v5;
	v1 =	vmul.f32 v3, v1  }
0x259: {  	[tilespmem:s15+$0xFFFFFEC0] =	vst v11;
	v3 =	vld [tilespmem:s8+$0x1D0]  }
0x25a: {  	v5 =	vld [tilespmem:s23+$0xFFFFFFD0];
	v2 =	vmul.f32 v2, v9;
	[tilespmem:s28+$0xFFFFFF60] =	vst v1  }
0x25b: {  	v1 =	vld [tilespmem:s8+$0xFFFFFFD0];
	v4 =	vmul.f32 v10, v4  }
0x25c: {  	v10 =	vld [tilespmem:s31+$0xFFFFFF10];
	[tilespmem:s0+$0x50] =	vst v2;
	v0 =	vmul.f32 v8, v0  }
0x25d: {  	[tilespmem:s7+$0x120] =	vst v4;
	v2 =	vld [tilespmem:s29+$0xFFFFFF50]  }
.Ltmp4:
0x25e: {  	v8 =	vmul.f32 v3, v6;
	v3 =	vld [tilespmem:s18+$0x130];
	[tilespmem:s25+$0xFFFFFF70] =	vst v0;
	s25 =	smov.u32 s28;
	s28 =	smov.u32 s0;
	(pc) =	sbr.rel @p2 .LBB2_3-.Ltmp4, $4  }
0x25f: {  	s0 =	smov.u32 s7;
	s7 =	smov.u32 s15;
	v4 =	vld [tilespmem:s31+$0x230]  }
0x260: {  	v1 =	vmul.f32 v1, v5;
	[tilespmem:s15+$0x1D0] =	vst v8;
	v0 =	vld [tilespmem:s30+$0x70];
	s30 =	smov.u32 s1;
	s1 =	smov.u32 s18;
	s18 =	smov.u32 s23  }
0x261: {  	v8 =	vld [tilespmem:s8+$0xD0];
	v7 =	vmul.f32 v10, v7  }
0x262: {  	s23 =	sadd.s32 $0x200, s23;
	[tilespmem:s15+$0xFFFFFFD0] =	vst v1;
	v2 =	vmul.f32 v2, v9;
	v1 =	vld [tilespmem:s26+$0x70]  }
0x263: {  	v9 =	vld [tilespmem:s10+$0xFFFFFED0];
	_ =	sdelay $0x2  }
0x264: {  	v6 =	vmul.f32 v8, v6;
	_ =	sdelay $0x1  }
0x265: {  	[tilespmem:s15+$0xD0] =	vst v6;
	v5 =	vmul.f32 v9, v5  }
0x266: {  	v6 =	vld [tilespmem:s18+$0xE0]  }
0x267: {  	v27 =	vld [tilespmem:s10+$0x1E0];
	[tilespmem:s7+$0xFFFFFED0] =	vst v5  }
0x268: {  	v5 =	vld [tilespmem:s18+$0xFFFFFFE0]  }
0x269: {  	v28 =	vld [tilespmem:s10+$0xFFFFFFE0];
	_ =	sdelay $0x2  }
0x26a: {  	v8 =	vmul.f32 v27, v6;
	_ =	sdelay $0x1  }
0x26b: {  	[tilespmem:s7+$0x1E0] =	vst v8;
	v9 =	vmul.f32 v28, v5  }
0x26c: {  	v8 =	vld [tilespmem:s10+$0xE0]  }
0x26d: {  	[tilespmem:s7+$0xFFFFFFE0] =	vst v9  }
0x26e: {  	v9 =	vld [tilespmem:s10+$0xFFFFFEE0];
	_ =	sdelay $0x2  }
0x26f: {  	v6 =	vmul.f32 v8, v6;
	_ =	sdelay $0x1  }
0x270: {  	[tilespmem:s7+$0xE0] =	vst v6;
	v5 =	vmul.f32 v9, v5  }
0x271: {  	v6 =	vld [tilespmem:s18+$0xF0]  }
0x272: {  	v29 =	vld [tilespmem:s10+$0x1F0];
	[tilespmem:s7+$0xFFFFFEE0] =	vst v5  }
0x273: {  	v5 =	vld [tilespmem:s18+$0xFFFFFFF0]  }
0x274: {  	v30 =	vld [tilespmem:s10+$0xFFFFFFF0];
	_ =	sdelay $0x2  }
0x275: {  	v8 =	vmul.f32 v29, v6;
	_ =	sdelay $0x1  }
0x276: {  	[tilespmem:s7+$0x1F0] =	vst v8;
	v9 =	vmul.f32 v30, v5  }
0x277: {  	v8 =	vld [tilespmem:s10+$0xF0]  }
0x278: {  	[tilespmem:s7+$0xFFFFFFF0] =	vst v9  }
0x279: {  	v9 =	vld [tilespmem:s10+$0xFFFFFEF0];
	_ =	sdelay $0x2  }
0x27a: {  	v6 =	vmul.f32 v8, v6;
	_ =	sdelay $0x1  }
0x27b: {  	[tilespmem:s7+$0xF0] =	vst v6;
	v5 =	vmul.f32 v9, v5  }
0x27c: {  	v6 =	vld [tilespmem:s18+$0x100]  }
0x27d: {  	v31 =	vld [tilespmem:s10+$0x200];
	[tilespmem:s7+$0xFFFFFEF0] =	vst v5  }
0x27e: {  	v5 =	vld [tilespmem:s18+$0x0]  }
0x27f: {  	v32 =	vld [tilespmem:s10+$0x0];
	_ =	sdelay $0x2  }
0x280: {  	v8 =	vmul.f32 v31, v6;
	_ =	sdelay $0x1  }
0x281: {  	[tilespmem:s7+$0x200] =	vst v8;
	v9 =	vmul.f32 v32, v5  }
0x282: {  	v8 =	vld [tilespmem:s10+$0x100]  }
0x283: {  	[tilespmem:s7+$0x0] =	vst v9  }
0x284: {  	v9 =	vld [tilespmem:s10+$0xFFFFFF00];
	_ =	sdelay $0x2  }
0x285: {  	v6 =	vmul.f32 v8, v6;
	_ =	sdelay $0x1  }
0x286: {  	[tilespmem:s7+$0x100] =	vst v6;
	v5 =	vmul.f32 v9, v5  }
0x287: {  	v6 =	vld [tilespmem:s18+$0x110]  }
0x288: {  	v33 =	vld [tilespmem:s10+$0x210];
	[tilespmem:s7+$0xFFFFFF00] =	vst v5  }
0x289: {  	v5 =	vld [tilespmem:s18+$0x10]  }
0x28a: {  	v34 =	vld [tilespmem:s10+$0x10];
	_ =	sdelay $0x2  }
0x28b: {  	v8 =	vmul.f32 v33, v6;
	_ =	sdelay $0x1  }
0x28c: {  	[tilespmem:s7+$0x210] =	vst v8;
	v9 =	vmul.f32 v34, v5  }
0x28d: {  	v8 =	vld [tilespmem:s10+$0x110]  }
0x28e: {  	[tilespmem:s7+$0x10] =	vst v9  }
0x28f: {  	v9 =	vld [tilespmem:s10+$0xFFFFFF10];
	_ =	sdelay $0x2  }
0x290: {  	[tilespmem:s0+$0xFFFFFF10] =	vst v7;
	v6 =	vmul.f32 v8, v6  }
0x291: {  	v36 =	vld [tilespmem:s1+$0x20]  }
0x292: {  	v37 =	vld [tilespmem:s31+$0x20];
	[tilespmem:s7+$0x110] =	vst v6;
	v5 =	vmul.f32 v9, v5  }
0x293: {  	v6 =	vld [tilespmem:s18+$0x120]  }
0x294: {  	v35 =	vld [tilespmem:s10+$0x220];
	[tilespmem:s7+$0xFFFFFF10] =	vst v5  }
0x295: {  	v5 =	vld [tilespmem:s18+$0x20]  }
0x296: {  	v10 =	vld [tilespmem:s10+$0x20]  }
0x297: {  	v9 =	vmul.f32 v37, v36;
	_ =	sdelay $0x1  }
0x298: {  	[tilespmem:s0+$0x20] =	vst v9;
	v7 =	vmul.f32 v35, v6  }
0x299: {  	v39 =	vld [tilespmem:s31+$0xFFFFFF20]  }
0x29a: {  	[tilespmem:s7+$0x220] =	vst v7;
	v38 =	vmul.f32 v10, v5  }
0x29b: {  	v7 =	vld [tilespmem:s10+$0x120]  }
0x29c: {  	[tilespmem:s7+$0x20] =	vst v38  }
0x29d: {  	v4 =	vmul.f32 v4, v3;
	v9 =	vld [tilespmem:s10+$0xFFFFFF20]  }
0x29e: {  	v40 =	vmul.f32 v39, v36  }
0x29f: {  	[tilespmem:s0+$0x230] =	vst v4  }
0x2a0: {  	v4 =	vld [tilespmem:s31+$0x130];
	[tilespmem:s0+$0xFFFFFF20] =	vst v40;
	v6 =	vmul.f32 v7, v6  }
0x2a1: {  	v42 =	vld [tilespmem:s1+$0x30]  }
0x2a2: {  	v43 =	vld [tilespmem:s31+$0x30];
	[tilespmem:s7+$0x120] =	vst v6;
	v5 =	vmul.f32 v9, v5  }
0x2a3: {  	v6 =	vld [tilespmem:s18+$0x130]  }
0x2a4: {  	v41 =	vld [tilespmem:s10+$0x230];
	[tilespmem:s7+$0xFFFFFF20] =	vst v5  }
0x2a5: {  	v44 =	vmul.f32 v4, v3;
	v45 =	vld [tilespmem:s18+$0x30]  }
0x2a6: {  	v5 =	vld [tilespmem:s10+$0x30]  }
0x2a7: {  	[tilespmem:s0+$0x130] =	vst v44;
	v9 =	vmul.f32 v43, v42  }
0x2a8: {  	v47 =	vld [tilespmem:s1+$0x140]  }
0x2a9: {  	v48 =	vld [tilespmem:s31+$0x240];
	[tilespmem:s0+$0x30] =	vst v9;
	v46 =	vmul.f32 v41, v6  }
0x2aa: {  	v9 =	vld [tilespmem:s31+$0xFFFFFF30]  }
0x2ab: {  	[tilespmem:s7+$0x230] =	vst v46;
	v5 =	vmul.f32 v5, v45  }
0x2ac: {  	v3 =	vld [tilespmem:s10+$0x130]  }
0x2ad: {  	[tilespmem:s7+$0x30] =	vst v5  }
0x2ae: {  	v49 =	vmul.f32 v48, v47;
	v50 =	vld [tilespmem:s10+$0xFFFFFF30]  }
0x2af: {  	v51 =	vmul.f32 v9, v42  }
0x2b0: {  	[tilespmem:s0+$0x240] =	vst v49  }
0x2b1: {  	v5 =	vld [tilespmem:s31+$0x140];
	[tilespmem:s0+$0xFFFFFF30] =	vst v51;
	v3 =	vmul.f32 v3, v6  }
0x2b2: {  	v53 =	vld [tilespmem:s1+$0x40]  }
0x2b3: {  	v54 =	vld [tilespmem:s31+$0x40];
	[tilespmem:s7+$0x130] =	vst v3;
	v4 =	vmul.f32 v50, v45  }
0x2b4: {  	v3 =	vld [tilespmem:s18+$0x140]  }
0x2b5: {  	v52 =	vld [tilespmem:s10+$0x240];
	[tilespmem:s7+$0xFFFFFF30] =	vst v4  }
0x2b6: {  	v55 =	vmul.f32 v5, v47;
	v56 =	vld [tilespmem:s18+$0x40]  }
0x2b7: {  	v57 =	vld [tilespmem:s10+$0x40]  }
0x2b8: {  	v9 =	vmul.f32 v54, v53;
	[tilespmem:s0+$0x140] =	vst v55  }
0x2b9: {  	v59 =	vld [tilespmem:s1+$0x150]  }
0x2ba: {  	v60 =	vld [tilespmem:s31+$0x250];
	[tilespmem:s0+$0x40] =	vst v9;
	v58 =	vmul.f32 v52, v3  }
0x2bb: {  	v9 =	vld [tilespmem:s31+$0xFFFFFF40]  }
0x2bc: {  	[tilespmem:s7+$0x240] =	vst v58;
	v7 =	vmul.f32 v57, v56  }
0x2bd: {  	v4 =	vld [tilespmem:s10+$0x140]  }
0x2be: {  	[tilespmem:s7+$0x40] =	vst v7  }
0x2bf: {  	v61 =	vmul.f32 v60, v59;
	v62 =	vld [tilespmem:s10+$0xFFFFFF40]  }
0x2c0: {  	v11 =	vmul.f32 v9, v53  }
0x2c1: {  	[tilespmem:s0+$0x250] =	vst v61  }
0x2c2: {  	v63 =	vld [tilespmem:s31+$0x150];
	[tilespmem:s0+$0xFFFFFF40] =	vst v11;
	v3 =	vmul.f32 v4, v3  }
0x2c3: {  	v13 =	vld [tilespmem:s1+$0x50]  }
0x2c4: {  	v14 =	vld [tilespmem:s31+$0x50];
	[tilespmem:s7+$0x140] =	vst v3;
	v5 =	vmul.f32 v62, v56  }
0x2c5: {  	v3 =	vld [tilespmem:s18+$0x150]  }
0x2c6: {  	v12 =	vld [tilespmem:s10+$0x250];
	[tilespmem:s7+$0xFFFFFF40] =	vst v5  }
0x2c7: {  	v4 =	vmul.f32 v63, v59;
	v5 =	vld [tilespmem:s18+$0x50]  }
0x2c8: {  	v15 =	vld [tilespmem:s10+$0x50]  }
0x2c9: {  	v9 =	vmul.f32 v14, v13;
	[tilespmem:s0+$0x150] =	vst v4  }
0x2ca: {  	v17 =	vld [tilespmem:s1+$0x160]  }
0x2cb: {  	v18 =	vld [tilespmem:s31+$0x260];
	[tilespmem:s0+$0x50] =	vst v9;
	v16 =	vmul.f32 v12, v3  }
0x2cc: {  	v9 =	vld [tilespmem:s31+$0xFFFFFF50]  }
0x2cd: {  	[tilespmem:s7+$0x250] =	vst v16;
	v6 =	vmul.f32 v15, v5  }
0x2ce: {  	v4 =	vld [tilespmem:s10+$0x150]  }
0x2cf: {  	[tilespmem:s7+$0x50] =	vst v6  }
0x2d0: {  	[tilespmem:s28+$0xFFFFFF50] =	vst v2;
	v19 =	vmul.f32 v18, v17;
	v6 =	vld [tilespmem:s10+$0xFFFFFF50]  }
0x2d1: {  	v20 =	vld [tilespmem:s30+$0x60];
	v8 =	vmul.f32 v9, v13  }
0x2d2: {  	v21 =	vld [tilespmem:s29+$0x60];
	[tilespmem:s0+$0x260] =	vst v19  }
0x2d3: {  	v2 =	vld [tilespmem:s31+$0x160];
	[tilespmem:s0+$0xFFFFFF50] =	vst v8;
	v3 =	vmul.f32 v4, v3  }
0x2d4: {  	v23 =	vld [tilespmem:s1+$0x60]  }
0x2d5: {  	v24 =	vld [tilespmem:s31+$0x60];
	[tilespmem:s7+$0x150] =	vst v3;
	v5 =	vmul.f32 v6, v5  }
0x2d6: {  	v3 =	vld [tilespmem:s18+$0x160]  }
0x2d7: {  	v22 =	vld [tilespmem:s10+$0x260];
	[tilespmem:s7+$0xFFFFFF50] =	vst v5  }
0x2d8: {  	v4 =	vmul.f32 v21, v20;
	v5 =	vld [tilespmem:s18+$0x60]  }
0x2d9: {  	v11 =	vld [tilespmem:s10+$0x60]  }
0x2da: {  	[tilespmem:s28+$0x60] =	vst v4;
	v9 =	vmul.f32 v24, v23  }
0x2db: {  	v26 =	vld [tilespmem:s29+$0xFFFFFF60]  }
0x2dc: {  	[tilespmem:s0+$0x60] =	vst v9;
	v25 =	vmul.f32 v22, v3  }
0x2dd: {  	v2 =	vmul.f32 v2, v17;
	v28 =	vld [tilespmem:s31+$0xFFFFFF60]  }
0x2de: {  	[tilespmem:s7+$0x260] =	vst v25;
	v27 =	vmul.f32 v11, v5  }
0x2df: {  	[tilespmem:s0+$0x160] =	vst v2;
	v4 =	vld [tilespmem:s10+$0x160]  }
0x2e0: {  	v29 =	vld [tilespmem:s1+$0x170];
	v8 =	vmul.f32 v26, v20;
	[tilespmem:s7+$0x60] =	vst v27  }
0x2e1: {  	v7 =	vld [tilespmem:s10+$0xFFFFFF60]  }
0x2e2: {  	v30 =	vld [tilespmem:s31+$0x270];
	[tilespmem:s28+$0xFFFFFF60] =	vst v8;
	v2 =	vmul.f32 v28, v23  }
0x2e3: {  	v31 =	vld [tilespmem:s30+$0x70]  }
0x2e4: {  	v8 =	vld [tilespmem:s29+$0x70];
	[tilespmem:s0+$0xFFFFFF60] =	vst v2;
	v3 =	vmul.f32 v4, v3  }
0x2e5: {  	v34 =	vld [tilespmem:s1+$0x70]  }
0x2e6: {  	v35 =	vld [tilespmem:s31+$0x70];
	[tilespmem:s7+$0x160] =	vst v3;
	v33 =	vmul.f32 v7, v5  }
0x2e7: {  	v3 =	vld [tilespmem:s18+$0x170]  }
0x2e8: {  	v32 =	vld [tilespmem:s10+$0x270];
	[tilespmem:s7+$0xFFFFFF60] =	vst v33  }
0x2e9: {  	v2 =	vld [tilespmem:s18+$0x70]  }
0x2ea: {  	v1 =	vmul.f32 v1, v0;
	v36 =	vld [tilespmem:s10+$0x70]  }
0x2eb: {  	v10 =	vmul.f32 v30, v29  }
0x2ec: {  	[tilespmem:s25+$0x70] =	vst v1;
	v8 =	vmul.f32 v8, v31  }
0x2ed: {  	v38 =	vld [tilespmem:s26+$0xFFFFFF70];
	[tilespmem:s0+$0x270] =	vst v10;
	v39 =	vmul.f32 v35, v34  }
0x2ee: {  	v37 =	vld [tilespmem:s31+$0x170];
	[tilespmem:s28+$0x70] =	vst v8;
	v6 =	vmul.f32 v32, v3  }
0x2ef: {  	v42 =	vld [tilespmem:s29+$0xFFFFFF70];
	[tilespmem:s0+$0x70] =	vst v39;
	v41 =	vmul.f32 v36, v2  }
0x2f0: {  	[tilespmem:s7+$0x270] =	vst v6;
	v6 =	vld [tilespmem:s31+$0xFFFFFF70]  }
0x2f1: {  	v40 =	vld [tilespmem:s10+$0x170];
	[tilespmem:s7+$0x70] =	vst v41  }
0x2f2: {  	v43 =	vmul.f32 v38, v0;
	v8 =	vld [tilespmem:s10+$0xFFFFFF70]  }
0x2f3: {  	v1 =	vmul.f32 v37, v29  }
0x2f4: {  	[tilespmem:s25+$0xFFFFFF70] =	vst v43;
	v45 =	vmul.f32 v42, v31  }
0x2f5: {  	[tilespmem:s0+$0x170] =	vst v1;
	v46 =	vmul.f32 v6, v34  }
0x2f6: {  	[tilespmem:s28+$0xFFFFFF70] =	vst v45;
	v44 =	vmul.f32 v40, v3  }
0x2f7: {  	[tilespmem:s0+$0xFFFFFF70] =	vst v46;
	v47 =	vmul.f32 v8, v2  }
0x2f8: {  	[tilespmem:s7+$0x170] =	vst v44  }
0x2f9: {  	[tilespmem:s7+$0xFFFFFF70] =	vst v47  }
0x2fa: {  	v0 =	vld [tilespmem:$0x9F00]  }
0x2fb: {  	v1 =	vld [tilespmem:$0x3E00]  }
0x2fc: {  	v48 =	vld [tilespmem:$0x3D00]  }
0x2fd: {  	v49 =	vld [tilespmem:$0x9F10]  }
0x2fe: {  	v50 =	vld [tilespmem:$0x3E10]  }
0x2ff: {  	v51 =	vld [tilespmem:$0x3D10]  }
0x300: {  	v52 =	vld [tilespmem:$0x9F20]  }
0x301: {  	v53 =	vld [tilespmem:$0x3E20]  }
0x302: {  	v54 =	vld [tilespmem:$0x3D20]  }
0x303: {  	v55 =	vld [tilespmem:$0x9F30]  }
0x304: {  	v56 =	vld [tilespmem:$0x3E30]  }
0x305: {  	v57 =	vld [tilespmem:$0x3D30]  }
0x306: {  	v12 =	vld [tilespmem:$0x9F40]  }
0x307: {  	v13 =	vld [tilespmem:$0x3E40]  }
0x308: {  	v14 =	vld [tilespmem:$0x3D40]  }
0x309: {  	v15 =	vld [tilespmem:$0x9F50]  }
0x30a: {  	v16 =	vld [tilespmem:$0x3E50]  }
0x30b: {  	v17 =	vld [tilespmem:$0x3D50]  }
0x30c: {  	v18 =	vld [tilespmem:$0x9F60]  }
0x30d: {  	v19 =	vld [tilespmem:$0x3E60]  }
0x30e: {  	v20 =	vld [tilespmem:$0x3D60]  }
0x30f: {  	v21 =	vld [tilespmem:$0x9F70]  }
0x310: {  	v22 =	vld [tilespmem:$0x3E70]  }
0x311: {  	v23 =	vld [tilespmem:$0x3D70]  }
0x312: {  	v24 =	vld [tilespmem:$0x9F80]  }
0x313: {  	v25 =	vld [tilespmem:$0x3E80]  }
0x314: {  	v26 =	vld [tilespmem:$0x3D80]  }
0x315: {  	v27 =	vld [tilespmem:$0x9F90]  }
0x316: {  	v28 =	vld [tilespmem:$0x3E90]  }
0x317: {  	v29 =	vld [tilespmem:$0x3D90]  }
0x318: {  	v30 =	vld [tilespmem:$0x9FA0]  }
0x319: {  	v31 =	vld [tilespmem:$0x3EA0]  }
0x31a: {  	v32 =	vld [tilespmem:$0x3DA0]  }
0x31b: {  	v33 =	vld [tilespmem:$0x9FB0]  }
0x31c: {  	v34 =	vld [tilespmem:$0x3EB0]  }
0x31d: {  	v35 =	vld [tilespmem:$0x3DB0]  }
0x31e: {  	v36 =	vld [tilespmem:$0x9FC0]  }
0x31f: {  	v37 =	vld [tilespmem:$0x3EC0];
	v1 =	vmul.f32 v1, v0  }
0x320: {  	v2 =	vld [tilespmem:$0x3DC0];
	v0 =	vmul.f32 v48, v0  }
0x321: {  	v4 =	vld [tilespmem:$0x9FD0];
	v58 =	vmul.f32 v50, v49;
	[tilespmem:$0x10000] =	vst v1  }
0x322: {  	v3 =	vld [tilespmem:$0x3ED0];
	v59 =	vmul.f32 v51, v49;
	[tilespmem:$0xFF00] =	vst v0  }
0x323: {  	v5 =	vld [tilespmem:$0x3DD0];
	v60 =	vmul.f32 v53, v52;
	[tilespmem:$0x10010] =	vst v58  }
0x324: {  	v6 =	vld [tilespmem:$0x9FE0];
	v61 =	vmul.f32 v54, v52;
	[tilespmem:$0xFF10] =	vst v59  }
0x325: {  	v7 =	vld [tilespmem:$0x3EE0];
	v62 =	vmul.f32 v56, v55;
	[tilespmem:$0x10020] =	vst v60  }
0x326: {  	v8 =	vld [tilespmem:$0x3DE0];
	v63 =	vmul.f32 v57, v55;
	[tilespmem:$0xFF20] =	vst v61  }
0x327: {  	v9 =	vld [tilespmem:$0x9FF0];
	v13 =	vmul.f32 v13, v12;
	[tilespmem:$0x10030] =	vst v62  }
0x328: {  	v10 =	vld [tilespmem:$0x3EF0];
	v14 =	vmul.f32 v14, v12;
	[tilespmem:$0xFF30] =	vst v63  }
0x329: {  	v11 =	vld [tilespmem:$0x3DF0];
	v16 =	vmul.f32 v16, v15;
	[tilespmem:$0x10040] =	vst v13  }
0x32a: {  	v40 =	vld [tilespmem:$0x3F10];
	v17 =	vmul.f32 v17, v15;
	[tilespmem:$0xFF40] =	vst v14  }
0x32b: {  	v42 =	vld [tilespmem:$0xA020];
	v19 =	vmul.f32 v19, v18;
	[tilespmem:$0x10050] =	vst v16  }
0x32c: {  	v44 =	vld [tilespmem:$0x3F20];
	v38 =	vmul.f32 v20, v18;
	[tilespmem:$0xFF50] =	vst v17  }
0x32d: {  	v46 =	vld [tilespmem:$0xA030];
	v39 =	vmul.f32 v22, v21;
	[tilespmem:$0x10060] =	vst v19  }
0x32e: {  	v12 =	vld [tilespmem:$0xA000];
	v41 =	vmul.f32 v23, v21;
	[tilespmem:$0xFF60] =	vst v38  }
0x32f: {  	v43 =	vmul.f32 v25, v24;
	v48 =	vld [tilespmem:$0x3F30];
	[tilespmem:$0x10070] =	vst v39  }
0x330: {  	v45 =	vmul.f32 v26, v24;
	v50 =	vld [tilespmem:$0xA040];
	[tilespmem:$0xFF70] =	vst v41  }
0x331: {  	v47 =	vmul.f32 v28, v27;
	v52 =	vld [tilespmem:$0x3F40];
	[tilespmem:$0x10080] =	vst v43  }
0x332: {  	v49 =	vmul.f32 v29, v27;
	v54 =	vld [tilespmem:$0xA050];
	[tilespmem:$0xFF80] =	vst v45  }
0x333: {  	v51 =	vmul.f32 v31, v30;
	v56 =	vld [tilespmem:$0x3F50];
	[tilespmem:$0x10090] =	vst v47  }
0x334: {  	v53 =	vmul.f32 v32, v30;
	v26 =	vld [tilespmem:$0x3F70];
	[tilespmem:$0xFF90] =	vst v49  }
0x335: {  	v55 =	vmul.f32 v34, v33;
	v28 =	vld [tilespmem:$0xA080];
	[tilespmem:$0x100A0] =	vst v51  }
0x336: {  	v57 =	vmul.f32 v35, v33;
	v30 =	vld [tilespmem:$0x3F80];
	[tilespmem:$0xFFA0] =	vst v53  }
0x337: {  	v27 =	vmul.f32 v5, v4;
	v32 =	vld [tilespmem:$0xA090];
	[tilespmem:$0x100B0] =	vst v55  }
0x338: {  	v29 =	vmul.f32 v7, v6;
	v34 =	vld [tilespmem:$0x3F90];
	[tilespmem:$0xFFB0] =	vst v57  }
0x339: {  	v31 =	vmul.f32 v8, v6;
	v13 =	vld [tilespmem:$0x3F00];
	[tilespmem:$0xFFD0] =	vst v27  }
0x33a: {  	v33 =	vmul.f32 v10, v9;
	v14 =	vld [tilespmem:$0xA010];
	[tilespmem:$0x100E0] =	vst v29  }
0x33b: {  	v35 =	vmul.f32 v11, v9;
	v58 =	vld [tilespmem:$0xA060];
	[tilespmem:$0xFFE0] =	vst v31  }
0x33c: {  	v59 =	vmul.f32 v37, v36;
	v60 =	vld [tilespmem:$0x3F60];
	[tilespmem:$0x100F0] =	vst v33  }
0x33d: {  	v61 =	vmul.f32 v2, v36;
	v62 =	vld [tilespmem:$0xA070];
	[tilespmem:$0xFFF0] =	vst v35  }
0x33e: {  	v63 =	vmul.f32 v3, v4;
	v36 =	vld [tilespmem:$0xA0A0];
	[tilespmem:$0x100C0] =	vst v59  }
0x33f: {  	v38 =	vld [tilespmem:$0x3FA0];
	v41 =	vmul.f32 v44, v42;
	[tilespmem:$0xFFC0] =	vst v61  }
0x340: {  	v42 =	vld [tilespmem:$0x3FB0];
	[tilespmem:$0x100D0] =	vst v63;
	v43 =	vmul.f32 v48, v46  }
0x341: {  	v44 =	vld [tilespmem:$0xA0C0];
	[tilespmem:$0x10120] =	vst v41;
	v45 =	vmul.f32 v52, v50  }
0x342: {  	v46 =	vld [tilespmem:$0x3FC0];
	v47 =	vmul.f32 v56, v54;
	[tilespmem:$0x10130] =	vst v43  }
0x343: {  	v48 =	vld [tilespmem:$0xA0D0];
	v53 =	vmul.f32 v30, v28;
	[tilespmem:$0x10140] =	vst v45  }
0x344: {  	v50 =	vld [tilespmem:$0x3FD0];
	v55 =	vmul.f32 v34, v32;
	[tilespmem:$0x10150] =	vst v47  }
0x345: {  	v52 =	vld [tilespmem:$0xA0E0];
	v37 =	vmul.f32 v13, v12;
	[tilespmem:$0x10180] =	vst v53  }
0x346: {  	v54 =	vld [tilespmem:$0x3FE0];
	v39 =	vmul.f32 v40, v14;
	[tilespmem:$0x10190] =	vst v55  }
0x347: {  	v56 =	vld [tilespmem:$0xA0F0];
	v49 =	vmul.f32 v60, v58;
	[tilespmem:$0x10100] =	vst v37  }
0x348: {  	v40 =	vld [tilespmem:$0xA0B0];
	v51 =	vmul.f32 v26, v62;
	[tilespmem:$0x10110] =	vst v39  }
0x349: {  	v57 =	vmul.f32 v38, v36;
	v58 =	vld [tilespmem:$0x3FF0];
	[tilespmem:$0x10160] =	vst v49  }
0x34a: {  	[tilespmem:$0x10170] =	vst v51;
	v60 =	vmul.f32 v46, v44  }
0x34b: {  	[tilespmem:$0x101A0] =	vst v57;
	v61 =	vmul.f32 v50, v48  }
0x34c: {  	p2 =	sne.s32 s24, $0x1F;
	s26 =	smul.u32 $0xFFE00, s24;
	v62 =	vmul.f32 v54, v52;
	[tilespmem:$0x101C0] =	vst v60  }
.Ltmp5:
0x34d: {  	v59 =	vmul.f32 v42, v40;
	[tilespmem:$0x101D0] =	vst v61;
	(pc) =	sbr.rel @p2 .LBB2_6-.Ltmp5, $4  }
0x34e: {  	s31 =	sadd.s32 s11, s26;
	v63 =	vmul.f32 v58, v56;
	[tilespmem:$0x101E0] =	vst v62  }
0x34f: {  	s0 =	sshrl.u32 s31, $0x3;
	[tilespmem:$0x101B0] =	vst v59  }
0x350: {  	s25 =	sadd.s32 $0x1, s24;
	s0 =	sadd.s32 s2, s0;
	[tilespmem:$0x101F0] =	vst v63  }
0x351: {  	[hbm4b:s0+s3] =	stream.linear.scatter [tilespmem:s20], [sflag:$0x3], $0x4000, $0x38;
	[tilespmem:$0x14200] =	vst v63  }
.Ltmp6:
0x352: {  	(pc) =	sbr.rel .LBB2_7-.Ltmp6, $4  }
0x353: {  	_ = 	snop  }
0x354: {  	_ =	swait.ge [sflag:s21], $0x2100  }
0x355: {  	[sflag:s21] =	ssyncset.done $0x0  }
0x356: {  	[sflag:s21] =	ssyncadd.s32 $0xFFFFDF00  }
.LBB2_6:
0x357: {  	s0 =	sshll.u32 s25, $0x10  }
.Ltmp7:
0x358: {  	s0 =	sadd.s32 s0, s6;
	(pc) =	sbr.rel @p1 .LBB2_8-.Ltmp7, $4  }
0x359: {  	[tilespmem:s17], [sflag:$0x1] =	stream.linear.gather [hbm4b:s0+s3], $0x2100, $0x38;
	[tilespmem:$0x14200] =	vst v63  }
0x35a: {  	_ =	swait.ge [sflag:s21], $0x2100  }
0x35b: {  	[sflag:s21] =	ssyncset.done $0x0  }
0x35c: {  	[sflag:s21] =	ssyncadd.s32 $0xFFFFDF00  }
.LBB2_7:
0x35d: {  	s0 =	simm.s32 @p0 $0x4  }
0x35e: {  	_ =	swait.ge @p0 [sflag:s0], $0x3E00  }
0x35f: {  	[sflag:s0] =	ssyncset.done @p0 $0x0  }
0x360: {  	[sflag:s0] =	ssyncadd.s32 @p0 $0xFFFFC200;
	s0 =	simm.s32 @!p0 $0x4  }
0x361: {  	_ =	swait.ge @!p0 [sflag:s0], $0x4000  }
0x362: {  	[sflag:s0] =	ssyncset.done @!p0 $0x0  }
0x363: {  	[sflag:s0] =	ssyncadd.s32 @!p0 $0xFFFFC000  }
.LBB2_8:
0x364: {  	v0 =	vld [tilespmem:s9+$0xA100]  }
0x365: {  	v1 =	vld [tilespmem:$0x4000];
	_ =	sdelay $0x4  }
0x366: {  	v0 =	vmul.f32 v1, v0;
	_ =	sdelay $0x1  }
0x367: {  	v1 =	vld [tilespmem:$0x4010];
	[tilespmem:$0x10200] =	vst v0  }
0x368: {  	v0 =	vld [tilespmem:s9+$0xA110];
	_ =	sdelay $0x4  }
0x369: {  	v0 =	vmul.f32 v1, v0;
	_ =	sdelay $0x1  }
0x36a: {  	v1 =	vld [tilespmem:$0x4020];
	[tilespmem:$0x10210] =	vst v0  }
0x36b: {  	v0 =	vld [tilespmem:s9+$0xA120];
	_ =	sdelay $0x4  }
0x36c: {  	v0 =	vmul.f32 v1, v0;
	_ =	sdelay $0x1  }
0x36d: {  	v1 =	vld [tilespmem:$0x4030];
	[tilespmem:$0x10220] =	vst v0  }
0x36e: {  	v0 =	vld [tilespmem:s9+$0xA130];
	_ =	sdelay $0x4  }
0x36f: {  	v0 =	vmul.f32 v1, v0;
	_ =	sdelay $0x1  }
0x370: {  	v1 =	vld [tilespmem:$0x4040];
	[tilespmem:$0x10230] =	vst v0  }
0x371: {  	v0 =	vld [tilespmem:s9+$0xA140];
	_ =	sdelay $0x4  }
0x372: {  	v0 =	vmul.f32 v1, v0;
	_ =	sdelay $0x1  }
0x373: {  	v1 =	vld [tilespmem:$0x4050];
	[tilespmem:$0x10240] =	vst v0  }
0x374: {  	v0 =	vld [tilespmem:s9+$0xA150];
	_ =	sdelay $0x4  }
0x375: {  	v0 =	vmul.f32 v1, v0;
	_ =	sdelay $0x1  }
0x376: {  	v1 =	vld [tilespmem:$0x4060];
	[tilespmem:$0x10250] =	vst v0  }
0x377: {  	v0 =	vld [tilespmem:s9+$0xA160];
	_ =	sdelay $0x4  }
0x378: {  	v0 =	vmul.f32 v1, v0;
	_ =	sdelay $0x1  }
0x379: {  	v1 =	vld [tilespmem:$0x4070];
	[tilespmem:$0x10260] =	vst v0  }
0x37a: {  	v0 =	vld [tilespmem:s9+$0xA170];
	_ =	sdelay $0x4  }
0x37b: {  	v0 =	vmul.f32 v1, v0;
	_ =	sdelay $0x1  }
0x37c: {  	v1 =	vld [tilespmem:$0x4080];
	[tilespmem:$0x10270] =	vst v0  }
0x37d: {  	v0 =	vld [tilespmem:s9+$0xA180];
	_ =	sdelay $0x4  }
0x37e: {  	v0 =	vmul.f32 v1, v0;
	_ =	sdelay $0x1  }
0x37f: {  	v1 =	vld [tilespmem:$0x4090];
	[tilespmem:$0x10280] =	vst v0  }
0x380: {  	v0 =	vld [tilespmem:s9+$0xA190];
	_ =	sdelay $0x4  }
0x381: {  	v0 =	vmul.f32 v1, v0;
	_ =	sdelay $0x1  }
0x382: {  	v1 =	vld [tilespmem:$0x40A0];
	[tilespmem:$0x10290] =	vst v0  }
0x383: {  	v0 =	vld [tilespmem:s9+$0xA1A0];
	_ =	sdelay $0x4  }
0x384: {  	v0 =	vmul.f32 v1, v0;
	_ =	sdelay $0x1  }
0x385: {  	v1 =	vld [tilespmem:$0x40B0];
	[tilespmem:$0x102A0] =	vst v0  }
0x386: {  	v0 =	vld [tilespmem:s9+$0xA1B0];
	_ =	sdelay $0x4  }
0x387: {  	v0 =	vmul.f32 v1, v0;
	_ =	sdelay $0x1  }
0x388: {  	v1 =	vld [tilespmem:$0x40C0];
	[tilespmem:$0x102B0] =	vst v0  }
0x389: {  	v0 =	vld [tilespmem:s9+$0xA1C0];
	_ =	sdelay $0x4  }
0x38a: {  	v0 =	vmul.f32 v1, v0;
	_ =	sdelay $0x1  }
0x38b: {  	v1 =	vld [tilespmem:$0x40D0];
	[tilespmem:$0x102C0] =	vst v0  }
0x38c: {  	v0 =	vld [tilespmem:s9+$0xA1D0];
	_ =	sdelay $0x4  }
0x38d: {  	v0 =	vmul.f32 v1, v0;
	_ =	sdelay $0x1  }
0x38e: {  	v1 =	vld [tilespmem:$0x40E0];
	[tilespmem:$0x102D0] =	vst v0  }
0x38f: {  	v0 =	vld [tilespmem:s9+$0xA1E0];
	_ =	sdelay $0x4  }
0x390: {  	v0 =	vmul.f32 v1, v0;
	_ =	sdelay $0x1  }
0x391: {  	v1 =	vld [tilespmem:$0x40F0];
	[tilespmem:$0x102E0] =	vst v0  }
0x392: {  	v0 =	vld [tilespmem:s9+$0xA1F0];
	_ =	sdelay $0x4  }
0x393: {  	v0 =	vmul.f32 v1, v0;
	_ =	sdelay $0x1  }
0x394: {  	[tilespmem:$0x102F0] =	vst v0  }
0x395: {  	s28 =	simm.s32 $0x0;
	v0 =	vld [tilespmem:s16+$0x0]  }
0x396: {  	v1 =	vld [tilespmem:s28+$0x4400]  }
0x397: {  	v2 =	vld [tilespmem:s28+$0x4300];
	_ =	sdelay $0x3  }
0x398: {  	v3 =	vld [tilespmem:s28+$0x4200];
	v1 =	vmul.f32 v1, v0  }
0x399: {  	v0 =	vmul.f32 v2, v0;
	v2 =	vld [tilespmem:s16+$0xFFFFFF00]  }
0x39a: {  	[tilespmem:s28+$0x10600] =	vst v1;
	v1 =	vld [tilespmem:s28+$0x4100]  }
0x39b: {  	[tilespmem:s28+$0x10500] =	vst v0;
	v0 =	vld [tilespmem:s28+$0x4410]  }
0x39c: {  	v4 =	vld [tilespmem:s16+$0x10]  }
0x39d: {  	v5 =	vld [tilespmem:s28+$0x4310]  }
0x39e: {  	v3 =	vmul.f32 v3, v2  }
0x39f: {  	v1 =	vmul.f32 v1, v2  }
0x3a0: {  	[tilespmem:s28+$0x10400] =	vst v3  }
0x3a1: {  	v2 =	vld [tilespmem:s28+$0x4210];
	v0 =	vmul.f32 v0, v4;
	[tilespmem:s28+$0x10300] =	vst v1  }
0x3a2: {  	v1 =	vmul.f32 v5, v4;
	v3 =	vld [tilespmem:s16+$0xFFFFFF10]  }
0x3a3: {  	[tilespmem:s28+$0x10610] =	vst v0;
	v0 =	vld [tilespmem:s28+$0x4110]  }
0x3a4: {  	[tilespmem:s28+$0x10510] =	vst v1;
	v1 =	vld [tilespmem:s28+$0x4420]  }
0x3a5: {  	v4 =	vld [tilespmem:s16+$0x20]  }
0x3a6: {  	v5 =	vld [tilespmem:s28+$0x4320]  }
0x3a7: {  	v2 =	vmul.f32 v2, v3  }
0x3a8: {  	v0 =	vmul.f32 v0, v3  }
0x3a9: {  	[tilespmem:s28+$0x10410] =	vst v2  }
0x3aa: {  	v2 =	vld [tilespmem:s28+$0x4220];
	v1 =	vmul.f32 v1, v4;
	[tilespmem:s28+$0x10310] =	vst v0  }
0x3ab: {  	v0 =	vmul.f32 v5, v4;
	v3 =	vld [tilespmem:s16+$0xFFFFFF20]  }
0x3ac: {  	[tilespmem:s28+$0x10620] =	vst v1;
	v1 =	vld [tilespmem:s28+$0x4120]  }
0x3ad: {  	[tilespmem:s28+$0x10520] =	vst v0;
	v0 =	vld [tilespmem:s28+$0x4430]  }
0x3ae: {  	v4 =	vld [tilespmem:s16+$0x30]  }
0x3af: {  	v5 =	vld [tilespmem:s28+$0x4330]  }
0x3b0: {  	v2 =	vmul.f32 v2, v3  }
0x3b1: {  	v1 =	vmul.f32 v1, v3  }
0x3b2: {  	[tilespmem:s28+$0x10420] =	vst v2  }
0x3b3: {  	v2 =	vld [tilespmem:s28+$0x4230];
	v0 =	vmul.f32 v0, v4;
	[tilespmem:s28+$0x10320] =	vst v1  }
0x3b4: {  	v1 =	vmul.f32 v5, v4;
	v3 =	vld [tilespmem:s16+$0xFFFFFF30]  }
0x3b5: {  	[tilespmem:s28+$0x10630] =	vst v0;
	v0 =	vld [tilespmem:s28+$0x4130]  }
0x3b6: {  	[tilespmem:s28+$0x10530] =	vst v1;
	v1 =	vld [tilespmem:s28+$0x4440]  }
0x3b7: {  	v4 =	vld [tilespmem:s16+$0x40]  }
0x3b8: {  	v5 =	vld [tilespmem:s28+$0x4340];
	_ =	sdelay $0x1  }
0x3b9: {  	v2 =	vmul.f32 v2, v3  }
0x3ba: {  	v0 =	vmul.f32 v0, v3  }
0x3bb: {  	v6 =	vld [tilespmem:s28+$0x4240];
	[tilespmem:s28+$0x10430] =	vst v2;
	v1 =	vmul.f32 v1, v4  }
0x3bc: {  	v2 =	vld [tilespmem:s28+$0x4140];
	[tilespmem:s28+$0x10330] =	vst v0;
	v0 =	vmul.f32 v5, v4  }
0x3bd: {  	[tilespmem:s28+$0x10640] =	vst v1;
	v1 =	vld [tilespmem:s16+$0xFFFFFF40]  }
0x3be: {  	[tilespmem:s28+$0x10540] =	vst v0;
	v0 =	vld [tilespmem:s28+$0x4450]  }
0x3bf: {  	v4 =	vld [tilespmem:s16+$0x50]  }
0x3c0: {  	v5 =	vld [tilespmem:s28+$0x4350];
	_ =	sdelay $0x1  }
0x3c1: {  	v6 =	vmul.f32 v6, v1  }
0x3c2: {  	v1 =	vmul.f32 v2, v1  }
0x3c3: {  	v7 =	vld [tilespmem:s28+$0x4150];
	v0 =	vmul.f32 v0, v4;
	[tilespmem:s28+$0x10440] =	vst v6  }
0x3c4: {  	v3 =	vld [tilespmem:s28+$0x4250];
	[tilespmem:s28+$0x10340] =	vst v1;
	v1 =	vmul.f32 v5, v4  }
0x3c5: {  	[tilespmem:s28+$0x10650] =	vst v0;
	v0 =	vld [tilespmem:s16+$0xFFFFFF50]  }
0x3c6: {  	[tilespmem:s28+$0x10550] =	vst v1;
	v1 =	vld [tilespmem:s28+$0x4460]  }
0x3c7: {  	v4 =	vld [tilespmem:s16+$0x60];
	_ =	sdelay $0x1  }
0x3c8: {  	v8 =	vld [tilespmem:s28+$0x4260]  }
0x3c9: {  	v6 =	vld [tilespmem:s28+$0x4360];
	v3 =	vmul.f32 v3, v0  }
0x3ca: {  	v9 =	vld [tilespmem:s28+$0x4160];
	v0 =	vmul.f32 v7, v0  }
0x3cb: {  	v13 =	vld [tilespmem:s28+$0x4280];
	[tilespmem:s28+$0x10450] =	vst v3;
	v1 =	vmul.f32 v1, v4  }
0x3cc: {  	v14 =	vld [tilespmem:s28+$0x4180];
	[tilespmem:s28+$0x10350] =	vst v0  }
0x3cd: {  	[tilespmem:s28+$0x10660] =	vst v1;
	v1 =	vld [tilespmem:s16+$0xFFFFFF60]  }
0x3ce: {  	v15 =	vld [tilespmem:s28+$0x4290];
	v0 =	vmul.f32 v6, v4  }
0x3cf: {  	v6 =	vld [tilespmem:s28+$0x4370]  }
0x3d0: {  	[tilespmem:s28+$0x10560] =	vst v0;
	v0 =	vld [tilespmem:s28+$0x4470]  }
0x3d1: {  	v3 =	vld [tilespmem:s16+$0x70]  }
0x3d2: {  	v16 =	vld [tilespmem:s28+$0x4190];
	v8 =	vmul.f32 v8, v1  }
0x3d3: {  	v10 =	vld [tilespmem:s28+$0x42A0];
	v1 =	vmul.f32 v9, v1  }
0x3d4: {  	v17 =	vld [tilespmem:s28+$0x4380];
	[tilespmem:s28+$0x10460] =	vst v8  }
0x3d5: {  	v2 =	vld [tilespmem:s28+$0x4270];
	[tilespmem:s28+$0x10360] =	vst v1  }
0x3d6: {  	v0 =	vmul.f32 v0, v3;
	v1 =	vmul.f32 v6, v3;
	v3 =	vld [tilespmem:s16+$0xFFFFFF70]  }
0x3d7: {  	v5 =	vld [tilespmem:s28+$0x4170]  }
0x3d8: {  	v11 =	vld [tilespmem:s28+$0x42D0]  }
0x3d9: {  	v12 =	vld [tilespmem:s28+$0x41D0];
	[tilespmem:s28+$0x10670] =	vst v0  }
0x3da: {  	v0 =	vld [tilespmem:s28+$0x4480];
	[tilespmem:s28+$0x10570] =	vst v1  }
0x3db: {  	v1 =	vld [tilespmem:s16+$0x80];
	v2 =	vmul.f32 v2, v3  }
0x3dc: {  	v18 =	vld [tilespmem:s28+$0x4390];
	v3 =	vmul.f32 v5, v3  }
0x3dd: {  	v28 =	vld [tilespmem:s28+$0x44A0];
	[tilespmem:s28+$0x10470] =	vst v2  }
0x3de: {  	v29 =	vld [tilespmem:s28+$0x43A0];
	[tilespmem:s28+$0x10370] =	vst v3  }
0x3df: {  	v5 =	vld [tilespmem:s16+$0xFFFFFF80]  }
0x3e0: {  	v7 =	vld [tilespmem:s28+$0x42B0];
	v0 =	vmul.f32 v0, v1  }
0x3e1: {  	v4 =	vld [tilespmem:s28+$0x41A0];
	v1 =	vmul.f32 v17, v1  }
0x3e2: {  	v9 =	vld [tilespmem:s28+$0x41C0];
	[tilespmem:s28+$0x10680] =	vst v0  }
0x3e3: {  	[tilespmem:s28+$0x10580] =	vst v1;
	v1 =	vld [tilespmem:s28+$0x4490]  }
0x3e4: {  	v17 =	vld [tilespmem:s16+$0x90];
	v0 =	vmul.f32 v13, v5  }
0x3e5: {  	v8 =	vld [tilespmem:s28+$0x41B0];
	v5 =	vmul.f32 v14, v5  }
0x3e6: {  	v6 =	vld [tilespmem:s28+$0x42C0];
	[tilespmem:s28+$0x10480] =	vst v0  }
0x3e7: {  	v2 =	vld [tilespmem:s28+$0x42E0];
	[tilespmem:s28+$0x10380] =	vst v5  }
0x3e8: {  	p3 =	por $0x0, $0x0;
	v13 =	vld [tilespmem:s16+$0xFFFFFF90]  }
.Ltmp8:
0x3e9: {  	v3 =	vld [tilespmem:s28+$0x41E0];
	v1 =	vmul.f32 v1, v17;
	(pc) =	sbr.rel @p3 .LBB2_9-.Ltmp8, $4  }
0x3ea: {  	v0 =	vld [tilespmem:s28+$0x42F0];
	v5 =	vmul.f32 v18, v17  }
0x3eb: {  	[tilespmem:s28+$0x10690] =	vst v1;
	v1 =	vld [tilespmem:s28+$0x41F0]  }
0x3ec: {  	[tilespmem:s28+$0x10590] =	vst v5;
	v5 =	vld [tilespmem:s28+$0x44F0]  }
0x3ed: {  	s0 =	sadd.s32 $0x200, s16;
	p1 =	por $0x0, $0x0;
	p2 =	por $0x0, $0x0;
	v27 =	vld [tilespmem:s16+$0xA0];
	v20 =	vmul.f32 v15, v13;
	v19 =	vmul.f32 v16, v13  }
0x3ee: {  	s1 =	simm.s32 $0x400;
	v13 =	vld [tilespmem:s0+$0x0]  }
0x3ef: {  	v14 =	vld [tilespmem:s1+$0x4400]  }
0x3f0: {  	v15 =	vld [tilespmem:s1+$0x4300];
	_ =	sdelay $0x2  }
0x3f1: {  	v21 =	vld [tilespmem:s28+$0x44B0]  }
0x3f2: {  	v16 =	vld [tilespmem:s1+$0x4200];
	v14 =	vmul.f32 v14, v13  }
0x3f3: {  	v13 =	vmul.f32 v15, v13;
	v15 =	vld [tilespmem:s0+$0xFFFFFF00]  }
0x3f4: {  	[tilespmem:s1+$0x10600] =	vst v14;
	v14 =	vld [tilespmem:s1+$0x4100]  }
0x3f5: {  	[tilespmem:s1+$0x10500] =	vst v13;
	v13 =	vld [tilespmem:s1+$0x4410]  }
0x3f6: {  	v17 =	vld [tilespmem:s0+$0x10]  }
0x3f7: {  	v18 =	vld [tilespmem:s1+$0x4310]  }
0x3f8: {  	v23 =	vld [tilespmem:s28+$0x43B0];
	v16 =	vmul.f32 v16, v15  }
0x3f9: {  	v24 =	vld [tilespmem:s1+$0x4260];
	v14 =	vmul.f32 v14, v15  }
0x3fa: {  	v25 =	vld [tilespmem:s1+$0x4160];
	[tilespmem:s1+$0x10400] =	vst v16  }
0x3fb: {  	v15 =	vld [tilespmem:s1+$0x4210];
	v13 =	vmul.f32 v13, v17;
	[tilespmem:s1+$0x10300] =	vst v14  }
0x3fc: {  	v14 =	vmul.f32 v18, v17;
	v16 =	vld [tilespmem:s0+$0xFFFFFF10]  }
0x3fd: {  	v17 =	vld [tilespmem:s1+$0x4110];
	[tilespmem:s1+$0x10610] =	vst v13;
	v13 =	vmul.f32 v28, v27  }
0x3fe: {  	v18 =	vld [tilespmem:s1+$0x4420];
	[tilespmem:s1+$0x10510] =	vst v14;
	v14 =	vmul.f32 v29, v27  }
0x3ff: {  	[tilespmem:s28+$0x106A0] =	vst v13;
	v13 =	vld [tilespmem:s0+$0x20]  }
0x400: {  	[tilespmem:s28+$0x105A0] =	vst v14;
	v14 =	vld [tilespmem:s1+$0x4320]  }
0x401: {  	[tilespmem:s28+$0x10490] =	vst v20;
	v20 =	vld [tilespmem:s1+$0x4280];
	v15 =	vmul.f32 v15, v16  }
0x402: {  	[tilespmem:s28+$0x10390] =	vst v19;
	v22 =	vld [tilespmem:s16+$0xB0];
	v16 =	vmul.f32 v17, v16  }
0x403: {  	v19 =	vld [tilespmem:s1+$0x4180];
	[tilespmem:s1+$0x10410] =	vst v15  }
0x404: {  	v15 =	vld [tilespmem:s1+$0x4220];
	v17 =	vmul.f32 v18, v13;
	[tilespmem:s1+$0x10310] =	vst v16  }
0x405: {  	v13 =	vmul.f32 v14, v13;
	v14 =	vld [tilespmem:s0+$0xFFFFFF20]  }
0x406: {  	v16 =	vld [tilespmem:s1+$0x4120];
	[tilespmem:s1+$0x10620] =	vst v17  }
0x407: {  	v17 =	vld [tilespmem:s1+$0x4430];
	[tilespmem:s1+$0x10520] =	vst v13;
	v13 =	vmul.f32 v21, v22  }
0x408: {  	v21 =	vld [tilespmem:s0+$0x30]  }
0x409: {  	v18 =	vmul.f32 v23, v22;
	[tilespmem:s28+$0x106B0] =	vst v13;
	v13 =	vld [tilespmem:s1+$0x4330]  }
0x40a: {  	v30 =	vld [tilespmem:s1+$0x4290];
	v15 =	vmul.f32 v15, v14  }
0x40b: {  	[tilespmem:s28+$0x105B0] =	vst v18;
	v18 =	vld [tilespmem:s28+$0x44C0];
	v14 =	vmul.f32 v16, v14  }
0x40c: {  	v22 =	vld [tilespmem:s16+$0xC0];
	[tilespmem:s1+$0x10420] =	vst v15  }
0x40d: {  	v15 =	vld [tilespmem:s1+$0x4230];
	[tilespmem:s1+$0x10320] =	vst v14;
	v16 =	vmul.f32 v17, v21  }
0x40e: {  	v14 =	vld [tilespmem:s0+$0xFFFFFF30];
	v13 =	vmul.f32 v13, v21  }
0x40f: {  	[tilespmem:s1+$0x10630] =	vst v16;
	v16 =	vld [tilespmem:s1+$0x4130]  }
0x410: {  	[tilespmem:s1+$0x10530] =	vst v13;
	v13 =	vld [tilespmem:s1+$0x4440]  }
0x411: {  	v21 =	vld [tilespmem:s0+$0x40]  }
0x412: {  	v23 =	vld [tilespmem:s1+$0x4340]  }
0x413: {  	v17 =	vld [tilespmem:s28+$0x43C0];
	v18 =	vmul.f32 v18, v22  }
0x414: {  	v31 =	vld [tilespmem:s1+$0x4190];
	v15 =	vmul.f32 v15, v14  }
0x415: {  	[tilespmem:s28+$0x106C0] =	vst v18;
	v18 =	vld [tilespmem:s1+$0x4240];
	v14 =	vmul.f32 v16, v14  }
0x416: {  	[tilespmem:s1+$0x10430] =	vst v15;
	v15 =	vld [tilespmem:s1+$0x4140];
	v13 =	vmul.f32 v13, v21  }
0x417: {  	v16 =	vld [tilespmem:s28+$0x44D0];
	[tilespmem:s1+$0x10330] =	vst v14;
	v14 =	vmul.f32 v23, v21  }
0x418: {  	v17 =	vmul.f32 v17, v22;
	[tilespmem:s1+$0x10640] =	vst v13;
	v13 =	vld [tilespmem:s0+$0xFFFFFF40]  }
0x419: {  	[tilespmem:s1+$0x10540] =	vst v14;
	v14 =	vld [tilespmem:s1+$0x4450]  }
0x41a: {  	[tilespmem:s28+$0x105C0] =	vst v17;
	v21 =	vld [tilespmem:s0+$0x50]  }
0x41b: {  	v26 =	vld [tilespmem:s16+$0xD0]  }
0x41c: {  	v22 =	vld [tilespmem:s1+$0x4350]  }
0x41d: {  	v27 =	vld [tilespmem:s1+$0x4360];
	v18 =	vmul.f32 v18, v13  }
0x41e: {  	v17 =	vld [tilespmem:s1+$0x4250];
	v13 =	vmul.f32 v15, v13  }
0x41f: {  	v23 =	vld [tilespmem:s1+$0x4150];
	v14 =	vmul.f32 v14, v21;
	[tilespmem:s1+$0x10440] =	vst v18  }
0x420: {  	v16 =	vmul.f32 v16, v26;
	v18 =	vld [tilespmem:s28+$0x43D0];
	[tilespmem:s1+$0x10340] =	vst v13  }
0x421: {  	v13 =	vmul.f32 v22, v21;
	[tilespmem:s1+$0x10650] =	vst v14;
	v14 =	vld [tilespmem:s0+$0xFFFFFF50]  }
0x422: {  	[tilespmem:s28+$0x106D0] =	vst v16;
	v16 =	vld [tilespmem:s28+$0x44E0]  }
0x423: {  	[tilespmem:s1+$0x10550] =	vst v13;
	v13 =	vld [tilespmem:s1+$0x4460]  }
0x424: {  	v22 =	vld [tilespmem:s0+$0x60]  }
0x425: {  	v15 =	vld [tilespmem:s1+$0x4270];
	v18 =	vmul.f32 v18, v26  }
0x426: {  	v21 =	vld [tilespmem:s1+$0x4170];
	v17 =	vmul.f32 v17, v14  }
0x427: {  	v26 =	vld [tilespmem:s1+$0x42A0];
	v14 =	vmul.f32 v23, v14;
	[tilespmem:s28+$0x105D0] =	vst v18  }
0x428: {  	[tilespmem:s1+$0x10450] =	vst v17;
	v17 =	vld [tilespmem:s16+$0xFFFFFFA0]  }
0x429: {  	v13 =	vmul.f32 v13, v22;
	[tilespmem:s1+$0x10350] =	vst v14;
	v14 =	vmul.f32 v27, v22;
	v22 =	vld [tilespmem:s1+$0x4370]  }
0x42a: {  	v28 =	vld [tilespmem:s16+$0xE0]  }
0x42b: {  	[tilespmem:s1+$0x10660] =	vst v13;
	v13 =	vld [tilespmem:s0+$0xFFFFFF60]  }
0x42c: {  	[tilespmem:s1+$0x10560] =	vst v14;
	v14 =	vld [tilespmem:s1+$0x4470]  }
0x42d: {  	v18 =	vld [tilespmem:s0+$0x70]  }
0x42e: {  	v23 =	vmul.f32 v4, v17;
	v4 =	vld [tilespmem:s1+$0x41A0];
	v10 =	vmul.f32 v10, v17  }
0x42f: {  	v17 =	vld [tilespmem:s1+$0x4380]  }
0x430: {  	v27 =	vmul.f32 v24, v13;
	v24 =	vld [tilespmem:s1+$0x42B0];
	[tilespmem:s28+$0x104A0] =	vst v10  }
0x431: {  	v13 =	vmul.f32 v25, v13;
	v25 =	vld [tilespmem:s1+$0x41B0];
	[tilespmem:s28+$0x103A0] =	vst v23  }
0x432: {  	v14 =	vmul.f32 v14, v18;
	[tilespmem:s1+$0x10460] =	vst v27;
	v27 =	vld [tilespmem:s28+$0x43E0]  }
0x433: {  	[tilespmem:s1+$0x10360] =	vst v13;
	v13 =	vmul.f32 v22, v18;
	v18 =	vld [tilespmem:s16+$0xFFFFFFB0]  }
0x434: {  	[tilespmem:s1+$0x10670] =	vst v14;
	v14 =	vld [tilespmem:s0+$0xFFFFFF70]  }
0x435: {  	[tilespmem:s1+$0x10570] =	vst v13;
	v13 =	vld [tilespmem:s1+$0x4480]  }
0x436: {  	v16 =	vmul.f32 v16, v28;
	v10 =	vld [tilespmem:s0+$0x80]  }
0x437: {  	v23 =	vld [tilespmem:s1+$0x41C0];
	v27 =	vmul.f32 v27, v28  }
0x438: {  	[tilespmem:s28+$0x106E0] =	vst v16;
	v16 =	vld [tilespmem:s1+$0x41D0];
	v7 =	vmul.f32 v7, v18  }
0x439: {  	v22 =	vld [tilespmem:s1+$0x42C0];
	v29 =	vmul.f32 v15, v14;
	[tilespmem:s28+$0x105E0] =	vst v27  }
0x43a: {  	v28 =	vld [tilespmem:s1+$0x44A0];
	v14 =	vmul.f32 v21, v14;
	[tilespmem:s28+$0x104B0] =	vst v7  }
0x43b: {  	v15 =	vld [tilespmem:s1+$0x42D0];
	[tilespmem:s1+$0x10470] =	vst v29;
	v13 =	vmul.f32 v13, v10  }
0x43c: {  	v21 =	vld [tilespmem:s28+$0x43F0];
	[tilespmem:s1+$0x10370] =	vst v14;
	v10 =	vmul.f32 v17, v10  }
0x43d: {  	v8 =	vmul.f32 v8, v18;
	v17 =	vld [tilespmem:s0+$0xFFFFFF80];
	[tilespmem:s1+$0x10680] =	vst v13  }
0x43e: {  	v7 =	vld [tilespmem:s1+$0x4390];
	[tilespmem:s1+$0x10580] =	vst v10  }
0x43f: {  	[tilespmem:s28+$0x103B0] =	vst v8;
	v27 =	vld [tilespmem:s0+$0x90]  }
0x440: {  	v8 =	vld [tilespmem:s16+$0xFFFFFFC0]  }
0x441: {  	v10 =	vld [tilespmem:s1+$0x4490]  }
0x442: {  	v14 =	vld [tilespmem:s1+$0x42E0];
	v18 =	vmul.f32 v20, v17  }
0x443: {  	v17 =	vmul.f32 v19, v17;
	v19 =	vld [tilespmem:s16+$0xF0]  }
0x444: {  	v29 =	vld [tilespmem:s1+$0x43A0];
	[tilespmem:s1+$0x10480] =	vst v18;
	v7 =	vmul.f32 v7, v27  }
0x445: {  	v13 =	vld [tilespmem:s1+$0x41E0];
	v6 =	vmul.f32 v6, v8;
	[tilespmem:s1+$0x10380] =	vst v17  }
0x446: {  	p3 =	por $0x0, $0x0;
	v10 =	vmul.f32 v10, v27;
	[tilespmem:s1+$0x10590] =	vst v7;
	v7 =	vld [tilespmem:s0+$0xFFFFFF90]  }
.Ltmp9:
0x447: {  	v8 =	vmul.f32 v9, v8;
	[tilespmem:s28+$0x104C0] =	vst v6;
	v18 =	vld [tilespmem:s1+$0x42F0];
	(pc) =	sbr.rel @p3 .LBB2_11-.Ltmp9, $4  }
0x448: {  	v17 =	vld [tilespmem:s1+$0x41F0];
	[tilespmem:s1+$0x10690] =	vst v10;
	v9 =	vmul.f32 v21, v19  }
0x449: {  	[tilespmem:s28+$0x103C0] =	vst v8;
	v27 =	vld [tilespmem:s0+$0xA0];
	v5 =	vmul.f32 v5, v19  }
0x44a: {  	v21 =	vld [tilespmem:s16+$0xFFFFFFD0];
	[tilespmem:s28+$0x105F0] =	vst v9  }
0x44b: {  	s29 =	sadd.s32 $0x200, s0;
	p1 =	por $0x1, $0x1;
	[tilespmem:s28+$0x106F0] =	vst v5;
	v5 =	vld [tilespmem:s1+$0x44F0];
	v20 =	vmul.f32 v30, v7;
	v19 =	vmul.f32 v31, v7  }
0x44c: {  	s18 =	simm.s32 $0x800;
	v6 =	vld [tilespmem:s29+$0x0]  }
0x44d: {  	v7 =	vld [tilespmem:s18+$0x4400]  }
0x44e: {  	v8 =	vld [tilespmem:s18+$0x4300];
	_ =	sdelay $0x3  }
0x44f: {  	v9 =	vld [tilespmem:s18+$0x4200];
	v7 =	vmul.f32 v7, v6  }
0x450: {  	v6 =	vmul.f32 v8, v6;
	v8 =	vld [tilespmem:s29+$0xFFFFFF00]  }
0x451: {  	[tilespmem:s18+$0x10600] =	vst v7;
	v7 =	vld [tilespmem:s18+$0x4100]  }
0x452: {  	[tilespmem:s18+$0x10500] =	vst v6;
	v6 =	vld [tilespmem:s18+$0x4410]  }
0x453: {  	v10 =	vld [tilespmem:s29+$0x10]  }
0x454: {  	v30 =	vld [tilespmem:s18+$0x4310]  }
0x455: {  	v9 =	vmul.f32 v9, v8  }
0x456: {  	v59 =	vld [tilespmem:s1+$0x44E0];
	v7 =	vmul.f32 v7, v8  }
0x457: {  	v31 =	vld [tilespmem:s18+$0x4350];
	[tilespmem:s18+$0x10400] =	vst v9  }
0x458: {  	v8 =	vld [tilespmem:s18+$0x4210];
	v6 =	vmul.f32 v6, v10;
	[tilespmem:s18+$0x10300] =	vst v7  }
0x459: {  	v7 =	vmul.f32 v30, v10;
	v9 =	vld [tilespmem:s29+$0xFFFFFF10]  }
0x45a: {  	[tilespmem:s18+$0x10610] =	vst v6;
	v6 =	vld [tilespmem:s18+$0x4110]  }
0x45b: {  	[tilespmem:s18+$0x10510] =	vst v7;
	v7 =	vld [tilespmem:s18+$0x4420]  }
0x45c: {  	v10 =	vld [tilespmem:s29+$0x20]  }
0x45d: {  	v30 =	vld [tilespmem:s18+$0x4320]  }
0x45e: {  	v32 =	vld [tilespmem:s18+$0x4150]  }
0x45f: {  	v33 =	vld [tilespmem:s18+$0x4260];
	v8 =	vmul.f32 v8, v9  }
0x460: {  	v34 =	vld [tilespmem:s18+$0x4180];
	v6 =	vmul.f32 v6, v9  }
0x461: {  	[tilespmem:s18+$0x10410] =	vst v8;
	v8 =	vld [tilespmem:s18+$0x4220];
	v7 =	vmul.f32 v7, v10  }
0x462: {  	[tilespmem:s18+$0x10310] =	vst v6;
	v6 =	vmul.f32 v30, v10;
	v10 =	vld [tilespmem:s18+$0x4120]  }
0x463: {  	v9 =	vld [tilespmem:s29+$0xFFFFFF20];
	[tilespmem:s18+$0x10620] =	vst v7  }
0x464: {  	v7 =	vmul.f32 v28, v27;
	[tilespmem:s18+$0x10520] =	vst v6;
	v6 =	vmul.f32 v29, v27;
	v27 =	vld [tilespmem:s18+$0x4430]  }
0x465: {  	v28 =	vld [tilespmem:s1+$0x44B0]  }
0x466: {  	[tilespmem:s1+$0x106A0] =	vst v7;
	v7 =	vld [tilespmem:s29+$0x30]  }
0x467: {  	[tilespmem:s1+$0x105A0] =	vst v6;
	v6 =	vld [tilespmem:s18+$0x4330]  }
0x468: {  	v29 =	vld [tilespmem:s0+$0xB0];
	v8 =	vmul.f32 v8, v9  }
0x469: {  	[tilespmem:s1+$0x10490] =	vst v20;
	v30 =	vld [tilespmem:s1+$0x43B0];
	v9 =	vmul.f32 v10, v9  }
0x46a: {  	v20 =	vld [tilespmem:s18+$0x4290];
	[tilespmem:s18+$0x10420] =	vst v8  }
0x46b: {  	v8 =	vld [tilespmem:s18+$0x4230];
	[tilespmem:s18+$0x10320] =	vst v9;
	v10 =	vmul.f32 v27, v7  }
0x46c: {  	v6 =	vmul.f32 v6, v7;
	v7 =	vld [tilespmem:s29+$0xFFFFFF30]  }
0x46d: {  	v27 =	vld [tilespmem:s18+$0x4440];
	v9 =	vmul.f32 v28, v29;
	[tilespmem:s18+$0x10630] =	vst v10  }
0x46e: {  	v10 =	vld [tilespmem:s18+$0x4130];
	[tilespmem:s18+$0x10530] =	vst v6;
	v6 =	vmul.f32 v30, v29  }
0x46f: {  	[tilespmem:s1+$0x106B0] =	vst v9;
	v9 =	vld [tilespmem:s29+$0x40]  }
0x470: {  	[tilespmem:s1+$0x105B0] =	vst v6;
	v6 =	vld [tilespmem:s18+$0x4340]  }
0x471: {  	[tilespmem:s1+$0x10390] =	vst v19;
	v19 =	vld [tilespmem:s18+$0x4190]  }
0x472: {  	v28 =	vld [tilespmem:s1+$0x44C0];
	v8 =	vmul.f32 v8, v7  }
0x473: {  	v29 =	vld [tilespmem:s18+$0x4240];
	v7 =	vmul.f32 v10, v7  }
0x474: {  	v30 =	vld [tilespmem:s0+$0xC0];
	[tilespmem:s18+$0x10430] =	vst v8;
	v10 =	vmul.f32 v27, v9  }
0x475: {  	v8 =	vld [tilespmem:s18+$0x4140];
	[tilespmem:s18+$0x10330] =	vst v7;
	v6 =	vmul.f32 v6, v9  }
0x476: {  	[tilespmem:s18+$0x10640] =	vst v10;
	v9 =	vld [tilespmem:s29+$0xFFFFFF40]  }
0x477: {  	[tilespmem:s18+$0x10540] =	vst v6;
	v6 =	vld [tilespmem:s18+$0x4450]  }
0x478: {  	v11 =	vmul.f32 v11, v21;
	v10 =	vld [tilespmem:s29+$0x50]  }
0x479: {  	v37 =	vld [tilespmem:s18+$0x4370];
	v12 =	vmul.f32 v12, v21  }
0x47a: {  	[tilespmem:s28+$0x104D0] =	vst v11;
	v11 =	vld [tilespmem:s18+$0x42D0];
	v28 =	vmul.f32 v28, v30  }
0x47b: {  	[tilespmem:s28+$0x103D0] =	vst v12;
	v12 =	vld [tilespmem:s18+$0x41D0];
	v29 =	vmul.f32 v29, v9  }
0x47c: {  	v27 =	vld [tilespmem:s1+$0x43C0];
	[tilespmem:s1+$0x106C0] =	vst v28;
	v8 =	vmul.f32 v8, v9  }
0x47d: {  	v7 =	vld [tilespmem:s18+$0x4250];
	[tilespmem:s18+$0x10440] =	vst v29;
	v6 =	vmul.f32 v6, v10  }
0x47e: {  	v28 =	vld [tilespmem:s18+$0x4160];
	[tilespmem:s18+$0x10340] =	vst v8;
	v8 =	vmul.f32 v31, v10  }
0x47f: {  	[tilespmem:s18+$0x10650] =	vst v6;
	v6 =	vld [tilespmem:s29+$0xFFFFFF50]  }
0x480: {  	[tilespmem:s18+$0x10550] =	vst v8;
	v8 =	vld [tilespmem:s18+$0x4460]  }
0x481: {  	v10 =	vld [tilespmem:s29+$0x60]  }
0x482: {  	v27 =	vmul.f32 v27, v30;
	v30 =	vld [tilespmem:s18+$0x4360]  }
0x483: {  	v9 =	vld [tilespmem:s18+$0x4270]  }
0x484: {  	[tilespmem:s1+$0x105C0] =	vst v27;
	v27 =	vld [tilespmem:s1+$0x44D0];
	v7 =	vmul.f32 v7, v6  }
0x485: {  	v35 =	vld [tilespmem:s0+$0xD0];
	v6 =	vmul.f32 v32, v6  }
0x486: {  	[tilespmem:s18+$0x10450] =	vst v7;
	v7 =	vmul.f32 v8, v10;
	v8 =	vld [tilespmem:s1+$0x43D0]  }
0x487: {  	[tilespmem:s18+$0x10350] =	vst v6;
	v6 =	vmul.f32 v30, v10;
	v30 =	vld [tilespmem:s0+$0xFFFFFFA0]  }
0x488: {  	v29 =	vld [tilespmem:s18+$0x4170]  }
0x489: {  	v57 =	vld [tilespmem:s29+$0xFFFFFF60]  }
0x48a: {  	v31 =	vld [tilespmem:s18+$0x4280];
	[tilespmem:s18+$0x10660] =	vst v7;
	v7 =	vmul.f32 v27, v35  }
0x48b: {  	[tilespmem:s18+$0x10560] =	vst v6;
	v6 =	vld [tilespmem:s18+$0x4470];
	v8 =	vmul.f32 v8, v35  }
0x48c: {  	v36 =	vld [tilespmem:s29+$0x70];
	[tilespmem:s1+$0x106D0] =	vst v7;
	v26 =	vmul.f32 v26, v30  }
0x48d: {  	v10 =	vld [tilespmem:s18+$0x42A0];
	v27 =	vmul.f32 v4, v30;
	[tilespmem:s1+$0x105D0] =	vst v8  }
0x48e: {  	v7 =	vld [tilespmem:s18+$0x42B0];
	v33 =	vmul.f32 v33, v57;
	[tilespmem:s1+$0x104A0] =	vst v26  }
0x48f: {  	v4 =	vld [tilespmem:s18+$0x41A0];
	v28 =	vmul.f32 v28, v57;
	[tilespmem:s1+$0x103A0] =	vst v27  }
0x490: {  	v8 =	vld [tilespmem:s18+$0x41B0];
	[tilespmem:s18+$0x10460] =	vst v33  }
0x491: {  	v58 =	vmul.f32 v6, v36;
	[tilespmem:s18+$0x10360] =	vst v28;
	v60 =	vld [tilespmem:s0+$0xFFFFFFB0]  }
0x492: {  	v28 =	vmul.f32 v37, v36;
	v30 =	vld [tilespmem:s29+$0xFFFFFF70]  }
0x493: {  	v27 =	vld [tilespmem:s18+$0x4380];
	[tilespmem:s18+$0x10670] =	vst v58  }
0x494: {  	[tilespmem:s18+$0x10570] =	vst v28;
	v28 =	vld [tilespmem:s18+$0x4480]  }
0x495: {  	v26 =	vld [tilespmem:s29+$0x80]  }
0x496: {  	v6 =	vld [tilespmem:s18+$0x42C0]  }
0x497: {  	v25 =	vmul.f32 v25, v60;
	v61 =	vmul.f32 v9, v30;
	v9 =	vld [tilespmem:s18+$0x41C0]  }
0x498: {  	v21 =	vmul.f32 v29, v30;
	v29 =	vld [tilespmem:s0+$0xE0]  }
0x499: {  	[tilespmem:s1+$0x103B0] =	vst v25;
	v25 =	vld [tilespmem:s18+$0x4390]  }
0x49a: {  	v28 =	vmul.f32 v28, v26;
	[tilespmem:s18+$0x10370] =	vst v21;
	v21 =	vmul.f32 v27, v26;
	v26 =	vld [tilespmem:s1+$0x43E0]  }
0x49b: {  	[tilespmem:s18+$0x10470] =	vst v61;
	v27 =	vld [tilespmem:s16+$0xFFFFFFE0]  }
0x49c: {  	v24 =	vmul.f32 v24, v60;
	[tilespmem:s18+$0x10580] =	vst v21;
	v21 =	vld [tilespmem:s29+$0xFFFFFF80]  }
0x49d: {  	[tilespmem:s18+$0x10680] =	vst v28;
	v28 =	vld [tilespmem:s18+$0x4490]  }
0x49e: {  	[tilespmem:s1+$0x104B0] =	vst v24;
	v30 =	vld [tilespmem:s29+$0x90]  }
0x49f: {  	v24 =	vmul.f32 v59, v29;
	v26 =	vmul.f32 v26, v29;
	v29 =	vld [tilespmem:s0+$0xFFFFFFC0]  }
0x4a0: {  	v62 =	vmul.f32 v2, v27;
	v2 =	vld [tilespmem:s18+$0x42E0]  }
0x4a1: {  	[tilespmem:s1+$0x106E0] =	vst v24;
	v63 =	vmul.f32 v3, v27;
	v3 =	vld [tilespmem:s18+$0x41E0]  }
0x4a2: {  	v24 =	vmul.f32 v31, v21;
	[tilespmem:s1+$0x105E0] =	vst v26;
	v21 =	vmul.f32 v34, v21;
	v26 =	vld [tilespmem:s1+$0x43F0]  }
0x4a3: {  	[tilespmem:s28+$0x104E0] =	vst v62;
	v27 =	vmul.f32 v28, v30;
	v28 =	vld [tilespmem:s18+$0x44A0]  }
0x4a4: {  	[tilespmem:s18+$0x10380] =	vst v21;
	v21 =	vmul.f32 v25, v30;
	v30 =	vld [tilespmem:s0+$0xF0]  }
0x4a5: {  	[tilespmem:s18+$0x10480] =	vst v24;
	v24 =	vld [tilespmem:s18+$0x42F0]  }
0x4a6: {  	v31 =	vld [tilespmem:s29+$0xFFFFFF90];
	[tilespmem:s18+$0x10590] =	vst v21;
	v21 =	vmul.f32 v22, v29  }
0x4a7: {  	p3 =	por $0x0, $0x0;
	v25 =	vld [tilespmem:s18+$0x41F0];
	[tilespmem:s18+$0x10690] =	vst v27;
	v22 =	vmul.f32 v23, v29  }
.Ltmp10:
0x4a8: {  	v27 =	vld [tilespmem:s29+$0xA0];
	[tilespmem:s1+$0x104C0] =	vst v21;
	(pc) =	sbr.rel @p3 .LBB2_13-.Ltmp10, $4  }
0x4a9: {  	v29 =	vld [tilespmem:s18+$0x43A0];
	[tilespmem:s1+$0x103C0] =	vst v22;
	v23 =	vmul.f32 v26, v30  }
0x4aa: {  	[tilespmem:s28+$0x103E0] =	vst v63;
	v5 =	vmul.f32 v5, v30;
	v21 =	vld [tilespmem:s0+$0xFFFFFFD0]  }
0x4ab: {  	s7 =	simm.s32 $0x5;
	v30 =	vld [tilespmem:s16+$0xFFFFFFF0];
	v20 =	vmul.f32 v20, v31;
	[tilespmem:s1+$0x105F0] =	vst v23  }
0x4ac: {  	s8 =	simm.s32 $0x3000;
	s10 =	sadd.s32 $0x200, s29;
	p2 =	por $0x1, $0x1;
	v19 =	vmul.f32 v19, v31;
	[tilespmem:s1+$0x106F0] =	vst v5;
	v5 =	vld [tilespmem:s18+$0x44F0]  }
.LBB2_14:
0x4ad: {  	s15 =	sshra.s32 s8, $0x2;
	v22 =	vld [tilespmem:s10+$0x0];
	[tilespmem:s18+$0x10490] =	vst v20;
	v20 =	vmul.f32 v28, v27  }
0x4ae: {  	v23 =	vld [tilespmem:s15+$0x4400];
	[tilespmem:s18+$0x10390] =	vst v19;
	v19 =	vmul.f32 v29, v27  }
0x4af: {  	v26 =	vld [tilespmem:s15+$0x4300];
	[tilespmem:s18+$0x106A0] =	vst v20;
	v20 =	vmul.f32 v15, v21;
	v21 =	vmul.f32 v16, v21;
	v15 =	vmovc v11;
	v16 =	vmov v12  }
0x4b0: {  	[tilespmem:s18+$0x105A0] =	vst v19;
	v11 =	vld [tilespmem:s18+$0x44B0];
	v12 =	vmul.f32 v0, v30;
	v19 =	vmul.f32 v1, v30;
	v0 =	vmovc v18;
	v18 =	vmov v24  }
0x4b1: {  	v1 =	vmov v17;
	v17 =	vmov v25;
	v24 =	vld [tilespmem:s29+$0xB0];
	[tilespmem:s1+$0x104D0] =	vst v20  }
0x4b2: {  	v20 =	vld [tilespmem:s18+$0x43B0];
	[tilespmem:s1+$0x103D0] =	vst v21  }
0x4b3: {  	v21 =	vld [tilespmem:s15+$0x4200];
	v23 =	vmul.f32 v23, v22;
	[tilespmem:s28+$0x104F0] =	vst v12  }
0x4b4: {  	v12 =	vld [tilespmem:s15+$0x4100];
	v22 =	vmul.f32 v26, v22;
	[tilespmem:s28+$0x103F0] =	vst v19;
	s28 =	smov.u32 s1;
	s1 =	smov.u32 s18;
	s18 =	smov.u32 s15  }
0x4b5: {  	v19 =	vld [tilespmem:s10+$0xFFFFFF00];
	[tilespmem:s18+$0x10600] =	vst v23  }
0x4b6: {  	[tilespmem:s18+$0x10500] =	vst v22;
	v22 =	vld [tilespmem:s18+$0x4410];
	v11 =	vmul.f32 v11, v24  }
0x4b7: {  	v23 =	vld [tilespmem:s10+$0x10];
	v20 =	vmul.f32 v20, v24  }
0x4b8: {  	v24 =	vld [tilespmem:s18+$0x4310];
	[tilespmem:s1+$0x106B0] =	vst v11  }
0x4b9: {  	[tilespmem:s1+$0x105B0] =	vst v20;
	v11 =	vld [tilespmem:s1+$0x44C0]  }
0x4ba: {  	v20 =	vmul.f32 v21, v19;
	v12 =	vmul.f32 v12, v19;
	v19 =	vld [tilespmem:s29+$0xC0]  }
0x4bb: {  	v21 =	vld [tilespmem:s1+$0x43C0]  }
0x4bc: {  	s7 =	sadd.s32 $0x2, s7;
	[tilespmem:s18+$0x10400] =	vst v20;
	v20 =	vld [tilespmem:s18+$0x4210];
	v22 =	vmul.f32 v22, v23  }
0x4bd: {  	p3 =	sgt.u32 s7, $0x1C;
	[tilespmem:s18+$0x10300] =	vst v12;
	v12 =	vld [tilespmem:s18+$0x4110];
	v23 =	vmul.f32 v24, v23  }
0x4be: {  	v24 =	vld [tilespmem:s10+$0xFFFFFF10];
	[tilespmem:s18+$0x10610] =	vst v22  }
0x4bf: {  	[tilespmem:s18+$0x10510] =	vst v23;
	v22 =	vld [tilespmem:s18+$0x4420];
	v11 =	vmul.f32 v11, v19  }
0x4c0: {  	v23 =	vld [tilespmem:s10+$0x20];
	v19 =	vmul.f32 v21, v19  }
0x4c1: {  	v21 =	vld [tilespmem:s18+$0x4320];
	[tilespmem:s1+$0x106C0] =	vst v11  }
0x4c2: {  	[tilespmem:s1+$0x105C0] =	vst v19;
	v11 =	vld [tilespmem:s1+$0x44D0]  }
0x4c3: {  	v19 =	vmul.f32 v20, v24;
	v12 =	vmul.f32 v12, v24;
	v20 =	vld [tilespmem:s29+$0xD0]  }
0x4c4: {  	v24 =	vld [tilespmem:s1+$0x43D0]  }
0x4c5: {  	[tilespmem:s18+$0x10410] =	vst v19;
	v19 =	vld [tilespmem:s18+$0x4220];
	v22 =	vmul.f32 v22, v23  }
0x4c6: {  	[tilespmem:s18+$0x10310] =	vst v12;
	v12 =	vld [tilespmem:s18+$0x4120];
	v21 =	vmul.f32 v21, v23  }
0x4c7: {  	v23 =	vld [tilespmem:s10+$0xFFFFFF20];
	[tilespmem:s18+$0x10620] =	vst v22  }
0x4c8: {  	[tilespmem:s18+$0x10520] =	vst v21;
	v21 =	vld [tilespmem:s18+$0x4430];
	v11 =	vmul.f32 v11, v20  }
0x4c9: {  	v22 =	vld [tilespmem:s10+$0x30];
	v20 =	vmul.f32 v24, v20  }
0x4ca: {  	v24 =	vld [tilespmem:s18+$0x4330];
	[tilespmem:s1+$0x106D0] =	vst v11  }
0x4cb: {  	[tilespmem:s1+$0x105D0] =	vst v20;
	v11 =	vld [tilespmem:s1+$0x44E0]  }
0x4cc: {  	v19 =	vmul.f32 v19, v23;
	v12 =	vmul.f32 v12, v23;
	v20 =	vld [tilespmem:s29+$0xE0]  }
0x4cd: {  	v23 =	vld [tilespmem:s1+$0x43E0]  }
0x4ce: {  	[tilespmem:s18+$0x10420] =	vst v19;
	v19 =	vld [tilespmem:s18+$0x4230];
	v21 =	vmul.f32 v21, v22  }
0x4cf: {  	[tilespmem:s18+$0x10320] =	vst v12;
	v12 =	vld [tilespmem:s18+$0x4130];
	v22 =	vmul.f32 v24, v22  }
0x4d0: {  	v24 =	vld [tilespmem:s10+$0xFFFFFF30];
	[tilespmem:s18+$0x10630] =	vst v21  }
0x4d1: {  	[tilespmem:s18+$0x10530] =	vst v22;
	v21 =	vld [tilespmem:s18+$0x4440];
	v11 =	vmul.f32 v11, v20  }
0x4d2: {  	v22 =	vld [tilespmem:s10+$0x40];
	v20 =	vmul.f32 v23, v20  }
0x4d3: {  	v23 =	vld [tilespmem:s18+$0x4340];
	[tilespmem:s1+$0x106E0] =	vst v11  }
0x4d4: {  	[tilespmem:s1+$0x105E0] =	vst v20;
	v11 =	vld [tilespmem:s1+$0x43F0]  }
0x4d5: {  	v19 =	vmul.f32 v19, v24;
	v12 =	vmul.f32 v12, v24;
	v20 =	vld [tilespmem:s29+$0xF0]  }
0x4d6: {  	v24 =	vld [tilespmem:s18+$0x4240]  }
0x4d7: {  	[tilespmem:s18+$0x10430] =	vst v19;
	v19 =	vld [tilespmem:s18+$0x4140];
	v21 =	vmul.f32 v21, v22  }
0x4d8: {  	[tilespmem:s18+$0x10330] =	vst v12;
	v12 =	vld [tilespmem:s18+$0x4250];
	v22 =	vmul.f32 v23, v22  }
0x4d9: {  	v23 =	vld [tilespmem:s10+$0xFFFFFF40];
	[tilespmem:s18+$0x10640] =	vst v21  }
0x4da: {  	[tilespmem:s18+$0x10540] =	vst v22;
	v21 =	vld [tilespmem:s18+$0x4450];
	v5 =	vmul.f32 v5, v20;
	v11 =	vmul.f32 v11, v20  }
0x4db: {  	v20 =	vld [tilespmem:s10+$0x50]  }
0x4dc: {  	v22 =	vld [tilespmem:s18+$0x4350];
	[tilespmem:s1+$0x105F0] =	vst v11  }
0x4dd: {  	v11 =	vld [tilespmem:s18+$0x4150];
	[tilespmem:s1+$0x106F0] =	vst v5  }
0x4de: {  	v5 =	vmul.f32 v24, v23;
	v19 =	vmul.f32 v19, v23;
	v23 =	vld [tilespmem:s18+$0x4260]  }
0x4df: {  	v24 =	vld [tilespmem:s18+$0x4160]  }
0x4e0: {  	[tilespmem:s18+$0x10440] =	vst v5;
	v5 =	vld [tilespmem:s18+$0x4270];
	v21 =	vmul.f32 v21, v20  }
0x4e1: {  	[tilespmem:s18+$0x10340] =	vst v19;
	v19 =	vld [tilespmem:s18+$0x4170];
	v20 =	vmul.f32 v22, v20  }
0x4e2: {  	v22 =	vld [tilespmem:s10+$0xFFFFFF50];
	[tilespmem:s18+$0x10650] =	vst v21  }
0x4e3: {  	[tilespmem:s18+$0x10550] =	vst v20;
	v20 =	vld [tilespmem:s18+$0x4460]  }
0x4e4: {  	v21 =	vld [tilespmem:s10+$0x60]  }
0x4e5: {  	v25 =	vld [tilespmem:s18+$0x4360]  }
0x4e6: {  	v26 =	vld [tilespmem:s18+$0x4280]  }
0x4e7: {  	v12 =	vmul.f32 v12, v22;
	v11 =	vmul.f32 v11, v22;
	v22 =	vld [tilespmem:s18+$0x4180]  }
0x4e8: {  	v30 =	vld [tilespmem:s18+$0x4290]  }
0x4e9: {  	[tilespmem:s18+$0x10450] =	vst v12;
	v31 =	vld [tilespmem:s18+$0x4190];
	v12 =	vmul.f32 v20, v21  }
0x4ea: {  	[tilespmem:s18+$0x10350] =	vst v11;
	v11 =	vmul.f32 v25, v21;
	v20 =	vld [tilespmem:s29+$0xFFFFFFA0]  }
0x4eb: {  	v21 =	vld [tilespmem:s10+$0xFFFFFF60];
	[tilespmem:s18+$0x10660] =	vst v12  }
0x4ec: {  	[tilespmem:s18+$0x10560] =	vst v11;
	v11 =	vld [tilespmem:s18+$0x4470]  }
0x4ed: {  	v12 =	vld [tilespmem:s10+$0x70]  }
0x4ee: {  	v25 =	vld [tilespmem:s18+$0x4370]  }
0x4ef: {  	v27 =	vmul.f32 v10, v20;
	v10 =	vld [tilespmem:s18+$0x42A0];
	v20 =	vmul.f32 v4, v20  }
0x4f0: {  	v23 =	vmul.f32 v23, v21;
	v21 =	vmul.f32 v24, v21;
	v4 =	vld [tilespmem:s18+$0x41A0]  }
0x4f1: {  	v24 =	vld [tilespmem:s18+$0x42B0];
	[tilespmem:s1+$0x104A0] =	vst v27  }
0x4f2: {  	[tilespmem:s18+$0x10460] =	vst v23;
	v23 =	vld [tilespmem:s18+$0x41B0];
	v11 =	vmul.f32 v11, v12  }
0x4f3: {  	[tilespmem:s18+$0x10360] =	vst v21;
	v21 =	vld [tilespmem:s18+$0x42C0];
	v12 =	vmul.f32 v25, v12  }
0x4f4: {  	v25 =	vld [tilespmem:s10+$0xFFFFFF70];
	[tilespmem:s18+$0x10670] =	vst v11  }
0x4f5: {  	[tilespmem:s18+$0x10570] =	vst v12;
	v27 =	vld [tilespmem:s18+$0x4480]  }
0x4f6: {  	v28 =	vld [tilespmem:s10+$0x80];
	[tilespmem:s1+$0x103A0] =	vst v20  }
0x4f7: {  	v20 =	vld [tilespmem:s18+$0x4380]  }
0x4f8: {  	v29 =	vld [tilespmem:s29+$0xFFFFFFB0]  }
0x4f9: {  	v5 =	vmul.f32 v5, v25;
	v19 =	vmul.f32 v19, v25;
	v32 =	vld [tilespmem:s18+$0x41C0]  }
0x4fa: {  	v11 =	vld [tilespmem:s18+$0x42D0]  }
0x4fb: {  	[tilespmem:s18+$0x10470] =	vst v5;
	v12 =	vld [tilespmem:s18+$0x41D0];
	v5 =	vmul.f32 v27, v28  }
0x4fc: {  	[tilespmem:s18+$0x10370] =	vst v19;
	v19 =	vmul.f32 v20, v28;
	v20 =	vld [tilespmem:s0+$0xFFFFFFE0]  }
0x4fd: {  	v25 =	vld [tilespmem:s10+$0xFFFFFF80];
	[tilespmem:s18+$0x10680] =	vst v5;
	v5 =	vmul.f32 v7, v29;
	v27 =	vmul.f32 v8, v29;
	v7 =	vmovc v24;
	v8 =	vmov v23  }
0x4fe: {  	[tilespmem:s18+$0x10580] =	vst v19;
	v19 =	vld [tilespmem:s18+$0x4490]  }
0x4ff: {  	v23 =	vld [tilespmem:s10+$0x90];
	[tilespmem:s1+$0x104B0] =	vst v5  }
0x500: {  	v5 =	vld [tilespmem:s18+$0x4390];
	[tilespmem:s1+$0x103B0] =	vst v27  }
0x501: {  	v27 =	vld [tilespmem:s29+$0xFFFFFFC0];
	v24 =	vmul.f32 v14, v20;
	v20 =	vmul.f32 v13, v20;
	v14 =	vmovc v2;
	v13 =	vmov v3  }
0x502: {  	v26 =	vmul.f32 v26, v25;
	v22 =	vmul.f32 v22, v25;
	v2 =	vld [tilespmem:s18+$0x42E0]  }
0x503: {  	v3 =	vld [tilespmem:s18+$0x41E0];
	[tilespmem:s28+$0x104E0] =	vst v24  }
0x504: {  	[tilespmem:s18+$0x10480] =	vst v26;
	v24 =	vld [tilespmem:s18+$0x42F0];
	v19 =	vmul.f32 v19, v23  }
0x505: {  	[tilespmem:s18+$0x10380] =	vst v22;
	v25 =	vld [tilespmem:s18+$0x41F0];
	v5 =	vmul.f32 v5, v23  }
0x506: {  	v22 =	vld [tilespmem:s10+$0xFFFFFF90];
	[tilespmem:s18+$0x10690] =	vst v19;
	v19 =	vmul.f32 v6, v27;
	v23 =	vmul.f32 v9, v27;
	v6 =	vmovc v21;
	v9 =	vmov v32  }
0x507: {  	[tilespmem:s18+$0x10590] =	vst v5;
	v28 =	vld [tilespmem:s18+$0x44A0]  }
.Ltmp11:
0x508: {  	v27 =	vld [tilespmem:s10+$0xA0];
	[tilespmem:s1+$0x104C0] =	vst v19;
	(pc) =	sbr.rel @!p3 .LBB2_14-.Ltmp11, $4  }
0x509: {  	v29 =	vld [tilespmem:s18+$0x43A0];
	[tilespmem:s1+$0x103C0] =	vst v23  }
0x50a: {  	v21 =	vld [tilespmem:s29+$0xFFFFFFD0];
	[tilespmem:s28+$0x103E0] =	vst v20  }
0x50b: {  	v20 =	vmul.f32 v30, v22;
	v19 =	vmul.f32 v31, v22;
	v30 =	vld [tilespmem:s0+$0xFFFFFFF0];
	s0 =	smov.u32 s29;
	s29 =	smov.u32 s10  }
0x50c: {  	s8 =	sadd.s32 $0x1000, s8;
	s10 =	sadd.s32 $0x200, s10;
	v5 =	vld [tilespmem:s18+$0x44F0]  }
0x50d: {  	v32 =	vmovc v0;
	v33 =	vmovc v1;
	v35 =	vmov v15;
	v36 =	vmov v16;
	v31 =	vmov v18  }
0x50e: {  	v0 =	vmovc v24;
	v34 =	vmovc v17;
	v1 =	vmov v25;
	v37 =	vmov v14;
	v38 =	vmov v13  }
.LBB2_16:
0x50f: {  	[tilespmem:s18+$0x10490] =	vst v20  }
0x510: {  	[tilespmem:s18+$0x10390] =	vst v19  }
0x511: {  	v13 =	vmul.f32 v28, v27;
	v15 =	vld [tilespmem:s29+$0xFFFFFFA0]  }
0x512: {  	v14 =	vmul.f32 v29, v27  }
0x513: {  	[tilespmem:s18+$0x106A0] =	vst v13  }
0x514: {  	v41 =	vld [tilespmem:s18+$0x44B0];
	[tilespmem:s18+$0x105A0] =	vst v14  }
0x515: {  	v14 =	vld [tilespmem:s29+$0xB0]  }
0x516: {  	v16 =	vld [tilespmem:s18+$0x43B0];
	v10 =	vmul.f32 v10, v15  }
0x517: {  	v4 =	vmul.f32 v4, v15  }
0x518: {  	[tilespmem:s18+$0x104A0] =	vst v10  }
0x519: {  	[tilespmem:s18+$0x103A0] =	vst v4  }
0x51a: {  	v13 =	vmul.f32 v41, v14;
	v4 =	vld [tilespmem:s29+$0xFFFFFFB0]  }
0x51b: {  	v42 =	vmul.f32 v16, v14  }
0x51c: {  	[tilespmem:s18+$0x106B0] =	vst v13  }
0x51d: {  	v43 =	vld [tilespmem:s18+$0x44C0];
	[tilespmem:s18+$0x105B0] =	vst v42  }
0x51e: {  	v13 =	vld [tilespmem:s29+$0xC0]  }
0x51f: {  	v44 =	vld [tilespmem:s18+$0x43C0];
	v7 =	vmul.f32 v7, v4  }
0x520: {  	v4 =	vmul.f32 v8, v4  }
0x521: {  	[tilespmem:s18+$0x104B0] =	vst v7  }
0x522: {  	[tilespmem:s18+$0x103B0] =	vst v4  }
0x523: {  	v45 =	vmul.f32 v43, v13;
	v4 =	vld [tilespmem:s29+$0xFFFFFFC0]  }
0x524: {  	v46 =	vmul.f32 v44, v13  }
0x525: {  	[tilespmem:s18+$0x106C0] =	vst v45  }
0x526: {  	v47 =	vld [tilespmem:s18+$0x44D0];
	[tilespmem:s18+$0x105C0] =	vst v46  }
0x527: {  	v8 =	vld [tilespmem:s29+$0xD0]  }
0x528: {  	v48 =	vld [tilespmem:s18+$0x43D0];
	v6 =	vmul.f32 v6, v4  }
0x529: {  	v4 =	vmul.f32 v9, v4  }
0x52a: {  	[tilespmem:s18+$0x104C0] =	vst v6  }
0x52b: {  	[tilespmem:s18+$0x103C0] =	vst v4  }
0x52c: {  	v49 =	vmul.f32 v47, v8;
	v51 =	vld [tilespmem:s29+$0xFFFFFFD0]  }
0x52d: {  	v50 =	vmul.f32 v48, v8  }
0x52e: {  	v6 =	vmul.f32 @p1 v35, v21;
	[tilespmem:s18+$0x106D0] =	vst v49  }
0x52f: {  	v52 =	vld [tilespmem:s18+$0x44E0];
	v4 =	vmul.f32 @p1 v36, v21;
	[tilespmem:s18+$0x105D0] =	vst v50  }
0x530: {  	[tilespmem:s1+$0x104D0] =	vst @p1 v6;
	v53 =	vld [tilespmem:s29+$0xE0]  }
0x531: {  	v54 =	vld [tilespmem:s18+$0x43E0];
	[tilespmem:s1+$0x103D0] =	vst @p1 v4;
	v55 =	vmul.f32 v11, v51  }
0x532: {  	v10 =	vld @p1 [tilespmem:s0+$0xFFFFFFE0];
	v7 =	vmul.f32 v12, v51  }
0x533: {  	[tilespmem:s18+$0x104D0] =	vst v55  }
0x534: {  	[tilespmem:s18+$0x103D0] =	vst v7  }
0x535: {  	v56 =	vmul.f32 v52, v53;
	v57 =	vld [tilespmem:s29+$0xFFFFFFE0]  }
0x536: {  	v4 =	vmul.f32 v54, v53  }
0x537: {  	v6 =	vmul.f32 @p1 v37, v10;
	[tilespmem:s18+$0x106E0] =	vst v56  }
0x538: {  	[tilespmem:s18+$0x105E0] =	vst v4;
	v4 =	vmul.f32 @p1 v38, v10  }
0x539: {  	v58 =	vld [tilespmem:s18+$0x43F0];
	[tilespmem:s1+$0x104E0] =	vst @p1 v6  }
0x53a: {  	v59 =	vld [tilespmem:s29+$0xF0];
	[tilespmem:s1+$0x103E0] =	vst @p1 v4;
	v2 =	vmul.f32 v2, v57  }
0x53b: {  	v4 =	vld @p1 [tilespmem:s0+$0xFFFFFFF0];
	v3 =	vmul.f32 v3, v57  }
0x53c: {  	[tilespmem:s18+$0x104E0] =	vst v2  }
0x53d: {  	v2 =	vmul.f32 @p2 v32, v30;
	[tilespmem:s18+$0x103E0] =	vst v3  }
0x53e: {  	v3 =	vmul.f32 @p2 v33, v30;
	v60 =	vld [tilespmem:s29+$0xFFFFFFF0]  }
0x53f: {  	v9 =	vmov @p1 v31;
	v10 =	vmov @p1 v34;
	v61 =	vmul.f32 v58, v59;
	[tilespmem:s28+$0x104F0] =	vst @p2 v2  }
0x540: {  	v62 =	vmul.f32 v5, v59;
	v5 =	vpsel p1, v9, v0;
	[tilespmem:s28+$0x103F0] =	vst @p2 v3;
	v4 =	vpsel p1, v4, v0  }
0x541: {  	[tilespmem:s18+$0x105F0] =	vst v61;
	v2 =	vpsel p1, v10, v0;
	v5 =	vmul.f32 @p1 v5, v4  }
.Ltmp12:
0x542: {  	s0 =	smov.u32 @p1 s1;
	[tilespmem:s18+$0x106F0] =	vst v62;
	v2 =	vmul.f32 @p1 v2, v4;
	(pc) =	sbr.rel @p0 .LBB2_18-.Ltmp12, $4  }
0x543: {  	[tilespmem:s0+$0x104F0] =	vst @p1 v5;
	v63 =	vmul.f32 v0, v60  }
0x544: {  	[tilespmem:s0+$0x103F0] =	vst @p1 v2;
	v1 =	vmul.f32 v1, v60  }
0x545: {  	[tilespmem:s18+$0x104F0] =	vst v63  }
0x546: {  	[tilespmem:s18+$0x103F0] =	vst v1  }
0x547: {  	v0 =	vld [tilespmem:s9+$0xC000]  }
0x548: {  	v1 =	vld [tilespmem:$0x7E00]  }
0x549: {  	v2 =	vld [tilespmem:$0x7D00];
	_ =	sdelay $0x3  }
0x54a: {  	v1 =	vmul.f32 v1, v0  }
0x54b: {  	v0 =	vmul.f32 v2, v0  }
0x54c: {  	[tilespmem:$0x14000] =	vst v1  }
0x54d: {  	v34 =	vld [tilespmem:$0x7E10];
	[tilespmem:$0x13F00] =	vst v0  }
0x54e: {  	v0 =	vld [tilespmem:s9+$0xC010]  }
0x54f: {  	v35 =	vld [tilespmem:$0x7D10];
	_ =	sdelay $0x3  }
0x550: {  	v1 =	vmul.f32 v34, v0  }
0x551: {  	v0 =	vmul.f32 v35, v0  }
0x552: {  	[tilespmem:$0x14010] =	vst v1  }
0x553: {  	v36 =	vld [tilespmem:$0x7E20];
	[tilespmem:$0x13F10] =	vst v0  }
0x554: {  	v0 =	vld [tilespmem:s9+$0xC020]  }
0x555: {  	v37 =	vld [tilespmem:$0x7D20];
	_ =	sdelay $0x3  }
0x556: {  	v1 =	vmul.f32 v36, v0  }
0x557: {  	v0 =	vmul.f32 v37, v0  }
0x558: {  	[tilespmem:$0x14020] =	vst v1  }
0x559: {  	v38 =	vld [tilespmem:$0x7E30];
	[tilespmem:$0x13F20] =	vst v0  }
0x55a: {  	v0 =	vld [tilespmem:s9+$0xC030]  }
0x55b: {  	v39 =	vld [tilespmem:$0x7D30];
	_ =	sdelay $0x3  }
0x55c: {  	v1 =	vmul.f32 v38, v0  }
0x55d: {  	v0 =	vmul.f32 v39, v0  }
0x55e: {  	[tilespmem:$0x14030] =	vst v1  }
0x55f: {  	v40 =	vld [tilespmem:$0x7E40];
	[tilespmem:$0x13F30] =	vst v0  }
0x560: {  	v0 =	vld [tilespmem:s9+$0xC040]  }
0x561: {  	v41 =	vld [tilespmem:$0x7D40];
	_ =	sdelay $0x3  }
0x562: {  	v1 =	vmul.f32 v40, v0  }
0x563: {  	v0 =	vmul.f32 v41, v0  }
0x564: {  	[tilespmem:$0x14040] =	vst v1  }
0x565: {  	v42 =	vld [tilespmem:$0x7E50];
	[tilespmem:$0x13F40] =	vst v0  }
0x566: {  	v0 =	vld [tilespmem:s9+$0xC050]  }
0x567: {  	v43 =	vld [tilespmem:$0x7D50];
	_ =	sdelay $0x3  }
0x568: {  	v1 =	vmul.f32 v42, v0  }
0x569: {  	v0 =	vmul.f32 v43, v0  }
0x56a: {  	[tilespmem:$0x14050] =	vst v1  }
0x56b: {  	v44 =	vld [tilespmem:$0x7E60];
	[tilespmem:$0x13F50] =	vst v0  }
0x56c: {  	v0 =	vld [tilespmem:s9+$0xC060]  }
0x56d: {  	v45 =	vld [tilespmem:$0x7D60];
	_ =	sdelay $0x3  }
0x56e: {  	v1 =	vmul.f32 v44, v0  }
0x56f: {  	v0 =	vmul.f32 v45, v0  }
0x570: {  	[tilespmem:$0x14060] =	vst v1  }
0x571: {  	v46 =	vld [tilespmem:$0x7E70];
	[tilespmem:$0x13F60] =	vst v0  }
0x572: {  	v0 =	vld [tilespmem:s9+$0xC070]  }
0x573: {  	v47 =	vld [tilespmem:$0x7D70];
	_ =	sdelay $0x3  }
0x574: {  	v1 =	vmul.f32 v46, v0  }
0x575: {  	v0 =	vmul.f32 v47, v0  }
0x576: {  	[tilespmem:$0x14070] =	vst v1  }
0x577: {  	v48 =	vld [tilespmem:$0x7E80];
	[tilespmem:$0x13F70] =	vst v0  }
0x578: {  	v0 =	vld [tilespmem:s9+$0xC080]  }
0x579: {  	v49 =	vld [tilespmem:$0x7D80];
	_ =	sdelay $0x3  }
0x57a: {  	v1 =	vmul.f32 v48, v0  }
0x57b: {  	v0 =	vmul.f32 v49, v0  }
0x57c: {  	[tilespmem:$0x14080] =	vst v1  }
0x57d: {  	v50 =	vld [tilespmem:$0x7E90];
	[tilespmem:$0x13F80] =	vst v0  }
0x57e: {  	v0 =	vld [tilespmem:s9+$0xC090]  }
0x57f: {  	v51 =	vld [tilespmem:$0x7D90];
	_ =	sdelay $0x3  }
0x580: {  	v1 =	vmul.f32 v50, v0  }
0x581: {  	v0 =	vmul.f32 v51, v0  }
0x582: {  	[tilespmem:$0x14090] =	vst v1  }
0x583: {  	v52 =	vld [tilespmem:$0x7EA0];
	[tilespmem:$0x13F90] =	vst v0  }
0x584: {  	v0 =	vld [tilespmem:s9+$0xC0A0]  }
0x585: {  	v53 =	vld [tilespmem:$0x7DA0];
	_ =	sdelay $0x3  }
0x586: {  	v1 =	vmul.f32 v52, v0  }
0x587: {  	v0 =	vmul.f32 v53, v0  }
0x588: {  	[tilespmem:$0x140A0] =	vst v1  }
0x589: {  	v54 =	vld [tilespmem:$0x7EB0];
	[tilespmem:$0x13FA0] =	vst v0  }
0x58a: {  	v0 =	vld [tilespmem:s9+$0xC0B0]  }
0x58b: {  	v55 =	vld [tilespmem:$0x7DB0];
	_ =	sdelay $0x3  }
0x58c: {  	v1 =	vmul.f32 v54, v0  }
0x58d: {  	v0 =	vmul.f32 v55, v0  }
0x58e: {  	[tilespmem:$0x140B0] =	vst v1  }
0x58f: {  	v56 =	vld [tilespmem:$0x7EC0];
	[tilespmem:$0x13FB0] =	vst v0  }
0x590: {  	v0 =	vld [tilespmem:s9+$0xC0C0]  }
0x591: {  	v57 =	vld [tilespmem:$0x7DC0];
	_ =	sdelay $0x3  }
0x592: {  	v1 =	vmul.f32 v56, v0  }
0x593: {  	v0 =	vmul.f32 v57, v0  }
0x594: {  	[tilespmem:$0x140C0] =	vst v1  }
0x595: {  	v58 =	vld [tilespmem:$0x7ED0];
	[tilespmem:$0x13FC0] =	vst v0  }
0x596: {  	v0 =	vld [tilespmem:s9+$0xC0D0]  }
0x597: {  	v59 =	vld [tilespmem:$0x7DD0];
	_ =	sdelay $0x3  }
0x598: {  	v1 =	vmul.f32 v58, v0  }
0x599: {  	v0 =	vmul.f32 v59, v0  }
0x59a: {  	[tilespmem:$0x140D0] =	vst v1  }
0x59b: {  	v60 =	vld [tilespmem:$0x7EE0];
	[tilespmem:$0x13FD0] =	vst v0  }
0x59c: {  	v0 =	vld [tilespmem:s9+$0xC0E0]  }
0x59d: {  	v61 =	vld [tilespmem:$0x7DE0];
	_ =	sdelay $0x3  }
0x59e: {  	v1 =	vmul.f32 v60, v0  }
0x59f: {  	v0 =	vmul.f32 v61, v0  }
0x5a0: {  	[tilespmem:$0x140E0] =	vst v1  }
0x5a1: {  	v62 =	vld [tilespmem:$0x7EF0];
	[tilespmem:$0x13FE0] =	vst v0  }
0x5a2: {  	v0 =	vld [tilespmem:s9+$0xC0F0]  }
0x5a3: {  	v63 =	vld [tilespmem:$0x7DF0];
	_ =	sdelay $0x2  }
.Ltmp13:
0x5a4: {  	_ = 	snop;
	(pc) =	sbr.rel .LBB2_18-.Ltmp13, $4  }
0x5a5: {  	v1 =	vmul.f32 v62, v0  }
0x5a6: {  	v0 =	vmul.f32 v63, v0  }
0x5a7: {  	[tilespmem:$0x140F0] =	vst v1  }
0x5a8: {  	[tilespmem:$0x13FF0] =	vst v0  }
.LBB2_9:
.Ltmp14:
0x5a9: {  	(pc) =	sbr.rel .LBB2_16-.Ltmp14, $2  }
0x5aa: {  	_ =	sdelay $0x2  }
0x5ab: {  	s18 =	simm.s32 $0x0;
	s29 =	smov.u32 s16  }
.LBB2_11:
.Ltmp15:
0x5ac: {  	(pc) =	sbr.rel .LBB2_16-.Ltmp15, $4  }
0x5ad: {  	v35 =	vmov v11;
	v36 =	vmov v12  }
0x5ae: {  	v31 =	vmovc v0;
	v34 =	vmovc v1;
	v37 =	vmov v2;
	v38 =	vmov v3;
	v11 =	vmov v15  }
0x5af: {  	s29 =	smov.u32 s0;
	v12 =	vmovc v16;
	v0 =	vmovc v18;
	v10 =	vmov v26;
	v7 =	vmov v24;
	v8 =	vmov v25  }
0x5b0: {  	s18 =	simm.s32 $0x400;
	s1 =	simm.s32 $0x0;
	s0 =	smov.u32 s16;
	v2 =	vmovc v14;
	v3 =	vmovc v13;
	v6 =	vmov v22;
	v9 =	vmov v23;
	v1 =	vmov v17  }
.LBB2_13:
.Ltmp16:
0x5b1: {  	(pc) =	sbr.rel .LBB2_16-.Ltmp16, $3  }
0x5b2: {  	_ =	sdelay $0x1  }
0x5b3: {  	v32 =	vmovc v0;
	v33 =	vmovc v1;
	v35 =	vmov v15;
	v36 =	vmov v16;
	v31 =	vmov v18  }
0x5b4: {  	v0 =	vmovc v24;
	v34 =	vmovc v17;
	v1 =	vmov v25;
	v37 =	vmov v14;
	v38 =	vmov v13  }
.LBB2_20:
0x5b5: {  	_ =	sfence.sel $0x180000  }
0x5b6: {  	[bflag:$0x0] =	sbarrier.arrive $0xFFFF  }
0x5b7: {  	_ =	strace $0x9000004A  }
0x5b8: {  	s0 =	stileid.u32;
	[bflag:$0x2] =	sbarrier.arrive $0xFFFF  }
0x5b9: {  	p0 =	sne.s32 s0, $0x0;
	s0 =	rddreg [dreg:$0x2]  }
0x5ba: {  	s0 =	sadd.s32 @!p0 $0x100000, s0  }
0x5bb: {  	[sflag:s0] =	ssyncadd.tile.s32 @!p0 $0x1;
	_ =	shalt  }
.Lfunc_end2:
_tile_overlayer_lowered:
.L_overlay_start_2:
0x5bc: {  	(tag) =	ssettag $0x2  }
0x5bd: {  	s0 =	rddreg [dreg:$0x0];
	s2 =	stileid.u32  }
0x5be: {  	s1 =	rddreg [dreg:$0x1];
	p0 =	sne.s32 s2, $0x0  }
0x5bf: {  	s3 =	rddreg [dreg:$0x2];
	[bflag:$0x3] =	sbarrier.arrive $0xFFFF;
	s2 =	simm.s32 @!p0 $0x1C06  }
0x5c0: {  	[timem:s3], [sflag:s2] =	dma.local @!p0 [hbm:s0], s1  }
0x5c1: {  	s0 =	simm.s32 @!p0 $0x6  }
0x5c2: {  	_ =	swait.ge @!p0 [sflag:s0], s1  }
0x5c3: {  	s1 =	ssub.s32 @!p0 $0x0, s1;
	[sflag:s0] =	ssyncset.done @!p0 $0x0  }
0x5c4: {  	[sflag:s0] =	ssyncadd.s32 @!p0 s1  }
0x5c5: {  	[bflag:$0x3] =	sbarrier.arrive $0xFFFF  }
0x5c6: {  	_ =	shalt  }

// kernel: sparse-core-data-format-call.1.cloned.1.call-start
scs
called_computation.1_lowered:
.L_overlay_start_0:
0x0: {  	s2 =	sld [smem:$0x3FD9]  }
0x1: {  	s3 =	sld [smem:$0x3FFE];
	_ =	sdelay $0x1  }
0x2: {  	s1 =	srdreg.scid  }
0x3: {  	s0 =	sand.u32 $0x1, s1  }
0x4: {  	s18 =	sshll.u32 s0, $0xA;
	s2 =	sadd.s32 s3, s2  }
0x5: {  	s2 =	sadd.s32 s2, s18  }
0x6: {  	[smem:$0x3FC6] =	sst s2  }
0x7: {  	_ = 	snop  }
0x8: {  	s2 =	sld [smem:$0x3FC9];
	(tm) =	ssettm $0x1  }
0x9: {  	s19 =	sld [smem:$0x3FFB];
	_ =	sdelay $0x3  }
0xa: {  	_ =	strace s19  }
0xb: {  	s3 =	sld [smem:$0x3FFC];
	_ =	sdelay $0x3  }
0xc: {  	_ =	strace s3  }
0xd: {  	s3 =	sld [smem:$0x3FFD];
	_ =	sdelay $0x3  }
0xe: {  	_ =	strace s3  }
0xf: {  	_ =	strace $0x8FFFFFFF  }
0x10: {  	s20 =	sld [smem:$0x3FDB];
	_ =	sdelay $0x1  }
0x11: {  	s4 =	simm.s32 $_scs_section_size  }
0x12: {  	s5 =	simm.s32 $_size__tile_overlayer_lowered;
	s6 =	simm.s32 $_tile_overlayer_lowered  }
0x13: {  	s23 =	simm.s32 $0x1BFF;
	s22 =	sshll.u32 s6, $0x1;
	s3 =	sadd.s32 s4, s20  }
0x14: {  	s7 =	simm.s32 $0x0;
	s21 =	sshll.u32 s5, $0x1;
	s5 =	sadd.s32 s22, s3  }
0x15: {  	[timem:s7], [sflag:s23] =	dma.local [hbm:s5], s21  }
0x16: {  	_ =	swait.ge [sflag:s23], s21  }
0x17: {  	s4 =	ssub.s32 $0x0, s21;
	[sflag:s23] =	ssyncset.done $0x0  }
0x18: {  	[sflag:s23] =	ssyncadd.s32 s4;
	_ =	sdelay $0x1  }
0x19: {  	s24 =	simm.s32 $0x1B8B  }
0x1a: {  	_ =	swait.ge [sflag:s24], $0x1  }
0x1b: {  	[sflag:s24] =	ssyncset.done $0x0  }
0x1c: {  	s26 =	simm.s32 $0x1B8E;
	s25 =	sld [smem:$0x3FFE];
	[sflag:s24] =	ssyncadd.s32 $0xFFFFFFFF  }
0x1d: {  	s27 =	simm.s32 $execute0_lowered;
	[smem:$0x3FD2] =	sst s26  }
0x1e: {  	s5 =	sshll.u32 s27, $0x1;
	_ =	strace $0x80000046;
	[dreg:$0x1] =	wrdreg $0xFFFFFFFF  }
0x1f: {  	s28 =	simm.s32 $_size_execute0_lowered;
	s3 =	sadd.s32 s3, s5;
	[dreg:$0x0] =	wrdreg $0x0  }
0x20: {  	s5 =	sshll.u32 s28, $0x1;
	[dreg:$0x2] =	wrdreg s3  }
0x21: {  	[dreg:$0x3] =	wrdreg s5  }
0x22: {  	[dreg:$0x4] =	wrdreg $0xC0  }
0x23: {  	_ =	task [dreg:s7], $0x5FFFF  }
0x24: {  	[dreg:$0x1] =	wrdreg $0xFFFFFFFF  }
0x25: {  	[dreg:$0x0] =	wrdreg $0x60  }
0x26: {  	[dreg:$0x2] =	wrdreg s2  }
0x27: {  	[dreg:$0x3] =	wrdreg s25  }
0x28: {  	[dreg:$0x4] =	wrdreg $0x9  }
0x29: {  	_ =	task.clear_ibuf [dreg:s7], $0x5FFFF;
	_ =	strace $0x90000046  }
0x2a: {  	s29 =	simm.s32 $0x9;
	_ =	strace $0x80000048  }
0x2b: {  	_ =	swait.ge [sflag:s29], $0x1  }
0x2c: {  	[sflag:s29] =	ssyncadd.s32 $0xFFFFFFFF  }
0x2d: {  	_ =	strace $0x90000048  }
0x2e: {  	_ =	sfence  }
0x2f: {  	s30 =	sld [smem:$0x0];
	_ =	sdelay $0x2  }
0x30: {  	s31 =	sshll.u32 s1, $0xD;
	s1 =	sshrl.u32 s1, $0x2  }
0x31: {  	s3 =	sand.u32 $0x4000, s31;
	s1 =	sadd.s32 s1, s30  }
0x32: {  	s0 =	sor.u32 s3, s0;
	s1 =	sshll.u32 s1, $0x11  }
0x33: {  	s0 =	sor.u32 s1, s0  }
0x34: {  	s0 =	sadd.s32 $0x8F2B, s0  }
0x35: {  	[sflag:s0] =	ssyncadd.remote.s32 $0x1  }
0x36: {  	_ =	sfence.sel $0xFFFF  }
0x37: {  	[dreg:$0x0] =	wrdreg $0xFFFFFFFF;
	(pc) =	sbr.abs _section_cstart, $3  }
0x38: {  	[dreg:$0x1] =	wrdreg $0xFFFFFFFF  }
0x39: {  	_ =	task.clear_ibuf [dreg:s7], $0x2FFFF;
	_ =	strace $0x9FFFFFFF  }
0x3a: {  	(tm) =	ssettm $0x7FFFFFFF  }
0x3b: {  	_ =	shalt  }
tec
execute0_lowered:
.L_overlay_start_1:
0x0: {  	(tag) =	ssettag $0x1  }
0x1: {  	s0 =	stileid.u32  }
0x2: {  	s1 =	srdreg.scid;
	s2 =	rddreg [dreg:$0x0]  }
0x3: {  	s4 =	rddreg [dreg:$0x1];
	s7 =	simm.s32 $0x1;
	s8 =	simm.s32 $0x2  }
0x4: {  	s15 =	simm.s32 $0x0;
	s3 =	sshll.u32 s0, $0x2;
	s1 =	sshll.u32 s1, $0x6  }
0x5: {  	s9 =	simm.s32 $0x800;
	s10 =	simm.s32 $0x80000;
	s1 =	sor.u32 s3, s1  }
0x6: {  	s11 =	simm.s32 $0x0;
	s16 =	simm.s32 $0x0;
	s3 =	sand.u32 $0x70, s1  }
0x7: {  	s14 =	simm.s32 $0x0;
	s4 =	sadd.s32 $0xE00, s4;
	s6 =	ssub.s32 $0x1000, s3  }
.Ltmp0:
0x8: {  	s1 =	rddreg [dreg:$0x2];
	s5 =	sand.u32 $0x70, s6;
	(pc) =	sbr.rel .LBB1_1-.Ltmp0, $4  }
0x9: {  	_ =	strace $0x80000047;
	s12 =	smov.u32 s3;
	p0 =	sne.s32 s5, $0x0  }
0xa: {  	s6 =	sshrl.u32 s6, $0x7;
	s5 =	simm.s32 $0x1;
	s7 =	simm.s32 @!p0 $0x0  }
0xb: {  	[sflag:s5] =	ssyncpa.u1 $0x0;
	s6 =	sadd.s32 s7, s6;
	s7 =	sand.u32 $0x3, s0  }
0xc: {  	[sflag:s8] =	ssyncpa.u1 $0x0;
	s8 =	sadd.s32 $0x1, s6;
	s13 =	smov.u32 s7  }
.LBB1_7:
0xd: {  	s17 =	sadd.s32 $0x80, s12  }
0xe: {  	s15 =	sadd.s32 $0x4, s13;
	s19 =	smov.u32 s13;
	p1 =	sgt.s32 s17, $0xFFF  }
0xf: {  	s19 =	smov.u32 @p1 s15  }
0x10: {  	s17 =	smov.u32 @p1 s3;
	p1 =	sgt.s32 s19, $0x3  }
0x11: {  	s19 =	smov.u32 @p1 s7;
	p1 =	sne.s32 s14, s8  }
.Ltmp1:
0x12: {  	p0 =	slt.u32 s14, $0x2;
	(pc) =	sbr.rel @!p1 .LBB1_8-.Ltmp1, $4  }
0x13: {  	s18 =	simm.s32 @!p0 $0x2  }
0x14: {  	s16 =	smov.u32 s13;
	s11 =	sadd.s32 $0x4000, s11;
	_ =	swait.ge @!p0 [sflag:s18], $0x4000  }
0x15: {  	s15 =	smov.u32 s12;
	[sflag:s18] =	ssyncset.done @!p0 $0x0;
	s12 =	smov.u32 s17  }
0x16: {  	s14 =	sadd.s32 $0x1, s14;
	[sflag:s18] =	ssyncadd.s32 @!p0 $0xFFFFC000;
	s13 =	smov.u32 s19  }
.LBB1_1:
0x17: {  	p0 =	sge.u32 s14, s6  }
0x18: {  	s31 =	sadd.s32 $0xFFFFFFFF, s14;
	s17 =	sxor.u32 @!p0 $0xFFFFFFFF, s14;
	s18 =	sshll.u32 @!p0 s13, $0x13  }
0x19: {  	s19 =	sshll.u32 @!p0 s12, $0x7;
	s17 =	sshll.u32 @!p0 s17, $0xE;
	s18 =	sadd.s32 @!p0 s2, s18  }
0x1a: {  	s17 =	sand.u32 @!p0 $0x4000, s17;
	s18 =	sadd.s32 @!p0 s19, s18;
	s19 =	simm.s32 @!p0 $0x0  }
0x1b: {  	[tilespmem:s17], [sflag:$0x1] =	stream.linear.gather @!p0 [hbm4b:s18+s19], $0x4000, $0x38;
	[tilespmem:$0x10000] =	vst v63  }
0x1c: {  	p0 =	sge.u32 s31, s6  }
.Ltmp2:
0x1d: {  	_ = 	snop;
	(pc) =	sbr.rel @p0 .LBB1_7-.Ltmp2, $1  }
0x1e: {  	_ =	sdelay $0x3  }
0x1f: {  	s18 =	sand.u32 $0x4000, s11  }
0x20: {  	_ =	swait.ge [sflag:s5], $0x4000;
	s20 =	sshll.u32 s14, $0xE;
	s17 =	sor.u32 $0x8040, s18  }
0x21: {  	s19 =	sor.u32 $0x40, s18;
	[sflag:s5] =	ssyncset.done $0x0;
	s31 =	sand.u32 $0x4000, s20  }
0x22: {  	s20 =	simm.s32 $0x0;
	[sflag:s5] =	ssyncadd.s32 $0xFFFFC000;
	s18 =	sor.u32 $0x8000, s31  }
.LBB1_3:
0x23: {  	v0 =	vmov s19;
	_ =	sdelay $0x3  }
0x24: {  	s22 =	simm.s32 $0x0  }
0x25: {  	v6 =	vld.idx.msk [tilespmem:v0+s22+$0x30 ss:$0x1], $0xffff  }
0x26: {  	v7 =	vld.idx.msk [tilespmem:v0+s22+$0xFFFFFFC0 ss:$0x1], $0xffff  }
0x27: {  	v5 =	vld.idx.msk [tilespmem:v0+s22+$0xFFFFFFD0 ss:$0x1], $0xffff  }
0x28: {  	v4 =	vld.idx.msk [tilespmem:v0+s22+$0xFFFFFFE0 ss:$0x1], $0xffff  }
0x29: {  	v3 =	vld.idx.msk [tilespmem:v0+s22+$0xFFFFFFF0 ss:$0x1], $0xffff  }
0x2a: {  	v1 =	vld.idx.msk [tilespmem:v0+s22+$0x0 ss:$0x1], $0xffff  }
0x2b: {  	v2 =	vld.idx.msk [tilespmem:v0+s22+$0x10 ss:$0x1], $0xffff;
	[tilespmem:s17+$0x30] =	vst v6  }
0x2c: {  	s21 =	simm.s32 $0x80;
	s23 =	simm.s32 $0x400;
	[tilespmem:s17+$0xFFFFFFC0] =	vst v7;
	v6 =	vld.idx.msk [tilespmem:v0+s22+$0x20 ss:$0x1], $0xffff;
	s22 =	smov.u32 s17  }
.LBB1_4:
0x2d: {  	p0 =	sne.s32 s23, $0xE00;
	v7 =	vld.idx.msk [tilespmem:v0+s21+$0x30 ss:$0x1], $0xffff;
	[tilespmem:s22+$0xFFFFFFD0] =	vst v5  }
0x2e: {  	v8 =	vld.idx.msk [tilespmem:v0+s21+$0xFFFFFFC0 ss:$0x1], $0xffff;
	[tilespmem:s22+$0xFFFFFFE0] =	vst v4  }
0x2f: {  	v5 =	vld.idx.msk [tilespmem:v0+s21+$0xFFFFFFD0 ss:$0x1], $0xffff;
	[tilespmem:s22+$0xFFFFFFF0] =	vst v3  }
.Ltmp3:
0x30: {  	v4 =	vld.idx.msk [tilespmem:v0+s21+$0xFFFFFFE0 ss:$0x1], $0xffff;
	[tilespmem:s22+$0x0] =	vst v1;
	(pc) =	sbr.rel @p0 .LBB1_4-.Ltmp3, $4  }
0x31: {  	v3 =	vld.idx.msk [tilespmem:v0+s21+$0xFFFFFFF0 ss:$0x1], $0xffff;
	[tilespmem:s22+$0x10] =	vst v2  }
0x32: {  	v1 =	vld.idx.msk [tilespmem:v0+s21+$0x0 ss:$0x1], $0xffff;
	[tilespmem:s22+$0x20] =	vst v6;
	s22 =	sadd.s32 $0x800, s22  }
0x33: {  	v2 =	vld.idx.msk [tilespmem:v0+s21+$0x10 ss:$0x1], $0xffff;
	[tilespmem:s22+$0x30] =	vst v7  }
0x34: {  	[tilespmem:s22+$0xFFFFFFC0] =	vst v8;
	v6 =	vld.idx.msk [tilespmem:v0+s21+$0x20 ss:$0x1], $0xffff;
	s21 =	sshra.s32 s23, $0x2;
	s23 =	sadd.s32 $0x200, s23  }
0x35: {  	_ =	sdelay $0x2  }
0x36: {  	[tilespmem:s22+$0xFFFFFFD0] =	vst v5  }
0x37: {  	v56 =	vld.idx.msk [tilespmem:v0+s21+$0x30 ss:$0x1], $0xffff;
	[tilespmem:s22+$0xFFFFFFE0] =	vst v4  }
0x38: {  	v57 =	vld.idx.msk [tilespmem:v0+s21+$0xFFFFFFC0 ss:$0x1], $0xffff;
	[tilespmem:s22+$0xFFFFFFF0] =	vst v3  }
0x39: {  	v58 =	vld.idx.msk [tilespmem:v0+s21+$0xFFFFFFD0 ss:$0x1], $0xffff;
	[tilespmem:s22+$0x0] =	vst v1  }
0x3a: {  	v59 =	vld.idx.msk [tilespmem:v0+s21+$0xFFFFFFE0 ss:$0x1], $0xffff;
	[tilespmem:s22+$0x10] =	vst v2  }
0x3b: {  	v60 =	vld.idx.msk [tilespmem:v0+s21+$0xFFFFFFF0 ss:$0x1], $0xffff;
	s31 =	sadd.s32 $0x800, s22;
	[tilespmem:s22+$0x20] =	vst v6  }
0x3c: {  	v61 =	vld.idx.msk [tilespmem:v0+s21+$0x0 ss:$0x1], $0xffff;
	[tilespmem:s31+$0x30] =	vst v56  }
0x3d: {  	v62 =	vld.idx.msk [tilespmem:v0+s21+$0x10 ss:$0x1], $0xffff;
	s20 =	sadd.s32 $0x1, s20;
	[tilespmem:s31+$0xFFFFFFC0] =	vst v57  }
0x3e: {  	v63 =	vld.idx.msk [tilespmem:v0+s21+$0x20 ss:$0x1], $0xffff;
	p0 =	sne.s32 s20, $0x10;
	[tilespmem:s31+$0xFFFFFFD0] =	vst v58  }
.Ltmp4:
0x3f: {  	[tilespmem:s31+$0xFFFFFFE0] =	vst v59;
	(pc) =	sbr.rel @p0 .LBB1_3-.Ltmp4, $4  }
0x40: {  	[tilespmem:s31+$0xFFFFFFF0] =	vst v60  }
0x41: {  	[tilespmem:s31+$0x0] =	vst v61  }
0x42: {  	[tilespmem:s31+$0x10] =	vst v62  }
0x43: {  	s17 =	sadd.s32 $0x80, s17;
	s19 =	sadd.s32 $0x400, s19;
	[tilespmem:s31+$0x20] =	vst v63  }
.Ltmp5:
0x44: {  	(pc) =	sbr.rel .LBB1_7-.Ltmp5, $4  }
0x45: {  	s16 =	sshll.u32 s16, $0x13;
	s15 =	sshll.u32 s15, $0x4  }
0x46: {  	s15 =	sand.u32 $0xFFF0, s15;
	s16 =	sadd.s32 s4, s16  }
0x47: {  	s15 =	sadd.s32 s15, s16  }
0x48: {  	[hbm4b:s15+s9] =	stream.strided.scatter [tilespmem:s18], [sflag:$0x2], $0x4000, s10, s9, $0x38;
	[tilespmem:$0x10000] =	vst v63  }
.LBB1_8:
0x49: {  	_ =	sfence.sel $0x180000  }
0x4a: {  	s2 =	simm.s32 $0x1;
	[bflag:$0x0] =	sbarrier.arrive $0xFFFF  }
0x4b: {  	s31 =	simm.s32 $0x2;
	[sflag:s2] =	ssyncpa.u1 $0x1  }
0x4c: {  	[sflag:s31] =	ssyncpa.u1 $0x1  }
0x4d: {  	p0 =	sne.s32 s0, $0x0;
	_ =	strace $0x90000047  }
0x4e: {  	s0 =	sadd.s32 @!p0 $0x100000, s1;
	[bflag:$0x2] =	sbarrier.arrive $0xFFFF  }
0x4f: {  	[sflag:s0] =	ssyncadd.tile.s32 @!p0 $0x1;
	_ =	shalt  }
.Lfunc_end1:
_tile_overlayer_lowered:
.L_overlay_start_2:
0x50: {  	(tag) =	ssettag $0x2  }
0x51: {  	s0 =	rddreg [dreg:$0x0];
	s2 =	stileid.u32  }
0x52: {  	s1 =	rddreg [dreg:$0x1];
	p0 =	sne.s32 s2, $0x0  }
0x53: {  	s3 =	rddreg [dreg:$0x2];
	[bflag:$0x3] =	sbarrier.arrive $0xFFFF;
	s2 =	simm.s32 @!p0 $0x1C01  }
0x54: {  	[timem:s3], [sflag:s2] =	dma.local @!p0 [hbm:s0], s1  }
0x55: {  	s0 =	simm.s32 @!p0 $0x1  }
0x56: {  	_ =	swait.ge @!p0 [sflag:s0], s1  }
0x57: {  	s1 =	ssub.s32 @!p0 $0x0, s1;
	[sflag:s0] =	ssyncset.done @!p0 $0x0  }
0x58: {  	[sflag:s0] =	ssyncadd.s32 @!p0 s1  }
0x59: {  	[bflag:$0x3] =	sbarrier.arrive $0xFFFF  }
0x5a: {  	_ =	shalt  }

// kernel: sparse-core-data-format-call.cloned.1.call-start
scs
called_computation_lowered:
.L_overlay_start_0:
0x0: {  	s2 =	sld [smem:$0x3FD9]  }
0x1: {  	s3 =	sld [smem:$0x3FFE];
	_ =	sdelay $0x1  }
0x2: {  	s1 =	srdreg.scid  }
0x3: {  	s0 =	sand.u32 $0x1, s1  }
0x4: {  	s18 =	sshll.u32 s0, $0xA;
	s2 =	sadd.s32 s3, s2  }
0x5: {  	s2 =	sadd.s32 s2, s18  }
0x6: {  	[smem:$0x3FC6] =	sst s2  }
0x7: {  	_ = 	snop  }
0x8: {  	s2 =	sld [smem:$0x3FD0];
	(tm) =	ssettm $0x1  }
0x9: {  	s19 =	sld [smem:$0x3FFB];
	_ =	sdelay $0x3  }
0xa: {  	_ =	strace s19  }
0xb: {  	s3 =	sld [smem:$0x3FFC];
	_ =	sdelay $0x3  }
0xc: {  	_ =	strace s3  }
0xd: {  	s3 =	sld [smem:$0x3FFD];
	_ =	sdelay $0x3  }
0xe: {  	_ =	strace s3  }
0xf: {  	_ =	strace $0x8FFFFFFF  }
0x10: {  	s20 =	sld [smem:$0x3FDB];
	_ =	sdelay $0x1  }
0x11: {  	s4 =	simm.s32 $_scs_section_size  }
0x12: {  	s5 =	simm.s32 $_size__tile_overlayer_lowered;
	s6 =	simm.s32 $_tile_overlayer_lowered  }
0x13: {  	s23 =	simm.s32 $0x1BFF;
	s22 =	sshll.u32 s6, $0x1;
	s3 =	sadd.s32 s4, s20  }
0x14: {  	s7 =	simm.s32 $0x0;
	s21 =	sshll.u32 s5, $0x1;
	s5 =	sadd.s32 s22, s3  }
0x15: {  	[timem:s7], [sflag:s23] =	dma.local [hbm:s5], s21  }
0x16: {  	_ =	swait.ge [sflag:s23], s21  }
0x17: {  	s4 =	ssub.s32 $0x0, s21;
	[sflag:s23] =	ssyncset.done $0x0  }
0x18: {  	[sflag:s23] =	ssyncadd.s32 s4;
	_ =	sdelay $0x1  }
0x19: {  	s24 =	simm.s32 $0x1B8B  }
0x1a: {  	_ =	swait.ge [sflag:s24], $0x1  }
0x1b: {  	[sflag:s24] =	ssyncset.done $0x0  }
0x1c: {  	s26 =	simm.s32 $0x1B8E;
	s25 =	sld [smem:$0x3FFE];
	[sflag:s24] =	ssyncadd.s32 $0xFFFFFFFF  }
0x1d: {  	s27 =	simm.s32 $execute0_lowered;
	[smem:$0x3FD2] =	sst s26  }
0x1e: {  	s5 =	sshll.u32 s27, $0x1;
	_ =	strace $0x8000004C;
	[dreg:$0x1] =	wrdreg $0xFFFFFFFF  }
0x1f: {  	s28 =	simm.s32 $_size_execute0_lowered;
	s3 =	sadd.s32 s3, s5;
	[dreg:$0x0] =	wrdreg $0x0  }
0x20: {  	s5 =	sshll.u32 s28, $0x1;
	[dreg:$0x2] =	wrdreg s3  }
0x21: {  	[dreg:$0x3] =	wrdreg s5  }
0x22: {  	[dreg:$0x4] =	wrdreg $0xC0  }
0x23: {  	_ =	task [dreg:s7], $0x5FFFF  }
0x24: {  	[dreg:$0x1] =	wrdreg $0xFFFFFFFF  }
0x25: {  	[dreg:$0x0] =	wrdreg $0x60  }
0x26: {  	[dreg:$0x2] =	wrdreg s25  }
0x27: {  	[dreg:$0x3] =	wrdreg s2  }
0x28: {  	[dreg:$0x4] =	wrdreg $0x9  }
0x29: {  	_ =	task.clear_ibuf [dreg:s7], $0x5FFFF;
	_ =	strace $0x9000004C  }
0x2a: {  	s29 =	simm.s32 $0x9;
	_ =	strace $0x8000004E  }
0x2b: {  	_ =	swait.ge [sflag:s29], $0x1  }
0x2c: {  	[sflag:s29] =	ssyncadd.s32 $0xFFFFFFFF  }
0x2d: {  	_ =	strace $0x9000004E  }
0x2e: {  	_ =	sfence  }
0x2f: {  	s30 =	sld [smem:$0x0];
	_ =	sdelay $0x2  }
0x30: {  	s31 =	sshll.u32 s1, $0xD;
	s1 =	sshrl.u32 s1, $0x2  }
0x31: {  	s3 =	sand.u32 $0x4000, s31;
	s1 =	sadd.s32 s1, s30  }
0x32: {  	s0 =	sor.u32 s3, s0;
	s1 =	sshll.u32 s1, $0x11  }
0x33: {  	s0 =	sor.u32 s1, s0  }
0x34: {  	s0 =	sadd.s32 $0x8F2B, s0  }
0x35: {  	[sflag:s0] =	ssyncadd.remote.s32 $0x1  }
0x36: {  	_ =	sfence.sel $0xFFFF  }
0x37: {  	[dreg:$0x0] =	wrdreg $0xFFFFFFFF;
	(pc) =	sbr.abs _section_cstart, $3  }
0x38: {  	[dreg:$0x1] =	wrdreg $0xFFFFFFFF  }
0x39: {  	_ =	task.clear_ibuf [dreg:s7], $0x2FFFF;
	_ =	strace $0x9FFFFFFF  }
0x3a: {  	(tm) =	ssettm $0x7FFFFFFF  }
0x3b: {  	_ =	shalt  }
tec
execute0_lowered:
.L_overlay_start_1:
0x0: {  	(tag) =	ssettag $0x1  }
0x1: {  	s1 =	rddreg [dreg:$0x0]  }
0x2: {  	s2 =	rddreg [dreg:$0x1]  }
0x3: {  	s0 =	rddreg [dreg:$0x2]  }
0x4: {  	s4 =	srdreg.scid;
	_ =	strace $0x8000004D;
	s6 =	simm.s32 $0x2  }
0x5: {  	s14 =	simm.s32 $0x0;
	p0 =	por $0x0, $0x0;
	s16 =	simm.s32 $0x0  }
0x6: {  	s15 =	simm.s32 $0x0;
	s7 =	simm.s32 $0x0;
	s9 =	simm.s32 $0x0  }
.Ltmp0:
0x7: {  	s10 =	simm.s32 $0x0;
	s11 =	simm.s32 $0x0;
	(pc) =	sbr.rel .LBB1_1-.Ltmp0, $4  }
0x8: {  	s12 =	simm.s32 $0x0;
	s3 =	sadd.s32 $0xE00, s1;
	s4 =	sshll.u32 s4, $0x4  }
0x9: {  	s1 =	stileid.u32;
	s5 =	sand.u32 $0x10, s4;
	s4 =	simm.s32 $0x1  }
0xa: {  	s8 =	simm.s32 $0x0;
	s5 =	sor.u32 s1, s5;
	[sflag:s4] =	ssyncpa.u1 $0x0  }
0xb: {  	[sflag:s6] =	ssyncpa.u1 $0x0;
	s6 =	simm.s32 $0x4000;
	s13 =	smov.u32 s5  }
.LBB1_5:
0xc: {  	p1 =	slt.u32 s8, $0x2  }
0xd: {  	s17 =	smov.u32 s16;
	p2 =	sgt.s32 @!p1 s16, $0x77F  }
0xe: {  	s18 =	sshra.s32 @!p1 s16, $0x1F;
	s19 =	sshra.s32 @!p1 s15, $0x1F;
	p2 =	por !p2, p1  }
0xf: {  	s16 =	sand.u32 @!p1 s18, s16;
	s17 =	simm.s32 @p2 $0x77F;
	p2 =	sgt.s32 @!p1 s15, $0x1F  }
0x10: {  	s18 =	smov.u32 s15;
	p2 =	por !p2, p1;
	s16 =	ssub.s32 @!p1 s17, s16  }
0x11: {  	s15 =	sand.u32 @!p1 s19, s15;
	s18 =	simm.s32 @p2 $0x1F;
	s17 =	sadd.s32 @!p1 $0xFFFFF881, s16  }
0x12: {  	p2 =	sgt.s32 @!p1 s14, $0x180;
	s15 =	ssub.s32 @!p1 s18, s15;
	p3 =	sgt.s32 @!p1 s17, $0x7F  }
0x13: {  	p2 =	por !p2, p1;
	s18 =	smov.u32 s14;
	s17 =	sadd.s32 @!p1 $0xFFFFFFE1, s15  }
0x14: {  	s18 =	simm.s32 @p2 $0x180;
	p2 =	sgt.s32 @!p1 s17, $0x0;
	s17 =	sshra.s32 @!p1 s14, $0x1F  }
0x15: {  	s16 =	ssub.s32 @!p1 $0x7FF, s16;
	p3 =	por !p3, p1;
	s14 =	sand.u32 @!p1 s17, s14  }
0x16: {  	s15 =	ssub.s32 @!p1 $0x20, s15;
	p2 =	por !p2, p1;
	s14 =	ssub.s32 @!p1 s18, s14  }
0x17: {  	s16 =	simm.s32 @!p3 $0x0;
	s15 =	simm.s32 @!p2 $0x0;
	s17 =	sadd.s32 @!p1 $0xFFFFFE80, s14  }
0x18: {  	s18 =	smov.u32 s12;
	s15 =	smul.u32 @!p1 s15, s16;
	p2 =	sgt.s32 @!p1 s17, $0x7F  }
0x19: {  	s14 =	ssub.s32 @!p1 $0x200, s14;
	s17 =	sadd.s32 $0x80, s11;
	p2 =	por !p2, p1  }
0x1a: {  	s16 =	sadd.s32 $0x80, s12;
	s14 =	simm.s32 @!p2 $0x0;
	p2 =	sgt.s32 s17, $0x1FF  }
0x1b: {  	s19 =	smov.u32 s13;
	s18 =	smov.u32 @p2 s16  }
0x1c: {  	s14 =	smul.u32 @!p1 s14, s15;
	s15 =	sadd.s32 $0x20, s13;
	p3 =	sgt.s32 s18, $0x7FE  }
0x1d: {  	s8 =	sadd.s32 $0x1, s8;
	p0 =	por !p0, !p0;
	s19 =	smov.u32 @p3 s15  }
0x1e: {  	s20 =	simm.s32 @!p1 $0x2;
	s17 =	simm.s32 @p2 $0x0;
	p2 =	sgt.s32 s19, $0x1F  }
0x1f: {  	s16 =	smov.u32 s9;
	s19 =	smov.u32 @p2 s5;
	p2 =	sne.s32 s8, $0x42  }
.Ltmp1:
0x20: {  	s9 =	smov.u32 s12;
	s14 =	sand.u32 @!p1 $0x3FFFFFFF, s14;
	(pc) =	sbr.rel @!p2 .LBB1_6-.Ltmp1, $4  }
0x21: {  	s18 =	simm.s32 @p3 $0x0;
	s15 =	smov.u32 s10;
	s10 =	smov.u32 s13  }
0x22: {  	_ =	swait.ge @!p1 [sflag:s20], s14;
	s21 =	ssub.s32 @!p1 $0x0, s14;
	s14 =	smov.u32 s7  }
0x23: {  	s7 =	smov.u32 s11;
	s11 =	smov.u32 s17;
	[sflag:s20] =	ssyncset.done @!p1 $0x0  }
0x24: {  	s12 =	smov.u32 s18;
	[sflag:s20] =	ssyncadd.s32 @!p1 s21;
	s13 =	smov.u32 s19  }
.LBB1_1:
0x25: {  	p1 =	sgt.u32 s8, $0x3F  }
0x26: {  	s17 =	sxor.u32 @!p1 $0xFFFFFFFF, s8  }
0x27: {  	s18 =	sshll.u32 @!p1 s12, $0x9;
	s19 =	sshll.u32 @!p1 s11, $0x3;
	s20 =	sshll.u32 @!p1 s12, $0x7  }
0x28: {  	s21 =	sand.u32 @!p1 $0x78, s11;
	s18 =	sand.u32 @!p1 $0xFF000, s18;
	s19 =	sand.u32 @!p1 $0xFFC00, s19  }
0x29: {  	s17 =	sshll.u32 @!p1 s17, $0xE;
	s18 =	sadd.s32 @!p1 s18, s19;
	s19 =	sand.u32 @!p1 $0x200, s20  }
0x2a: {  	s17 =	sand.u32 @!p1 $0x4000, s17;
	s18 =	sor.u32 @!p1 s19, s18;
	s19 =	sand.u32 @!p1 $0x180, s20  }
0x2b: {  	s20 =	sshll.u32 @!p1 s13, $0x11;
	s19 =	sor.u32 @!p1 s21, s19;
	s18 =	sshrl.u32 @!p1 s18, $0x3  }
0x2c: {  	s20 =	sadd.s32 @!p1 s3, s20;
	s21 =	sand.u32 @!p1 $0x7, s11;
	s19 =	sshrl.u32 @!p1 s19, $0x3  }
0x2d: {  	s18 =	sand.u32 @!p1 $0x1FFC0, s18;
	s19 =	sadd.s32 @!p1 s19, s20;
	s20 =	sshll.u32 @!p1 s21, $0x12  }
0x2e: {  	s18 =	sadd.s32 @!p1 s18, s19;
	s19 =	sor.u32 @!p1 $0x400, s20;
	s20 =	simm.s32 @!p1 $0x1000  }
0x2f: {  	[tilespmem:s17], [sflag:$0x1] =	stream.strided.gather @!p1 [hbm4b:s18+s19], $0x4000, s20, s19, $0x38;
	[tilespmem:$0x10000] =	vst v63  }
0x30: {  	p1 =	seq.s32 s8, $0x0  }
0x31: {  	p2 =	seq.s32 @!p1 s8, $0x41  }
0x32: {  	p1 =	por p1, p2  }
.Ltmp2:
0x33: {  	_ = 	snop;
	(pc) =	sbr.rel @p1 .LBB1_5-.Ltmp2, $1  }
0x34: {  	_ =	sdelay $0x3  }
0x35: {  	s17 =	simm.s32 $0x1  }
0x36: {  	s17 =	simm.s32 @!p0 $0x0  }
0x37: {  	s17 =	sshll.u32 s17, $0xE  }
0x38: {  	s18 =	sor.u32 $0x40, s17  }
0x39: {  	v1 =	vmov s18;
	_ =	sdelay $0x1  }
0x3a: {  	_ =	swait.ge [sflag:s4], $0x4000  }
0x3b: {  	[sflag:s4] =	ssyncset.done $0x0  }
0x3c: {  	s19 =	simm.s32 $0x0;
	[sflag:s4] =	ssyncadd.s32 $0xFFFFC000  }
0x3d: {  	s17 =	sor.u32 $0x8070, s17;
	v4 =	vld.idx.msk [tilespmem:v1+s19+$0x30 ss:$0x1], $0xffff  }
0x3e: {  	v0 =	vmov s17;
	v8 =	vld.idx.msk [tilespmem:v1+s19+$0xFFFFFFC0 ss:$0x1], $0xffff  }
0x3f: {  	v7 =	vld.idx.msk [tilespmem:v1+s19+$0xFFFFFFD0 ss:$0x1], $0xffff  }
0x40: {  	v6 =	vld.idx.msk [tilespmem:v1+s19+$0xFFFFFFE0 ss:$0x1], $0xffff  }
0x41: {  	v5 =	vld.idx.msk [tilespmem:v1+s19+$0xFFFFFFF0 ss:$0x1], $0xffff  }
0x42: {  	s31 =	sshll.u32 s8, $0xE;
	v3 =	vld.idx.msk [tilespmem:v1+s19+$0x0 ss:$0x1], $0xffff  }
0x43: {  	s17 =	sand.u32 $0x4000, s31;
	v2 =	vld.idx.msk [tilespmem:v1+s19+$0x10 ss:$0x1], $0xffff;
	[tilespmem:v0+s19+$0x0 ss:$0x1] =	vst.idx.msk $0xffff, v4  }
0x44: {  	s20 =	simm.s32 $0x400;
	s18 =	simm.s32 $0x80;
	s17 =	sor.u32 $0x8000, s17;
	[tilespmem:v0+s19+$0xFFFFFF90 ss:$0x1] =	vst.idx.msk $0xffff, v8;
	v4 =	vld.idx.msk [tilespmem:v1+s19+$0x20 ss:$0x1], $0xffff  }
.LBB1_3:
0x45: {  	p1 =	sne.s32 s20, $0xFE00;
	v8 =	vld.idx.msk [tilespmem:v1+s18+$0x30 ss:$0x1], $0xffff;
	[tilespmem:v0+s19+$0xFFFFFFA0 ss:$0x1] =	vst.idx.msk $0xffff, v7  }
0x46: {  	v9 =	vld.idx.msk [tilespmem:v1+s18+$0xFFFFFFC0 ss:$0x1], $0xffff;
	[tilespmem:v0+s19+$0xFFFFFFB0 ss:$0x1] =	vst.idx.msk $0xffff, v6  }
0x47: {  	v7 =	vld.idx.msk [tilespmem:v1+s18+$0xFFFFFFD0 ss:$0x1], $0xffff;
	[tilespmem:v0+s19+$0xFFFFFFC0 ss:$0x1] =	vst.idx.msk $0xffff, v5  }
.Ltmp3:
0x48: {  	v6 =	vld.idx.msk [tilespmem:v1+s18+$0xFFFFFFE0 ss:$0x1], $0xffff;
	[tilespmem:v0+s19+$0xFFFFFFD0 ss:$0x1] =	vst.idx.msk $0xffff, v3;
	(pc) =	sbr.rel @p1 .LBB1_3-.Ltmp3, $4  }
0x49: {  	v5 =	vld.idx.msk [tilespmem:v1+s18+$0xFFFFFFF0 ss:$0x1], $0xffff;
	[tilespmem:v0+s19+$0xFFFFFFE0 ss:$0x1] =	vst.idx.msk $0xffff, v2  }
0x4a: {  	v3 =	vld.idx.msk [tilespmem:v1+s18+$0x0 ss:$0x1], $0xffff;
	[tilespmem:v0+s19+$0xFFFFFFF0 ss:$0x1] =	vst.idx.msk $0xffff, v4;
	s19 =	smov.u32 s18  }
0x4b: {  	v2 =	vld.idx.msk [tilespmem:v1+s19+$0x10 ss:$0x1], $0xffff;
	[tilespmem:v0+s19+$0x0 ss:$0x1] =	vst.idx.msk $0xffff, v8  }
0x4c: {  	s18 =	sshra.s32 s20, $0x2;
	s20 =	sadd.s32 $0x200, s20;
	[tilespmem:v0+s19+$0xFFFFFF90 ss:$0x1] =	vst.idx.msk $0xffff, v9;
	v4 =	vld.idx.msk [tilespmem:v1+s19+$0x20 ss:$0x1], $0xffff  }
0x4d: {  	p1 =	sgt.s32 s9, $0x77F  }
0x4e: {  	s20 =	smov.u32 s9;
	s21 =	sshra.s32 s9, $0x1F;
	s23 =	sshra.s32 s10, $0x1F  }
0x4f: {  	s24 =	smov.u32 s7;
	s25 =	sshra.s32 s7, $0x1F;
	s28 =	sshll.u32 s10, $0x9  }
0x50: {  	s29 =	sshll.u32 s7, $0x3;
	s20 =	simm.s32 @!p1 $0x77F;
	s21 =	sand.u32 s21, s9  }
0x51: {  	p1 =	sgt.s32 s10, $0x1F;
	s26 =	sand.u32 s23, s10;
	s23 =	sand.u32 $0x78, s7  }
0x52: {  	[tilespmem:v0+s19+$0xFFFFFFA0 ss:$0x1] =	vst.idx.msk $0xffff, v7;
	s27 =	sand.u32 s25, s7;
	s30 =	sand.u32 $0x3000, s28;
	s25 =	sshll.u32 s10, $0x7  }
0x53: {  	v56 =	vld.idx.msk [tilespmem:v1+s18+$0x30 ss:$0x1], $0xffff;
	[tilespmem:v0+s19+$0xFFFFFFB0 ss:$0x1] =	vst.idx.msk $0xffff, v6;
	s28 =	sand.u32 $0x7, s7;
	s20 =	ssub.s32 s20, s21;
	s21 =	smov.u32 s10  }
0x54: {  	v57 =	vld.idx.msk [tilespmem:v1+s18+$0xFFFFFFC0 ss:$0x1], $0xffff;
	[tilespmem:v0+s19+$0xFFFFFFC0 ss:$0x1] =	vst.idx.msk $0xffff, v5;
	s22 =	sadd.s32 $0xFFFFF881, s20;
	s21 =	simm.s32 @!p1 $0x1F;
	s20 =	ssub.s32 $0x7FF, s20  }
0x55: {  	v58 =	vld.idx.msk [tilespmem:v1+s18+$0xFFFFFFD0 ss:$0x1], $0xffff;
	[tilespmem:v0+s19+$0xFFFFFFD0 ss:$0x1] =	vst.idx.msk $0xffff, v3;
	p1 =	sgt.s32 s22, $0x7F;
	s21 =	ssub.s32 s21, s26;
	s26 =	sand.u32 $0x200, s25  }
0x56: {  	v59 =	vld.idx.msk [tilespmem:v1+s18+$0xFFFFFFE0 ss:$0x1], $0xffff;
	[tilespmem:v0+s19+$0xFFFFFFE0 ss:$0x1] =	vst.idx.msk $0xffff, v2;
	s20 =	simm.s32 @p1 $0x0;
	s22 =	sadd.s32 $0xFFFFFFE1, s21;
	p1 =	sgt.s32 s7, $0x180  }
0x57: {  	v60 =	vld.idx.msk [tilespmem:v1+s18+$0xFFFFFFF0 ss:$0x1], $0xffff;
	[tilespmem:v0+s19+$0xFFFFFFF0 ss:$0x1] =	vst.idx.msk $0xffff, v4;
	s21 =	ssub.s32 $0x20, s21;
	s24 =	simm.s32 @!p1 $0x180;
	p1 =	sgt.s32 s22, $0x0  }
0x58: {  	v61 =	vld.idx.msk [tilespmem:v1+s18+$0x0 ss:$0x1], $0xffff;
	[tilespmem:v0+s18+$0x0 ss:$0x1] =	vst.idx.msk $0xffff, v56;
	s22 =	ssub.s32 s24, s27;
	s24 =	sand.u32 $0x3C00, s29;
	s21 =	simm.s32 @p1 $0x0  }
0x59: {  	v62 =	vld.idx.msk [tilespmem:v1+s18+$0x10 ss:$0x1], $0xffff;
	[tilespmem:v0+s18+$0xFFFFFF90 ss:$0x1] =	vst.idx.msk $0xffff, v57;
	s27 =	sshll.u32 s9, $0xB;
	s19 =	sadd.s32 s30, s24;
	s31 =	sadd.s32 $0xFFFFFE80, s22  }
0x5a: {  	v63 =	vld.idx.msk [tilespmem:v1+s18+$0x20 ss:$0x1], $0xffff;
	[tilespmem:v0+s18+$0xFFFFFFA0 ss:$0x1] =	vst.idx.msk $0xffff, v58;
	s20 =	smul.u32 s21, s20;
	s21 =	sand.u32 $0x180, s25;
	s22 =	ssub.s32 $0x200, s22  }
0x5b: {  	[tilespmem:v0+s18+$0xFFFFFFB0 ss:$0x1] =	vst.idx.msk $0xffff, v59;
	p1 =	sgt.s32 s31, $0x7F;
	s19 =	sor.u32 s26, s19;
	s21 =	sor.u32 s21, s23  }
.Ltmp4:
0x5c: {  	[tilespmem:v0+s18+$0xFFFFFFC0 ss:$0x1] =	vst.idx.msk $0xffff, v60;
	s22 =	simm.s32 @p1 $0x0;
	s19 =	sshrl.u32 s19, $0x3;
	(pc) =	sbr.rel .LBB1_5-.Ltmp4, $4  }
0x5d: {  	[tilespmem:v0+s18+$0xFFFFFFD0 ss:$0x1] =	vst.idx.msk $0xffff, v61;
	s21 =	sshrl.u32 s21, $0x3;
	s20 =	smul.u32 s22, s20;
	s22 =	sadd.s32 s2, s27  }
0x5e: {  	[tilespmem:v0+s18+$0xFFFFFFE0 ss:$0x1] =	vst.idx.msk $0xffff, v62;
	s29 =	sshll.u32 s28, $0x12;
	s19 =	sand.u32 $0x7C0, s19;
	s21 =	sadd.s32 s21, s22  }
0x5f: {  	[tilespmem:v0+s18+$0xFFFFFFF0 ss:$0x1] =	vst.idx.msk $0xffff, v63;
	s31 =	sor.u32 $0x80, s29;
	s30 =	sand.u32 $0x3FFFFFFF, s20;
	s19 =	sadd.s32 s19, s21  }
0x60: {  	[hbm4b:s19+s31] =	stream.strided.scatter [tilespmem:s17], [sflag:$0x2], s30, s6, s31, $0x38;
	[tilespmem:$0x10000] =	vst v63  }
.LBB1_6:
0x61: {  	_ =	sfence.sel $0x180000  }
0x62: {  	s2 =	simm.s32 $0x1;
	[bflag:$0x0] =	sbarrier.arrive $0xFFFF  }
0x63: {  	s31 =	simm.s32 $0x2;
	[sflag:s2] =	ssyncpa.u1 $0x1  }
0x64: {  	[sflag:s31] =	ssyncpa.u1 $0x1  }
0x65: {  	p0 =	sne.s32 s1, $0x0;
	_ =	strace $0x9000004D  }
0x66: {  	s0 =	sadd.s32 @!p0 $0x100000, s0;
	[bflag:$0x2] =	sbarrier.arrive $0xFFFF  }
0x67: {  	[sflag:s0] =	ssyncadd.tile.s32 @!p0 $0x1;
	_ =	shalt  }
.Lfunc_end1:
_tile_overlayer_lowered:
.L_overlay_start_2:
0x68: {  	(tag) =	ssettag $0x2  }
0x69: {  	s0 =	rddreg [dreg:$0x0];
	s2 =	stileid.u32  }
0x6a: {  	s1 =	rddreg [dreg:$0x1];
	p0 =	sne.s32 s2, $0x0  }
0x6b: {  	s3 =	rddreg [dreg:$0x2];
	[bflag:$0x3] =	sbarrier.arrive $0xFFFF;
	s2 =	simm.s32 @!p0 $0x1C01  }
0x6c: {  	[timem:s3], [sflag:s2] =	dma.local @!p0 [hbm:s0], s1  }
0x6d: {  	s0 =	simm.s32 @!p0 $0x1  }
0x6e: {  	_ =	swait.ge @!p0 [sflag:s0], s1  }
0x6f: {  	s1 =	ssub.s32 @!p0 $0x0, s1;
	[sflag:s0] =	ssyncset.done @!p0 $0x0  }
0x70: {  	[sflag:s0] =	ssyncadd.s32 @!p0 s1  }
0x71: {  	[bflag:$0x3] =	sbarrier.arrive $0xFFFF  }
0x72: {  	_ =	shalt  }

</sc_bundles>
